<compile_context>
chip_gen: v7x
topology: tpu7x:2x2x1
jax: 0.10.2.dev20260603
libtpu: 0.0.44.dev20260713+nightly
codegen_flags: <defaults>
</compile_context>

<pallas_src>
import functools

import jax
import jax.numpy as jnp
from jax import lax
from jax.experimental import pallas as pl
from jax.experimental.pallas import tpu as pltpu
from jax.experimental.pallas import tpu_sc as plsc

_BS = 1024

_NC = 2
_NS = 16
_NW = _NC * _NS
_R = 16

_SPLIT = 7168


def _tc_add_kernel(x_ref, pos_ref, o_ref):
    o_ref[0] = x_ref[0] + pos_ref[...]


def _tc_add(x, pos, seq_lo, seq_hi, full_out=False):
    batch, seq_len, d_model = x.shape
    nseq = seq_hi - seq_lo
    b0 = seq_lo // _BS
    out_seq = seq_len if full_out else nseq
    grid = (nseq // _BS, batch)
    return pl.pallas_call(
        _tc_add_kernel,
        grid=grid,
        in_specs=[
            pl.BlockSpec((1, _BS, d_model), lambda i, j: (j, b0 + i, 0)),
            pl.BlockSpec((_BS, d_model), lambda i, j: (b0 + i, 0)),
        ],
        out_specs=pl.BlockSpec(
            (1, _BS, d_model),
            (lambda i, j: (j, b0 + i, 0)) if full_out else (lambda i, j: (j, i, 0))),
        out_shape=jax.ShapeDtypeStruct((batch, out_seq, d_model), x.dtype),
    )(x, pos)


def _sc_add(x, pos, seq_lo):
    batch, seq_len, d_model = x.shape
    nseq = seq_len - seq_lo
    spw = nseq // _NW
    n_chunks = spw // _R
    chunk_w = _R * d_model
    n_tasks = n_chunks * batch

    mesh = plsc.VectorSubcoreMesh(
        core_axis_name="c", subcore_axis_name="s",
        num_cores=_NC, num_subcores=_NS)

    @functools.partial(
        pl.kernel,
        out_type=jax.ShapeDtypeStruct((batch, nseq, d_model), jnp.float32),
        mesh=mesh,
        scratch_types=(
            [pltpu.VMEM((_R, d_model), jnp.float32)] * 6
            + [pltpu.SemaphoreType.DMA] * 6
        ),
    )
    def sc_kernel(x_hbm, pos_hbm, o_hbm,
                  xb0, xb1, pb0, pb1, ob0, ob1,
                  is0, is1, ps0, ps1, os0, os1):
        wid = lax.axis_index("s") * _NC + lax.axis_index("c")
        seq_base = wid * spw
        xb, pb, ob = [xb0, xb1], [pb0, pb1], [ob0, ob1]
        isem, psem, osem = [is0, is1], [ps0, ps1], [os0, os1]

        def x_at(t):
            s, b = divmod(t, batch)
            return x_hbm.at[b, pl.ds(seq_lo + seq_base + s * _R, _R), :]

        def o_at(t):
            s, b = divmod(t, batch)
            return o_hbm.at[b, pl.ds(seq_base + s * _R, _R), :]

        def p_at(s):
            return pos_hbm.at[pl.ds(seq_lo + seq_base + s * _R, _R), :]

        pltpu.async_copy(p_at(0), pb[0], psem[0])
        if n_chunks > 1:
            pltpu.async_copy(p_at(1), pb[1], psem[1])
        pltpu.async_copy(x_at(0), xb[0], isem[0])
        if n_tasks > 1:
            pltpu.async_copy(x_at(1), xb[1], isem[1])

        for t in range(n_tasks):
            i = t % 2
            s, b = divmod(t, batch)
            pltpu.make_async_copy(x_at(t), xb[i], isem[i]).wait()
            if b == 0:
                pltpu.make_async_copy(p_at(s), pb[s % 2], psem[s % 2]).wait()
            if t >= 2:
                pltpu.make_async_copy(ob[i], o_at(t - 2), osem[i]).wait()

            xbi, pbi, obi = xb[i], pb[s % 2], ob[i]

            def row_body(r, _):
                @plsc.parallel_loop(0, d_model, 16, unroll=8)
                def _add(c):
                    sl = pl.ds(c, 16)
                    obi[r, sl] = xbi[r, sl] + pbi[r, sl]
                return 0

            lax.fori_loop(0, _R, row_body, 0)

            if t + 2 < n_tasks:
                pltpu.async_copy(x_at(t + 2), xb[i], isem[i])
            if b == batch - 1 and s + 2 < n_chunks:
                pltpu.async_copy(p_at(s + 2), pb[s % 2], psem[s % 2])
            pltpu.async_copy(ob[i], o_at(t), osem[i])

        for t in range(max(0, n_tasks - 2), n_tasks):
            i = t % 2
            pltpu.make_async_copy(ob[i], o_at(t), osem[i]).wait()

    return sc_kernel(x, pos)


def _merge_kernel(full_ref, sc_ref, o_ref):
    o_ref[0] = sc_ref[0]


def _merge(tc_out, sc_part, seq_lo):
    batch, seq_len, d_model = tc_out.shape
    nseq = sc_part.shape[1]
    b0 = seq_lo // _BS
    grid = (nseq // _BS, batch)
    return pl.pallas_call(
        _merge_kernel,
        grid=grid,
        in_specs=[
            pl.BlockSpec(memory_space=pl.ANY),
            pl.BlockSpec((1, _BS, d_model), lambda i, j: (j, i, 0)),
        ],
        out_specs=pl.BlockSpec((1, _BS, d_model), lambda i, j: (j, b0 + i, 0)),
        out_shape=jax.ShapeDtypeStruct(tc_out.shape, tc_out.dtype),
        input_output_aliases={0: 0},
    )(tc_out, sc_part)


_R2 = 4


def _sc_add2(x, pos):
    batch, seq_len, d_model = x.shape
    spw = seq_len // _NW
    n_chunks = spw // _R2

    mesh = plsc.VectorSubcoreMesh(
        core_axis_name="c", subcore_axis_name="s",
        num_cores=_NC, num_subcores=_NS)

    @functools.partial(
        pl.kernel,
        out_type=jax.ShapeDtypeStruct((batch, seq_len, d_model), jnp.float32),
        mesh=mesh,
        scratch_types=(
            [pltpu.VMEM((batch * _R2, d_model), jnp.float32)] * 4
            + [pltpu.VMEM((_R2, d_model), jnp.float32)] * 2
            + [pltpu.SemaphoreType.DMA] * 6
        ),
    )
    def sc_kernel(x_hbm, pos_hbm, o_hbm,
                  xb0, xb1, ob0, ob1, pb0, pb1,
                  is0, is1, os0, os1, ps0, ps1):
        wid = lax.axis_index("s") * _NC + lax.axis_index("c")
        seq_base = wid * spw
        xb, ob, pb = [xb0, xb1], [ob0, ob1], [pb0, pb1]
        isem, osem, psem = [is0, is1], [os0, os1], [ps0, ps1]

        def in_descs(c, slot):
            row0 = seq_base + c * _R2
            ds = [pltpu.make_async_copy(
                      x_hbm.at[b, pl.ds(row0, _R2), :],
                      xb[slot].at[pl.ds(b * _R2, _R2), :], isem[slot])
                  for b in range(batch)]
            ds.append(pltpu.make_async_copy(
                pos_hbm.at[pl.ds(row0, _R2), :], pb[slot], psem[slot]))
            return ds

        def out_descs(c, slot):
            row0 = seq_base + c * _R2
            return [pltpu.make_async_copy(
                        ob[slot].at[pl.ds(b * _R2, _R2), :],
                        o_hbm.at[b, pl.ds(row0, _R2), :], osem[slot])
                    for b in range(batch)]

        for d in in_descs(0, 0):
            d.start()
        for d in in_descs(1, 1):
            d.start()

        def pair_body(it, _):
            for slot in range(2):
                c = it * 2 + slot
                for d in in_descs(c, slot):
                    d.wait()

                @pl.when(c >= 2)
                def _():
                    for d in out_descs(c - 2, slot):
                        d.wait()

                xbs, obs, pbs = xb[slot], ob[slot], pb[slot]
                for r in range(_R2):
                    @plsc.parallel_loop(0, d_model, 16, unroll=8)
                    def _add(col):
                        sl = pl.ds(col, 16)
                        pv = pbs[r, sl]
                        for b in range(batch):
                            obs[b * _R2 + r, sl] = xbs[b * _R2 + r, sl] + pv

                @pl.when(c + 2 < n_chunks)
                def _():
                    for d in in_descs(c + 2, slot):
                        d.start()

                for d in out_descs(c, slot):
                    d.start()
            return 0

        lax.fori_loop(0, n_chunks // 2, pair_body, 0)

        for slot in range(2):
            for d in out_descs(n_chunks - 2 + slot, slot):
                d.wait()

    return sc_kernel(x, pos)


def kernel(x, pos_table):
    batch, seq_len, d_model = x.shape
    pos = pos_table if seq_len == pos_table.shape[0] else pos_table[:seq_len]
    return _sc_add2(x, pos)

# --- scband reference (transcript-rebuilt; emitter-appended) ---
"""Pipeline reference for scband-transformer-with-learned-positional-embedding-24352464570226 (READ-ONLY COPY).

The authoritative reference and input builder live on the scoring server;
editing this copy changes nothing except your own understanding.
"""

import jax, jax.numpy as jnp
import numpy as np

D_MODEL = 1024
MAX_LEN = 8192
BATCH = 4
SEQ_LEN = 8192

def setup_inputs(seed: int = 0) -> dict:
    key = jax.random.key(seed)
    kx, kw = jax.random.split(key)
    x = jax.random.normal(kx, (BATCH, SEQ_LEN, D_MODEL), dtype=jnp.float32)
    # nn.Embedding default init: N(0, 1)
    pos_table = jax.random.normal(kw, (MAX_LEN, D_MODEL), dtype=jnp.float32)
    return {"x": x, "pos_table": pos_table}

def reference(x, pos_table):
    seq_len = x.shape[1]
    positions = jnp.arange(0, seq_len, dtype=jnp.int32)
    pos_embeddings = jnp.take(pos_table, positions, axis=0)
    return x + pos_embeddings[None, :, :]

if __name__ == "__main__":
    import jax
    _d = setup_inputs()
    print(jax.jit(kernel)(*tuple(_d.values())))

</pallas_src>

<mosaic_0001>
#map = affine_map<(d0, d1) -> (0, 0, 0)>
#map1 = affine_map<(d0, d1) -> (0, 0)>
module attributes {stable_mosaic.version = 14 : i64} {
  func.func @sc_kernel(%arg0: i32, %arg1: i32, %arg2: memref<4x8192x1024xf32, #tpu.memory_space<hbm>>, %arg3: memref<8192x1024xf32, #tpu.memory_space<hbm>>, %arg4: memref<4x8192x1024xf32, #tpu.memory_space<hbm>>, %arg5: memref<16x1024xf32, #tpu.memory_space<vmem>>, %arg6: memref<16x1024xf32, #tpu.memory_space<vmem>>, %arg7: memref<16x1024xf32, #tpu.memory_space<vmem>>, %arg8: memref<16x1024xf32, #tpu.memory_space<vmem>>, %arg9: memref<4x1024xf32, #tpu.memory_space<vmem>>, %arg10: memref<4x1024xf32, #tpu.memory_space<vmem>>, %arg11: memref<!tpu.dma_semaphore, #tpu.memory_space<semaphore_mem>>, %arg12: memref<!tpu.dma_semaphore, #tpu.memory_space<semaphore_mem>>, %arg13: memref<!tpu.dma_semaphore, #tpu.memory_space<semaphore_mem>>, %arg14: memref<!tpu.dma_semaphore, #tpu.memory_space<semaphore_mem>>, %arg15: memref<!tpu.dma_semaphore, #tpu.memory_space<semaphore_mem>>, %arg16: memref<!tpu.dma_semaphore, #tpu.memory_space<semaphore_mem>>) attributes {dimension_semantics = [#tpu.dimension_semantics<core_parallel>, #tpu.dimension_semantics<subcore_parallel>], iteration_bounds = array<i64: 2, 16>, scalar_prefetch = 0 : i64, scratch_operands = 12 : i64, tpu.core_type = #tpu.core_type<sc_vector_subcore>, window_params = [{transform_indices = #map}, {transform_indices = #map1}, {transform_indices = #map}]} {
    %mul3A = arith.constant 2 : i32
    %mul3A_0 = arith.muli %arg1, %mul3A : i32
    %add3A = arith.addi %mul3A_0, %arg0 : i32
    %mul3A_1 = arith.constant 256 : i32
    %mul3A_2 = arith.muli %add3A, %mul3A_1 : i32
    %add3A_3 = arith.constant 0 : i32
    %add3A_4 = arith.addi %mul3A_2, %add3A_3 : i32
    %dma_start3A = arith.constant 0 : i32
    %dma_start3A_5 = arith.constant 0 : i32
    %dma_start3A_6 = arith.constant 0 : i32
    %dma_start3A_7 = tpu.memref_slice %arg5[%dma_start3A_5, %dma_start3A_6] : memref<16x1024xf32, #tpu.memory_space<vmem>> -> memref<4x1024xf32, #tpu.memory_space<vmem>>
    %dma_start3A_8 = arith.constant 0 : i32
    %dma_start3A_9 = tpu.memref_slice %arg2[%dma_start3A, %add3A_4, %dma_start3A_8] : memref<4x8192x1024xf32, #tpu.memory_space<hbm>> -> memref<1x4x1024xf32, #tpu.memory_space<hbm>>
    %dma_start3A_10 = tpu.memref_squeeze %dma_start3A_9 : memref<1x4x1024xf32, #tpu.memory_space<hbm>> -> memref<4x1024xf32, #tpu.memory_space<hbm>>
    %dma_start3A_11 = arith.constant 0 : i32
    %dma_start3A_12 = arith.constant 0 : i32
    %dma_start3A_13 = tpu.memref_slice %arg5[%dma_start3A_11, %dma_start3A_12] : memref<16x1024xf32, #tpu.memory_space<vmem>> -> memref<4x1024xf32, #tpu.memory_space<vmem>>
    %dma_start3A_14 = arith.constant 0 : i32
    %dma_start3A_15 = tpu.memref_slice %arg2[%dma_start3A, %add3A_4, %dma_start3A_14] : memref<4x8192x1024xf32, #tpu.memory_space<hbm>> -> memref<1x4x1024xf32, #tpu.memory_space<hbm>>
    %dma_start3A_16 = tpu.memref_squeeze %dma_start3A_15 : memref<1x4x1024xf32, #tpu.memory_space<hbm>> -> memref<4x1024xf32, #tpu.memory_space<hbm>>
    tpu.enqueue_dma source(%dma_start3A_16 : memref<4x1024xf32, #tpu.memory_space<hbm>>) target(%dma_start3A_13 : memref<4x1024xf32, #tpu.memory_space<vmem>>) target_semaphore(%arg11 : memref<!tpu.dma_semaphore, #tpu.memory_space<semaphore_mem>>)
    %dma_start3A_17 = arith.constant 1 : i32
    %dma_start3A_18 = arith.constant 4 : i32
    %dma_start3A_19 = arith.constant 0 : i32
    %dma_start3A_20 = tpu.memref_slice %arg5[%dma_start3A_18, %dma_start3A_19] : memref<16x1024xf32, #tpu.memory_space<vmem>> -> memref<4x1024xf32, #tpu.memory_space<vmem>>
    %dma_start3A_21 = arith.constant 0 : i32
    %dma_start3A_22 = tpu.memref_slice %arg2[%dma_start3A_17, %add3A_4, %dma_start3A_21] : memref<4x8192x1024xf32, #tpu.memory_space<hbm>> -> memref<1x4x1024xf32, #tpu.memory_space<hbm>>
    %dma_start3A_23 = tpu.memref_squeeze %dma_start3A_22 : memref<1x4x1024xf32, #tpu.memory_space<hbm>> -> memref<4x1024xf32, #tpu.memory_space<hbm>>
    %dma_start3A_24 = arith.constant 4 : i32
    %dma_start3A_25 = arith.constant 0 : i32
    %dma_start3A_26 = tpu.memref_slice %arg5[%dma_start3A_24, %dma_start3A_25] : memref<16x1024xf32, #tpu.memory_space<vmem>> -> memref<4x1024xf32, #tpu.memory_space<vmem>>
    %dma_start3A_27 = arith.constant 0 : i32
    %dma_start3A_28 = tpu.memref_slice %arg2[%dma_start3A_17, %add3A_4, %dma_start3A_27] : memref<4x8192x1024xf32, #tpu.memory_space<hbm>> -> memref<1x4x1024xf32, #tpu.memory_space<hbm>>
    %dma_start3A_29 = tpu.memref_squeeze %dma_start3A_28 : memref<1x4x1024xf32, #tpu.memory_space<hbm>> -> memref<4x1024xf32, #tpu.memory_space<hbm>>
    tpu.enqueue_dma source(%dma_start3A_29 : memref<4x1024xf32, #tpu.memory_space<hbm>>) target(%dma_start3A_26 : memref<4x1024xf32, #tpu.memory_space<vmem>>) target_semaphore(%arg11 : memref<!tpu.dma_semaphore, #tpu.memory_space<semaphore_mem>>)
    %dma_start3A_30 = arith.constant 2 : i32
    %dma_start3A_31 = arith.constant 8 : i32
    %dma_start3A_32 = arith.constant 0 : i32
    %dma_start3A_33 = tpu.memref_slice %arg5[%dma_start3A_31, %dma_start3A_32] : memref<16x1024xf32, #tpu.memory_space<vmem>> -> memref<4x1024xf32, #tpu.memory_space<vmem>>
    %dma_start3A_34 = arith.constant 0 : i32
    %dma_start3A_35 = tpu.memref_slice %arg2[%dma_start3A_30, %add3A_4, %dma_start3A_34] : memref<4x8192x1024xf32, #tpu.memory_space<hbm>> -> memref<1x4x1024xf32, #tpu.memory_space<hbm>>
    %dma_start3A_36 = tpu.memref_squeeze %dma_start3A_35 : memref<1x4x1024xf32, #tpu.memory_space<hbm>> -> memref<4x1024xf32, #tpu.memory_space<hbm>>
    %dma_start3A_37 = arith.constant 8 : i32
    %dma_start3A_38 = arith.constant 0 : i32
    %dma_start3A_39 = tpu.memref_slice %arg5[%dma_start3A_37, %dma_start3A_38] : memref<16x1024xf32, #tpu.memory_space<vmem>> -> memref<4x1024xf32, #tpu.memory_space<vmem>>
    %dma_start3A_40 = arith.constant 0 : i32
    %dma_start3A_41 = tpu.memref_slice %arg2[%dma_start3A_30, %add3A_4, %dma_start3A_40] : memref<4x8192x1024xf32, #tpu.memory_space<hbm>> -> memref<1x4x1024xf32, #tpu.memory_space<hbm>>
    %dma_start3A_42 = tpu.memref_squeeze %dma_start3A_41 : memref<1x4x1024xf32, #tpu.memory_space<hbm>> -> memref<4x1024xf32, #tpu.memory_space<hbm>>
    tpu.enqueue_dma source(%dma_start3A_42 : memref<4x1024xf32, #tpu.memory_space<hbm>>) target(%dma_start3A_39 : memref<4x1024xf32, #tpu.memory_space<vmem>>) target_semaphore(%arg11 : memref<!tpu.dma_semaphore, #tpu.memory_space<semaphore_mem>>)
    %dma_start3A_43 = arith.constant 3 : i32
    %dma_start3A_44 = arith.constant 12 : i32
    %dma_start3A_45 = arith.constant 0 : i32
    %dma_start3A_46 = tpu.memref_slice %arg5[%dma_start3A_44, %dma_start3A_45] : memref<16x1024xf32, #tpu.memory_space<vmem>> -> memref<4x1024xf32, #tpu.memory_space<vmem>>
    %dma_start3A_47 = arith.constant 0 : i32
    %dma_start3A_48 = tpu.memref_slice %arg2[%dma_start3A_43, %add3A_4, %dma_start3A_47] : memref<4x8192x1024xf32, #tpu.memory_space<hbm>> -> memref<1x4x1024xf32, #tpu.memory_space<hbm>>
    %dma_start3A_49 = tpu.memref_squeeze %dma_start3A_48 : memref<1x4x1024xf32, #tpu.memory_space<hbm>> -> memref<4x1024xf32, #tpu.memory_space<hbm>>
    %dma_start3A_50 = arith.constant 12 : i32
    %dma_start3A_51 = arith.constant 0 : i32
    %dma_start3A_52 = tpu.memref_slice %arg5[%dma_start3A_50, %dma_start3A_51] : memref<16x1024xf32, #tpu.memory_space<vmem>> -> memref<4x1024xf32, #tpu.memory_space<vmem>>
    %dma_start3A_53 = arith.constant 0 : i32
    %dma_start3A_54 = tpu.memref_slice %arg2[%dma_start3A_43, %add3A_4, %dma_start3A_53] : memref<4x8192x1024xf32, #tpu.memory_space<hbm>> -> memref<1x4x1024xf32, #tpu.memory_space<hbm>>
    %dma_start3A_55 = tpu.memref_squeeze %dma_start3A_54 : memref<1x4x1024xf32, #tpu.memory_space<hbm>> -> memref<4x1024xf32, #tpu.memory_space<hbm>>
    tpu.enqueue_dma source(%dma_start3A_55 : memref<4x1024xf32, #tpu.memory_space<hbm>>) target(%dma_start3A_52 : memref<4x1024xf32, #tpu.memory_space<vmem>>) target_semaphore(%arg11 : memref<!tpu.dma_semaphore, #tpu.memory_space<semaphore_mem>>)
    %dma_start3A_56 = arith.constant 0 : i32
    %dma_start3A_57 = tpu.memref_slice %arg3[%add3A_4, %dma_start3A_56] : memref<8192x1024xf32, #tpu.memory_space<hbm>> -> memref<4x1024xf32, #tpu.memory_space<hbm>>
    %dma_start3A_58 = arith.constant 0 : i32
    %dma_start3A_59 = tpu.memref_slice %arg3[%add3A_4, %dma_start3A_58] : memref<8192x1024xf32, #tpu.memory_space<hbm>> -> memref<4x1024xf32, #tpu.memory_space<hbm>>
    tpu.enqueue_dma source(%dma_start3A_59 : memref<4x1024xf32, #tpu.memory_space<hbm>>) target(%arg9 : memref<4x1024xf32, #tpu.memory_space<vmem>>) target_semaphore(%arg15 : memref<!tpu.dma_semaphore, #tpu.memory_space<semaphore_mem>>)
    %add3A_60 = arith.constant 4 : i32
    %add3A_61 = arith.addi %mul3A_2, %add3A_60 : i32
    %dma_start3A_62 = arith.constant 0 : i32
    %dma_start3A_63 = arith.constant 0 : i32
    %dma_start3A_64 = arith.constant 0 : i32
    %dma_start3A_65 = tpu.memref_slice %arg6[%dma_start3A_63, %dma_start3A_64] : memref<16x1024xf32, #tpu.memory_space<vmem>> -> memref<4x1024xf32, #tpu.memory_space<vmem>>
    %dma_start3A_66 = arith.constant 0 : i32
    %dma_start3A_67 = tpu.memref_slice %arg2[%dma_start3A_62, %add3A_61, %dma_start3A_66] : memref<4x8192x1024xf32, #tpu.memory_space<hbm>> -> memref<1x4x1024xf32, #tpu.memory_space<hbm>>
    %dma_start3A_68 = tpu.memref_squeeze %dma_start3A_67 : memref<1x4x1024xf32, #tpu.memory_space<hbm>> -> memref<4x1024xf32, #tpu.memory_space<hbm>>
    %dma_start3A_69 = arith.constant 0 : i32
    %dma_start3A_70 = arith.constant 0 : i32
    %dma_start3A_71 = tpu.memref_slice %arg6[%dma_start3A_69, %dma_start3A_70] : memref<16x1024xf32, #tpu.memory_space<vmem>> -> memref<4x1024xf32, #tpu.memory_space<vmem>>
    %dma_start3A_72 = arith.constant 0 : i32
    %dma_start3A_73 = tpu.memref_slice %arg2[%dma_start3A_62, %add3A_61, %dma_start3A_72] : memref<4x8192x1024xf32, #tpu.memory_space<hbm>> -> memref<1x4x1024xf32, #tpu.memory_space<hbm>>
    %dma_start3A_74 = tpu.memref_squeeze %dma_start3A_73 : memref<1x4x1024xf32, #tpu.memory_space<hbm>> -> memref<4x1024xf32, #tpu.memory_space<hbm>>
    tpu.enqueue_dma source(%dma_start3A_74 : memref<4x1024xf32, #tpu.memory_space<hbm>>) target(%dma_start3A_71 : memref<4x1024xf32, #tpu.memory_space<vmem>>) target_semaphore(%arg12 : memref<!tpu.dma_semaphore, #tpu.memory_space<semaphore_mem>>)
    %dma_start3A_75 = arith.constant 1 : i32
    %dma_start3A_76 = arith.constant 4 : i32
    %dma_start3A_77 = arith.constant 0 : i32
    %dma_start3A_78 = tpu.memref_slice %arg6[%dma_start3A_76, %dma_start3A_77] : memref<16x1024xf32, #tpu.memory_space<vmem>> -> memref<4x1024xf32, #tpu.memory_space<vmem>>
    %dma_start3A_79 = arith.constant 0 : i32
    %dma_start3A_80 = tpu.memref_slice %arg2[%dma_start3A_75, %add3A_61, %dma_start3A_79] : memref<4x8192x1024xf32, #tpu.memory_space<hbm>> -> memref<1x4x1024xf32, #tpu.memory_space<hbm>>
    %dma_start3A_81 = tpu.memref_squeeze %dma_start3A_80 : memref<1x4x1024xf32, #tpu.memory_space<hbm>> -> memref<4x1024xf32, #tpu.memory_space<hbm>>
    %dma_start3A_82 = arith.constant 4 : i32
    %dma_start3A_83 = arith.constant 0 : i32
    %dma_start3A_84 = tpu.memref_slice %arg6[%dma_start3A_82, %dma_start3A_83] : memref<16x1024xf32, #tpu.memory_space<vmem>> -> memref<4x1024xf32, #tpu.memory_space<vmem>>
    %dma_start3A_85 = arith.constant 0 : i32
    %dma_start3A_86 = tpu.memref_slice %arg2[%dma_start3A_75, %add3A_61, %dma_start3A_85] : memref<4x8192x1024xf32, #tpu.memory_space<hbm>> -> memref<1x4x1024xf32, #tpu.memory_space<hbm>>
    %dma_start3A_87 = tpu.memref_squeeze %dma_start3A_86 : memref<1x4x1024xf32, #tpu.memory_space<hbm>> -> memref<4x1024xf32, #tpu.memory_space<hbm>>
    tpu.enqueue_dma source(%dma_start3A_87 : memref<4x1024xf32, #tpu.memory_space<hbm>>) target(%dma_start3A_84 : memref<4x1024xf32, #tpu.memory_space<vmem>>) target_semaphore(%arg12 : memref<!tpu.dma_semaphore, #tpu.memory_space<semaphore_mem>>)
    %dma_start3A_88 = arith.constant 2 : i32
    %dma_start3A_89 = arith.constant 8 : i32
    %dma_start3A_90 = arith.constant 0 : i32
    %dma_start3A_91 = tpu.memref_slice %arg6[%dma_start3A_89, %dma_start3A_90] : memref<16x1024xf32, #tpu.memory_space<vmem>> -> memref<4x1024xf32, #tpu.memory_space<vmem>>
    %dma_start3A_92 = arith.constant 0 : i32
    %dma_start3A_93 = tpu.memref_slice %arg2[%dma_start3A_88, %add3A_61, %dma_start3A_92] : memref<4x8192x1024xf32, #tpu.memory_space<hbm>> -> memref<1x4x1024xf32, #tpu.memory_space<hbm>>
    %dma_start3A_94 = tpu.memref_squeeze %dma_start3A_93 : memref<1x4x1024xf32, #tpu.memory_space<hbm>> -> memref<4x1024xf32, #tpu.memory_space<hbm>>
    %dma_start3A_95 = arith.constant 8 : i32
    %dma_start3A_96 = arith.constant 0 : i32
    %dma_start3A_97 = tpu.memref_slice %arg6[%dma_start3A_95, %dma_start3A_96] : memref<16x1024xf32, #tpu.memory_space<vmem>> -> memref<4x1024xf32, #tpu.memory_space<vmem>>
    %dma_start3A_98 = arith.constant 0 : i32
    %dma_start3A_99 = tpu.memref_slice %arg2[%dma_start3A_88, %add3A_61, %dma_start3A_98] : memref<4x8192x1024xf32, #tpu.memory_space<hbm>> -> memref<1x4x1024xf32, #tpu.memory_space<hbm>>
    %dma_start3A_100 = tpu.memref_squeeze %dma_start3A_99 : memref<1x4x1024xf32, #tpu.memory_space<hbm>> -> memref<4x1024xf32, #tpu.memory_space<hbm>>
    tpu.enqueue_dma source(%dma_start3A_100 : memref<4x1024xf32, #tpu.memory_space<hbm>>) target(%dma_start3A_97 : memref<4x1024xf32, #tpu.memory_space<vmem>>) target_semaphore(%arg12 : memref<!tpu.dma_semaphore, #tpu.memory_space<semaphore_mem>>)
    %dma_start3A_101 = arith.constant 3 : i32
    %dma_start3A_102 = arith.constant 12 : i32
    %dma_start3A_103 = arith.constant 0 : i32
    %dma_start3A_104 = tpu.memref_slice %arg6[%dma_start3A_102, %dma_start3A_103] : memref<16x1024xf32, #tpu.memory_space<vmem>> -> memref<4x1024xf32, #tpu.memory_space<vmem>>
    %dma_start3A_105 = arith.constant 0 : i32
    %dma_start3A_106 = tpu.memref_slice %arg2[%dma_start3A_101, %add3A_61, %dma_start3A_105] : memref<4x8192x1024xf32, #tpu.memory_space<hbm>> -> memref<1x4x1024xf32, #tpu.memory_space<hbm>>
    %dma_start3A_107 = tpu.memref_squeeze %dma_start3A_106 : memref<1x4x1024xf32, #tpu.memory_space<hbm>> -> memref<4x1024xf32, #tpu.memory_space<hbm>>
    %dma_start3A_108 = arith.constant 12 : i32
    %dma_start3A_109 = arith.constant 0 : i32
    %dma_start3A_110 = tpu.memref_slice %arg6[%dma_start3A_108, %dma_start3A_109] : memref<16x1024xf32, #tpu.memory_space<vmem>> -> memref<4x1024xf32, #tpu.memory_space<vmem>>
    %dma_start3A_111 = arith.constant 0 : i32
    %dma_start3A_112 = tpu.memref_slice %arg2[%dma_start3A_101, %add3A_61, %dma_start3A_111] : memref<4x8192x1024xf32, #tpu.memory_space<hbm>> -> memref<1x4x1024xf32, #tpu.memory_space<hbm>>
    %dma_start3A_113 = tpu.memref_squeeze %dma_start3A_112 : memref<1x4x1024xf32, #tpu.memory_space<hbm>> -> memref<4x1024xf32, #tpu.memory_space<hbm>>
    tpu.enqueue_dma source(%dma_start3A_113 : memref<4x1024xf32, #tpu.memory_space<hbm>>) target(%dma_start3A_110 : memref<4x1024xf32, #tpu.memory_space<vmem>>) target_semaphore(%arg12 : memref<!tpu.dma_semaphore, #tpu.memory_space<semaphore_mem>>)
    %dma_start3A_114 = arith.constant 0 : i32
    %dma_start3A_115 = tpu.memref_slice %arg3[%add3A_61, %dma_start3A_114] : memref<8192x1024xf32, #tpu.memory_space<hbm>> -> memref<4x1024xf32, #tpu.memory_space<hbm>>
    %dma_start3A_116 = arith.constant 0 : i32
    %dma_start3A_117 = tpu.memref_slice %arg3[%add3A_61, %dma_start3A_116] : memref<8192x1024xf32, #tpu.memory_space<hbm>> -> memref<4x1024xf32, #tpu.memory_space<hbm>>
    tpu.enqueue_dma source(%dma_start3A_117 : memref<4x1024xf32, #tpu.memory_space<hbm>>) target(%arg10 : memref<4x1024xf32, #tpu.memory_space<vmem>>) target_semaphore(%arg16 : memref<!tpu.dma_semaphore, #tpu.memory_space<semaphore_mem>>)
    %scan3A = arith.constant 0 : i32
    %scan3A_118 = arith.constant 0 : i32
    %scan3A_119 = arith.constant 32 : i32
    %scan3A_120 = arith.addi %scan3A_118, %scan3A_119 : i32
    %scan3A_121 = arith.constant 1 : i32
    %scan3A_122 = scf.for %scan3A_231 = %scan3A_118 to %scan3A_120 step %scan3A_121 iter_args(%scan3A_232 = %scan3A) -> (i32)  : i32 {
      %mul3A_233 = arith.constant 2 : i32
      %mul3A_234 = arith.muli %scan3A_231, %mul3A_233 : i32
      %add3A_235 = arith.constant 0 : i32
      %add3A_236 = arith.addi %mul3A_234, %add3A_235 : i32
      %mul3A_237 = arith.constant 4 : i32
      %mul3A_238 = arith.muli %add3A_236, %mul3A_237 : i32
      %add3A_239 = arith.addi %mul3A_2, %mul3A_238 : i32
      %dma_wait3A_240 = arith.constant 0 : i32
      %dma_wait3A_241 = arith.constant 0 : i32
      %dma_wait3A_242 = arith.constant 0 : i32
      %dma_wait3A_243 = tpu.memref_slice %arg5[%dma_wait3A_241, %dma_wait3A_242] : memref<16x1024xf32, #tpu.memory_space<vmem>> -> memref<4x1024xf32, #tpu.memory_space<vmem>>
      %dma_wait3A_244 = arith.constant 0 : i32
      %dma_wait3A_245 = tpu.memref_slice %arg2[%dma_wait3A_240, %add3A_239, %dma_wait3A_244] : memref<4x8192x1024xf32, #tpu.memory_space<hbm>> -> memref<1x4x1024xf32, #tpu.memory_space<hbm>>
      %dma_wait3A_246 = tpu.memref_squeeze %dma_wait3A_245 : memref<1x4x1024xf32, #tpu.memory_space<hbm>> -> memref<4x1024xf32, #tpu.memory_space<hbm>>
      %dma_wait3A_247 = arith.constant 0 : i32
      %dma_wait3A_248 = arith.constant 0 : i32
      %dma_wait3A_249 = tpu.memref_slice %arg5[%dma_wait3A_247, %dma_wait3A_248] : memref<16x1024xf32, #tpu.memory_space<vmem>> -> memref<4x1024xf32, #tpu.memory_space<vmem>>
      %dma_wait3A_250 = arith.constant 0 : i32
      %dma_wait3A_251 = tpu.memref_slice %arg2[%dma_wait3A_240, %add3A_239, %dma_wait3A_250] : memref<4x8192x1024xf32, #tpu.memory_space<hbm>> -> memref<1x4x1024xf32, #tpu.memory_space<hbm>>
      %dma_wait3A_252 = tpu.memref_squeeze %dma_wait3A_251 : memref<1x4x1024xf32, #tpu.memory_space<hbm>> -> memref<4x1024xf32, #tpu.memory_space<hbm>>
      tpu.wait_dma2 semaphore(%arg11 : memref<!tpu.dma_semaphore, #tpu.memory_space<semaphore_mem>>) src(%dma_wait3A_252 : memref<4x1024xf32, #tpu.memory_space<hbm>>) dst(%dma_wait3A_249 : memref<4x1024xf32, #tpu.memory_space<vmem>>)
      %dma_wait3A_253 = arith.constant 1 : i32
      %dma_wait3A_254 = arith.constant 4 : i32
      %dma_wait3A_255 = arith.constant 0 : i32
      %dma_wait3A_256 = tpu.memref_slice %arg5[%dma_wait3A_254, %dma_wait3A_255] : memref<16x1024xf32, #tpu.memory_space<vmem>> -> memref<4x1024xf32, #tpu.memory_space<vmem>>
      %dma_wait3A_257 = arith.constant 0 : i32
      %dma_wait3A_258 = tpu.memref_slice %arg2[%dma_wait3A_253, %add3A_239, %dma_wait3A_257] : memref<4x8192x1024xf32, #tpu.memory_space<hbm>> -> memref<1x4x1024xf32, #tpu.memory_space<hbm>>
      %dma_wait3A_259 = tpu.memref_squeeze %dma_wait3A_258 : memref<1x4x1024xf32, #tpu.memory_space<hbm>> -> memref<4x1024xf32, #tpu.memory_space<hbm>>
      %dma_wait3A_260 = arith.constant 4 : i32
      %dma_wait3A_261 = arith.constant 0 : i32
      %dma_wait3A_262 = tpu.memref_slice %arg5[%dma_wait3A_260, %dma_wait3A_261] : memref<16x1024xf32, #tpu.memory_space<vmem>> -> memref<4x1024xf32, #tpu.memory_space<vmem>>
      %dma_wait3A_263 = arith.constant 0 : i32
      %dma_wait3A_264 = tpu.memref_slice %arg2[%dma_wait3A_253, %add3A_239, %dma_wait3A_263] : memref<4x8192x1024xf32, #tpu.memory_space<hbm>> -> memref<1x4x1024xf32, #tpu.memory_space<hbm>>
      %dma_wait3A_265 = tpu.memref_squeeze %dma_wait3A_264 : memref<1x4x1024xf32, #tpu.memory_space<hbm>> -> memref<4x1024xf32, #tpu.memory_space<hbm>>
      tpu.wait_dma2 semaphore(%arg11 : memref<!tpu.dma_semaphore, #tpu.memory_space<semaphore_mem>>) src(%dma_wait3A_265 : memref<4x1024xf32, #tpu.memory_space<hbm>>) dst(%dma_wait3A_262 : memref<4x1024xf32, #tpu.memory_space<vmem>>)
      %dma_wait3A_266 = arith.constant 2 : i32
      %dma_wait3A_267 = arith.constant 8 : i32
      %dma_wait3A_268 = arith.constant 0 : i32
      %dma_wait3A_269 = tpu.memref_slice %arg5[%dma_wait3A_267, %dma_wait3A_268] : memref<16x1024xf32, #tpu.memory_space<vmem>> -> memref<4x1024xf32, #tpu.memory_space<vmem>>
      %dma_wait3A_270 = arith.constant 0 : i32
      %dma_wait3A_271 = tpu.memref_slice %arg2[%dma_wait3A_266, %add3A_239, %dma_wait3A_270] : memref<4x8192x1024xf32, #tpu.memory_space<hbm>> -> memref<1x4x1024xf32, #tpu.memory_space<hbm>>
      %dma_wait3A_272 = tpu.memref_squeeze %dma_wait3A_271 : memref<1x4x1024xf32, #tpu.memory_space<hbm>> -> memref<4x1024xf32, #tpu.memory_space<hbm>>
      %dma_wait3A_273 = arith.constant 8 : i32
      %dma_wait3A_274 = arith.constant 0 : i32
      %dma_wait3A_275 = tpu.memref_slice %arg5[%dma_wait3A_273, %dma_wait3A_274] : memref<16x1024xf32, #tpu.memory_space<vmem>> -> memref<4x1024xf32, #tpu.memory_space<vmem>>
      %dma_wait3A_276 = arith.constant 0 : i32
      %dma_wait3A_277 = tpu.memref_slice %arg2[%dma_wait3A_266, %add3A_239, %dma_wait3A_276] : memref<4x8192x1024xf32, #tpu.memory_space<hbm>> -> memref<1x4x1024xf32, #tpu.memory_space<hbm>>
      %dma_wait3A_278 = tpu.memref_squeeze %dma_wait3A_277 : memref<1x4x1024xf32, #tpu.memory_space<hbm>> -> memref<4x1024xf32, #tpu.memory_space<hbm>>
      tpu.wait_dma2 semaphore(%arg11 : memref<!tpu.dma_semaphore, #tpu.memory_space<semaphore_mem>>) src(%dma_wait3A_278 : memref<4x1024xf32, #tpu.memory_space<hbm>>) dst(%dma_wait3A_275 : memref<4x1024xf32, #tpu.memory_space<vmem>>)
      %dma_wait3A_279 = arith.constant 3 : i32
      %dma_wait3A_280 = arith.constant 12 : i32
      %dma_wait3A_281 = arith.constant 0 : i32
      %dma_wait3A_282 = tpu.memref_slice %arg5[%dma_wait3A_280, %dma_wait3A_281] : memref<16x1024xf32, #tpu.memory_space<vmem>> -> memref<4x1024xf32, #tpu.memory_space<vmem>>
      %dma_wait3A_283 = arith.constant 0 : i32
      %dma_wait3A_284 = tpu.memref_slice %arg2[%dma_wait3A_279, %add3A_239, %dma_wait3A_283] : memref<4x8192x1024xf32, #tpu.memory_space<hbm>> -> memref<1x4x1024xf32, #tpu.memory_space<hbm>>
      %dma_wait3A_285 = tpu.memref_squeeze %dma_wait3A_284 : memref<1x4x1024xf32, #tpu.memory_space<hbm>> -> memref<4x1024xf32, #tpu.memory_space<hbm>>
      %dma_wait3A_286 = arith.constant 12 : i32
      %dma_wait3A_287 = arith.constant 0 : i32
      %dma_wait3A_288 = tpu.memref_slice %arg5[%dma_wait3A_286, %dma_wait3A_287] : memref<16x1024xf32, #tpu.memory_space<vmem>> -> memref<4x1024xf32, #tpu.memory_space<vmem>>
      %dma_wait3A_289 = arith.constant 0 : i32
      %dma_wait3A_290 = tpu.memref_slice %arg2[%dma_wait3A_279, %add3A_239, %dma_wait3A_289] : memref<4x8192x1024xf32, #tpu.memory_space<hbm>> -> memref<1x4x1024xf32, #tpu.memory_space<hbm>>
      %dma_wait3A_291 = tpu.memref_squeeze %dma_wait3A_290 : memref<1x4x1024xf32, #tpu.memory_space<hbm>> -> memref<4x1024xf32, #tpu.memory_space<hbm>>
      tpu.wait_dma2 semaphore(%arg11 : memref<!tpu.dma_semaphore, #tpu.memory_space<semaphore_mem>>) src(%dma_wait3A_291 : memref<4x1024xf32, #tpu.memory_space<hbm>>) dst(%dma_wait3A_288 : memref<4x1024xf32, #tpu.memory_space<vmem>>)
      %dma_wait3A_292 = arith.constant 0 : i32
      %dma_wait3A_293 = tpu.memref_slice %arg3[%add3A_239, %dma_wait3A_292] : memref<8192x1024xf32, #tpu.memory_space<hbm>> -> memref<4x1024xf32, #tpu.memory_space<hbm>>
      %dma_wait3A_294 = arith.constant 0 : i32
      %dma_wait3A_295 = tpu.memref_slice %arg3[%add3A_239, %dma_wait3A_294] : memref<8192x1024xf32, #tpu.memory_space<hbm>> -> memref<4x1024xf32, #tpu.memory_space<hbm>>
      tpu.wait_dma2 semaphore(%arg15 : memref<!tpu.dma_semaphore, #tpu.memory_space<semaphore_mem>>) src(%dma_wait3A_295 : memref<4x1024xf32, #tpu.memory_space<hbm>>) dst(%arg9 : memref<4x1024xf32, #tpu.memory_space<vmem>>)
      %ge3A = arith.constant 2 : i32
      %ge3A_296 = arith.cmpi sge, %add3A_236, %ge3A : i32
      %convert_element_type3A = arith.extui %ge3A_296 : i1 to i32
      %cond3A = arith.constant 0 : i32
      %cond3A_297 = arith.cmpi ne, %convert_element_type3A, %cond3A : i32
      scf.if %cond3A_297 {
        %sub3A = arith.constant 2 : i32
        %sub3A_513 = arith.subi %add3A_236, %sub3A : i32
        %mul3A_514 = arith.constant 4 : i32
        %mul3A_515 = arith.muli %sub3A_513, %mul3A_514 : i32
        %add3A_516 = arith.addi %mul3A_2, %mul3A_515 : i32
        %dma_wait3A_517 = arith.constant 0 : i32
        %dma_wait3A_518 = arith.constant 0 : i32
        %dma_wait3A_519 = arith.constant 0 : i32
        %dma_wait3A_520 = tpu.memref_slice %arg7[%dma_wait3A_518, %dma_wait3A_519] : memref<16x1024xf32, #tpu.memory_space<vmem>> -> memref<4x1024xf32, #tpu.memory_space<vmem>>
        %dma_wait3A_521 = arith.constant 0 : i32
        %dma_wait3A_522 = tpu.memref_slice %arg4[%dma_wait3A_517, %add3A_516, %dma_wait3A_521] : memref<4x8192x1024xf32, #tpu.memory_space<hbm>> -> memref<1x4x1024xf32, #tpu.memory_space<hbm>>
        %dma_wait3A_523 = tpu.memref_squeeze %dma_wait3A_522 : memref<1x4x1024xf32, #tpu.memory_space<hbm>> -> memref<4x1024xf32, #tpu.memory_space<hbm>>
        %dma_wait3A_524 = arith.constant 0 : i32
        %dma_wait3A_525 = tpu.memref_slice %arg4[%dma_wait3A_517, %add3A_516, %dma_wait3A_524] : memref<4x8192x1024xf32, #tpu.memory_space<hbm>> -> memref<1x4x1024xf32, #tpu.memory_space<hbm>>
        %dma_wait3A_526 = tpu.memref_squeeze %dma_wait3A_525 : memref<1x4x1024xf32, #tpu.memory_space<hbm>> -> memref<4x1024xf32, #tpu.memory_space<hbm>>
        %dma_wait3A_527 = arith.constant 0 : i32
        %dma_wait3A_528 = arith.constant 0 : i32
        %dma_wait3A_529 = tpu.memref_slice %arg7[%dma_wait3A_527, %dma_wait3A_528] : memref<16x1024xf32, #tpu.memory_space<vmem>> -> memref<4x1024xf32, #tpu.memory_space<vmem>>
        tpu.wait_dma2 semaphore(%arg13 : memref<!tpu.dma_semaphore, #tpu.memory_space<semaphore_mem>>) src(%dma_wait3A_529 : memref<4x1024xf32, #tpu.memory_space<vmem>>) dst(%dma_wait3A_526 : memref<4x1024xf32, #tpu.memory_space<hbm>>)
        %dma_wait3A_530 = arith.constant 1 : i32
        %dma_wait3A_531 = arith.constant 4 : i32
        %dma_wait3A_532 = arith.constant 0 : i32
        %dma_wait3A_533 = tpu.memref_slice %arg7[%dma_wait3A_531, %dma_wait3A_532] : memref<16x1024xf32, #tpu.memory_space<vmem>> -> memref<4x1024xf32, #tpu.memory_space<vmem>>
        %dma_wait3A_534 = arith.constant 0 : i32
        %dma_wait3A_535 = tpu.memref_slice %arg4[%dma_wait3A_530, %add3A_516, %dma_wait3A_534] : memref<4x8192x1024xf32, #tpu.memory_space<hbm>> -> memref<1x4x1024xf32, #tpu.memory_space<hbm>>
        %dma_wait3A_536 = tpu.memref_squeeze %dma_wait3A_535 : memref<1x4x1024xf32, #tpu.memory_space<hbm>> -> memref<4x1024xf32, #tpu.memory_space<hbm>>
        %dma_wait3A_537 = arith.constant 0 : i32
        %dma_wait3A_538 = tpu.memref_slice %arg4[%dma_wait3A_530, %add3A_516, %dma_wait3A_537] : memref<4x8192x1024xf32, #tpu.memory_space<hbm>> -> memref<1x4x1024xf32, #tpu.memory_space<hbm>>
        %dma_wait3A_539 = tpu.memref_squeeze %dma_wait3A_538 : memref<1x4x1024xf32, #tpu.memory_space<hbm>> -> memref<4x1024xf32, #tpu.memory_space<hbm>>
        %dma_wait3A_540 = arith.constant 4 : i32
        %dma_wait3A_541 = arith.constant 0 : i32
        %dma_wait3A_542 = tpu.memref_slice %arg7[%dma_wait3A_540, %dma_wait3A_541] : memref<16x1024xf32, #tpu.memory_space<vmem>> -> memref<4x1024xf32, #tpu.memory_space<vmem>>
        tpu.wait_dma2 semaphore(%arg13 : memref<!tpu.dma_semaphore, #tpu.memory_space<semaphore_mem>>) src(%dma_wait3A_542 : memref<4x1024xf32, #tpu.memory_space<vmem>>) dst(%dma_wait3A_539 : memref<4x1024xf32, #tpu.memory_space<hbm>>)
        %dma_wait3A_543 = arith.constant 2 : i32
        %dma_wait3A_544 = arith.constant 8 : i32
        %dma_wait3A_545 = arith.constant 0 : i32
        %dma_wait3A_546 = tpu.memref_slice %arg7[%dma_wait3A_544, %dma_wait3A_545] : memref<16x1024xf32, #tpu.memory_space<vmem>> -> memref<4x1024xf32, #tpu.memory_space<vmem>>
        %dma_wait3A_547 = arith.constant 0 : i32
        %dma_wait3A_548 = tpu.memref_slice %arg4[%dma_wait3A_543, %add3A_516, %dma_wait3A_547] : memref<4x8192x1024xf32, #tpu.memory_space<hbm>> -> memref<1x4x1024xf32, #tpu.memory_space<hbm>>
        %dma_wait3A_549 = tpu.memref_squeeze %dma_wait3A_548 : memref<1x4x1024xf32, #tpu.memory_space<hbm>> -> memref<4x1024xf32, #tpu.memory_space<hbm>>
        %dma_wait3A_550 = arith.constant 0 : i32
        %dma_wait3A_551 = tpu.memref_slice %arg4[%dma_wait3A_543, %add3A_516, %dma_wait3A_550] : memref<4x8192x1024xf32, #tpu.memory_space<hbm>> -> memref<1x4x1024xf32, #tpu.memory_space<hbm>>
        %dma_wait3A_552 = tpu.memref_squeeze %dma_wait3A_551 : memref<1x4x1024xf32, #tpu.memory_space<hbm>> -> memref<4x1024xf32, #tpu.memory_space<hbm>>
        %dma_wait3A_553 = arith.constant 8 : i32
        %dma_wait3A_554 = arith.constant 0 : i32
        %dma_wait3A_555 = tpu.memref_slice %arg7[%dma_wait3A_553, %dma_wait3A_554] : memref<16x1024xf32, #tpu.memory_space<vmem>> -> memref<4x1024xf32, #tpu.memory_space<vmem>>
        tpu.wait_dma2 semaphore(%arg13 : memref<!tpu.dma_semaphore, #tpu.memory_space<semaphore_mem>>) src(%dma_wait3A_555 : memref<4x1024xf32, #tpu.memory_space<vmem>>) dst(%dma_wait3A_552 : memref<4x1024xf32, #tpu.memory_space<hbm>>)
        %dma_wait3A_556 = arith.constant 3 : i32
        %dma_wait3A_557 = arith.constant 12 : i32
        %dma_wait3A_558 = arith.constant 0 : i32
        %dma_wait3A_559 = tpu.memref_slice %arg7[%dma_wait3A_557, %dma_wait3A_558] : memref<16x1024xf32, #tpu.memory_space<vmem>> -> memref<4x1024xf32, #tpu.memory_space<vmem>>
        %dma_wait3A_560 = arith.constant 0 : i32
        %dma_wait3A_561 = tpu.memref_slice %arg4[%dma_wait3A_556, %add3A_516, %dma_wait3A_560] : memref<4x8192x1024xf32, #tpu.memory_space<hbm>> -> memref<1x4x1024xf32, #tpu.memory_space<hbm>>
        %dma_wait3A_562 = tpu.memref_squeeze %dma_wait3A_561 : memref<1x4x1024xf32, #tpu.memory_space<hbm>> -> memref<4x1024xf32, #tpu.memory_space<hbm>>
        %dma_wait3A_563 = arith.constant 0 : i32
        %dma_wait3A_564 = tpu.memref_slice %arg4[%dma_wait3A_556, %add3A_516, %dma_wait3A_563] : memref<4x8192x1024xf32, #tpu.memory_space<hbm>> -> memref<1x4x1024xf32, #tpu.memory_space<hbm>>
        %dma_wait3A_565 = tpu.memref_squeeze %dma_wait3A_564 : memref<1x4x1024xf32, #tpu.memory_space<hbm>> -> memref<4x1024xf32, #tpu.memory_space<hbm>>
        %dma_wait3A_566 = arith.constant 12 : i32
        %dma_wait3A_567 = arith.constant 0 : i32
        %dma_wait3A_568 = tpu.memref_slice %arg7[%dma_wait3A_566, %dma_wait3A_567] : memref<16x1024xf32, #tpu.memory_space<vmem>> -> memref<4x1024xf32, #tpu.memory_space<vmem>>
        tpu.wait_dma2 semaphore(%arg13 : memref<!tpu.dma_semaphore, #tpu.memory_space<semaphore_mem>>) src(%dma_wait3A_568 : memref<4x1024xf32, #tpu.memory_space<vmem>>) dst(%dma_wait3A_565 : memref<4x1024xf32, #tpu.memory_space<hbm>>)
      } else {
      }
      %parallel_loop3A = arith.constant 0 : i32
      %parallel_loop3A_298 = arith.constant 1024 : i32
      %parallel_loop3A_299 = arith.constant 16 : i32
      scf.for %parallel_loop3A_513 = %parallel_loop3A to %parallel_loop3A_298 step %parallel_loop3A_299  : i32 {
        %parallel_loop3A_514 = arith.constant 0 : i32
        %parallel_loop3A_515 = arith.index_cast %parallel_loop3A_514 : i32 to index
        %parallel_loop3A_516 = arith.index_cast %parallel_loop3A_513 : i32 to index
        %parallel_loop3A_517 = tpu.vector_load %arg9[%parallel_loop3A_515, %parallel_loop3A_516] {strides = array<i32>} : memref<4x1024xf32, #tpu.memory_space<vmem>>, vector<1x16xf32>,
        %parallel_loop3A_518 = vector.shape_cast %parallel_loop3A_517 : vector<1x16xf32> to vector<16xf32>
        %parallel_loop3A_519 = arith.constant 0 : i32
        %parallel_loop3A_520 = arith.index_cast %parallel_loop3A_519 : i32 to index
        %parallel_loop3A_521 = arith.index_cast %parallel_loop3A_513 : i32 to index
        %parallel_loop3A_522 = tpu.vector_load %arg5[%parallel_loop3A_520, %parallel_loop3A_521] {strides = array<i32>} : memref<16x1024xf32, #tpu.memory_space<vmem>>, vector<1x16xf32>,
        %parallel_loop3A_523 = vector.shape_cast %parallel_loop3A_522 : vector<1x16xf32> to vector<16xf32>
        %parallel_loop3A_524 = arith.addf %parallel_loop3A_523, %parallel_loop3A_518 : vector<16xf32>
        %parallel_loop3A_525 = arith.constant 0 : i32
        %parallel_loop3A_526 = arith.index_cast %parallel_loop3A_525 : i32 to index
        %parallel_loop3A_527 = arith.index_cast %parallel_loop3A_513 : i32 to index
        %parallel_loop3A_528 = tpu.vector_load %arg7[%parallel_loop3A_526, %parallel_loop3A_527] {strides = array<i32>} : memref<16x1024xf32, #tpu.memory_space<vmem>>, vector<1x16xf32>,
        %parallel_loop3A_529 = vector.shape_cast %parallel_loop3A_528 : vector<1x16xf32> to vector<16xf32>
        %parallel_loop3A_530 = vector.shape_cast %parallel_loop3A_524 : vector<16xf32> to vector<1x16xf32>
        tpu.vector_store %arg7[%parallel_loop3A_526, %parallel_loop3A_527], %parallel_loop3A_530 {strides = array<i32>} : memref<16x1024xf32, #tpu.memory_space<vmem>>, vector<1x16xf32>,
        %parallel_loop3A_531 = arith.constant 4 : i32
        %parallel_loop3A_532 = arith.index_cast %parallel_loop3A_531 : i32 to index
        %parallel_loop3A_533 = arith.index_cast %parallel_loop3A_513 : i32 to index
        %parallel_loop3A_534 = tpu.vector_load %arg5[%parallel_loop3A_532, %parallel_loop3A_533] {strides = array<i32>} : memref<16x1024xf32, #tpu.memory_space<vmem>>, vector<1x16xf32>,
        %parallel_loop3A_535 = vector.shape_cast %parallel_loop3A_534 : vector<1x16xf32> to vector<16xf32>
        %parallel_loop3A_536 = arith.addf %parallel_loop3A_535, %parallel_loop3A_518 : vector<16xf32>
        %parallel_loop3A_537 = arith.constant 4 : i32
        %parallel_loop3A_538 = arith.index_cast %parallel_loop3A_537 : i32 to index
        %parallel_loop3A_539 = arith.index_cast %parallel_loop3A_513 : i32 to index
        %parallel_loop3A_540 = tpu.vector_load %arg7[%parallel_loop3A_538, %parallel_loop3A_539] {strides = array<i32>} : memref<16x1024xf32, #tpu.memory_space<vmem>>, vector<1x16xf32>,
        %parallel_loop3A_541 = vector.shape_cast %parallel_loop3A_540 : vector<1x16xf32> to vector<16xf32>
        %parallel_loop3A_542 = vector.shape_cast %parallel_loop3A_536 : vector<16xf32> to vector<1x16xf32>
        tpu.vector_store %arg7[%parallel_loop3A_538, %parallel_loop3A_539], %parallel_loop3A_542 {strides = array<i32>} : memref<16x1024xf32, #tpu.memory_space<vmem>>, vector<1x16xf32>,
        %parallel_loop3A_543 = arith.constant 8 : i32
        %parallel_loop3A_544 = arith.index_cast %parallel_loop3A_543 : i32 to index
        %parallel_loop3A_545 = arith.index_cast %parallel_loop3A_513 : i32 to index
        %parallel_loop3A_546 = tpu.vector_load %arg5[%parallel_loop3A_544, %parallel_loop3A_545] {strides = array<i32>} : memref<16x1024xf32, #tpu.memory_space<vmem>>, vector<1x16xf32>,
        %parallel_loop3A_547 = vector.shape_cast %parallel_loop3A_546 : vector<1x16xf32> to vector<16xf32>
        %parallel_loop3A_548 = arith.addf %parallel_loop3A_547, %parallel_loop3A_518 : vector<16xf32>
        %parallel_loop3A_549 = arith.constant 8 : i32
        %parallel_loop3A_550 = arith.index_cast %parallel_loop3A_549 : i32 to index
        %parallel_loop3A_551 = arith.index_cast %parallel_loop3A_513 : i32 to index
        %parallel_loop3A_552 = tpu.vector_load %arg7[%parallel_loop3A_550, %parallel_loop3A_551] {strides = array<i32>} : memref<16x1024xf32, #tpu.memory_space<vmem>>, vector<1x16xf32>,
        %parallel_loop3A_553 = vector.shape_cast %parallel_loop3A_552 : vector<1x16xf32> to vector<16xf32>
        %parallel_loop3A_554 = vector.shape_cast %parallel_loop3A_548 : vector<16xf32> to vector<1x16xf32>
        tpu.vector_store %arg7[%parallel_loop3A_550, %parallel_loop3A_551], %parallel_loop3A_554 {strides = array<i32>} : memref<16x1024xf32, #tpu.memory_space<vmem>>, vector<1x16xf32>,
        %parallel_loop3A_555 = arith.constant 12 : i32
        %parallel_loop3A_556 = arith.index_cast %parallel_loop3A_555 : i32 to index
        %parallel_loop3A_557 = arith.index_cast %parallel_loop3A_513 : i32 to index
        %parallel_loop3A_558 = tpu.vector_load %arg5[%parallel_loop3A_556, %parallel_loop3A_557] {strides = array<i32>} : memref<16x1024xf32, #tpu.memory_space<vmem>>, vector<1x16xf32>,
        %parallel_loop3A_559 = vector.shape_cast %parallel_loop3A_558 : vector<1x16xf32> to vector<16xf32>
        %parallel_loop3A_560 = arith.addf %parallel_loop3A_559, %parallel_loop3A_518 : vector<16xf32>
        %parallel_loop3A_561 = arith.constant 12 : i32
        %parallel_loop3A_562 = arith.index_cast %parallel_loop3A_561 : i32 to index
        %parallel_loop3A_563 = arith.index_cast %parallel_loop3A_513 : i32 to index
        %parallel_loop3A_564 = tpu.vector_load %arg7[%parallel_loop3A_562, %parallel_loop3A_563] {strides = array<i32>} : memref<16x1024xf32, #tpu.memory_space<vmem>>, vector<1x16xf32>,
        %parallel_loop3A_565 = vector.shape_cast %parallel_loop3A_564 : vector<1x16xf32> to vector<16xf32>
        %parallel_loop3A_566 = vector.shape_cast %parallel_loop3A_560 : vector<16xf32> to vector<1x16xf32>
        tpu.vector_store %arg7[%parallel_loop3A_562, %parallel_loop3A_563], %parallel_loop3A_566 {strides = array<i32>} : memref<16x1024xf32, #tpu.memory_space<vmem>>, vector<1x16xf32>,
      } {sc.loop_unroll_factor = 8 : i64, sc.parallel_access}
      %parallel_loop3A_300 = arith.constant 0 : i32
      %parallel_loop3A_301 = arith.constant 1024 : i32
      %parallel_loop3A_302 = arith.constant 16 : i32
      scf.for %parallel_loop3A_513 = %parallel_loop3A_300 to %parallel_loop3A_301 step %parallel_loop3A_302  : i32 {
        %parallel_loop3A_514 = arith.constant 1 : i32
        %parallel_loop3A_515 = arith.index_cast %parallel_loop3A_514 : i32 to index
        %parallel_loop3A_516 = arith.index_cast %parallel_loop3A_513 : i32 to index
        %parallel_loop3A_517 = tpu.vector_load %arg9[%parallel_loop3A_515, %parallel_loop3A_516] {strides = array<i32>} : memref<4x1024xf32, #tpu.memory_space<vmem>>, vector<1x16xf32>,
        %parallel_loop3A_518 = vector.shape_cast %parallel_loop3A_517 : vector<1x16xf32> to vector<16xf32>
        %parallel_loop3A_519 = arith.constant 1 : i32
        %parallel_loop3A_520 = arith.index_cast %parallel_loop3A_519 : i32 to index
        %parallel_loop3A_521 = arith.index_cast %parallel_loop3A_513 : i32 to index
        %parallel_loop3A_522 = tpu.vector_load %arg5[%parallel_loop3A_520, %parallel_loop3A_521] {strides = array<i32>} : memref<16x1024xf32, #tpu.memory_space<vmem>>, vector<1x16xf32>,
        %parallel_loop3A_523 = vector.shape_cast %parallel_loop3A_522 : vector<1x16xf32> to vector<16xf32>
        %parallel_loop3A_524 = arith.addf %parallel_loop3A_523, %parallel_loop3A_518 : vector<16xf32>
        %parallel_loop3A_525 = arith.constant 1 : i32
        %parallel_loop3A_526 = arith.index_cast %parallel_loop3A_525 : i32 to index
        %parallel_loop3A_527 = arith.index_cast %parallel_loop3A_513 : i32 to index
        %parallel_loop3A_528 = tpu.vector_load %arg7[%parallel_loop3A_526, %parallel_loop3A_527] {strides = array<i32>} : memref<16x1024xf32, #tpu.memory_space<vmem>>, vector<1x16xf32>,
        %parallel_loop3A_529 = vector.shape_cast %parallel_loop3A_528 : vector<1x16xf32> to vector<16xf32>
        %parallel_loop3A_530 = vector.shape_cast %parallel_loop3A_524 : vector<16xf32> to vector<1x16xf32>
        tpu.vector_store %arg7[%parallel_loop3A_526, %parallel_loop3A_527], %parallel_loop3A_530 {strides = array<i32>} : memref<16x1024xf32, #tpu.memory_space<vmem>>, vector<1x16xf32>,
        %parallel_loop3A_531 = arith.constant 5 : i32
        %parallel_loop3A_532 = arith.index_cast %parallel_loop3A_531 : i32 to index
        %parallel_loop3A_533 = arith.index_cast %parallel_loop3A_513 : i32 to index
        %parallel_loop3A_534 = tpu.vector_load %arg5[%parallel_loop3A_532, %parallel_loop3A_533] {strides = array<i32>} : memref<16x1024xf32, #tpu.memory_space<vmem>>, vector<1x16xf32>,
        %parallel_loop3A_535 = vector.shape_cast %parallel_loop3A_534 : vector<1x16xf32> to vector<16xf32>
        %parallel_loop3A_536 = arith.addf %parallel_loop3A_535, %parallel_loop3A_518 : vector<16xf32>
        %parallel_loop3A_537 = arith.constant 5 : i32
        %parallel_loop3A_538 = arith.index_cast %parallel_loop3A_537 : i32 to index
        %parallel_loop3A_539 = arith.index_cast %parallel_loop3A_513 : i32 to index
        %parallel_loop3A_540 = tpu.vector_load %arg7[%parallel_loop3A_538, %parallel_loop3A_539] {strides = array<i32>} : memref<16x1024xf32, #tpu.memory_space<vmem>>, vector<1x16xf32>,
        %parallel_loop3A_541 = vector.shape_cast %parallel_loop3A_540 : vector<1x16xf32> to vector<16xf32>
        %parallel_loop3A_542 = vector.shape_cast %parallel_loop3A_536 : vector<16xf32> to vector<1x16xf32>
        tpu.vector_store %arg7[%parallel_loop3A_538, %parallel_loop3A_539], %parallel_loop3A_542 {strides = array<i32>} : memref<16x1024xf32, #tpu.memory_space<vmem>>, vector<1x16xf32>,
        %parallel_loop3A_543 = arith.constant 9 : i32
        %parallel_loop3A_544 = arith.index_cast %parallel_loop3A_543 : i32 to index
        %parallel_loop3A_545 = arith.index_cast %parallel_loop3A_513 : i32 to index
        %parallel_loop3A_546 = tpu.vector_load %arg5[%parallel_loop3A_544, %parallel_loop3A_545] {strides = array<i32>} : memref<16x1024xf32, #tpu.memory_space<vmem>>, vector<1x16xf32>,
        %parallel_loop3A_547 = vector.shape_cast %parallel_loop3A_546 : vector<1x16xf32> to vector<16xf32>
        %parallel_loop3A_548 = arith.addf %parallel_loop3A_547, %parallel_loop3A_518 : vector<16xf32>
        %parallel_loop3A_549 = arith.constant 9 : i32
        %parallel_loop3A_550 = arith.index_cast %parallel_loop3A_549 : i32 to index
        %parallel_loop3A_551 = arith.index_cast %parallel_loop3A_513 : i32 to index
        %parallel_loop3A_552 = tpu.vector_load %arg7[%parallel_loop3A_550, %parallel_loop3A_551] {strides = array<i32>} : memref<16x1024xf32, #tpu.memory_space<vmem>>, vector<1x16xf32>,
        %parallel_loop3A_553 = vector.shape_cast %parallel_loop3A_552 : vector<1x16xf32> to vector<16xf32>
        %parallel_loop3A_554 = vector.shape_cast %parallel_loop3A_548 : vector<16xf32> to vector<1x16xf32>
        tpu.vector_store %arg7[%parallel_loop3A_550, %parallel_loop3A_551], %parallel_loop3A_554 {strides = array<i32>} : memref<16x1024xf32, #tpu.memory_space<vmem>>, vector<1x16xf32>,
        %parallel_loop3A_555 = arith.constant 13 : i32
        %parallel_loop3A_556 = arith.index_cast %parallel_loop3A_555 : i32 to index
        %parallel_loop3A_557 = arith.index_cast %parallel_loop3A_513 : i32 to index
        %parallel_loop3A_558 = tpu.vector_load %arg5[%parallel_loop3A_556, %parallel_loop3A_557] {strides = array<i32>} : memref<16x1024xf32, #tpu.memory_space<vmem>>, vector<1x16xf32>,
        %parallel_loop3A_559 = vector.shape_cast %parallel_loop3A_558 : vector<1x16xf32> to vector<16xf32>
        %parallel_loop3A_560 = arith.addf %parallel_loop3A_559, %parallel_loop3A_518 : vector<16xf32>
        %parallel_loop3A_561 = arith.constant 13 : i32
        %parallel_loop3A_562 = arith.index_cast %parallel_loop3A_561 : i32 to index
        %parallel_loop3A_563 = arith.index_cast %parallel_loop3A_513 : i32 to index
        %parallel_loop3A_564 = tpu.vector_load %arg7[%parallel_loop3A_562, %parallel_loop3A_563] {strides = array<i32>} : memref<16x1024xf32, #tpu.memory_space<vmem>>, vector<1x16xf32>,
        %parallel_loop3A_565 = vector.shape_cast %parallel_loop3A_564 : vector<1x16xf32> to vector<16xf32>
        %parallel_loop3A_566 = vector.shape_cast %parallel_loop3A_560 : vector<16xf32> to vector<1x16xf32>
        tpu.vector_store %arg7[%parallel_loop3A_562, %parallel_loop3A_563], %parallel_loop3A_566 {strides = array<i32>} : memref<16x1024xf32, #tpu.memory_space<vmem>>, vector<1x16xf32>,
      } {sc.loop_unroll_factor = 8 : i64, sc.parallel_access}
      %parallel_loop3A_303 = arith.constant 0 : i32
      %parallel_loop3A_304 = arith.constant 1024 : i32
      %parallel_loop3A_305 = arith.constant 16 : i32
      scf.for %parallel_loop3A_513 = %parallel_loop3A_303 to %parallel_loop3A_304 step %parallel_loop3A_305  : i32 {
        %parallel_loop3A_514 = arith.constant 2 : i32
        %parallel_loop3A_515 = arith.index_cast %parallel_loop3A_514 : i32 to index
        %parallel_loop3A_516 = arith.index_cast %parallel_loop3A_513 : i32 to index
        %parallel_loop3A_517 = tpu.vector_load %arg9[%parallel_loop3A_515, %parallel_loop3A_516] {strides = array<i32>} : memref<4x1024xf32, #tpu.memory_space<vmem>>, vector<1x16xf32>,
        %parallel_loop3A_518 = vector.shape_cast %parallel_loop3A_517 : vector<1x16xf32> to vector<16xf32>
        %parallel_loop3A_519 = arith.constant 2 : i32
        %parallel_loop3A_520 = arith.index_cast %parallel_loop3A_519 : i32 to index
        %parallel_loop3A_521 = arith.index_cast %parallel_loop3A_513 : i32 to index
        %parallel_loop3A_522 = tpu.vector_load %arg5[%parallel_loop3A_520, %parallel_loop3A_521] {strides = array<i32>} : memref<16x1024xf32, #tpu.memory_space<vmem>>, vector<1x16xf32>,
        %parallel_loop3A_523 = vector.shape_cast %parallel_loop3A_522 : vector<1x16xf32> to vector<16xf32>
        %parallel_loop3A_524 = arith.addf %parallel_loop3A_523, %parallel_loop3A_518 : vector<16xf32>
        %parallel_loop3A_525 = arith.constant 2 : i32
        %parallel_loop3A_526 = arith.index_cast %parallel_loop3A_525 : i32 to index
        %parallel_loop3A_527 = arith.index_cast %parallel_loop3A_513 : i32 to index
        %parallel_loop3A_528 = tpu.vector_load %arg7[%parallel_loop3A_526, %parallel_loop3A_527] {strides = array<i32>} : memref<16x1024xf32, #tpu.memory_space<vmem>>, vector<1x16xf32>,
        %parallel_loop3A_529 = vector.shape_cast %parallel_loop3A_528 : vector<1x16xf32> to vector<16xf32>
        %parallel_loop3A_530 = vector.shape_cast %parallel_loop3A_524 : vector<16xf32> to vector<1x16xf32>
        tpu.vector_store %arg7[%parallel_loop3A_526, %parallel_loop3A_527], %parallel_loop3A_530 {strides = array<i32>} : memref<16x1024xf32, #tpu.memory_space<vmem>>, vector<1x16xf32>,
        %parallel_loop3A_531 = arith.constant 6 : i32
        %parallel_loop3A_532 = arith.index_cast %parallel_loop3A_531 : i32 to index
        %parallel_loop3A_533 = arith.index_cast %parallel_loop3A_513 : i32 to index
        %parallel_loop3A_534 = tpu.vector_load %arg5[%parallel_loop3A_532, %parallel_loop3A_533] {strides = array<i32>} : memref<16x1024xf32, #tpu.memory_space<vmem>>, vector<1x16xf32>,
        %parallel_loop3A_535 = vector.shape_cast %parallel_loop3A_534 : vector<1x16xf32> to vector<16xf32>
        %parallel_loop3A_536 = arith.addf %parallel_loop3A_535, %parallel_loop3A_518 : vector<16xf32>
        %parallel_loop3A_537 = arith.constant 6 : i32
        %parallel_loop3A_538 = arith.index_cast %parallel_loop3A_537 : i32 to index
        %parallel_loop3A_539 = arith.index_cast %parallel_loop3A_513 : i32 to index
        %parallel_loop3A_540 = tpu.vector_load %arg7[%parallel_loop3A_538, %parallel_loop3A_539] {strides = array<i32>} : memref<16x1024xf32, #tpu.memory_space<vmem>>, vector<1x16xf32>,
        %parallel_loop3A_541 = vector.shape_cast %parallel_loop3A_540 : vector<1x16xf32> to vector<16xf32>
        %parallel_loop3A_542 = vector.shape_cast %parallel_loop3A_536 : vector<16xf32> to vector<1x16xf32>
        tpu.vector_store %arg7[%parallel_loop3A_538, %parallel_loop3A_539], %parallel_loop3A_542 {strides = array<i32>} : memref<16x1024xf32, #tpu.memory_space<vmem>>, vector<1x16xf32>,
        %parallel_loop3A_543 = arith.constant 10 : i32
        %parallel_loop3A_544 = arith.index_cast %parallel_loop3A_543 : i32 to index
        %parallel_loop3A_545 = arith.index_cast %parallel_loop3A_513 : i32 to index
        %parallel_loop3A_546 = tpu.vector_load %arg5[%parallel_loop3A_544, %parallel_loop3A_545] {strides = array<i32>} : memref<16x1024xf32, #tpu.memory_space<vmem>>, vector<1x16xf32>,
        %parallel_loop3A_547 = vector.shape_cast %parallel_loop3A_546 : vector<1x16xf32> to vector<16xf32>
        %parallel_loop3A_548 = arith.addf %parallel_loop3A_547, %parallel_loop3A_518 : vector<16xf32>
        %parallel_loop3A_549 = arith.constant 10 : i32
        %parallel_loop3A_550 = arith.index_cast %parallel_loop3A_549 : i32 to index
        %parallel_loop3A_551 = arith.index_cast %parallel_loop3A_513 : i32 to index
        %parallel_loop3A_552 = tpu.vector_load %arg7[%parallel_loop3A_550, %parallel_loop3A_551] {strides = array<i32>} : memref<16x1024xf32, #tpu.memory_space<vmem>>, vector<1x16xf32>,
        %parallel_loop3A_553 = vector.shape_cast %parallel_loop3A_552 : vector<1x16xf32> to vector<16xf32>
        %parallel_loop3A_554 = vector.shape_cast %parallel_loop3A_548 : vector<16xf32> to vector<1x16xf32>
        tpu.vector_store %arg7[%parallel_loop3A_550, %parallel_loop3A_551], %parallel_loop3A_554 {strides = array<i32>} : memref<16x1024xf32, #tpu.memory_space<vmem>>, vector<1x16xf32>,
        %parallel_loop3A_555 = arith.constant 14 : i32
        %parallel_loop3A_556 = arith.index_cast %parallel_loop3A_555 : i32 to index
        %parallel_loop3A_557 = arith.index_cast %parallel_loop3A_513 : i32 to index
        %parallel_loop3A_558 = tpu.vector_load %arg5[%parallel_loop3A_556, %parallel_loop3A_557] {strides = array<i32>} : memref<16x1024xf32, #tpu.memory_space<vmem>>, vector<1x16xf32>,
        %parallel_loop3A_559 = vector.shape_cast %parallel_loop3A_558 : vector<1x16xf32> to vector<16xf32>
        %parallel_loop3A_560 = arith.addf %parallel_loop3A_559, %parallel_loop3A_518 : vector<16xf32>
        %parallel_loop3A_561 = arith.constant 14 : i32
        %parallel_loop3A_562 = arith.index_cast %parallel_loop3A_561 : i32 to index
        %parallel_loop3A_563 = arith.index_cast %parallel_loop3A_513 : i32 to index
        %parallel_loop3A_564 = tpu.vector_load %arg7[%parallel_loop3A_562, %parallel_loop3A_563] {strides = array<i32>} : memref<16x1024xf32, #tpu.memory_space<vmem>>, vector<1x16xf32>,
        %parallel_loop3A_565 = vector.shape_cast %parallel_loop3A_564 : vector<1x16xf32> to vector<16xf32>
        %parallel_loop3A_566 = vector.shape_cast %parallel_loop3A_560 : vector<16xf32> to vector<1x16xf32>
        tpu.vector_store %arg7[%parallel_loop3A_562, %parallel_loop3A_563], %parallel_loop3A_566 {strides = array<i32>} : memref<16x1024xf32, #tpu.memory_space<vmem>>, vector<1x16xf32>,
      } {sc.loop_unroll_factor = 8 : i64, sc.parallel_access}
      %parallel_loop3A_306 = arith.constant 0 : i32
      %parallel_loop3A_307 = arith.constant 1024 : i32
      %parallel_loop3A_308 = arith.constant 16 : i32
      scf.for %parallel_loop3A_513 = %parallel_loop3A_306 to %parallel_loop3A_307 step %parallel_loop3A_308  : i32 {
        %parallel_loop3A_514 = arith.constant 3 : i32
        %parallel_loop3A_515 = arith.index_cast %parallel_loop3A_514 : i32 to index
        %parallel_loop3A_516 = arith.index_cast %parallel_loop3A_513 : i32 to index
        %parallel_loop3A_517 = tpu.vector_load %arg9[%parallel_loop3A_515, %parallel_loop3A_516] {strides = array<i32>} : memref<4x1024xf32, #tpu.memory_space<vmem>>, vector<1x16xf32>,
        %parallel_loop3A_518 = vector.shape_cast %parallel_loop3A_517 : vector<1x16xf32> to vector<16xf32>
        %parallel_loop3A_519 = arith.constant 3 : i32
        %parallel_loop3A_520 = arith.index_cast %parallel_loop3A_519 : i32 to index
        %parallel_loop3A_521 = arith.index_cast %parallel_loop3A_513 : i32 to index
        %parallel_loop3A_522 = tpu.vector_load %arg5[%parallel_loop3A_520, %parallel_loop3A_521] {strides = array<i32>} : memref<16x1024xf32, #tpu.memory_space<vmem>>, vector<1x16xf32>,
        %parallel_loop3A_523 = vector.shape_cast %parallel_loop3A_522 : vector<1x16xf32> to vector<16xf32>
        %parallel_loop3A_524 = arith.addf %parallel_loop3A_523, %parallel_loop3A_518 : vector<16xf32>
        %parallel_loop3A_525 = arith.constant 3 : i32
        %parallel_loop3A_526 = arith.index_cast %parallel_loop3A_525 : i32 to index
        %parallel_loop3A_527 = arith.index_cast %parallel_loop3A_513 : i32 to index
        %parallel_loop3A_528 = tpu.vector_load %arg7[%parallel_loop3A_526, %parallel_loop3A_527] {strides = array<i32>} : memref<16x1024xf32, #tpu.memory_space<vmem>>, vector<1x16xf32>,
        %parallel_loop3A_529 = vector.shape_cast %parallel_loop3A_528 : vector<1x16xf32> to vector<16xf32>
        %parallel_loop3A_530 = vector.shape_cast %parallel_loop3A_524 : vector<16xf32> to vector<1x16xf32>
        tpu.vector_store %arg7[%parallel_loop3A_526, %parallel_loop3A_527], %parallel_loop3A_530 {strides = array<i32>} : memref<16x1024xf32, #tpu.memory_space<vmem>>, vector<1x16xf32>,
        %parallel_loop3A_531 = arith.constant 7 : i32
        %parallel_loop3A_532 = arith.index_cast %parallel_loop3A_531 : i32 to index
        %parallel_loop3A_533 = arith.index_cast %parallel_loop3A_513 : i32 to index
        %parallel_loop3A_534 = tpu.vector_load %arg5[%parallel_loop3A_532, %parallel_loop3A_533] {strides = array<i32>} : memref<16x1024xf32, #tpu.memory_space<vmem>>, vector<1x16xf32>,
        %parallel_loop3A_535 = vector.shape_cast %parallel_loop3A_534 : vector<1x16xf32> to vector<16xf32>
        %parallel_loop3A_536 = arith.addf %parallel_loop3A_535, %parallel_loop3A_518 : vector<16xf32>
        %parallel_loop3A_537 = arith.constant 7 : i32
        %parallel_loop3A_538 = arith.index_cast %parallel_loop3A_537 : i32 to index
        %parallel_loop3A_539 = arith.index_cast %parallel_loop3A_513 : i32 to index
        %parallel_loop3A_540 = tpu.vector_load %arg7[%parallel_loop3A_538, %parallel_loop3A_539] {strides = array<i32>} : memref<16x1024xf32, #tpu.memory_space<vmem>>, vector<1x16xf32>,
        %parallel_loop3A_541 = vector.shape_cast %parallel_loop3A_540 : vector<1x16xf32> to vector<16xf32>
        %parallel_loop3A_542 = vector.shape_cast %parallel_loop3A_536 : vector<16xf32> to vector<1x16xf32>
        tpu.vector_store %arg7[%parallel_loop3A_538, %parallel_loop3A_539], %parallel_loop3A_542 {strides = array<i32>} : memref<16x1024xf32, #tpu.memory_space<vmem>>, vector<1x16xf32>,
        %parallel_loop3A_543 = arith.constant 11 : i32
        %parallel_loop3A_544 = arith.index_cast %parallel_loop3A_543 : i32 to index
        %parallel_loop3A_545 = arith.index_cast %parallel_loop3A_513 : i32 to index
        %parallel_loop3A_546 = tpu.vector_load %arg5[%parallel_loop3A_544, %parallel_loop3A_545] {strides = array<i32>} : memref<16x1024xf32, #tpu.memory_space<vmem>>, vector<1x16xf32>,
        %parallel_loop3A_547 = vector.shape_cast %parallel_loop3A_546 : vector<1x16xf32> to vector<16xf32>
        %parallel_loop3A_548 = arith.addf %parallel_loop3A_547, %parallel_loop3A_518 : vector<16xf32>
        %parallel_loop3A_549 = arith.constant 11 : i32
        %parallel_loop3A_550 = arith.index_cast %parallel_loop3A_549 : i32 to index
        %parallel_loop3A_551 = arith.index_cast %parallel_loop3A_513 : i32 to index
        %parallel_loop3A_552 = tpu.vector_load %arg7[%parallel_loop3A_550, %parallel_loop3A_551] {strides = array<i32>} : memref<16x1024xf32, #tpu.memory_space<vmem>>, vector<1x16xf32>,
        %parallel_loop3A_553 = vector.shape_cast %parallel_loop3A_552 : vector<1x16xf32> to vector<16xf32>
        %parallel_loop3A_554 = vector.shape_cast %parallel_loop3A_548 : vector<16xf32> to vector<1x16xf32>
        tpu.vector_store %arg7[%parallel_loop3A_550, %parallel_loop3A_551], %parallel_loop3A_554 {strides = array<i32>} : memref<16x1024xf32, #tpu.memory_space<vmem>>, vector<1x16xf32>,
        %parallel_loop3A_555 = arith.constant 15 : i32
        %parallel_loop3A_556 = arith.index_cast %parallel_loop3A_555 : i32 to index
        %parallel_loop3A_557 = arith.index_cast %parallel_loop3A_513 : i32 to index
        %parallel_loop3A_558 = tpu.vector_load %arg5[%parallel_loop3A_556, %parallel_loop3A_557] {strides = array<i32>} : memref<16x1024xf32, #tpu.memory_space<vmem>>, vector<1x16xf32>,
        %parallel_loop3A_559 = vector.shape_cast %parallel_loop3A_558 : vector<1x16xf32> to vector<16xf32>
        %parallel_loop3A_560 = arith.addf %parallel_loop3A_559, %parallel_loop3A_518 : vector<16xf32>
        %parallel_loop3A_561 = arith.constant 15 : i32
        %parallel_loop3A_562 = arith.index_cast %parallel_loop3A_561 : i32 to index
        %parallel_loop3A_563 = arith.index_cast %parallel_loop3A_513 : i32 to index
        %parallel_loop3A_564 = tpu.vector_load %arg7[%parallel_loop3A_562, %parallel_loop3A_563] {strides = array<i32>} : memref<16x1024xf32, #tpu.memory_space<vmem>>, vector<1x16xf32>,
        %parallel_loop3A_565 = vector.shape_cast %parallel_loop3A_564 : vector<1x16xf32> to vector<16xf32>
        %parallel_loop3A_566 = vector.shape_cast %parallel_loop3A_560 : vector<16xf32> to vector<1x16xf32>
        tpu.vector_store %arg7[%parallel_loop3A_562, %parallel_loop3A_563], %parallel_loop3A_566 {strides = array<i32>} : memref<16x1024xf32, #tpu.memory_space<vmem>>, vector<1x16xf32>,
      } {sc.loop_unroll_factor = 8 : i64, sc.parallel_access}
      %add3A_309 = arith.constant 2 : i32
      %add3A_310 = arith.addi %add3A_236, %add3A_309 : i32
      %lt3A = arith.constant 64 : i32
      %lt3A_311 = arith.cmpi slt, %add3A_310, %lt3A : i32
      %convert_element_type3A_312 = arith.extui %lt3A_311 : i1 to i32
      %cond3A_313 = arith.constant 0 : i32
      %cond3A_314 = arith.cmpi ne, %convert_element_type3A_312, %cond3A_313 : i32
      scf.if %cond3A_314 {
        %add3A_513 = arith.constant 2 : i32
        %add3A_514 = arith.addi %add3A_236, %add3A_513 : i32
        %mul3A_515 = arith.constant 4 : i32
        %mul3A_516 = arith.muli %add3A_514, %mul3A_515 : i32
        %add3A_517 = arith.addi %mul3A_2, %mul3A_516 : i32
        %dma_start3A_518 = arith.constant 0 : i32
        %dma_start3A_519 = arith.constant 0 : i32
        %dma_start3A_520 = arith.constant 0 : i32
        %dma_start3A_521 = tpu.memref_slice %arg5[%dma_start3A_519, %dma_start3A_520] : memref<16x1024xf32, #tpu.memory_space<vmem>> -> memref<4x1024xf32, #tpu.memory_space<vmem>>
        %dma_start3A_522 = arith.constant 0 : i32
        %dma_start3A_523 = tpu.memref_slice %arg2[%dma_start3A_518, %add3A_517, %dma_start3A_522] : memref<4x8192x1024xf32, #tpu.memory_space<hbm>> -> memref<1x4x1024xf32, #tpu.memory_space<hbm>>
        %dma_start3A_524 = tpu.memref_squeeze %dma_start3A_523 : memref<1x4x1024xf32, #tpu.memory_space<hbm>> -> memref<4x1024xf32, #tpu.memory_space<hbm>>
        %dma_start3A_525 = arith.constant 0 : i32
        %dma_start3A_526 = arith.constant 0 : i32
        %dma_start3A_527 = tpu.memref_slice %arg5[%dma_start3A_525, %dma_start3A_526] : memref<16x1024xf32, #tpu.memory_space<vmem>> -> memref<4x1024xf32, #tpu.memory_space<vmem>>
        %dma_start3A_528 = arith.constant 0 : i32
        %dma_start3A_529 = tpu.memref_slice %arg2[%dma_start3A_518, %add3A_517, %dma_start3A_528] : memref<4x8192x1024xf32, #tpu.memory_space<hbm>> -> memref<1x4x1024xf32, #tpu.memory_space<hbm>>
        %dma_start3A_530 = tpu.memref_squeeze %dma_start3A_529 : memref<1x4x1024xf32, #tpu.memory_space<hbm>> -> memref<4x1024xf32, #tpu.memory_space<hbm>>
        tpu.enqueue_dma source(%dma_start3A_530 : memref<4x1024xf32, #tpu.memory_space<hbm>>) target(%dma_start3A_527 : memref<4x1024xf32, #tpu.memory_space<vmem>>) target_semaphore(%arg11 : memref<!tpu.dma_semaphore, #tpu.memory_space<semaphore_mem>>)
        %dma_start3A_531 = arith.constant 1 : i32
        %dma_start3A_532 = arith.constant 4 : i32
        %dma_start3A_533 = arith.constant 0 : i32
        %dma_start3A_534 = tpu.memref_slice %arg5[%dma_start3A_532, %dma_start3A_533] : memref<16x1024xf32, #tpu.memory_space<vmem>> -> memref<4x1024xf32, #tpu.memory_space<vmem>>
        %dma_start3A_535 = arith.constant 0 : i32
        %dma_start3A_536 = tpu.memref_slice %arg2[%dma_start3A_531, %add3A_517, %dma_start3A_535] : memref<4x8192x1024xf32, #tpu.memory_space<hbm>> -> memref<1x4x1024xf32, #tpu.memory_space<hbm>>
        %dma_start3A_537 = tpu.memref_squeeze %dma_start3A_536 : memref<1x4x1024xf32, #tpu.memory_space<hbm>> -> memref<4x1024xf32, #tpu.memory_space<hbm>>
        %dma_start3A_538 = arith.constant 4 : i32
        %dma_start3A_539 = arith.constant 0 : i32
        %dma_start3A_540 = tpu.memref_slice %arg5[%dma_start3A_538, %dma_start3A_539] : memref<16x1024xf32, #tpu.memory_space<vmem>> -> memref<4x1024xf32, #tpu.memory_space<vmem>>
        %dma_start3A_541 = arith.constant 0 : i32
        %dma_start3A_542 = tpu.memref_slice %arg2[%dma_start3A_531, %add3A_517, %dma_start3A_541] : memref<4x8192x1024xf32, #tpu.memory_space<hbm>> -> memref<1x4x1024xf32, #tpu.memory_space<hbm>>
        %dma_start3A_543 = tpu.memref_squeeze %dma_start3A_542 : memref<1x4x1024xf32, #tpu.memory_space<hbm>> -> memref<4x1024xf32, #tpu.memory_space<hbm>>
        tpu.enqueue_dma source(%dma_start3A_543 : memref<4x1024xf32, #tpu.memory_space<hbm>>) target(%dma_start3A_540 : memref<4x1024xf32, #tpu.memory_space<vmem>>) target_semaphore(%arg11 : memref<!tpu.dma_semaphore, #tpu.memory_space<semaphore_mem>>)
        %dma_start3A_544 = arith.constant 2 : i32
        %dma_start3A_545 = arith.constant 8 : i32
        %dma_start3A_546 = arith.constant 0 : i32
        %dma_start3A_547 = tpu.memref_slice %arg5[%dma_start3A_545, %dma_start3A_546] : memref<16x1024xf32, #tpu.memory_space<vmem>> -> memref<4x1024xf32, #tpu.memory_space<vmem>>
        %dma_start3A_548 = arith.constant 0 : i32
        %dma_start3A_549 = tpu.memref_slice %arg2[%dma_start3A_544, %add3A_517, %dma_start3A_548] : memref<4x8192x1024xf32, #tpu.memory_space<hbm>> -> memref<1x4x1024xf32, #tpu.memory_space<hbm>>
        %dma_start3A_550 = tpu.memref_squeeze %dma_start3A_549 : memref<1x4x1024xf32, #tpu.memory_space<hbm>> -> memref<4x1024xf32, #tpu.memory_space<hbm>>
        %dma_start3A_551 = arith.constant 8 : i32
        %dma_start3A_552 = arith.constant 0 : i32
        %dma_start3A_553 = tpu.memref_slice %arg5[%dma_start3A_551, %dma_start3A_552] : memref<16x1024xf32, #tpu.memory_space<vmem>> -> memref<4x1024xf32, #tpu.memory_space<vmem>>
        %dma_start3A_554 = arith.constant 0 : i32
        %dma_start3A_555 = tpu.memref_slice %arg2[%dma_start3A_544, %add3A_517, %dma_start3A_554] : memref<4x8192x1024xf32, #tpu.memory_space<hbm>> -> memref<1x4x1024xf32, #tpu.memory_space<hbm>>
        %dma_start3A_556 = tpu.memref_squeeze %dma_start3A_555 : memref<1x4x1024xf32, #tpu.memory_space<hbm>> -> memref<4x1024xf32, #tpu.memory_space<hbm>>
        tpu.enqueue_dma source(%dma_start3A_556 : memref<4x1024xf32, #tpu.memory_space<hbm>>) target(%dma_start3A_553 : memref<4x1024xf32, #tpu.memory_space<vmem>>) target_semaphore(%arg11 : memref<!tpu.dma_semaphore, #tpu.memory_space<semaphore_mem>>)
        %dma_start3A_557 = arith.constant 3 : i32
        %dma_start3A_558 = arith.constant 12 : i32
        %dma_start3A_559 = arith.constant 0 : i32
        %dma_start3A_560 = tpu.memref_slice %arg5[%dma_start3A_558, %dma_start3A_559] : memref<16x1024xf32, #tpu.memory_space<vmem>> -> memref<4x1024xf32, #tpu.memory_space<vmem>>
        %dma_start3A_561 = arith.constant 0 : i32
        %dma_start3A_562 = tpu.memref_slice %arg2[%dma_start3A_557, %add3A_517, %dma_start3A_561] : memref<4x8192x1024xf32, #tpu.memory_space<hbm>> -> memref<1x4x1024xf32, #tpu.memory_space<hbm>>
        %dma_start3A_563 = tpu.memref_squeeze %dma_start3A_562 : memref<1x4x1024xf32, #tpu.memory_space<hbm>> -> memref<4x1024xf32, #tpu.memory_space<hbm>>
        %dma_start3A_564 = arith.constant 12 : i32
        %dma_start3A_565 = arith.constant 0 : i32
        %dma_start3A_566 = tpu.memref_slice %arg5[%dma_start3A_564, %dma_start3A_565] : memref<16x1024xf32, #tpu.memory_space<vmem>> -> memref<4x1024xf32, #tpu.memory_space<vmem>>
        %dma_start3A_567 = arith.constant 0 : i32
        %dma_start3A_568 = tpu.memref_slice %arg2[%dma_start3A_557, %add3A_517, %dma_start3A_567] : memref<4x8192x1024xf32, #tpu.memory_space<hbm>> -> memref<1x4x1024xf32, #tpu.memory_space<hbm>>
        %dma_start3A_569 = tpu.memref_squeeze %dma_start3A_568 : memref<1x4x1024xf32, #tpu.memory_space<hbm>> -> memref<4x1024xf32, #tpu.memory_space<hbm>>
        tpu.enqueue_dma source(%dma_start3A_569 : memref<4x1024xf32, #tpu.memory_space<hbm>>) target(%dma_start3A_566 : memref<4x1024xf32, #tpu.memory_space<vmem>>) target_semaphore(%arg11 : memref<!tpu.dma_semaphore, #tpu.memory_space<semaphore_mem>>)
        %dma_start3A_570 = arith.constant 0 : i32
        %dma_start3A_571 = tpu.memref_slice %arg3[%add3A_517, %dma_start3A_570] : memref<8192x1024xf32, #tpu.memory_space<hbm>> -> memref<4x1024xf32, #tpu.memory_space<hbm>>
        %dma_start3A_572 = arith.constant 0 : i32
        %dma_start3A_573 = tpu.memref_slice %arg3[%add3A_517, %dma_start3A_572] : memref<8192x1024xf32, #tpu.memory_space<hbm>> -> memref<4x1024xf32, #tpu.memory_space<hbm>>
        tpu.enqueue_dma source(%dma_start3A_573 : memref<4x1024xf32, #tpu.memory_space<hbm>>) target(%arg9 : memref<4x1024xf32, #tpu.memory_space<vmem>>) target_semaphore(%arg15 : memref<!tpu.dma_semaphore, #tpu.memory_space<semaphore_mem>>)
      } else {
      }
      %mul3A_315 = arith.constant 4 : i32
      %mul3A_316 = arith.muli %add3A_236, %mul3A_315 : i32
      %add3A_317 = arith.addi %mul3A_2, %mul3A_316 : i32
      %dma_start3A_318 = arith.constant 0 : i32
      %dma_start3A_319 = arith.constant 0 : i32
      %dma_start3A_320 = arith.constant 0 : i32
      %dma_start3A_321 = tpu.memref_slice %arg7[%dma_start3A_319, %dma_start3A_320] : memref<16x1024xf32, #tpu.memory_space<vmem>> -> memref<4x1024xf32, #tpu.memory_space<vmem>>
      %dma_start3A_322 = arith.constant 0 : i32
      %dma_start3A_323 = tpu.memref_slice %arg4[%dma_start3A_318, %add3A_317, %dma_start3A_322] : memref<4x8192x1024xf32, #tpu.memory_space<hbm>> -> memref<1x4x1024xf32, #tpu.memory_space<hbm>>
      %dma_start3A_324 = tpu.memref_squeeze %dma_start3A_323 : memref<1x4x1024xf32, #tpu.memory_space<hbm>> -> memref<4x1024xf32, #tpu.memory_space<hbm>>
      %dma_start3A_325 = arith.constant 0 : i32
      %dma_start3A_326 = tpu.memref_slice %arg4[%dma_start3A_318, %add3A_317, %dma_start3A_325] : memref<4x8192x1024xf32, #tpu.memory_space<hbm>> -> memref<1x4x1024xf32, #tpu.memory_space<hbm>>
      %dma_start3A_327 = tpu.memref_squeeze %dma_start3A_326 : memref<1x4x1024xf32, #tpu.memory_space<hbm>> -> memref<4x1024xf32, #tpu.memory_space<hbm>>
      %dma_start3A_328 = arith.constant 0 : i32
      %dma_start3A_329 = arith.constant 0 : i32
      %dma_start3A_330 = tpu.memref_slice %arg7[%dma_start3A_328, %dma_start3A_329] : memref<16x1024xf32, #tpu.memory_space<vmem>> -> memref<4x1024xf32, #tpu.memory_space<vmem>>
      tpu.enqueue_dma source(%dma_start3A_330 : memref<4x1024xf32, #tpu.memory_space<vmem>>) target(%dma_start3A_327 : memref<4x1024xf32, #tpu.memory_space<hbm>>) target_semaphore(%arg13 : memref<!tpu.dma_semaphore, #tpu.memory_space<semaphore_mem>>)
      %dma_start3A_331 = arith.constant 1 : i32
      %dma_start3A_332 = arith.constant 4 : i32
      %dma_start3A_333 = arith.constant 0 : i32
      %dma_start3A_334 = tpu.memref_slice %arg7[%dma_start3A_332, %dma_start3A_333] : memref<16x1024xf32, #tpu.memory_space<vmem>> -> memref<4x1024xf32, #tpu.memory_space<vmem>>
      %dma_start3A_335 = arith.constant 0 : i32
      %dma_start3A_336 = tpu.memref_slice %arg4[%dma_start3A_331, %add3A_317, %dma_start3A_335] : memref<4x8192x1024xf32, #tpu.memory_space<hbm>> -> memref<1x4x1024xf32, #tpu.memory_space<hbm>>
      %dma_start3A_337 = tpu.memref_squeeze %dma_start3A_336 : memref<1x4x1024xf32, #tpu.memory_space<hbm>> -> memref<4x1024xf32, #tpu.memory_space<hbm>>
      %dma_start3A_338 = arith.constant 0 : i32
      %dma_start3A_339 = tpu.memref_slice %arg4[%dma_start3A_331, %add3A_317, %dma_start3A_338] : memref<4x8192x1024xf32, #tpu.memory_space<hbm>> -> memref<1x4x1024xf32, #tpu.memory_space<hbm>>
      %dma_start3A_340 = tpu.memref_squeeze %dma_start3A_339 : memref<1x4x1024xf32, #tpu.memory_space<hbm>> -> memref<4x1024xf32, #tpu.memory_space<hbm>>
      %dma_start3A_341 = arith.constant 4 : i32
      %dma_start3A_342 = arith.constant 0 : i32
      %dma_start3A_343 = tpu.memref_slice %arg7[%dma_start3A_341, %dma_start3A_342] : memref<16x1024xf32, #tpu.memory_space<vmem>> -> memref<4x1024xf32, #tpu.memory_space<vmem>>
      tpu.enqueue_dma source(%dma_start3A_343 : memref<4x1024xf32, #tpu.memory_space<vmem>>) target(%dma_start3A_340 : memref<4x1024xf32, #tpu.memory_space<hbm>>) target_semaphore(%arg13 : memref<!tpu.dma_semaphore, #tpu.memory_space<semaphore_mem>>)
      %dma_start3A_344 = arith.constant 2 : i32
      %dma_start3A_345 = arith.constant 8 : i32
      %dma_start3A_346 = arith.constant 0 : i32
      %dma_start3A_347 = tpu.memref_slice %arg7[%dma_start3A_345, %dma_start3A_346] : memref<16x1024xf32, #tpu.memory_space<vmem>> -> memref<4x1024xf32, #tpu.memory_space<vmem>>
      %dma_start3A_348 = arith.constant 0 : i32
      %dma_start3A_349 = tpu.memref_slice %arg4[%dma_start3A_344, %add3A_317, %dma_start3A_348] : memref<4x8192x1024xf32, #tpu.memory_space<hbm>> -> memref<1x4x1024xf32, #tpu.memory_space<hbm>>
      %dma_start3A_350 = tpu.memref_squeeze %dma_start3A_349 : memref<1x4x1024xf32, #tpu.memory_space<hbm>> -> memref<4x1024xf32, #tpu.memory_space<hbm>>
      %dma_start3A_351 = arith.constant 0 : i32
      %dma_start3A_352 = tpu.memref_slice %arg4[%dma_start3A_344, %add3A_317, %dma_start3A_351] : memref<4x8192x1024xf32, #tpu.memory_space<hbm>> -> memref<1x4x1024xf32, #tpu.memory_space<hbm>>
      %dma_start3A_353 = tpu.memref_squeeze %dma_start3A_352 : memref<1x4x1024xf32, #tpu.memory_space<hbm>> -> memref<4x1024xf32, #tpu.memory_space<hbm>>
      %dma_start3A_354 = arith.constant 8 : i32
      %dma_start3A_355 = arith.constant 0 : i32
      %dma_start3A_356 = tpu.memref_slice %arg7[%dma_start3A_354, %dma_start3A_355] : memref<16x1024xf32, #tpu.memory_space<vmem>> -> memref<4x1024xf32, #tpu.memory_space<vmem>>
      tpu.enqueue_dma source(%dma_start3A_356 : memref<4x1024xf32, #tpu.memory_space<vmem>>) target(%dma_start3A_353 : memref<4x1024xf32, #tpu.memory_space<hbm>>) target_semaphore(%arg13 : memref<!tpu.dma_semaphore, #tpu.memory_space<semaphore_mem>>)
      %dma_start3A_357 = arith.constant 3 : i32
      %dma_start3A_358 = arith.constant 12 : i32
      %dma_start3A_359 = arith.constant 0 : i32
      %dma_start3A_360 = tpu.memref_slice %arg7[%dma_start3A_358, %dma_start3A_359] : memref<16x1024xf32, #tpu.memory_space<vmem>> -> memref<4x1024xf32, #tpu.memory_space<vmem>>
      %dma_start3A_361 = arith.constant 0 : i32
      %dma_start3A_362 = tpu.memref_slice %arg4[%dma_start3A_357, %add3A_317, %dma_start3A_361] : memref<4x8192x1024xf32, #tpu.memory_space<hbm>> -> memref<1x4x1024xf32, #tpu.memory_space<hbm>>
      %dma_start3A_363 = tpu.memref_squeeze %dma_start3A_362 : memref<1x4x1024xf32, #tpu.memory_space<hbm>> -> memref<4x1024xf32, #tpu.memory_space<hbm>>
      %dma_start3A_364 = arith.constant 0 : i32
      %dma_start3A_365 = tpu.memref_slice %arg4[%dma_start3A_357, %add3A_317, %dma_start3A_364] : memref<4x8192x1024xf32, #tpu.memory_space<hbm>> -> memref<1x4x1024xf32, #tpu.memory_space<hbm>>
      %dma_start3A_366 = tpu.memref_squeeze %dma_start3A_365 : memref<1x4x1024xf32, #tpu.memory_space<hbm>> -> memref<4x1024xf32, #tpu.memory_space<hbm>>
      %dma_start3A_367 = arith.constant 12 : i32
      %dma_start3A_368 = arith.constant 0 : i32
      %dma_start3A_369 = tpu.memref_slice %arg7[%dma_start3A_367, %dma_start3A_368] : memref<16x1024xf32, #tpu.memory_space<vmem>> -> memref<4x1024xf32, #tpu.memory_space<vmem>>
      tpu.enqueue_dma source(%dma_start3A_369 : memref<4x1024xf32, #tpu.memory_space<vmem>>) target(%dma_start3A_366 : memref<4x1024xf32, #tpu.memory_space<hbm>>) target_semaphore(%arg13 : memref<!tpu.dma_semaphore, #tpu.memory_space<semaphore_mem>>)
      %mul3A_370 = arith.constant 2 : i32
      %mul3A_371 = arith.muli %scan3A_231, %mul3A_370 : i32
      %add3A_372 = arith.constant 1 : i32
      %add3A_373 = arith.addi %mul3A_371, %add3A_372 : i32
      %mul3A_374 = arith.constant 4 : i32
      %mul3A_375 = arith.muli %add3A_373, %mul3A_374 : i32
      %add3A_376 = arith.addi %mul3A_2, %mul3A_375 : i32
      %dma_wait3A_377 = arith.constant 0 : i32
      %dma_wait3A_378 = arith.constant 0 : i32
      %dma_wait3A_379 = arith.constant 0 : i32
      %dma_wait3A_380 = tpu.memref_slice %arg6[%dma_wait3A_378, %dma_wait3A_379] : memref<16x1024xf32, #tpu.memory_space<vmem>> -> memref<4x1024xf32, #tpu.memory_space<vmem>>
      %dma_wait3A_381 = arith.constant 0 : i32
      %dma_wait3A_382 = tpu.memref_slice %arg2[%dma_wait3A_377, %add3A_376, %dma_wait3A_381] : memref<4x8192x1024xf32, #tpu.memory_space<hbm>> -> memref<1x4x1024xf32, #tpu.memory_space<hbm>>
      %dma_wait3A_383 = tpu.memref_squeeze %dma_wait3A_382 : memref<1x4x1024xf32, #tpu.memory_space<hbm>> -> memref<4x1024xf32, #tpu.memory_space<hbm>>
      %dma_wait3A_384 = arith.constant 0 : i32
      %dma_wait3A_385 = arith.constant 0 : i32
      %dma_wait3A_386 = tpu.memref_slice %arg6[%dma_wait3A_384, %dma_wait3A_385] : memref<16x1024xf32, #tpu.memory_space<vmem>> -> memref<4x1024xf32, #tpu.memory_space<vmem>>
      %dma_wait3A_387 = arith.constant 0 : i32
      %dma_wait3A_388 = tpu.memref_slice %arg2[%dma_wait3A_377, %add3A_376, %dma_wait3A_387] : memref<4x8192x1024xf32, #tpu.memory_space<hbm>> -> memref<1x4x1024xf32, #tpu.memory_space<hbm>>
      %dma_wait3A_389 = tpu.memref_squeeze %dma_wait3A_388 : memref<1x4x1024xf32, #tpu.memory_space<hbm>> -> memref<4x1024xf32, #tpu.memory_space<hbm>>
      tpu.wait_dma2 semaphore(%arg12 : memref<!tpu.dma_semaphore, #tpu.memory_space<semaphore_mem>>) src(%dma_wait3A_389 : memref<4x1024xf32, #tpu.memory_space<hbm>>) dst(%dma_wait3A_386 : memref<4x1024xf32, #tpu.memory_space<vmem>>)
      %dma_wait3A_390 = arith.constant 1 : i32
      %dma_wait3A_391 = arith.constant 4 : i32
      %dma_wait3A_392 = arith.constant 0 : i32
      %dma_wait3A_393 = tpu.memref_slice %arg6[%dma_wait3A_391, %dma_wait3A_392] : memref<16x1024xf32, #tpu.memory_space<vmem>> -> memref<4x1024xf32, #tpu.memory_space<vmem>>
      %dma_wait3A_394 = arith.constant 0 : i32
      %dma_wait3A_395 = tpu.memref_slice %arg2[%dma_wait3A_390, %add3A_376, %dma_wait3A_394] : memref<4x8192x1024xf32, #tpu.memory_space<hbm>> -> memref<1x4x1024xf32, #tpu.memory_space<hbm>>
      %dma_wait3A_396 = tpu.memref_squeeze %dma_wait3A_395 : memref<1x4x1024xf32, #tpu.memory_space<hbm>> -> memref<4x1024xf32, #tpu.memory_space<hbm>>
      %dma_wait3A_397 = arith.constant 4 : i32
      %dma_wait3A_398 = arith.constant 0 : i32
      %dma_wait3A_399 = tpu.memref_slice %arg6[%dma_wait3A_397, %dma_wait3A_398] : memref<16x1024xf32, #tpu.memory_space<vmem>> -> memref<4x1024xf32, #tpu.memory_space<vmem>>
      %dma_wait3A_400 = arith.constant 0 : i32
      %dma_wait3A_401 = tpu.memref_slice %arg2[%dma_wait3A_390, %add3A_376, %dma_wait3A_400] : memref<4x8192x1024xf32, #tpu.memory_space<hbm>> -> memref<1x4x1024xf32, #tpu.memory_space<hbm>>
      %dma_wait3A_402 = tpu.memref_squeeze %dma_wait3A_401 : memref<1x4x1024xf32, #tpu.memory_space<hbm>> -> memref<4x1024xf32, #tpu.memory_space<hbm>>
      tpu.wait_dma2 semaphore(%arg12 : memref<!tpu.dma_semaphore, #tpu.memory_space<semaphore_mem>>) src(%dma_wait3A_402 : memref<4x1024xf32, #tpu.memory_space<hbm>>) dst(%dma_wait3A_399 : memref<4x1024xf32, #tpu.memory_space<vmem>>)
      %dma_wait3A_403 = arith.constant 2 : i32
      %dma_wait3A_404 = arith.constant 8 : i32
      %dma_wait3A_405 = arith.constant 0 : i32
      %dma_wait3A_406 = tpu.memref_slice %arg6[%dma_wait3A_404, %dma_wait3A_405] : memref<16x1024xf32, #tpu.memory_space<vmem>> -> memref<4x1024xf32, #tpu.memory_space<vmem>>
      %dma_wait3A_407 = arith.constant 0 : i32
      %dma_wait3A_408 = tpu.memref_slice %arg2[%dma_wait3A_403, %add3A_376, %dma_wait3A_407] : memref<4x8192x1024xf32, #tpu.memory_space<hbm>> -> memref<1x4x1024xf32, #tpu.memory_space<hbm>>
      %dma_wait3A_409 = tpu.memref_squeeze %dma_wait3A_408 : memref<1x4x1024xf32, #tpu.memory_space<hbm>> -> memref<4x1024xf32, #tpu.memory_space<hbm>>
      %dma_wait3A_410 = arith.constant 8 : i32
      %dma_wait3A_411 = arith.constant 0 : i32
      %dma_wait3A_412 = tpu.memref_slice %arg6[%dma_wait3A_410, %dma_wait3A_411] : memref<16x1024xf32, #tpu.memory_space<vmem>> -> memref<4x1024xf32, #tpu.memory_space<vmem>>
      %dma_wait3A_413 = arith.constant 0 : i32
      %dma_wait3A_414 = tpu.memref_slice %arg2[%dma_wait3A_403, %add3A_376, %dma_wait3A_413] : memref<4x8192x1024xf32, #tpu.memory_space<hbm>> -> memref<1x4x1024xf32, #tpu.memory_space<hbm>>
      %dma_wait3A_415 = tpu.memref_squeeze %dma_wait3A_414 : memref<1x4x1024xf32, #tpu.memory_space<hbm>> -> memref<4x1024xf32, #tpu.memory_space<hbm>>
      tpu.wait_dma2 semaphore(%arg12 : memref<!tpu.dma_semaphore, #tpu.memory_space<semaphore_mem>>) src(%dma_wait3A_415 : memref<4x1024xf32, #tpu.memory_space<hbm>>) dst(%dma_wait3A_412 : memref<4x1024xf32, #tpu.memory_space<vmem>>)
      %dma_wait3A_416 = arith.constant 3 : i32
      %dma_wait3A_417 = arith.constant 12 : i32
      %dma_wait3A_418 = arith.constant 0 : i32
      %dma_wait3A_419 = tpu.memref_slice %arg6[%dma_wait3A_417, %dma_wait3A_418] : memref<16x1024xf32, #tpu.memory_space<vmem>> -> memref<4x1024xf32, #tpu.memory_space<vmem>>
      %dma_wait3A_420 = arith.constant 0 : i32
      %dma_wait3A_421 = tpu.memref_slice %arg2[%dma_wait3A_416, %add3A_376, %dma_wait3A_420] : memref<4x8192x1024xf32, #tpu.memory_space<hbm>> -> memref<1x4x1024xf32, #tpu.memory_space<hbm>>
      %dma_wait3A_422 = tpu.memref_squeeze %dma_wait3A_421 : memref<1x4x1024xf32, #tpu.memory_space<hbm>> -> memref<4x1024xf32, #tpu.memory_space<hbm>>
      %dma_wait3A_423 = arith.constant 12 : i32
      %dma_wait3A_424 = arith.constant 0 : i32
      %dma_wait3A_425 = tpu.memref_slice %arg6[%dma_wait3A_423, %dma_wait3A_424] : memref<16x1024xf32, #tpu.memory_space<vmem>> -> memref<4x1024xf32, #tpu.memory_space<vmem>>
      %dma_wait3A_426 = arith.constant 0 : i32
      %dma_wait3A_427 = tpu.memref_slice %arg2[%dma_wait3A_416, %add3A_376, %dma_wait3A_426] : memref<4x8192x1024xf32, #tpu.memory_space<hbm>> -> memref<1x4x1024xf32, #tpu.memory_space<hbm>>
      %dma_wait3A_428 = tpu.memref_squeeze %dma_wait3A_427 : memref<1x4x1024xf32, #tpu.memory_space<hbm>> -> memref<4x1024xf32, #tpu.memory_space<hbm>>
      tpu.wait_dma2 semaphore(%arg12 : memref<!tpu.dma_semaphore, #tpu.memory_space<semaphore_mem>>) src(%dma_wait3A_428 : memref<4x1024xf32, #tpu.memory_space<hbm>>) dst(%dma_wait3A_425 : memref<4x1024xf32, #tpu.memory_space<vmem>>)
      %dma_wait3A_429 = arith.constant 0 : i32
      %dma_wait3A_430 = tpu.memref_slice %arg3[%add3A_376, %dma_wait3A_429] : memref<8192x1024xf32, #tpu.memory_space<hbm>> -> memref<4x1024xf32, #tpu.memory_space<hbm>>
      %dma_wait3A_431 = arith.constant 0 : i32
      %dma_wait3A_432 = tpu.memref_slice %arg3[%add3A_376, %dma_wait3A_431] : memref<8192x1024xf32, #tpu.memory_space<hbm>> -> memref<4x1024xf32, #tpu.memory_space<hbm>>
      tpu.wait_dma2 semaphore(%arg16 : memref<!tpu.dma_semaphore, #tpu.memory_space<semaphore_mem>>) src(%dma_wait3A_432 : memref<4x1024xf32, #tpu.memory_space<hbm>>) dst(%arg10 : memref<4x1024xf32, #tpu.memory_space<vmem>>)
      %ge3A_433 = arith.constant 2 : i32
      %ge3A_434 = arith.cmpi sge, %add3A_373, %ge3A_433 : i32
      %convert_element_type3A_435 = arith.extui %ge3A_434 : i1 to i32
      %cond3A_436 = arith.constant 0 : i32
      %cond3A_437 = arith.cmpi ne, %convert_element_type3A_435, %cond3A_436 : i32
      scf.if %cond3A_437 {
        %sub3A = arith.constant 2 : i32
        %sub3A_513 = arith.subi %add3A_373, %sub3A : i32
        %mul3A_514 = arith.constant 4 : i32
        %mul3A_515 = arith.muli %sub3A_513, %mul3A_514 : i32
        %add3A_516 = arith.addi %mul3A_2, %mul3A_515 : i32
        %dma_wait3A_517 = arith.constant 0 : i32
        %dma_wait3A_518 = arith.constant 0 : i32
        %dma_wait3A_519 = arith.constant 0 : i32
        %dma_wait3A_520 = tpu.memref_slice %arg8[%dma_wait3A_518, %dma_wait3A_519] : memref<16x1024xf32, #tpu.memory_space<vmem>> -> memref<4x1024xf32, #tpu.memory_space<vmem>>
        %dma_wait3A_521 = arith.constant 0 : i32
        %dma_wait3A_522 = tpu.memref_slice %arg4[%dma_wait3A_517, %add3A_516, %dma_wait3A_521] : memref<4x8192x1024xf32, #tpu.memory_space<hbm>> -> memref<1x4x1024xf32, #tpu.memory_space<hbm>>
        %dma_wait3A_523 = tpu.memref_squeeze %dma_wait3A_522 : memref<1x4x1024xf32, #tpu.memory_space<hbm>> -> memref<4x1024xf32, #tpu.memory_space<hbm>>
        %dma_wait3A_524 = arith.constant 0 : i32
        %dma_wait3A_525 = tpu.memref_slice %arg4[%dma_wait3A_517, %add3A_516, %dma_wait3A_524] : memref<4x8192x1024xf32, #tpu.memory_space<hbm>> -> memref<1x4x1024xf32, #tpu.memory_space<hbm>>
        %dma_wait3A_526 = tpu.memref_squeeze %dma_wait3A_525 : memref<1x4x1024xf32, #tpu.memory_space<hbm>> -> memref<4x1024xf32, #tpu.memory_space<hbm>>
        %dma_wait3A_527 = arith.constant 0 : i32
        %dma_wait3A_528 = arith.constant 0 : i32
        %dma_wait3A_529 = tpu.memref_slice %arg8[%dma_wait3A_527, %dma_wait3A_528] : memref<16x1024xf32, #tpu.memory_space<vmem>> -> memref<4x1024xf32, #tpu.memory_space<vmem>>
        tpu.wait_dma2 semaphore(%arg14 : memref<!tpu.dma_semaphore, #tpu.memory_space<semaphore_mem>>) src(%dma_wait3A_529 : memref<4x1024xf32, #tpu.memory_space<vmem>>) dst(%dma_wait3A_526 : memref<4x1024xf32, #tpu.memory_space<hbm>>)
        %dma_wait3A_530 = arith.constant 1 : i32
        %dma_wait3A_531 = arith.constant 4 : i32
        %dma_wait3A_532 = arith.constant 0 : i32
        %dma_wait3A_533 = tpu.memref_slice %arg8[%dma_wait3A_531, %dma_wait3A_532] : memref<16x1024xf32, #tpu.memory_space<vmem>> -> memref<4x1024xf32, #tpu.memory_space<vmem>>
        %dma_wait3A_534 = arith.constant 0 : i32
        %dma_wait3A_535 = tpu.memref_slice %arg4[%dma_wait3A_530, %add3A_516, %dma_wait3A_534] : memref<4x8192x1024xf32, #tpu.memory_space<hbm>> -> memref<1x4x1024xf32, #tpu.memory_space<hbm>>
        %dma_wait3A_536 = tpu.memref_squeeze %dma_wait3A_535 : memref<1x4x1024xf32, #tpu.memory_space<hbm>> -> memref<4x1024xf32, #tpu.memory_space<hbm>>
        %dma_wait3A_537 = arith.constant 0 : i32
        %dma_wait3A_538 = tpu.memref_slice %arg4[%dma_wait3A_530, %add3A_516, %dma_wait3A_537] : memref<4x8192x1024xf32, #tpu.memory_space<hbm>> -> memref<1x4x1024xf32, #tpu.memory_space<hbm>>
        %dma_wait3A_539 = tpu.memref_squeeze %dma_wait3A_538 : memref<1x4x1024xf32, #tpu.memory_space<hbm>> -> memref<4x1024xf32, #tpu.memory_space<hbm>>
        %dma_wait3A_540 = arith.constant 4 : i32
        %dma_wait3A_541 = arith.constant 0 : i32
        %dma_wait3A_542 = tpu.memref_slice %arg8[%dma_wait3A_540, %dma_wait3A_541] : memref<16x1024xf32, #tpu.memory_space<vmem>> -> memref<4x1024xf32, #tpu.memory_space<vmem>>
        tpu.wait_dma2 semaphore(%arg14 : memref<!tpu.dma_semaphore, #tpu.memory_space<semaphore_mem>>) src(%dma_wait3A_542 : memref<4x1024xf32, #tpu.memory_space<vmem>>) dst(%dma_wait3A_539 : memref<4x1024xf32, #tpu.memory_space<hbm>>)
        %dma_wait3A_543 = arith.constant 2 : i32
        %dma_wait3A_544 = arith.constant 8 : i32
        %dma_wait3A_545 = arith.constant 0 : i32
        %dma_wait3A_546 = tpu.memref_slice %arg8[%dma_wait3A_544, %dma_wait3A_545] : memref<16x1024xf32, #tpu.memory_space<vmem>> -> memref<4x1024xf32, #tpu.memory_space<vmem>>
        %dma_wait3A_547 = arith.constant 0 : i32
        %dma_wait3A_548 = tpu.memref_slice %arg4[%dma_wait3A_543, %add3A_516, %dma_wait3A_547] : memref<4x8192x1024xf32, #tpu.memory_space<hbm>> -> memref<1x4x1024xf32, #tpu.memory_space<hbm>>
        %dma_wait3A_549 = tpu.memref_squeeze %dma_wait3A_548 : memref<1x4x1024xf32, #tpu.memory_space<hbm>> -> memref<4x1024xf32, #tpu.memory_space<hbm>>
        %dma_wait3A_550 = arith.constant 0 : i32
        %dma_wait3A_551 = tpu.memref_slice %arg4[%dma_wait3A_543, %add3A_516, %dma_wait3A_550] : memref<4x8192x1024xf32, #tpu.memory_space<hbm>> -> memref<1x4x1024xf32, #tpu.memory_space<hbm>>
        %dma_wait3A_552 = tpu.memref_squeeze %dma_wait3A_551 : memref<1x4x1024xf32, #tpu.memory_space<hbm>> -> memref<4x1024xf32, #tpu.memory_space<hbm>>
        %dma_wait3A_553 = arith.constant 8 : i32
        %dma_wait3A_554 = arith.constant 0 : i32
        %dma_wait3A_555 = tpu.memref_slice %arg8[%dma_wait3A_553, %dma_wait3A_554] : memref<16x1024xf32, #tpu.memory_space<vmem>> -> memref<4x1024xf32, #tpu.memory_space<vmem>>
        tpu.wait_dma2 semaphore(%arg14 : memref<!tpu.dma_semaphore, #tpu.memory_space<semaphore_mem>>) src(%dma_wait3A_555 : memref<4x1024xf32, #tpu.memory_space<vmem>>) dst(%dma_wait3A_552 : memref<4x1024xf32, #tpu.memory_space<hbm>>)
        %dma_wait3A_556 = arith.constant 3 : i32
        %dma_wait3A_557 = arith.constant 12 : i32
        %dma_wait3A_558 = arith.constant 0 : i32
        %dma_wait3A_559 = tpu.memref_slice %arg8[%dma_wait3A_557, %dma_wait3A_558] : memref<16x1024xf32, #tpu.memory_space<vmem>> -> memref<4x1024xf32, #tpu.memory_space<vmem>>
        %dma_wait3A_560 = arith.constant 0 : i32
        %dma_wait3A_561 = tpu.memref_slice %arg4[%dma_wait3A_556, %add3A_516, %dma_wait3A_560] : memref<4x8192x1024xf32, #tpu.memory_space<hbm>> -> memref<1x4x1024xf32, #tpu.memory_space<hbm>>
        %dma_wait3A_562 = tpu.memref_squeeze %dma_wait3A_561 : memref<1x4x1024xf32, #tpu.memory_space<hbm>> -> memref<4x1024xf32, #tpu.memory_space<hbm>>
        %dma_wait3A_563 = arith.constant 0 : i32
        %dma_wait3A_564 = tpu.memref_slice %arg4[%dma_wait3A_556, %add3A_516, %dma_wait3A_563] : memref<4x8192x1024xf32, #tpu.memory_space<hbm>> -> memref<1x4x1024xf32, #tpu.memory_space<hbm>>
        %dma_wait3A_565 = tpu.memref_squeeze %dma_wait3A_564 : memref<1x4x1024xf32, #tpu.memory_space<hbm>> -> memref<4x1024xf32, #tpu.memory_space<hbm>>
        %dma_wait3A_566 = arith.constant 12 : i32
        %dma_wait3A_567 = arith.constant 0 : i32
        %dma_wait3A_568 = tpu.memref_slice %arg8[%dma_wait3A_566, %dma_wait3A_567] : memref<16x1024xf32, #tpu.memory_space<vmem>> -> memref<4x1024xf32, #tpu.memory_space<vmem>>
        tpu.wait_dma2 semaphore(%arg14 : memref<!tpu.dma_semaphore, #tpu.memory_space<semaphore_mem>>) src(%dma_wait3A_568 : memref<4x1024xf32, #tpu.memory_space<vmem>>) dst(%dma_wait3A_565 : memref<4x1024xf32, #tpu.memory_space<hbm>>)
      } else {
      }
      %parallel_loop3A_438 = arith.constant 0 : i32
      %parallel_loop3A_439 = arith.constant 1024 : i32
      %parallel_loop3A_440 = arith.constant 16 : i32
      scf.for %parallel_loop3A_513 = %parallel_loop3A_438 to %parallel_loop3A_439 step %parallel_loop3A_440  : i32 {
        %parallel_loop3A_514 = arith.constant 0 : i32
        %parallel_loop3A_515 = arith.index_cast %parallel_loop3A_514 : i32 to index
        %parallel_loop3A_516 = arith.index_cast %parallel_loop3A_513 : i32 to index
        %parallel_loop3A_517 = tpu.vector_load %arg10[%parallel_loop3A_515, %parallel_loop3A_516] {strides = array<i32>} : memref<4x1024xf32, #tpu.memory_space<vmem>>, vector<1x16xf32>,
        %parallel_loop3A_518 = vector.shape_cast %parallel_loop3A_517 : vector<1x16xf32> to vector<16xf32>
        %parallel_loop3A_519 = arith.constant 0 : i32
        %parallel_loop3A_520 = arith.index_cast %parallel_loop3A_519 : i32 to index
        %parallel_loop3A_521 = arith.index_cast %parallel_loop3A_513 : i32 to index
        %parallel_loop3A_522 = tpu.vector_load %arg6[%parallel_loop3A_520, %parallel_loop3A_521] {strides = array<i32>} : memref<16x1024xf32, #tpu.memory_space<vmem>>, vector<1x16xf32>,
        %parallel_loop3A_523 = vector.shape_cast %parallel_loop3A_522 : vector<1x16xf32> to vector<16xf32>
        %parallel_loop3A_524 = arith.addf %parallel_loop3A_523, %parallel_loop3A_518 : vector<16xf32>
        %parallel_loop3A_525 = arith.constant 0 : i32
        %parallel_loop3A_526 = arith.index_cast %parallel_loop3A_525 : i32 to index
        %parallel_loop3A_527 = arith.index_cast %parallel_loop3A_513 : i32 to index
        %parallel_loop3A_528 = tpu.vector_load %arg8[%parallel_loop3A_526, %parallel_loop3A_527] {strides = array<i32>} : memref<16x1024xf32, #tpu.memory_space<vmem>>, vector<1x16xf32>,
        %parallel_loop3A_529 = vector.shape_cast %parallel_loop3A_528 : vector<1x16xf32> to vector<16xf32>
        %parallel_loop3A_530 = vector.shape_cast %parallel_loop3A_524 : vector<16xf32> to vector<1x16xf32>
        tpu.vector_store %arg8[%parallel_loop3A_526, %parallel_loop3A_527], %parallel_loop3A_530 {strides = array<i32>} : memref<16x1024xf32, #tpu.memory_space<vmem>>, vector<1x16xf32>,
        %parallel_loop3A_531 = arith.constant 4 : i32
        %parallel_loop3A_532 = arith.index_cast %parallel_loop3A_531 : i32 to index
        %parallel_loop3A_533 = arith.index_cast %parallel_loop3A_513 : i32 to index
        %parallel_loop3A_534 = tpu.vector_load %arg6[%parallel_loop3A_532, %parallel_loop3A_533] {strides = array<i32>} : memref<16x1024xf32, #tpu.memory_space<vmem>>, vector<1x16xf32>,
        %parallel_loop3A_535 = vector.shape_cast %parallel_loop3A_534 : vector<1x16xf32> to vector<16xf32>
        %parallel_loop3A_536 = arith.addf %parallel_loop3A_535, %parallel_loop3A_518 : vector<16xf32>
        %parallel_loop3A_537 = arith.constant 4 : i32
        %parallel_loop3A_538 = arith.index_cast %parallel_loop3A_537 : i32 to index
        %parallel_loop3A_539 = arith.index_cast %parallel_loop3A_513 : i32 to index
        %parallel_loop3A_540 = tpu.vector_load %arg8[%parallel_loop3A_538, %parallel_loop3A_539] {strides = array<i32>} : memref<16x1024xf32, #tpu.memory_space<vmem>>, vector<1x16xf32>,
        %parallel_loop3A_541 = vector.shape_cast %parallel_loop3A_540 : vector<1x16xf32> to vector<16xf32>
        %parallel_loop3A_542 = vector.shape_cast %parallel_loop3A_536 : vector<16xf32> to vector<1x16xf32>
        tpu.vector_store %arg8[%parallel_loop3A_538, %parallel_loop3A_539], %parallel_loop3A_542 {strides = array<i32>} : memref<16x1024xf32, #tpu.memory_space<vmem>>, vector<1x16xf32>,
        %parallel_loop3A_543 = arith.constant 8 : i32
        %parallel_loop3A_544 = arith.index_cast %parallel_loop3A_543 : i32 to index
        %parallel_loop3A_545 = arith.index_cast %parallel_loop3A_513 : i32 to index
        %parallel_loop3A_546 = tpu.vector_load %arg6[%parallel_loop3A_544, %parallel_loop3A_545] {strides = array<i32>} : memref<16x1024xf32, #tpu.memory_space<vmem>>, vector<1x16xf32>,
        %parallel_loop3A_547 = vector.shape_cast %parallel_loop3A_546 : vector<1x16xf32> to vector<16xf32>
        %parallel_loop3A_548 = arith.addf %parallel_loop3A_547, %parallel_loop3A_518 : vector<16xf32>
        %parallel_loop3A_549 = arith.constant 8 : i32
        %parallel_loop3A_550 = arith.index_cast %parallel_loop3A_549 : i32 to index
        %parallel_loop3A_551 = arith.index_cast %parallel_loop3A_513 : i32 to index
        %parallel_loop3A_552 = tpu.vector_load %arg8[%parallel_loop3A_550, %parallel_loop3A_551] {strides = array<i32>} : memref<16x1024xf32, #tpu.memory_space<vmem>>, vector<1x16xf32>,
        %parallel_loop3A_553 = vector.shape_cast %parallel_loop3A_552 : vector<1x16xf32> to vector<16xf32>
        %parallel_loop3A_554 = vector.shape_cast %parallel_loop3A_548 : vector<16xf32> to vector<1x16xf32>
        tpu.vector_store %arg8[%parallel_loop3A_550, %parallel_loop3A_551], %parallel_loop3A_554 {strides = array<i32>} : memref<16x1024xf32, #tpu.memory_space<vmem>>, vector<1x16xf32>,
        %parallel_loop3A_555 = arith.constant 12 : i32
        %parallel_loop3A_556 = arith.index_cast %parallel_loop3A_555 : i32 to index
        %parallel_loop3A_557 = arith.index_cast %parallel_loop3A_513 : i32 to index
        %parallel_loop3A_558 = tpu.vector_load %arg6[%parallel_loop3A_556, %parallel_loop3A_557] {strides = array<i32>} : memref<16x1024xf32, #tpu.memory_space<vmem>>, vector<1x16xf32>,
        %parallel_loop3A_559 = vector.shape_cast %parallel_loop3A_558 : vector<1x16xf32> to vector<16xf32>
        %parallel_loop3A_560 = arith.addf %parallel_loop3A_559, %parallel_loop3A_518 : vector<16xf32>
        %parallel_loop3A_561 = arith.constant 12 : i32
        %parallel_loop3A_562 = arith.index_cast %parallel_loop3A_561 : i32 to index
        %parallel_loop3A_563 = arith.index_cast %parallel_loop3A_513 : i32 to index
        %parallel_loop3A_564 = tpu.vector_load %arg8[%parallel_loop3A_562, %parallel_loop3A_563] {strides = array<i32>} : memref<16x1024xf32, #tpu.memory_space<vmem>>, vector<1x16xf32>,
        %parallel_loop3A_565 = vector.shape_cast %parallel_loop3A_564 : vector<1x16xf32> to vector<16xf32>
        %parallel_loop3A_566 = vector.shape_cast %parallel_loop3A_560 : vector<16xf32> to vector<1x16xf32>
        tpu.vector_store %arg8[%parallel_loop3A_562, %parallel_loop3A_563], %parallel_loop3A_566 {strides = array<i32>} : memref<16x1024xf32, #tpu.memory_space<vmem>>, vector<1x16xf32>,
      } {sc.loop_unroll_factor = 8 : i64, sc.parallel_access}
      %parallel_loop3A_441 = arith.constant 0 : i32
      %parallel_loop3A_442 = arith.constant 1024 : i32
      %parallel_loop3A_443 = arith.constant 16 : i32
      scf.for %parallel_loop3A_513 = %parallel_loop3A_441 to %parallel_loop3A_442 step %parallel_loop3A_443  : i32 {
        %parallel_loop3A_514 = arith.constant 1 : i32
        %parallel_loop3A_515 = arith.index_cast %parallel_loop3A_514 : i32 to index
        %parallel_loop3A_516 = arith.index_cast %parallel_loop3A_513 : i32 to index
        %parallel_loop3A_517 = tpu.vector_load %arg10[%parallel_loop3A_515, %parallel_loop3A_516] {strides = array<i32>} : memref<4x1024xf32, #tpu.memory_space<vmem>>, vector<1x16xf32>,
        %parallel_loop3A_518 = vector.shape_cast %parallel_loop3A_517 : vector<1x16xf32> to vector<16xf32>
        %parallel_loop3A_519 = arith.constant 1 : i32
        %parallel_loop3A_520 = arith.index_cast %parallel_loop3A_519 : i32 to index
        %parallel_loop3A_521 = arith.index_cast %parallel_loop3A_513 : i32 to index
        %parallel_loop3A_522 = tpu.vector_load %arg6[%parallel_loop3A_520, %parallel_loop3A_521] {strides = array<i32>} : memref<16x1024xf32, #tpu.memory_space<vmem>>, vector<1x16xf32>,
        %parallel_loop3A_523 = vector.shape_cast %parallel_loop3A_522 : vector<1x16xf32> to vector<16xf32>
        %parallel_loop3A_524 = arith.addf %parallel_loop3A_523, %parallel_loop3A_518 : vector<16xf32>
        %parallel_loop3A_525 = arith.constant 1 : i32
        %parallel_loop3A_526 = arith.index_cast %parallel_loop3A_525 : i32 to index
        %parallel_loop3A_527 = arith.index_cast %parallel_loop3A_513 : i32 to index
        %parallel_loop3A_528 = tpu.vector_load %arg8[%parallel_loop3A_526, %parallel_loop3A_527] {strides = array<i32>} : memref<16x1024xf32, #tpu.memory_space<vmem>>, vector<1x16xf32>,
        %parallel_loop3A_529 = vector.shape_cast %parallel_loop3A_528 : vector<1x16xf32> to vector<16xf32>
        %parallel_loop3A_530 = vector.shape_cast %parallel_loop3A_524 : vector<16xf32> to vector<1x16xf32>
        tpu.vector_store %arg8[%parallel_loop3A_526, %parallel_loop3A_527], %parallel_loop3A_530 {strides = array<i32>} : memref<16x1024xf32, #tpu.memory_space<vmem>>, vector<1x16xf32>,
        %parallel_loop3A_531 = arith.constant 5 : i32
        %parallel_loop3A_532 = arith.index_cast %parallel_loop3A_531 : i32 to index
        %parallel_loop3A_533 = arith.index_cast %parallel_loop3A_513 : i32 to index
        %parallel_loop3A_534 = tpu.vector_load %arg6[%parallel_loop3A_532, %parallel_loop3A_533] {strides = array<i32>} : memref<16x1024xf32, #tpu.memory_space<vmem>>, vector<1x16xf32>,
        %parallel_loop3A_535 = vector.shape_cast %parallel_loop3A_534 : vector<1x16xf32> to vector<16xf32>
        %parallel_loop3A_536 = arith.addf %parallel_loop3A_535, %parallel_loop3A_518 : vector<16xf32>
        %parallel_loop3A_537 = arith.constant 5 : i32
        %parallel_loop3A_538 = arith.index_cast %parallel_loop3A_537 : i32 to index
        %parallel_loop3A_539 = arith.index_cast %parallel_loop3A_513 : i32 to index
        %parallel_loop3A_540 = tpu.vector_load %arg8[%parallel_loop3A_538, %parallel_loop3A_539] {strides = array<i32>} : memref<16x1024xf32, #tpu.memory_space<vmem>>, vector<1x16xf32>,
        %parallel_loop3A_541 = vector.shape_cast %parallel_loop3A_540 : vector<1x16xf32> to vector<16xf32>
        %parallel_loop3A_542 = vector.shape_cast %parallel_loop3A_536 : vector<16xf32> to vector<1x16xf32>
        tpu.vector_store %arg8[%parallel_loop3A_538, %parallel_loop3A_539], %parallel_loop3A_542 {strides = array<i32>} : memref<16x1024xf32, #tpu.memory_space<vmem>>, vector<1x16xf32>,
        %parallel_loop3A_543 = arith.constant 9 : i32
        %parallel_loop3A_544 = arith.index_cast %parallel_loop3A_543 : i32 to index
        %parallel_loop3A_545 = arith.index_cast %parallel_loop3A_513 : i32 to index
        %parallel_loop3A_546 = tpu.vector_load %arg6[%parallel_loop3A_544, %parallel_loop3A_545] {strides = array<i32>} : memref<16x1024xf32, #tpu.memory_space<vmem>>, vector<1x16xf32>,
        %parallel_loop3A_547 = vector.shape_cast %parallel_loop3A_546 : vector<1x16xf32> to vector<16xf32>
        %parallel_loop3A_548 = arith.addf %parallel_loop3A_547, %parallel_loop3A_518 : vector<16xf32>
        %parallel_loop3A_549 = arith.constant 9 : i32
        %parallel_loop3A_550 = arith.index_cast %parallel_loop3A_549 : i32 to index
        %parallel_loop3A_551 = arith.index_cast %parallel_loop3A_513 : i32 to index
        %parallel_loop3A_552 = tpu.vector_load %arg8[%parallel_loop3A_550, %parallel_loop3A_551] {strides = array<i32>} : memref<16x1024xf32, #tpu.memory_space<vmem>>, vector<1x16xf32>,
        %parallel_loop3A_553 = vector.shape_cast %parallel_loop3A_552 : vector<1x16xf32> to vector<16xf32>
        %parallel_loop3A_554 = vector.shape_cast %parallel_loop3A_548 : vector<16xf32> to vector<1x16xf32>
        tpu.vector_store %arg8[%parallel_loop3A_550, %parallel_loop3A_551], %parallel_loop3A_554 {strides = array<i32>} : memref<16x1024xf32, #tpu.memory_space<vmem>>, vector<1x16xf32>,
        %parallel_loop3A_555 = arith.constant 13 : i32
        %parallel_loop3A_556 = arith.index_cast %parallel_loop3A_555 : i32 to index
        %parallel_loop3A_557 = arith.index_cast %parallel_loop3A_513 : i32 to index
        %parallel_loop3A_558 = tpu.vector_load %arg6[%parallel_loop3A_556, %parallel_loop3A_557] {strides = array<i32>} : memref<16x1024xf32, #tpu.memory_space<vmem>>, vector<1x16xf32>,
        %parallel_loop3A_559 = vector.shape_cast %parallel_loop3A_558 : vector<1x16xf32> to vector<16xf32>
        %parallel_loop3A_560 = arith.addf %parallel_loop3A_559, %parallel_loop3A_518 : vector<16xf32>
        %parallel_loop3A_561 = arith.constant 13 : i32
        %parallel_loop3A_562 = arith.index_cast %parallel_loop3A_561 : i32 to index
        %parallel_loop3A_563 = arith.index_cast %parallel_loop3A_513 : i32 to index
        %parallel_loop3A_564 = tpu.vector_load %arg8[%parallel_loop3A_562, %parallel_loop3A_563] {strides = array<i32>} : memref<16x1024xf32, #tpu.memory_space<vmem>>, vector<1x16xf32>,
        %parallel_loop3A_565 = vector.shape_cast %parallel_loop3A_564 : vector<1x16xf32> to vector<16xf32>
        %parallel_loop3A_566 = vector.shape_cast %parallel_loop3A_560 : vector<16xf32> to vector<1x16xf32>
        tpu.vector_store %arg8[%parallel_loop3A_562, %parallel_loop3A_563], %parallel_loop3A_566 {strides = array<i32>} : memref<16x1024xf32, #tpu.memory_space<vmem>>, vector<1x16xf32>,
      } {sc.loop_unroll_factor = 8 : i64, sc.parallel_access}
      %parallel_loop3A_444 = arith.constant 0 : i32
      %parallel_loop3A_445 = arith.constant 1024 : i32
      %parallel_loop3A_446 = arith.constant 16 : i32
      scf.for %parallel_loop3A_513 = %parallel_loop3A_444 to %parallel_loop3A_445 step %parallel_loop3A_446  : i32 {
        %parallel_loop3A_514 = arith.constant 2 : i32
        %parallel_loop3A_515 = arith.index_cast %parallel_loop3A_514 : i32 to index
        %parallel_loop3A_516 = arith.index_cast %parallel_loop3A_513 : i32 to index
        %parallel_loop3A_517 = tpu.vector_load %arg10[%parallel_loop3A_515, %parallel_loop3A_516] {strides = array<i32>} : memref<4x1024xf32, #tpu.memory_space<vmem>>, vector<1x16xf32>,
        %parallel_loop3A_518 = vector.shape_cast %parallel_loop3A_517 : vector<1x16xf32> to vector<16xf32>
        %parallel_loop3A_519 = arith.constant 2 : i32
        %parallel_loop3A_520 = arith.index_cast %parallel_loop3A_519 : i32 to index
        %parallel_loop3A_521 = arith.index_cast %parallel_loop3A_513 : i32 to index
        %parallel_loop3A_522 = tpu.vector_load %arg6[%parallel_loop3A_520, %parallel_loop3A_521] {strides = array<i32>} : memref<16x1024xf32, #tpu.memory_space<vmem>>, vector<1x16xf32>,
        %parallel_loop3A_523 = vector.shape_cast %parallel_loop3A_522 : vector<1x16xf32> to vector<16xf32>
        %parallel_loop3A_524 = arith.addf %parallel_loop3A_523, %parallel_loop3A_518 : vector<16xf32>
        %parallel_loop3A_525 = arith.constant 2 : i32
        %parallel_loop3A_526 = arith.index_cast %parallel_loop3A_525 : i32 to index
        %parallel_loop3A_527 = arith.index_cast %parallel_loop3A_513 : i32 to index
        %parallel_loop3A_528 = tpu.vector_load %arg8[%parallel_loop3A_526, %parallel_loop3A_527] {strides = array<i32>} : memref<16x1024xf32, #tpu.memory_space<vmem>>, vector<1x16xf32>,
        %parallel_loop3A_529 = vector.shape_cast %parallel_loop3A_528 : vector<1x16xf32> to vector<16xf32>
        %parallel_loop3A_530 = vector.shape_cast %parallel_loop3A_524 : vector<16xf32> to vector<1x16xf32>
        tpu.vector_store %arg8[%parallel_loop3A_526, %parallel_loop3A_527], %parallel_loop3A_530 {strides = array<i32>} : memref<16x1024xf32, #tpu.memory_space<vmem>>, vector<1x16xf32>,
        %parallel_loop3A_531 = arith.constant 6 : i32
        %parallel_loop3A_532 = arith.index_cast %parallel_loop3A_531 : i32 to index
        %parallel_loop3A_533 = arith.index_cast %parallel_loop3A_513 : i32 to index
        %parallel_loop3A_534 = tpu.vector_load %arg6[%parallel_loop3A_532, %parallel_loop3A_533] {strides = array<i32>} : memref<16x1024xf32, #tpu.memory_space<vmem>>, vector<1x16xf32>,
        %parallel_loop3A_535 = vector.shape_cast %parallel_loop3A_534 : vector<1x16xf32> to vector<16xf32>
        %parallel_loop3A_536 = arith.addf %parallel_loop3A_535, %parallel_loop3A_518 : vector<16xf32>
        %parallel_loop3A_537 = arith.constant 6 : i32
        %parallel_loop3A_538 = arith.index_cast %parallel_loop3A_537 : i32 to index
        %parallel_loop3A_539 = arith.index_cast %parallel_loop3A_513 : i32 to index
        %parallel_loop3A_540 = tpu.vector_load %arg8[%parallel_loop3A_538, %parallel_loop3A_539] {strides = array<i32>} : memref<16x1024xf32, #tpu.memory_space<vmem>>, vector<1x16xf32>,
        %parallel_loop3A_541 = vector.shape_cast %parallel_loop3A_540 : vector<1x16xf32> to vector<16xf32>
        %parallel_loop3A_542 = vector.shape_cast %parallel_loop3A_536 : vector<16xf32> to vector<1x16xf32>
        tpu.vector_store %arg8[%parallel_loop3A_538, %parallel_loop3A_539], %parallel_loop3A_542 {strides = array<i32>} : memref<16x1024xf32, #tpu.memory_space<vmem>>, vector<1x16xf32>,
        %parallel_loop3A_543 = arith.constant 10 : i32
        %parallel_loop3A_544 = arith.index_cast %parallel_loop3A_543 : i32 to index
        %parallel_loop3A_545 = arith.index_cast %parallel_loop3A_513 : i32 to index
        %parallel_loop3A_546 = tpu.vector_load %arg6[%parallel_loop3A_544, %parallel_loop3A_545] {strides = array<i32>} : memref<16x1024xf32, #tpu.memory_space<vmem>>, vector<1x16xf32>,
        %parallel_loop3A_547 = vector.shape_cast %parallel_loop3A_546 : vector<1x16xf32> to vector<16xf32>
        %parallel_loop3A_548 = arith.addf %parallel_loop3A_547, %parallel_loop3A_518 : vector<16xf32>
        %parallel_loop3A_549 = arith.constant 10 : i32
        %parallel_loop3A_550 = arith.index_cast %parallel_loop3A_549 : i32 to index
        %parallel_loop3A_551 = arith.index_cast %parallel_loop3A_513 : i32 to index
        %parallel_loop3A_552 = tpu.vector_load %arg8[%parallel_loop3A_550, %parallel_loop3A_551] {strides = array<i32>} : memref<16x1024xf32, #tpu.memory_space<vmem>>, vector<1x16xf32>,
        %parallel_loop3A_553 = vector.shape_cast %parallel_loop3A_552 : vector<1x16xf32> to vector<16xf32>
        %parallel_loop3A_554 = vector.shape_cast %parallel_loop3A_548 : vector<16xf32> to vector<1x16xf32>
        tpu.vector_store %arg8[%parallel_loop3A_550, %parallel_loop3A_551], %parallel_loop3A_554 {strides = array<i32>} : memref<16x1024xf32, #tpu.memory_space<vmem>>, vector<1x16xf32>,
        %parallel_loop3A_555 = arith.constant 14 : i32
        %parallel_loop3A_556 = arith.index_cast %parallel_loop3A_555 : i32 to index
        %parallel_loop3A_557 = arith.index_cast %parallel_loop3A_513 : i32 to index
        %parallel_loop3A_558 = tpu.vector_load %arg6[%parallel_loop3A_556, %parallel_loop3A_557] {strides = array<i32>} : memref<16x1024xf32, #tpu.memory_space<vmem>>, vector<1x16xf32>,
        %parallel_loop3A_559 = vector.shape_cast %parallel_loop3A_558 : vector<1x16xf32> to vector<16xf32>
        %parallel_loop3A_560 = arith.addf %parallel_loop3A_559, %parallel_loop3A_518 : vector<16xf32>
        %parallel_loop3A_561 = arith.constant 14 : i32
        %parallel_loop3A_562 = arith.index_cast %parallel_loop3A_561 : i32 to index
        %parallel_loop3A_563 = arith.index_cast %parallel_loop3A_513 : i32 to index
        %parallel_loop3A_564 = tpu.vector_load %arg8[%parallel_loop3A_562, %parallel_loop3A_563] {strides = array<i32>} : memref<16x1024xf32, #tpu.memory_space<vmem>>, vector<1x16xf32>,
        %parallel_loop3A_565 = vector.shape_cast %parallel_loop3A_564 : vector<1x16xf32> to vector<16xf32>
        %parallel_loop3A_566 = vector.shape_cast %parallel_loop3A_560 : vector<16xf32> to vector<1x16xf32>
        tpu.vector_store %arg8[%parallel_loop3A_562, %parallel_loop3A_563], %parallel_loop3A_566 {strides = array<i32>} : memref<16x1024xf32, #tpu.memory_space<vmem>>, vector<1x16xf32>,
      } {sc.loop_unroll_factor = 8 : i64, sc.parallel_access}
      %parallel_loop3A_447 = arith.constant 0 : i32
      %parallel_loop3A_448 = arith.constant 1024 : i32
      %parallel_loop3A_449 = arith.constant 16 : i32
      scf.for %parallel_loop3A_513 = %parallel_loop3A_447 to %parallel_loop3A_448 step %parallel_loop3A_449  : i32 {
        %parallel_loop3A_514 = arith.constant 3 : i32
        %parallel_loop3A_515 = arith.index_cast %parallel_loop3A_514 : i32 to index
        %parallel_loop3A_516 = arith.index_cast %parallel_loop3A_513 : i32 to index
        %parallel_loop3A_517 = tpu.vector_load %arg10[%parallel_loop3A_515, %parallel_loop3A_516] {strides = array<i32>} : memref<4x1024xf32, #tpu.memory_space<vmem>>, vector<1x16xf32>,
        %parallel_loop3A_518 = vector.shape_cast %parallel_loop3A_517 : vector<1x16xf32> to vector<16xf32>
        %parallel_loop3A_519 = arith.constant 3 : i32
        %parallel_loop3A_520 = arith.index_cast %parallel_loop3A_519 : i32 to index
        %parallel_loop3A_521 = arith.index_cast %parallel_loop3A_513 : i32 to index
        %parallel_loop3A_522 = tpu.vector_load %arg6[%parallel_loop3A_520, %parallel_loop3A_521] {strides = array<i32>} : memref<16x1024xf32, #tpu.memory_space<vmem>>, vector<1x16xf32>,
        %parallel_loop3A_523 = vector.shape_cast %parallel_loop3A_522 : vector<1x16xf32> to vector<16xf32>
        %parallel_loop3A_524 = arith.addf %parallel_loop3A_523, %parallel_loop3A_518 : vector<16xf32>
        %parallel_loop3A_525 = arith.constant 3 : i32
        %parallel_loop3A_526 = arith.index_cast %parallel_loop3A_525 : i32 to index
        %parallel_loop3A_527 = arith.index_cast %parallel_loop3A_513 : i32 to index
        %parallel_loop3A_528 = tpu.vector_load %arg8[%parallel_loop3A_526, %parallel_loop3A_527] {strides = array<i32>} : memref<16x1024xf32, #tpu.memory_space<vmem>>, vector<1x16xf32>,
        %parallel_loop3A_529 = vector.shape_cast %parallel_loop3A_528 : vector<1x16xf32> to vector<16xf32>
        %parallel_loop3A_530 = vector.shape_cast %parallel_loop3A_524 : vector<16xf32> to vector<1x16xf32>
        tpu.vector_store %arg8[%parallel_loop3A_526, %parallel_loop3A_527], %parallel_loop3A_530 {strides = array<i32>} : memref<16x1024xf32, #tpu.memory_space<vmem>>, vector<1x16xf32>,
        %parallel_loop3A_531 = arith.constant 7 : i32
        %parallel_loop3A_532 = arith.index_cast %parallel_loop3A_531 : i32 to index
        %parallel_loop3A_533 = arith.index_cast %parallel_loop3A_513 : i32 to index
        %parallel_loop3A_534 = tpu.vector_load %arg6[%parallel_loop3A_532, %parallel_loop3A_533] {strides = array<i32>} : memref<16x1024xf32, #tpu.memory_space<vmem>>, vector<1x16xf32>,
        %parallel_loop3A_535 = vector.shape_cast %parallel_loop3A_534 : vector<1x16xf32> to vector<16xf32>
        %parallel_loop3A_536 = arith.addf %parallel_loop3A_535, %parallel_loop3A_518 : vector<16xf32>
        %parallel_loop3A_537 = arith.constant 7 : i32
        %parallel_loop3A_538 = arith.index_cast %parallel_loop3A_537 : i32 to index
        %parallel_loop3A_539 = arith.index_cast %parallel_loop3A_513 : i32 to index
        %parallel_loop3A_540 = tpu.vector_load %arg8[%parallel_loop3A_538, %parallel_loop3A_539] {strides = array<i32>} : memref<16x1024xf32, #tpu.memory_space<vmem>>, vector<1x16xf32>,
        %parallel_loop3A_541 = vector.shape_cast %parallel_loop3A_540 : vector<1x16xf32> to vector<16xf32>
        %parallel_loop3A_542 = vector.shape_cast %parallel_loop3A_536 : vector<16xf32> to vector<1x16xf32>
        tpu.vector_store %arg8[%parallel_loop3A_538, %parallel_loop3A_539], %parallel_loop3A_542 {strides = array<i32>} : memref<16x1024xf32, #tpu.memory_space<vmem>>, vector<1x16xf32>,
        %parallel_loop3A_543 = arith.constant 11 : i32
        %parallel_loop3A_544 = arith.index_cast %parallel_loop3A_543 : i32 to index
        %parallel_loop3A_545 = arith.index_cast %parallel_loop3A_513 : i32 to index
        %parallel_loop3A_546 = tpu.vector_load %arg6[%parallel_loop3A_544, %parallel_loop3A_545] {strides = array<i32>} : memref<16x1024xf32, #tpu.memory_space<vmem>>, vector<1x16xf32>,
        %parallel_loop3A_547 = vector.shape_cast %parallel_loop3A_546 : vector<1x16xf32> to vector<16xf32>
        %parallel_loop3A_548 = arith.addf %parallel_loop3A_547, %parallel_loop3A_518 : vector<16xf32>
        %parallel_loop3A_549 = arith.constant 11 : i32
        %parallel_loop3A_550 = arith.index_cast %parallel_loop3A_549 : i32 to index
        %parallel_loop3A_551 = arith.index_cast %parallel_loop3A_513 : i32 to index
        %parallel_loop3A_552 = tpu.vector_load %arg8[%parallel_loop3A_550, %parallel_loop3A_551] {strides = array<i32>} : memref<16x1024xf32, #tpu.memory_space<vmem>>, vector<1x16xf32>,
        %parallel_loop3A_553 = vector.shape_cast %parallel_loop3A_552 : vector<1x16xf32> to vector<16xf32>
        %parallel_loop3A_554 = vector.shape_cast %parallel_loop3A_548 : vector<16xf32> to vector<1x16xf32>
        tpu.vector_store %arg8[%parallel_loop3A_550, %parallel_loop3A_551], %parallel_loop3A_554 {strides = array<i32>} : memref<16x1024xf32, #tpu.memory_space<vmem>>, vector<1x16xf32>,
        %parallel_loop3A_555 = arith.constant 15 : i32
        %parallel_loop3A_556 = arith.index_cast %parallel_loop3A_555 : i32 to index
        %parallel_loop3A_557 = arith.index_cast %parallel_loop3A_513 : i32 to index
        %parallel_loop3A_558 = tpu.vector_load %arg6[%parallel_loop3A_556, %parallel_loop3A_557] {strides = array<i32>} : memref<16x1024xf32, #tpu.memory_space<vmem>>, vector<1x16xf32>,
        %parallel_loop3A_559 = vector.shape_cast %parallel_loop3A_558 : vector<1x16xf32> to vector<16xf32>
        %parallel_loop3A_560 = arith.addf %parallel_loop3A_559, %parallel_loop3A_518 : vector<16xf32>
        %parallel_loop3A_561 = arith.constant 15 : i32
        %parallel_loop3A_562 = arith.index_cast %parallel_loop3A_561 : i32 to index
        %parallel_loop3A_563 = arith.index_cast %parallel_loop3A_513 : i32 to index
        %parallel_loop3A_564 = tpu.vector_load %arg8[%parallel_loop3A_562, %parallel_loop3A_563] {strides = array<i32>} : memref<16x1024xf32, #tpu.memory_space<vmem>>, vector<1x16xf32>,
        %parallel_loop3A_565 = vector.shape_cast %parallel_loop3A_564 : vector<1x16xf32> to vector<16xf32>
        %parallel_loop3A_566 = vector.shape_cast %parallel_loop3A_560 : vector<16xf32> to vector<1x16xf32>
        tpu.vector_store %arg8[%parallel_loop3A_562, %parallel_loop3A_563], %parallel_loop3A_566 {strides = array<i32>} : memref<16x1024xf32, #tpu.memory_space<vmem>>, vector<1x16xf32>,
      } {sc.loop_unroll_factor = 8 : i64, sc.parallel_access}
      %add3A_450 = arith.constant 2 : i32
      %add3A_451 = arith.addi %add3A_373, %add3A_450 : i32
      %lt3A_452 = arith.constant 64 : i32
      %lt3A_453 = arith.cmpi slt, %add3A_451, %lt3A_452 : i32
      %convert_element_type3A_454 = arith.extui %lt3A_453 : i1 to i32
      %cond3A_455 = arith.constant 0 : i32
      %cond3A_456 = arith.cmpi ne, %convert_element_type3A_454, %cond3A_455 : i32
      scf.if %cond3A_456 {
        %add3A_513 = arith.constant 2 : i32
        %add3A_514 = arith.addi %add3A_373, %add3A_513 : i32
        %mul3A_515 = arith.constant 4 : i32
        %mul3A_516 = arith.muli %add3A_514, %mul3A_515 : i32
        %add3A_517 = arith.addi %mul3A_2, %mul3A_516 : i32
        %dma_start3A_518 = arith.constant 0 : i32
        %dma_start3A_519 = arith.constant 0 : i32
        %dma_start3A_520 = arith.constant 0 : i32
        %dma_start3A_521 = tpu.memref_slice %arg6[%dma_start3A_519, %dma_start3A_520] : memref<16x1024xf32, #tpu.memory_space<vmem>> -> memref<4x1024xf32, #tpu.memory_space<vmem>>
        %dma_start3A_522 = arith.constant 0 : i32
        %dma_start3A_523 = tpu.memref_slice %arg2[%dma_start3A_518, %add3A_517, %dma_start3A_522] : memref<4x8192x1024xf32, #tpu.memory_space<hbm>> -> memref<1x4x1024xf32, #tpu.memory_space<hbm>>
        %dma_start3A_524 = tpu.memref_squeeze %dma_start3A_523 : memref<1x4x1024xf32, #tpu.memory_space<hbm>> -> memref<4x1024xf32, #tpu.memory_space<hbm>>
        %dma_start3A_525 = arith.constant 0 : i32
        %dma_start3A_526 = arith.constant 0 : i32
        %dma_start3A_527 = tpu.memref_slice %arg6[%dma_start3A_525, %dma_start3A_526] : memref<16x1024xf32, #tpu.memory_space<vmem>> -> memref<4x1024xf32, #tpu.memory_space<vmem>>
        %dma_start3A_528 = arith.constant 0 : i32
        %dma_start3A_529 = tpu.memref_slice %arg2[%dma_start3A_518, %add3A_517, %dma_start3A_528] : memref<4x8192x1024xf32, #tpu.memory_space<hbm>> -> memref<1x4x1024xf32, #tpu.memory_space<hbm>>
        %dma_start3A_530 = tpu.memref_squeeze %dma_start3A_529 : memref<1x4x1024xf32, #tpu.memory_space<hbm>> -> memref<4x1024xf32, #tpu.memory_space<hbm>>
        tpu.enqueue_dma source(%dma_start3A_530 : memref<4x1024xf32, #tpu.memory_space<hbm>>) target(%dma_start3A_527 : memref<4x1024xf32, #tpu.memory_space<vmem>>) target_semaphore(%arg12 : memref<!tpu.dma_semaphore, #tpu.memory_space<semaphore_mem>>)
        %dma_start3A_531 = arith.constant 1 : i32
        %dma_start3A_532 = arith.constant 4 : i32
        %dma_start3A_533 = arith.constant 0 : i32
        %dma_start3A_534 = tpu.memref_slice %arg6[%dma_start3A_532, %dma_start3A_533] : memref<16x1024xf32, #tpu.memory_space<vmem>> -> memref<4x1024xf32, #tpu.memory_space<vmem>>
        %dma_start3A_535 = arith.constant 0 : i32
        %dma_start3A_536 = tpu.memref_slice %arg2[%dma_start3A_531, %add3A_517, %dma_start3A_535] : memref<4x8192x1024xf32, #tpu.memory_space<hbm>> -> memref<1x4x1024xf32, #tpu.memory_space<hbm>>
        %dma_start3A_537 = tpu.memref_squeeze %dma_start3A_536 : memref<1x4x1024xf32, #tpu.memory_space<hbm>> -> memref<4x1024xf32, #tpu.memory_space<hbm>>
        %dma_start3A_538 = arith.constant 4 : i32
        %dma_start3A_539 = arith.constant 0 : i32
        %dma_start3A_540 = tpu.memref_slice %arg6[%dma_start3A_538, %dma_start3A_539] : memref<16x1024xf32, #tpu.memory_space<vmem>> -> memref<4x1024xf32, #tpu.memory_space<vmem>>
        %dma_start3A_541 = arith.constant 0 : i32
        %dma_start3A_542 = tpu.memref_slice %arg2[%dma_start3A_531, %add3A_517, %dma_start3A_541] : memref<4x8192x1024xf32, #tpu.memory_space<hbm>> -> memref<1x4x1024xf32, #tpu.memory_space<hbm>>
        %dma_start3A_543 = tpu.memref_squeeze %dma_start3A_542 : memref<1x4x1024xf32, #tpu.memory_space<hbm>> -> memref<4x1024xf32, #tpu.memory_space<hbm>>
        tpu.enqueue_dma source(%dma_start3A_543 : memref<4x1024xf32, #tpu.memory_space<hbm>>) target(%dma_start3A_540 : memref<4x1024xf32, #tpu.memory_space<vmem>>) target_semaphore(%arg12 : memref<!tpu.dma_semaphore, #tpu.memory_space<semaphore_mem>>)
        %dma_start3A_544 = arith.constant 2 : i32
        %dma_start3A_545 = arith.constant 8 : i32
        %dma_start3A_546 = arith.constant 0 : i32
        %dma_start3A_547 = tpu.memref_slice %arg6[%dma_start3A_545, %dma_start3A_546] : memref<16x1024xf32, #tpu.memory_space<vmem>> -> memref<4x1024xf32, #tpu.memory_space<vmem>>
        %dma_start3A_548 = arith.constant 0 : i32
        %dma_start3A_549 = tpu.memref_slice %arg2[%dma_start3A_544, %add3A_517, %dma_start3A_548] : memref<4x8192x1024xf32, #tpu.memory_space<hbm>> -> memref<1x4x1024xf32, #tpu.memory_space<hbm>>
        %dma_start3A_550 = tpu.memref_squeeze %dma_start3A_549 : memref<1x4x1024xf32, #tpu.memory_space<hbm>> -> memref<4x1024xf32, #tpu.memory_space<hbm>>
        %dma_start3A_551 = arith.constant 8 : i32
        %dma_start3A_552 = arith.constant 0 : i32
        %dma_start3A_553 = tpu.memref_slice %arg6[%dma_start3A_551, %dma_start3A_552] : memref<16x1024xf32, #tpu.memory_space<vmem>> -> memref<4x1024xf32, #tpu.memory_space<vmem>>
        %dma_start3A_554 = arith.constant 0 : i32
        %dma_start3A_555 = tpu.memref_slice %arg2[%dma_start3A_544, %add3A_517, %dma_start3A_554] : memref<4x8192x1024xf32, #tpu.memory_space<hbm>> -> memref<1x4x1024xf32, #tpu.memory_space<hbm>>
        %dma_start3A_556 = tpu.memref_squeeze %dma_start3A_555 : memref<1x4x1024xf32, #tpu.memory_space<hbm>> -> memref<4x1024xf32, #tpu.memory_space<hbm>>
        tpu.enqueue_dma source(%dma_start3A_556 : memref<4x1024xf32, #tpu.memory_space<hbm>>) target(%dma_start3A_553 : memref<4x1024xf32, #tpu.memory_space<vmem>>) target_semaphore(%arg12 : memref<!tpu.dma_semaphore, #tpu.memory_space<semaphore_mem>>)
        %dma_start3A_557 = arith.constant 3 : i32
        %dma_start3A_558 = arith.constant 12 : i32
        %dma_start3A_559 = arith.constant 0 : i32
        %dma_start3A_560 = tpu.memref_slice %arg6[%dma_start3A_558, %dma_start3A_559] : memref<16x1024xf32, #tpu.memory_space<vmem>> -> memref<4x1024xf32, #tpu.memory_space<vmem>>
        %dma_start3A_561 = arith.constant 0 : i32
        %dma_start3A_562 = tpu.memref_slice %arg2[%dma_start3A_557, %add3A_517, %dma_start3A_561] : memref<4x8192x1024xf32, #tpu.memory_space<hbm>> -> memref<1x4x1024xf32, #tpu.memory_space<hbm>>
        %dma_start3A_563 = tpu.memref_squeeze %dma_start3A_562 : memref<1x4x1024xf32, #tpu.memory_space<hbm>> -> memref<4x1024xf32, #tpu.memory_space<hbm>>
        %dma_start3A_564 = arith.constant 12 : i32
        %dma_start3A_565 = arith.constant 0 : i32
        %dma_start3A_566 = tpu.memref_slice %arg6[%dma_start3A_564, %dma_start3A_565] : memref<16x1024xf32, #tpu.memory_space<vmem>> -> memref<4x1024xf32, #tpu.memory_space<vmem>>
        %dma_start3A_567 = arith.constant 0 : i32
        %dma_start3A_568 = tpu.memref_slice %arg2[%dma_start3A_557, %add3A_517, %dma_start3A_567] : memref<4x8192x1024xf32, #tpu.memory_space<hbm>> -> memref<1x4x1024xf32, #tpu.memory_space<hbm>>
        %dma_start3A_569 = tpu.memref_squeeze %dma_start3A_568 : memref<1x4x1024xf32, #tpu.memory_space<hbm>> -> memref<4x1024xf32, #tpu.memory_space<hbm>>
        tpu.enqueue_dma source(%dma_start3A_569 : memref<4x1024xf32, #tpu.memory_space<hbm>>) target(%dma_start3A_566 : memref<4x1024xf32, #tpu.memory_space<vmem>>) target_semaphore(%arg12 : memref<!tpu.dma_semaphore, #tpu.memory_space<semaphore_mem>>)
        %dma_start3A_570 = arith.constant 0 : i32
        %dma_start3A_571 = tpu.memref_slice %arg3[%add3A_517, %dma_start3A_570] : memref<8192x1024xf32, #tpu.memory_space<hbm>> -> memref<4x1024xf32, #tpu.memory_space<hbm>>
        %dma_start3A_572 = arith.constant 0 : i32
        %dma_start3A_573 = tpu.memref_slice %arg3[%add3A_517, %dma_start3A_572] : memref<8192x1024xf32, #tpu.memory_space<hbm>> -> memref<4x1024xf32, #tpu.memory_space<hbm>>
        tpu.enqueue_dma source(%dma_start3A_573 : memref<4x1024xf32, #tpu.memory_space<hbm>>) target(%arg10 : memref<4x1024xf32, #tpu.memory_space<vmem>>) target_semaphore(%arg16 : memref<!tpu.dma_semaphore, #tpu.memory_space<semaphore_mem>>)
      } else {
      }
      %mul3A_457 = arith.constant 4 : i32
      %mul3A_458 = arith.muli %add3A_373, %mul3A_457 : i32
      %add3A_459 = arith.addi %mul3A_2, %mul3A_458 : i32
      %dma_start3A_460 = arith.constant 0 : i32
      %dma_start3A_461 = arith.constant 0 : i32
      %dma_start3A_462 = arith.constant 0 : i32
      %dma_start3A_463 = tpu.memref_slice %arg8[%dma_start3A_461, %dma_start3A_462] : memref<16x1024xf32, #tpu.memory_space<vmem>> -> memref<4x1024xf32, #tpu.memory_space<vmem>>
      %dma_start3A_464 = arith.constant 0 : i32
      %dma_start3A_465 = tpu.memref_slice %arg4[%dma_start3A_460, %add3A_459, %dma_start3A_464] : memref<4x8192x1024xf32, #tpu.memory_space<hbm>> -> memref<1x4x1024xf32, #tpu.memory_space<hbm>>
      %dma_start3A_466 = tpu.memref_squeeze %dma_start3A_465 : memref<1x4x1024xf32, #tpu.memory_space<hbm>> -> memref<4x1024xf32, #tpu.memory_space<hbm>>
      %dma_start3A_467 = arith.constant 0 : i32
      %dma_start3A_468 = tpu.memref_slice %arg4[%dma_start3A_460, %add3A_459, %dma_start3A_467] : memref<4x8192x1024xf32, #tpu.memory_space<hbm>> -> memref<1x4x1024xf32, #tpu.memory_space<hbm>>
      %dma_start3A_469 = tpu.memref_squeeze %dma_start3A_468 : memref<1x4x1024xf32, #tpu.memory_space<hbm>> -> memref<4x1024xf32, #tpu.memory_space<hbm>>
      %dma_start3A_470 = arith.constant 0 : i32
      %dma_start3A_471 = arith.constant 0 : i32
      %dma_start3A_472 = tpu.memref_slice %arg8[%dma_start3A_470, %dma_start3A_471] : memref<16x1024xf32, #tpu.memory_space<vmem>> -> memref<4x1024xf32, #tpu.memory_space<vmem>>
      tpu.enqueue_dma source(%dma_start3A_472 : memref<4x1024xf32, #tpu.memory_space<vmem>>) target(%dma_start3A_469 : memref<4x1024xf32, #tpu.memory_space<hbm>>) target_semaphore(%arg14 : memref<!tpu.dma_semaphore, #tpu.memory_space<semaphore_mem>>)
      %dma_start3A_473 = arith.constant 1 : i32
      %dma_start3A_474 = arith.constant 4 : i32
      %dma_start3A_475 = arith.constant 0 : i32
      %dma_start3A_476 = tpu.memref_slice %arg8[%dma_start3A_474, %dma_start3A_475] : memref<16x1024xf32, #tpu.memory_space<vmem>> -> memref<4x1024xf32, #tpu.memory_space<vmem>>
      %dma_start3A_477 = arith.constant 0 : i32
      %dma_start3A_478 = tpu.memref_slice %arg4[%dma_start3A_473, %add3A_459, %dma_start3A_477] : memref<4x8192x1024xf32, #tpu.memory_space<hbm>> -> memref<1x4x1024xf32, #tpu.memory_space<hbm>>
      %dma_start3A_479 = tpu.memref_squeeze %dma_start3A_478 : memref<1x4x1024xf32, #tpu.memory_space<hbm>> -> memref<4x1024xf32, #tpu.memory_space<hbm>>
      %dma_start3A_480 = arith.constant 0 : i32
      %dma_start3A_481 = tpu.memref_slice %arg4[%dma_start3A_473, %add3A_459, %dma_start3A_480] : memref<4x8192x1024xf32, #tpu.memory_space<hbm>> -> memref<1x4x1024xf32, #tpu.memory_space<hbm>>
      %dma_start3A_482 = tpu.memref_squeeze %dma_start3A_481 : memref<1x4x1024xf32, #tpu.memory_space<hbm>> -> memref<4x1024xf32, #tpu.memory_space<hbm>>
      %dma_start3A_483 = arith.constant 4 : i32
      %dma_start3A_484 = arith.constant 0 : i32
      %dma_start3A_485 = tpu.memref_slice %arg8[%dma_start3A_483, %dma_start3A_484] : memref<16x1024xf32, #tpu.memory_space<vmem>> -> memref<4x1024xf32, #tpu.memory_space<vmem>>
      tpu.enqueue_dma source(%dma_start3A_485 : memref<4x1024xf32, #tpu.memory_space<vmem>>) target(%dma_start3A_482 : memref<4x1024xf32, #tpu.memory_space<hbm>>) target_semaphore(%arg14 : memref<!tpu.dma_semaphore, #tpu.memory_space<semaphore_mem>>)
      %dma_start3A_486 = arith.constant 2 : i32
      %dma_start3A_487 = arith.constant 8 : i32
      %dma_start3A_488 = arith.constant 0 : i32
      %dma_start3A_489 = tpu.memref_slice %arg8[%dma_start3A_487, %dma_start3A_488] : memref<16x1024xf32, #tpu.memory_space<vmem>> -> memref<4x1024xf32, #tpu.memory_space<vmem>>
      %dma_start3A_490 = arith.constant 0 : i32
      %dma_start3A_491 = tpu.memref_slice %arg4[%dma_start3A_486, %add3A_459, %dma_start3A_490] : memref<4x8192x1024xf32, #tpu.memory_space<hbm>> -> memref<1x4x1024xf32, #tpu.memory_space<hbm>>
      %dma_start3A_492 = tpu.memref_squeeze %dma_start3A_491 : memref<1x4x1024xf32, #tpu.memory_space<hbm>> -> memref<4x1024xf32, #tpu.memory_space<hbm>>
      %dma_start3A_493 = arith.constant 0 : i32
      %dma_start3A_494 = tpu.memref_slice %arg4[%dma_start3A_486, %add3A_459, %dma_start3A_493] : memref<4x8192x1024xf32, #tpu.memory_space<hbm>> -> memref<1x4x1024xf32, #tpu.memory_space<hbm>>
      %dma_start3A_495 = tpu.memref_squeeze %dma_start3A_494 : memref<1x4x1024xf32, #tpu.memory_space<hbm>> -> memref<4x1024xf32, #tpu.memory_space<hbm>>
      %dma_start3A_496 = arith.constant 8 : i32
      %dma_start3A_497 = arith.constant 0 : i32
      %dma_start3A_498 = tpu.memref_slice %arg8[%dma_start3A_496, %dma_start3A_497] : memref<16x1024xf32, #tpu.memory_space<vmem>> -> memref<4x1024xf32, #tpu.memory_space<vmem>>
      tpu.enqueue_dma source(%dma_start3A_498 : memref<4x1024xf32, #tpu.memory_space<vmem>>) target(%dma_start3A_495 : memref<4x1024xf32, #tpu.memory_space<hbm>>) target_semaphore(%arg14 : memref<!tpu.dma_semaphore, #tpu.memory_space<semaphore_mem>>)
      %dma_start3A_499 = arith.constant 3 : i32
      %dma_start3A_500 = arith.constant 12 : i32
      %dma_start3A_501 = arith.constant 0 : i32
      %dma_start3A_502 = tpu.memref_slice %arg8[%dma_start3A_500, %dma_start3A_501] : memref<16x1024xf32, #tpu.memory_space<vmem>> -> memref<4x1024xf32, #tpu.memory_space<vmem>>
      %dma_start3A_503 = arith.constant 0 : i32
      %dma_start3A_504 = tpu.memref_slice %arg4[%dma_start3A_499, %add3A_459, %dma_start3A_503] : memref<4x8192x1024xf32, #tpu.memory_space<hbm>> -> memref<1x4x1024xf32, #tpu.memory_space<hbm>>
      %dma_start3A_505 = tpu.memref_squeeze %dma_start3A_504 : memref<1x4x1024xf32, #tpu.memory_space<hbm>> -> memref<4x1024xf32, #tpu.memory_space<hbm>>
      %dma_start3A_506 = arith.constant 0 : i32
      %dma_start3A_507 = tpu.memref_slice %arg4[%dma_start3A_499, %add3A_459, %dma_start3A_506] : memref<4x8192x1024xf32, #tpu.memory_space<hbm>> -> memref<1x4x1024xf32, #tpu.memory_space<hbm>>
      %dma_start3A_508 = tpu.memref_squeeze %dma_start3A_507 : memref<1x4x1024xf32, #tpu.memory_space<hbm>> -> memref<4x1024xf32, #tpu.memory_space<hbm>>
      %dma_start3A_509 = arith.constant 12 : i32
      %dma_start3A_510 = arith.constant 0 : i32
      %dma_start3A_511 = tpu.memref_slice %arg8[%dma_start3A_509, %dma_start3A_510] : memref<16x1024xf32, #tpu.memory_space<vmem>> -> memref<4x1024xf32, #tpu.memory_space<vmem>>
      tpu.enqueue_dma source(%dma_start3A_511 : memref<4x1024xf32, #tpu.memory_space<vmem>>) target(%dma_start3A_508 : memref<4x1024xf32, #tpu.memory_space<hbm>>) target_semaphore(%arg14 : memref<!tpu.dma_semaphore, #tpu.memory_space<semaphore_mem>>)
      %scan3A_512 = arith.constant 0 : i32
      scf.yield %scan3A_512 : i32
    }
    %scan3A_123 = arith.constant 32 : i32
    %add3A_124 = arith.constant 248 : i32
    %add3A_125 = arith.addi %mul3A_2, %add3A_124 : i32
    %dma_wait3A = arith.constant 0 : i32
    %dma_wait3A_126 = arith.constant 0 : i32
    %dma_wait3A_127 = arith.constant 0 : i32
    %dma_wait3A_128 = tpu.memref_slice %arg7[%dma_wait3A_126, %dma_wait3A_127] : memref<16x1024xf32, #tpu.memory_space<vmem>> -> memref<4x1024xf32, #tpu.memory_space<vmem>>
    %dma_wait3A_129 = arith.constant 0 : i32
    %dma_wait3A_130 = tpu.memref_slice %arg4[%dma_wait3A, %add3A_125, %dma_wait3A_129] : memref<4x8192x1024xf32, #tpu.memory_space<hbm>> -> memref<1x4x1024xf32, #tpu.memory_space<hbm>>
    %dma_wait3A_131 = tpu.memref_squeeze %dma_wait3A_130 : memref<1x4x1024xf32, #tpu.memory_space<hbm>> -> memref<4x1024xf32, #tpu.memory_space<hbm>>
    %dma_wait3A_132 = arith.constant 0 : i32
    %dma_wait3A_133 = tpu.memref_slice %arg4[%dma_wait3A, %add3A_125, %dma_wait3A_132] : memref<4x8192x1024xf32, #tpu.memory_space<hbm>> -> memref<1x4x1024xf32, #tpu.memory_space<hbm>>
    %dma_wait3A_134 = tpu.memref_squeeze %dma_wait3A_133 : memref<1x4x1024xf32, #tpu.memory_space<hbm>> -> memref<4x1024xf32, #tpu.memory_space<hbm>>
    %dma_wait3A_135 = arith.constant 0 : i32
    %dma_wait3A_136 = arith.constant 0 : i32
    %dma_wait3A_137 = tpu.memref_slice %arg7[%dma_wait3A_135, %dma_wait3A_136] : memref<16x1024xf32, #tpu.memory_space<vmem>> -> memref<4x1024xf32, #tpu.memory_space<vmem>>
    tpu.wait_dma2 semaphore(%arg13 : memref<!tpu.dma_semaphore, #tpu.memory_space<semaphore_mem>>) src(%dma_wait3A_137 : memref<4x1024xf32, #tpu.memory_space<vmem>>) dst(%dma_wait3A_134 : memref<4x1024xf32, #tpu.memory_space<hbm>>)
    %dma_wait3A_138 = arith.constant 1 : i32
    %dma_wait3A_139 = arith.constant 4 : i32
    %dma_wait3A_140 = arith.constant 0 : i32
    %dma_wait3A_141 = tpu.memref_slice %arg7[%dma_wait3A_139, %dma_wait3A_140] : memref<16x1024xf32, #tpu.memory_space<vmem>> -> memref<4x1024xf32, #tpu.memory_space<vmem>>
    %dma_wait3A_142 = arith.constant 0 : i32
    %dma_wait3A_143 = tpu.memref_slice %arg4[%dma_wait3A_138, %add3A_125, %dma_wait3A_142] : memref<4x8192x1024xf32, #tpu.memory_space<hbm>> -> memref<1x4x1024xf32, #tpu.memory_space<hbm>>
    %dma_wait3A_144 = tpu.memref_squeeze %dma_wait3A_143 : memref<1x4x1024xf32, #tpu.memory_space<hbm>> -> memref<4x1024xf32, #tpu.memory_space<hbm>>
    %dma_wait3A_145 = arith.constant 0 : i32
    %dma_wait3A_146 = tpu.memref_slice %arg4[%dma_wait3A_138, %add3A_125, %dma_wait3A_145] : memref<4x8192x1024xf32, #tpu.memory_space<hbm>> -> memref<1x4x1024xf32, #tpu.memory_space<hbm>>
    %dma_wait3A_147 = tpu.memref_squeeze %dma_wait3A_146 : memref<1x4x1024xf32, #tpu.memory_space<hbm>> -> memref<4x1024xf32, #tpu.memory_space<hbm>>
    %dma_wait3A_148 = arith.constant 4 : i32
    %dma_wait3A_149 = arith.constant 0 : i32
    %dma_wait3A_150 = tpu.memref_slice %arg7[%dma_wait3A_148, %dma_wait3A_149] : memref<16x1024xf32, #tpu.memory_space<vmem>> -> memref<4x1024xf32, #tpu.memory_space<vmem>>
    tpu.wait_dma2 semaphore(%arg13 : memref<!tpu.dma_semaphore, #tpu.memory_space<semaphore_mem>>) src(%dma_wait3A_150 : memref<4x1024xf32, #tpu.memory_space<vmem>>) dst(%dma_wait3A_147 : memref<4x1024xf32, #tpu.memory_space<hbm>>)
    %dma_wait3A_151 = arith.constant 2 : i32
    %dma_wait3A_152 = arith.constant 8 : i32
    %dma_wait3A_153 = arith.constant 0 : i32
    %dma_wait3A_154 = tpu.memref_slice %arg7[%dma_wait3A_152, %dma_wait3A_153] : memref<16x1024xf32, #tpu.memory_space<vmem>> -> memref<4x1024xf32, #tpu.memory_space<vmem>>
    %dma_wait3A_155 = arith.constant 0 : i32
    %dma_wait3A_156 = tpu.memref_slice %arg4[%dma_wait3A_151, %add3A_125, %dma_wait3A_155] : memref<4x8192x1024xf32, #tpu.memory_space<hbm>> -> memref<1x4x1024xf32, #tpu.memory_space<hbm>>
    %dma_wait3A_157 = tpu.memref_squeeze %dma_wait3A_156 : memref<1x4x1024xf32, #tpu.memory_space<hbm>> -> memref<4x1024xf32, #tpu.memory_space<hbm>>
    %dma_wait3A_158 = arith.constant 0 : i32
    %dma_wait3A_159 = tpu.memref_slice %arg4[%dma_wait3A_151, %add3A_125, %dma_wait3A_158] : memref<4x8192x1024xf32, #tpu.memory_space<hbm>> -> memref<1x4x1024xf32, #tpu.memory_space<hbm>>
    %dma_wait3A_160 = tpu.memref_squeeze %dma_wait3A_159 : memref<1x4x1024xf32, #tpu.memory_space<hbm>> -> memref<4x1024xf32, #tpu.memory_space<hbm>>
    %dma_wait3A_161 = arith.constant 8 : i32
    %dma_wait3A_162 = arith.constant 0 : i32
    %dma_wait3A_163 = tpu.memref_slice %arg7[%dma_wait3A_161, %dma_wait3A_162] : memref<16x1024xf32, #tpu.memory_space<vmem>> -> memref<4x1024xf32, #tpu.memory_space<vmem>>
    tpu.wait_dma2 semaphore(%arg13 : memref<!tpu.dma_semaphore, #tpu.memory_space<semaphore_mem>>) src(%dma_wait3A_163 : memref<4x1024xf32, #tpu.memory_space<vmem>>) dst(%dma_wait3A_160 : memref<4x1024xf32, #tpu.memory_space<hbm>>)
    %dma_wait3A_164 = arith.constant 3 : i32
    %dma_wait3A_165 = arith.constant 12 : i32
    %dma_wait3A_166 = arith.constant 0 : i32
    %dma_wait3A_167 = tpu.memref_slice %arg7[%dma_wait3A_165, %dma_wait3A_166] : memref<16x1024xf32, #tpu.memory_space<vmem>> -> memref<4x1024xf32, #tpu.memory_space<vmem>>
    %dma_wait3A_168 = arith.constant 0 : i32
    %dma_wait3A_169 = tpu.memref_slice %arg4[%dma_wait3A_164, %add3A_125, %dma_wait3A_168] : memref<4x8192x1024xf32, #tpu.memory_space<hbm>> -> memref<1x4x1024xf32, #tpu.memory_space<hbm>>
    %dma_wait3A_170 = tpu.memref_squeeze %dma_wait3A_169 : memref<1x4x1024xf32, #tpu.memory_space<hbm>> -> memref<4x1024xf32, #tpu.memory_space<hbm>>
    %dma_wait3A_171 = arith.constant 0 : i32
    %dma_wait3A_172 = tpu.memref_slice %arg4[%dma_wait3A_164, %add3A_125, %dma_wait3A_171] : memref<4x8192x1024xf32, #tpu.memory_space<hbm>> -> memref<1x4x1024xf32, #tpu.memory_space<hbm>>
    %dma_wait3A_173 = tpu.memref_squeeze %dma_wait3A_172 : memref<1x4x1024xf32, #tpu.memory_space<hbm>> -> memref<4x1024xf32, #tpu.memory_space<hbm>>
    %dma_wait3A_174 = arith.constant 12 : i32
    %dma_wait3A_175 = arith.constant 0 : i32
    %dma_wait3A_176 = tpu.memref_slice %arg7[%dma_wait3A_174, %dma_wait3A_175] : memref<16x1024xf32, #tpu.memory_space<vmem>> -> memref<4x1024xf32, #tpu.memory_space<vmem>>
    tpu.wait_dma2 semaphore(%arg13 : memref<!tpu.dma_semaphore, #tpu.memory_space<semaphore_mem>>) src(%dma_wait3A_176 : memref<4x1024xf32, #tpu.memory_space<vmem>>) dst(%dma_wait3A_173 : memref<4x1024xf32, #tpu.memory_space<hbm>>)
    %add3A_177 = arith.constant 252 : i32
    %add3A_178 = arith.addi %mul3A_2, %add3A_177 : i32
    %dma_wait3A_179 = arith.constant 0 : i32
    %dma_wait3A_180 = arith.constant 0 : i32
    %dma_wait3A_181 = arith.constant 0 : i32
    %dma_wait3A_182 = tpu.memref_slice %arg8[%dma_wait3A_180, %dma_wait3A_181] : memref<16x1024xf32, #tpu.memory_space<vmem>> -> memref<4x1024xf32, #tpu.memory_space<vmem>>
    %dma_wait3A_183 = arith.constant 0 : i32
    %dma_wait3A_184 = tpu.memref_slice %arg4[%dma_wait3A_179, %add3A_178, %dma_wait3A_183] : memref<4x8192x1024xf32, #tpu.memory_space<hbm>> -> memref<1x4x1024xf32, #tpu.memory_space<hbm>>
    %dma_wait3A_185 = tpu.memref_squeeze %dma_wait3A_184 : memref<1x4x1024xf32, #tpu.memory_space<hbm>> -> memref<4x1024xf32, #tpu.memory_space<hbm>>
    %dma_wait3A_186 = arith.constant 0 : i32
    %dma_wait3A_187 = tpu.memref_slice %arg4[%dma_wait3A_179, %add3A_178, %dma_wait3A_186] : memref<4x8192x1024xf32, #tpu.memory_space<hbm>> -> memref<1x4x1024xf32, #tpu.memory_space<hbm>>
    %dma_wait3A_188 = tpu.memref_squeeze %dma_wait3A_187 : memref<1x4x1024xf32, #tpu.memory_space<hbm>> -> memref<4x1024xf32, #tpu.memory_space<hbm>>
    %dma_wait3A_189 = arith.constant 0 : i32
    %dma_wait3A_190 = arith.constant 0 : i32
    %dma_wait3A_191 = tpu.memref_slice %arg8[%dma_wait3A_189, %dma_wait3A_190] : memref<16x1024xf32, #tpu.memory_space<vmem>> -> memref<4x1024xf32, #tpu.memory_space<vmem>>
    tpu.wait_dma2 semaphore(%arg14 : memref<!tpu.dma_semaphore, #tpu.memory_space<semaphore_mem>>) src(%dma_wait3A_191 : memref<4x1024xf32, #tpu.memory_space<vmem>>) dst(%dma_wait3A_188 : memref<4x1024xf32, #tpu.memory_space<hbm>>)
    %dma_wait3A_192 = arith.constant 1 : i32
    %dma_wait3A_193 = arith.constant 4 : i32
    %dma_wait3A_194 = arith.constant 0 : i32
    %dma_wait3A_195 = tpu.memref_slice %arg8[%dma_wait3A_193, %dma_wait3A_194] : memref<16x1024xf32, #tpu.memory_space<vmem>> -> memref<4x1024xf32, #tpu.memory_space<vmem>>
    %dma_wait3A_196 = arith.constant 0 : i32
    %dma_wait3A_197 = tpu.memref_slice %arg4[%dma_wait3A_192, %add3A_178, %dma_wait3A_196] : memref<4x8192x1024xf32, #tpu.memory_space<hbm>> -> memref<1x4x1024xf32, #tpu.memory_space<hbm>>
    %dma_wait3A_198 = tpu.memref_squeeze %dma_wait3A_197 : memref<1x4x1024xf32, #tpu.memory_space<hbm>> -> memref<4x1024xf32, #tpu.memory_space<hbm>>
    %dma_wait3A_199 = arith.constant 0 : i32
    %dma_wait3A_200 = tpu.memref_slice %arg4[%dma_wait3A_192, %add3A_178, %dma_wait3A_199] : memref<4x8192x1024xf32, #tpu.memory_space<hbm>> -> memref<1x4x1024xf32, #tpu.memory_space<hbm>>
    %dma_wait3A_201 = tpu.memref_squeeze %dma_wait3A_200 : memref<1x4x1024xf32, #tpu.memory_space<hbm>> -> memref<4x1024xf32, #tpu.memory_space<hbm>>
    %dma_wait3A_202 = arith.constant 4 : i32
    %dma_wait3A_203 = arith.constant 0 : i32
    %dma_wait3A_204 = tpu.memref_slice %arg8[%dma_wait3A_202, %dma_wait3A_203] : memref<16x1024xf32, #tpu.memory_space<vmem>> -> memref<4x1024xf32, #tpu.memory_space<vmem>>
    tpu.wait_dma2 semaphore(%arg14 : memref<!tpu.dma_semaphore, #tpu.memory_space<semaphore_mem>>) src(%dma_wait3A_204 : memref<4x1024xf32, #tpu.memory_space<vmem>>) dst(%dma_wait3A_201 : memref<4x1024xf32, #tpu.memory_space<hbm>>)
    %dma_wait3A_205 = arith.constant 2 : i32
    %dma_wait3A_206 = arith.constant 8 : i32
    %dma_wait3A_207 = arith.constant 0 : i32
    %dma_wait3A_208 = tpu.memref_slice %arg8[%dma_wait3A_206, %dma_wait3A_207] : memref<16x1024xf32, #tpu.memory_space<vmem>> -> memref<4x1024xf32, #tpu.memory_space<vmem>>
    %dma_wait3A_209 = arith.constant 0 : i32
    %dma_wait3A_210 = tpu.memref_slice %arg4[%dma_wait3A_205, %add3A_178, %dma_wait3A_209] : memref<4x8192x1024xf32, #tpu.memory_space<hbm>> -> memref<1x4x1024xf32, #tpu.memory_space<hbm>>
    %dma_wait3A_211 = tpu.memref_squeeze %dma_wait3A_210 : memref<1x4x1024xf32, #tpu.memory_space<hbm>> -> memref<4x1024xf32, #tpu.memory_space<hbm>>
    %dma_wait3A_212 = arith.constant 0 : i32
    %dma_wait3A_213 = tpu.memref_slice %arg4[%dma_wait3A_205, %add3A_178, %dma_wait3A_212] : memref<4x8192x1024xf32, #tpu.memory_space<hbm>> -> memref<1x4x1024xf32, #tpu.memory_space<hbm>>
    %dma_wait3A_214 = tpu.memref_squeeze %dma_wait3A_213 : memref<1x4x1024xf32, #tpu.memory_space<hbm>> -> memref<4x1024xf32, #tpu.memory_space<hbm>>
    %dma_wait3A_215 = arith.constant 8 : i32
    %dma_wait3A_216 = arith.constant 0 : i32
    %dma_wait3A_217 = tpu.memref_slice %arg8[%dma_wait3A_215, %dma_wait3A_216] : memref<16x1024xf32, #tpu.memory_space<vmem>> -> memref<4x1024xf32, #tpu.memory_space<vmem>>
    tpu.wait_dma2 semaphore(%arg14 : memref<!tpu.dma_semaphore, #tpu.memory_space<semaphore_mem>>) src(%dma_wait3A_217 : memref<4x1024xf32, #tpu.memory_space<vmem>>) dst(%dma_wait3A_214 : memref<4x1024xf32, #tpu.memory_space<hbm>>)
    %dma_wait3A_218 = arith.constant 3 : i32
    %dma_wait3A_219 = arith.constant 12 : i32
    %dma_wait3A_220 = arith.constant 0 : i32
    %dma_wait3A_221 = tpu.memref_slice %arg8[%dma_wait3A_219, %dma_wait3A_220] : memref<16x1024xf32, #tpu.memory_space<vmem>> -> memref<4x1024xf32, #tpu.memory_space<vmem>>
    %dma_wait3A_222 = arith.constant 0 : i32
    %dma_wait3A_223 = tpu.memref_slice %arg4[%dma_wait3A_218, %add3A_178, %dma_wait3A_222] : memref<4x8192x1024xf32, #tpu.memory_space<hbm>> -> memref<1x4x1024xf32, #tpu.memory_space<hbm>>
    %dma_wait3A_224 = tpu.memref_squeeze %dma_wait3A_223 : memref<1x4x1024xf32, #tpu.memory_space<hbm>> -> memref<4x1024xf32, #tpu.memory_space<hbm>>
    %dma_wait3A_225 = arith.constant 0 : i32
    %dma_wait3A_226 = tpu.memref_slice %arg4[%dma_wait3A_218, %add3A_178, %dma_wait3A_225] : memref<4x8192x1024xf32, #tpu.memory_space<hbm>> -> memref<1x4x1024xf32, #tpu.memory_space<hbm>>
    %dma_wait3A_227 = tpu.memref_squeeze %dma_wait3A_226 : memref<1x4x1024xf32, #tpu.memory_space<hbm>> -> memref<4x1024xf32, #tpu.memory_space<hbm>>
    %dma_wait3A_228 = arith.constant 12 : i32
    %dma_wait3A_229 = arith.constant 0 : i32
    %dma_wait3A_230 = tpu.memref_slice %arg8[%dma_wait3A_228, %dma_wait3A_229] : memref<16x1024xf32, #tpu.memory_space<vmem>> -> memref<4x1024xf32, #tpu.memory_space<vmem>>
    tpu.wait_dma2 semaphore(%arg14 : memref<!tpu.dma_semaphore, #tpu.memory_space<semaphore_mem>>) src(%dma_wait3A_230 : memref<4x1024xf32, #tpu.memory_space<vmem>>) dst(%dma_wait3A_227 : memref<4x1024xf32, #tpu.memory_space<hbm>>)
    return
  }
}

</mosaic_0001>

<sc_bundles>
// kernel: kernel.3.cloned.1.call-start
scs
__scs_entry_jumppad:
0x0: {  	(pc) =	sbr.rel $0x88, $3  }
0x1: {  	(tag) =	ssettag $0x0;
	lr =	simm.s32 $0x1  }
0x2: {  	[smem:$0x3F9F] =	sst lr;
	_ =	strace $0xD0000000  }
0x3: {  	_ = 	snop  }
0x4: {  	_ = 	snop  }
0x5: {  	_ = 	snop  }
0x6: {  	_ = 	snop  }
0x7: {  	_ = 	snop  }
__scs_overlays_trampoline_lowered:
0x8: {  	[smem:$0x3FAE] =	sst s0  }
0x9: {  	[smem:$0x3FAF] =	sst s1  }
0xa: {  	[smem:$0x3FB0] =	sst s2  }
0xb: {  	[smem:$0x3FB1] =	sst s3  }
0xc: {  	[smem:$0x3FB2] =	sst s4  }
0xd: {  	[smem:$0x3FB3] =	sst s5  }
0xe: {  	[smem:$0x3FB4] =	sst s6  }
0xf: {  	[smem:$0x3FB5] =	sst s7  }
0x10: {  	[smem:$0x3FB6] =	sst s8  }
0x11: {  	[smem:$0x3FB7] =	sst s9;
	s0 =	simm.s32 @!p0 $0x0  }
0x12: {  	s1 =	sld [smem:$0x3F9D];
	s0 =	simm.s32 @p0 $0x1  }
0x13: {  	[smem:$0x3FB8] =	sst s0;
	s0 =	simm.s32 @!p1 $0x0  }
0x14: {  	s2 =	sld [smem:$0x3F9C];
	s0 =	simm.s32 @p1 $0x1  }
0x15: {  	[smem:$0x3FB9] =	sst s0;
	s0 =	simm.s32 @!p2 $0x0  }
0x16: {  	s3 =	sld [smem:$0x3FDB];
	s0 =	simm.s32 @p2 $0x1  }
0x17: {  	s4 =	simm.s32 $0x1BF5;
	[smem:$0x3FBB] =	sst s0  }
0x18: {  	s0 =	sld [smem:$0x3F9E];
	_ =	swait.ge [sflag:s4], $0x0  }
0x19: {  	s7 =	sld [smem:$0x3F9F]  }
0x1a: {  	s8 =	sadd.s32 $0xFFFFE003, lr  }
0x1b: {  	s9 =	sadd.s32 $0xFFFFFEF7, lr;
	s5 =	simm.s32 $0xFFFFFFFF;
	p2 =	slt.u32 s8, $0xFFFFF086  }
0x1c: {  	p1 =	slt.u32 s9, $0xF7A;
	s5 =	simm.s32 @!p2 $0x0  }
0x1d: {  	s5 =	simm.s32 @p1 $0x1;
	p0 =	seq.s32 s7, s2  }
0x1e: {  	s7 =	smul.u32 @!p0 $0xF7A, s2;
	p2 =	seq.s32 @!p0 s5, $0x0  }
0x1f: {  	s9 =	smul.u32 $0xF7A, s1;
	s8 =	simm.s32 @!p0 $0x1BF5;
	p2 =	por !p2, p0  }
0x20: {  	[sflag:s8] =	ssyncset.s32 @!p0 $0xFFFFF086;
	s6 =	sadd.s32 @!p0 s3, s7;
	s7 =	simm.s32 @!p0 $0x108  }
0x21: {  	s3 =	sadd.s32 s3, s9;
	s6 =	sadd.s32 @!p0 $0x88, s6;
	s7 =	simm.s32 @p2 $0x1082  }
0x22: {  	[simem:s7], [sflag:s8] =	dma.local @!p0 [hbm:s6], $0xF7A  }
0x23: {  	s9 =	sor.u32 $0xD0000000, s2;
	s6 =	simm.s32 $0x108;
	_ =	swait.ge @!p0 [sflag:s8], $0x0  }
0x24: {  	s3 =	sadd.s32 $0x88, s3;
	s6 =	simm.s32 @!p1 $0x1082;
	[sflag:s4] =	ssyncset.s32 $0xFFFFF086  }
0x25: {  	[simem:s6], [sflag:s4] =	dma.local [hbm:s3], $0xF7A  }
0x26: {  	[smem:$0x3F9F] =	sst s1;
	(tag) =	ssettag s2;
	_ =	strace s9  }
0x27: {  	s1 =	sld [smem:$0x3FAF]  }
0x28: {  	s2 =	sld [smem:$0x3FB0]  }
0x29: {  	s4 =	sld [smem:$0x3FB2]  }
0x2a: {  	p0 =	seq.s32 s5, $0x0;
	s5 =	sld [smem:$0x3FB3]  }
0x2b: {  	s6 =	sld [smem:$0x3FB4]  }
0x2c: {  	s7 =	sld [smem:$0x3FB5]  }
0x2d: {  	s3 =	simm.s32 $0x108;
	s8 =	sld [smem:$0x3FB6]  }
0x2e: {  	s3 =	simm.s32 @!p0 $0x1082;
	s9 =	sld [smem:$0x3FB7]  }
0x2f: {  	lr =	sadd.s32 s0, s3;
	s0 =	sld [smem:$0x3FAE]  }
0x30: {  	s3 =	sld [smem:$0x3FB1]  }
0x31: {  	[smem:$0x3FBA] =	sst s10  }
0x32: {  	s10 =	sld [smem:$0x3FB8];
	_ =	sdelay $0x3  }
0x33: {  	p0 =	seq.s32 s10, $0x1;
	s10 =	sld [smem:$0x3FBA];
	_ =	sdelay $0x3  }
0x34: {  	[smem:$0x3FBA] =	sst s10  }
0x35: {  	s10 =	sld [smem:$0x3FB9];
	_ =	sdelay $0x3  }
0x36: {  	p1 =	seq.s32 s10, $0x1;
	s10 =	sld [smem:$0x3FBA];
	_ =	sdelay $0x3  }
0x37: {  	[smem:$0x3FBA] =	sst s10  }
0x38: {  	s10 =	sld [smem:$0x3FBB]  }
0x39: {  	_ = 	snop;
	(pc) =	sbr.ind lr, $3  }
0x3a: {  	_ = 	snop  }
0x3b: {  	_ = 	snop  }
0x3c: {  	p2 =	seq.s32 s10, $0x1;
	s10 =	sld [smem:$0x3FBA]  }
0x3d: {  	_ =	shalt  }
0x3e: {  	_ =	shalt  }
0x3f: {  	_ =	shalt  }
0x40: {  	_ =	shalt  }
0x41: {  	_ =	shalt  }
0x42: {  	_ =	shalt  }
0x43: {  	_ =	shalt  }
0x44: {  	_ =	shalt  }
0x45: {  	_ =	shalt  }
0x46: {  	_ =	shalt  }
0x47: {  	_ =	shalt  }
0x48: {  	_ =	shalt  }
0x49: {  	_ =	shalt  }
0x4a: {  	_ =	shalt  }
0x4b: {  	_ =	shalt  }
0x4c: {  	_ =	shalt  }
0x4d: {  	_ =	shalt  }
0x4e: {  	_ =	shalt  }
0x4f: {  	_ =	shalt  }
0x50: {  	_ =	shalt  }
0x51: {  	_ =	shalt  }
0x52: {  	_ =	shalt  }
0x53: {  	_ =	shalt  }
0x54: {  	_ =	shalt  }
0x55: {  	_ =	shalt  }
0x56: {  	_ =	shalt  }
0x57: {  	_ =	shalt  }
0x58: {  	_ =	shalt  }
0x59: {  	_ =	shalt  }
0x5a: {  	_ =	shalt  }
0x5b: {  	_ =	shalt  }
0x5c: {  	_ =	shalt  }
0x5d: {  	_ =	shalt  }
0x5e: {  	_ =	shalt  }
0x5f: {  	_ =	shalt  }
0x60: {  	_ =	shalt  }
0x61: {  	_ =	shalt  }
0x62: {  	_ =	shalt  }
0x63: {  	_ =	shalt  }
0x64: {  	_ =	shalt  }
0x65: {  	_ =	shalt  }
0x66: {  	_ =	shalt  }
0x67: {  	_ =	shalt  }
0x68: {  	_ =	shalt  }
0x69: {  	_ =	shalt  }
0x6a: {  	_ =	shalt  }
0x6b: {  	_ =	shalt  }
0x6c: {  	_ =	shalt  }
0x6d: {  	_ =	shalt  }
0x6e: {  	_ =	shalt  }
0x6f: {  	_ =	shalt  }
0x70: {  	_ =	shalt  }
0x71: {  	_ =	shalt  }
0x72: {  	_ =	shalt  }
0x73: {  	_ =	shalt  }
0x74: {  	_ =	shalt  }
0x75: {  	_ =	shalt  }
0x76: {  	_ =	shalt  }
0x77: {  	_ =	shalt  }
0x78: {  	_ =	shalt  }
0x79: {  	_ =	shalt  }
0x7a: {  	_ =	shalt  }
0x7b: {  	_ =	shalt  }
0x7c: {  	_ =	shalt  }
0x7d: {  	_ =	shalt  }
0x7e: {  	_ =	shalt  }
0x7f: {  	_ =	shalt  }
0x80: {  	_ =	shalt  }
0x81: {  	_ =	shalt  }
0x82: {  	_ =	shalt  }
0x83: {  	_ =	shalt  }
0x84: {  	_ =	shalt  }
0x85: {  	_ =	shalt  }
0x86: {  	_ =	shalt  }
0x87: {  	_ =	shalt  }
.Lfunc_end0:
.L_simem_size_0:
called_computation_lowered:
.L_overlay_start_0:
0x88: {  	s2 =	sld [smem:$0x3FD9]  }
0x89: {  	s3 =	sld [smem:$0x3FFE];
	_ =	sdelay $0x1  }
0x8a: {  	s1 =	srdreg.scid  }
0x8b: {  	s0 =	sand.u32 $0x1, s1  }
0x8c: {  	s18 =	sshll.u32 s0, $0xA;
	s2 =	sadd.s32 s3, s2  }
0x8d: {  	s2 =	sadd.s32 s2, s18  }
0x8e: {  	[smem:$0x3FC6] =	sst s2  }
0x8f: {  	_ = 	snop  }
0x90: {  	s2 =	sld [smem:$0x3FC9]  }
0x91: {  	s19 =	sld [smem:$0x3FC8]  }
0x92: {  	s4 =	sld [smem:$0x3FD0];
	(tm) =	ssettm $0x1  }
0x93: {  	s5 =	sld [smem:$0x3FFB];
	_ =	sdelay $0x3  }
0x94: {  	_ =	strace s5  }
0x95: {  	s5 =	sld [smem:$0x3FFC];
	_ =	sdelay $0x3  }
0x96: {  	_ =	strace s5  }
0x97: {  	s5 =	sld [smem:$0x3FFD];
	_ =	sdelay $0x3  }
0x98: {  	_ =	strace s5  }
0x99: {  	_ =	strace $0x8FFFFFFF  }
0x9a: {  	s20 =	sld [smem:$0x3FDB];
	_ =	sdelay $0x1  }
0x9b: {  	s6 =	simm.s32 $_scs_section_size  }
0x9c: {  	s7 =	simm.s32 $_size__tile_overlayer_lowered;
	s8 =	simm.s32 $_tile_overlayer_lowered  }
0x9d: {  	s23 =	simm.s32 $0x1BFF;
	s22 =	sshll.u32 s8, $0x1;
	s5 =	sadd.s32 s6, s20  }
0x9e: {  	s9 =	simm.s32 $0x0;
	s21 =	sshll.u32 s7, $0x1;
	s7 =	sadd.s32 s22, s5  }
0x9f: {  	[timem:s9], [sflag:s23] =	dma.local [hbm:s7], s21  }
0xa0: {  	_ =	swait.ge [sflag:s23], s21  }
0xa1: {  	s6 =	ssub.s32 $0x0, s21;
	[sflag:s23] =	ssyncset.done $0x0  }
0xa2: {  	[sflag:s23] =	ssyncadd.s32 s6;
	_ =	sdelay $0x1  }
0xa3: {  	s24 =	simm.s32 $0x1B8B  }
0xa4: {  	_ =	swait.ge [sflag:s24], $0x1  }
0xa5: {  	[sflag:s24] =	ssyncset.done $0x0  }
0xa6: {  	s25 =	simm.s32 $0x1B8E;
	[sflag:s24] =	ssyncadd.s32 $0xFFFFFFFF  }
0xa7: {  	s26 =	simm.s32 $execute0_lowered;
	[smem:$0x3FD2] =	sst s25  }
0xa8: {  	s6 =	sshll.u32 s26, $0x1;
	_ =	strace $0x80000046;
	[dreg:$0x1] =	wrdreg $0xFFFFFFFF  }
0xa9: {  	s28 =	simm.s32 $_size_execute0_lowered;
	s5 =	sadd.s32 s5, s6;
	[dreg:$0x0] =	wrdreg $0x0  }
0xaa: {  	s6 =	sshll.u32 s28, $0x1;
	[dreg:$0x2] =	wrdreg s5  }
0xab: {  	[dreg:$0x3] =	wrdreg s6  }
0xac: {  	[dreg:$0x4] =	wrdreg $0xC0  }
0xad: {  	_ =	task [dreg:s9], $0x5FFFF  }
0xae: {  	[dreg:$0x1] =	wrdreg $0xFFFFFFFF  }
0xaf: {  	[dreg:$0x0] =	wrdreg $0x60  }
0xb0: {  	[dreg:$0x2] =	wrdreg s2  }
0xb1: {  	[dreg:$0x3] =	wrdreg s19  }
0xb2: {  	[dreg:$0x4] =	wrdreg s4  }
0xb3: {  	[dreg:$0x5] =	wrdreg $0x9  }
0xb4: {  	_ =	task.clear_ibuf [dreg:s9], $0x6FFFF;
	_ =	strace $0x90000046  }
0xb5: {  	s29 =	simm.s32 $0x9;
	_ =	strace $0x80000048  }
0xb6: {  	_ =	swait.ge [sflag:s29], $0x1  }
0xb7: {  	[sflag:s29] =	ssyncadd.s32 $0xFFFFFFFF  }
0xb8: {  	_ =	strace $0x90000048  }
0xb9: {  	_ =	sfence  }
0xba: {  	s30 =	sld [smem:$0x0];
	_ =	sdelay $0x2  }
0xbb: {  	s31 =	sshll.u32 s1, $0xD;
	s1 =	sshrl.u32 s1, $0x2  }
0xbc: {  	s3 =	sand.u32 $0x4000, s31;
	s1 =	sadd.s32 s1, s30  }
0xbd: {  	s0 =	sor.u32 s3, s0;
	s1 =	sshll.u32 s1, $0x11  }
0xbe: {  	s0 =	sor.u32 s1, s0  }
0xbf: {  	s0 =	sadd.s32 $0x8F2B, s0  }
0xc0: {  	[sflag:s0] =	ssyncadd.remote.s32 $0x1  }
0xc1: {  	_ =	sfence.sel $0xFFFF  }
0xc2: {  	[dreg:$0x0] =	wrdreg $0xFFFFFFFF;
	(pc) =	sbr.abs _section_cstart, $3  }
0xc3: {  	[dreg:$0x1] =	wrdreg $0xFFFFFFFF  }
0xc4: {  	_ =	task.clear_ibuf [dreg:s9], $0x2FFFF;
	_ =	strace $0x9FFFFFFF  }
0xc5: {  	(tm) =	ssettm $0x7FFFFFFF  }
tec
execute0_lowered:
.L_overlay_start_1:
0x0: {  	(tag) =	ssettag $0x1  }
0x1: {  	s0 =	srdreg.scid  }
0x2: {  	s2 =	stileid.u32;
	s0 =	sand.u32 $0x1, s0  }
0x3: {  	s1 =	rddreg [dreg:$0x0];
	s2 =	sshll.u32 s2, $0x9;
	s3 =	sshll.u32 s0, $0x8  }
0x4: {  	s9 =	rddreg [dreg:$0x1];
	s2 =	sor.u32 s3, s2  }
0x5: {  	s4 =	rddreg [dreg:$0x2];
	s5 =	simm.s32 $0x0;
	s3 =	sshll.u32 s2, $0x7  }
0x6: {  	[smem:$0x7FF] =	sst s5;
	s10 =	sadd.s32 s1, s3  }
0x7: {  	_ =	strace $0x80000047;
	s6 =	sadd.s32 $0x200000, s10;
	[dreg:$0x4] =	wrdreg s10  }
0x8: {  	s22 =	sadd.s32 $0x100040, s10;
	[dreg:$0x5] =	wrdreg s6  }
0x9: {  	s8 =	sadd.s32 $0x200040, s10;
	[dreg:$0x6] =	wrdreg s22  }
0xa: {  	s23 =	sadd.s32 $0x300040, s10;
	[dreg:$0x7] =	wrdreg s8  }
0xb: {  	s24 =	sadd.s32 $0x300000, s10;
	[dreg:$0x8] =	wrdreg s23  }
0xc: {  	s25 =	sadd.s32 $0x100080, s10;
	[dreg:$0x9] =	wrdreg s24  }
0xd: {  	s26 =	sadd.s32 $0x100000, s10;
	[dreg:$0xa] =	wrdreg s25  }
0xe: {  	s11 =	sadd.s32 $0x100100, s10;
	[dreg:$0xb] =	wrdreg s26  }
0xf: {  	s12 =	sadd.s32 $0x100180, s10;
	[dreg:$0xc] =	wrdreg s11  }
0x10: {  	s14 =	sadd.s32 $0x100280, s10;
	[dreg:$0xd] =	wrdreg s12  }
0x11: {  	s15 =	sadd.s32 $0x100300, s10;
	[dreg:$0xf] =	wrdreg s14  }
0x12: {  	s16 =	sadd.s32 $0x100380, s10;
	[dreg:$0x10] =	wrdreg s15  }
0x13: {  	s17 =	sadd.s32 $0x200100, s10;
	[dreg:$0x11] =	wrdreg s16  }
0x14: {  	s18 =	sadd.s32 $0x180, s10;
	[dreg:$0x14] =	wrdreg s17  }
0x15: {  	s19 =	sadd.s32 $0x200180, s10;
	[dreg:$0x15] =	wrdreg s18  }
0x16: {  	s21 =	sadd.s32 $0x200200, s10;
	[dreg:$0x16] =	wrdreg s19  }
0x17: {  	s11 =	sadd.s32 $0x100200, s10;
	[dreg:$0x17] =	wrdreg s21  }
0x18: {  	s12 =	sadd.s32 $0x200080, s10;
	[dreg:$0xe] =	wrdreg s11  }
0x19: {  	s22 =	sadd.s32 $0x280, s10;
	[dreg:$0x13] =	wrdreg s12  }
0x1a: {  	s23 =	sadd.s32 $0x200280, s10;
	[dreg:$0x18] =	wrdreg s22  }
0x1b: {  	s24 =	sadd.s32 $0x200300, s10;
	[dreg:$0x19] =	wrdreg s23  }
0x1c: {  	s25 =	sadd.s32 $0x380, s10;
	[dreg:$0x1a] =	wrdreg s24  }
0x1d: {  	s26 =	sadd.s32 $0x200380, s10;
	[dreg:$0x1b] =	wrdreg s25  }
0x1e: {  	s14 =	sadd.s32 $0x300080, s10;
	[dreg:$0x1c] =	wrdreg s26  }
0x1f: {  	s15 =	sadd.s32 $0x200, s10;
	[dreg:$0x1d] =	wrdreg s14  }
0x20: {  	s16 =	sadd.s32 $0x300100, s10;
	[dreg:$0x1e] =	wrdreg s15  }
0x21: {  	s17 =	sadd.s32 $0x300200, s10;
	[dreg:$0x1f] =	wrdreg s16  }
0x22: {  	s18 =	sadd.s32 $0x300, s10;
	[smem:$0x7D7] =	sst s17  }
0x23: {  	s19 =	sadd.s32 $0x300280, s10;
	[smem:$0x7D8] =	sst s18  }
0x24: {  	s21 =	sadd.s32 $0x300300, s10;
	[smem:$0x7D9] =	sst s19  }
0x25: {  	s8 =	sor.u32 $0x40, s3;
	s3 =	sadd.s32 s9, s3;
	[smem:$0x7DA] =	sst s21  }
0x26: {  	s22 =	sadd.s32 $0x300180, s10;
	[smem:$0x7E3] =	sst s3  }
0x27: {  	s23 =	sadd.s32 $0x300380, s10;
	[smem:$0x7DB] =	sst s22  }
0x28: {  	s15 =	sadd.s32 $0x1000C0, s10;
	[smem:$0x7DC] =	sst s23  }
0x29: {  	s16 =	sadd.s32 $0x100140, s10;
	[smem:$0x7E1] =	sst s15  }
0x2a: {  	s17 =	sadd.s32 $0x1001C0, s10;
	[smem:$0x7E2] =	sst s16  }
0x2b: {  	s0 =	ssub.s32 $0x2, s0;
	s18 =	sadd.s32 $0x100240, s10;
	[smem:$0x7E4] =	sst s17  }
0x2c: {  	s7 =	sshll.u32 s2, $0xA;
	s19 =	sadd.s32 s9, s8;
	[smem:$0x7E5] =	sst s18  }
0x2d: {  	s11 =	sadd.s32 s1, s8;
	s21 =	sadd.s32 $0x1002C0, s10;
	[smem:$0x7E6] =	sst s19  }
0x2e: {  	s8 =	sshrl.u32 s2, $0x3;
	s2 =	sadd.s32 $0x200240, s10;
	[smem:$0x7E7] =	sst s21  }
0x2f: {  	s6 =	sshrl.u32 s0, $0x1;
	s3 =	sadd.s32 $0x2002C0, s10;
	[smem:$0x7EE] =	sst s2  }
0x30: {  	s0 =	ssub.s32 s0, s6;
	s6 =	sadd.s32 $0x80, s10;
	[smem:$0x7EF] =	sst s3  }
0x31: {  	s9 =	sadd.s32 $0x200340, s10;
	[smem:$0x7F0] =	sst s6  }
0x32: {  	s12 =	sadd.s32 $0x2003C0, s10;
	[smem:$0x7F1] =	sst s9  }
0x33: {  	[smem:$0x7F2] =	sst s12  }
0x34: {  	s24 =	sadd.s32 $0x180, s11;
	[dreg:$0x12] =	wrdreg s11  }
0x35: {  	s25 =	sadd.s32 $0x200, s11;
	[smem:$0x7DD] =	sst s24  }
0x36: {  	s26 =	sadd.s32 $0x280, s11;
	[smem:$0x7DE] =	sst s25  }
0x37: {  	s14 =	sadd.s32 $0x300, s11;
	[smem:$0x7DF] =	sst s26  }
0x38: {  	s22 =	sadd.s32 $0x100340, s10;
	[smem:$0x7E0] =	sst s14  }
0x39: {  	s23 =	sadd.s32 $0x1003C0, s10;
	[smem:$0x7E8] =	sst s22  }
0x3a: {  	s0 =	smax.u32 s0, $0x1;
	[smem:$0x7E9] =	sst s23  }
0x3b: {  	s28 =	simm.s32 $0xEE00;
	s16 =	sadd.s32 $0x3000C0, s10;
	[smem:$0x7EB] =	sst s0  }
0x3c: {  	s29 =	simm.s32 $0xF200;
	s17 =	sadd.s32 $0x300140, s10;
	[smem:$0x7F4] =	sst s16  }
0x3d: {  	s30 =	simm.s32 $0xF600;
	s18 =	sadd.s32 $0x80, s11;
	[smem:$0x7F5] =	sst s17  }
0x3e: {  	s31 =	simm.s32 $0xFA00;
	s19 =	sadd.s32 $0x3001C0, s10;
	[smem:$0x7F6] =	sst s18  }
0x3f: {  	s20 =	sadd.s32 $0x300000, s4;
	s21 =	sadd.s32 $0x300240, s10;
	[smem:$0x7F7] =	sst s19  }
0x40: {  	s13 =	sor.u32 $0x2000, s7;
	s24 =	sadd.s32 $0x2000C0, s10;
	[smem:$0x7F8] =	sst s21  }
0x41: {  	s15 =	sadd.s32 $0x40, s4;
	s25 =	sadd.s32 $0x200140, s10;
	[smem:$0x7EA] =	sst s24  }
0x42: {  	s6 =	simm.s32 $0x6;
	s26 =	sadd.s32 $0x2001C0, s10;
	[smem:$0x7EC] =	sst s25  }
0x43: {  	s2 =	simm.s32 $0xFE00;
	s14 =	sadd.s32 $0x100, s10;
	[smem:$0x7ED] =	sst s26  }
0x44: {  	s9 =	simm.s32 $0x0;
	s22 =	sadd.s32 $0x100, s11;
	[smem:$0x7F3] =	sst s14  }
.Ltmp0:
0x45: {  	s23 =	sadd.s32 $0x3002C0, s10;
	[smem:$0x7F9] =	sst s22;
	(pc) =	sbr.rel .LBB2_1-.Ltmp0, $4  }
0x46: {  	s19 =	simm.s32 $0x200;
	[smem:$0x7FA] =	sst s23;
	s24 =	sadd.s32 $0x300340, s10  }
0x47: {  	s16 =	simm.s32 $0x1;
	s25 =	sadd.s32 $0x380, s11;
	[smem:$0x7FB] =	sst s24  }
0x48: {  	s17 =	simm.s32 $0x5;
	s26 =	sadd.s32 $0x3003C0, s10;
	[smem:$0x7FC] =	sst s25  }
0x49: {  	s10 =	simm.s32 $0x400;
	s23 =	simm.s32 $0x2;
	[smem:$0x7FD] =	sst s26  }
.LBB2_23:
0x4a: {  	s0 =	simm.s32 $0x3  }
0x4b: {  	_ =	swait.ge [sflag:s0], $0x1000  }
0x4c: {  	[sflag:s0] =	ssyncset.done $0x0  }
0x4d: {  	[sflag:s0] =	ssyncadd.s32 $0xFFFFF000  }
0x4e: {  	_ =	swait.ge [sflag:s0], $0x1000  }
0x4f: {  	[sflag:s0] =	ssyncset.done $0x0  }
0x50: {  	[sflag:s0] =	ssyncadd.s32 $0xFFFFF000  }
0x51: {  	_ =	swait.ge [sflag:s0], $0x1000  }
0x52: {  	[sflag:s0] =	ssyncset.done $0x0  }
0x53: {  	[sflag:s0] =	ssyncadd.s32 $0xFFFFF000  }
0x54: {  	_ =	swait.ge [sflag:s0], $0x1000  }
0x55: {  	[sflag:s0] =	ssyncset.done $0x0  }
0x56: {  	s3 =	simm.s32 $0x4;
	[sflag:s0] =	ssyncadd.s32 $0xFFFFF000  }
0x57: {  	_ =	swait.ge [sflag:s3], $0x1000  }
0x58: {  	[sflag:s3] =	ssyncset.done $0x0  }
0x59: {  	[sflag:s3] =	ssyncadd.s32 $0xFFFFF000  }
0x5a: {  	_ =	swait.ge [sflag:s3], $0x1000  }
0x5b: {  	[sflag:s3] =	ssyncset.done $0x0  }
0x5c: {  	[sflag:s3] =	ssyncadd.s32 $0xFFFFF000  }
0x5d: {  	_ =	swait.ge [sflag:s3], $0x1000  }
0x5e: {  	[sflag:s3] =	ssyncset.done $0x0  }
0x5f: {  	[sflag:s3] =	ssyncadd.s32 $0xFFFFF000  }
0x60: {  	_ =	swait.ge [sflag:s3], $0x1000  }
0x61: {  	s9 =	sld [smem:$0x7D6]  }
0x62: {  	s26 =	sld [smem:$0x7EB];
	_ =	sdelay $0x1  }
0x63: {  	s9 =	sadd.s32 $0x1, s9  }
0x64: {  	p0 =	sne.s32 s9, s26  }
.Ltmp1:
0x65: {  	_ = 	snop;
	(pc) =	sbr.rel @!p0 .LBB2_24-.Ltmp1, $3  }
0x66: {  	_ =	sdelay $0x1  }
0x67: {  	[sflag:s3] =	ssyncset.done $0x0  }
0x68: {  	[sflag:s3] =	ssyncadd.s32 $0xFFFFF000  }
.LBB2_1:
0x69: {  	[smem:$0x7D6] =	sst s9  }
0x6a: {  	s0 =	rddreg [dreg:$0x4]  }
0x6b: {  	s18 =	sld [smem:$0x7F0]  }
0x6c: {  	[tilespmem:s5], [sflag:$0x1] =	stream.linear.gather [hbm4b:s0+s5], $0x200, $0x38;
	[tilespmem:$0x12000] =	vst v63  }
0x6d: {  	s21 =	sld [smem:$0x7F3]  }
0x6e: {  	[tilespmem:s10], [sflag:$0x1] =	stream.linear.gather [hbm4b:s18+s5], $0x200, $0x38;
	[tilespmem:$0x12000] =	vst v63  }
0x6f: {  	s3 =	simm.s32 $0x800;
	s22 =	rddreg [dreg:$0x15]  }
0x70: {  	[tilespmem:s3], [sflag:$0x1] =	stream.linear.gather [hbm4b:s21+s5], $0x200, $0x38;
	[tilespmem:$0x12000] =	vst v63  }
0x71: {  	s24 =	simm.s32 $0xC00;
	s25 =	rddreg [dreg:$0x1e]  }
0x72: {  	[tilespmem:s24], [sflag:$0x1] =	stream.linear.gather [hbm4b:s22+s5], $0x200, $0x38;
	[tilespmem:$0x12000] =	vst v63  }
0x73: {  	s26 =	simm.s32 $0x1000;
	s11 =	sld [smem:$0x7D8]  }
0x74: {  	[tilespmem:s26], [sflag:$0x1] =	stream.linear.gather [hbm4b:s25+s5], $0x200, $0x38;
	[tilespmem:$0x12000] =	vst v63  }
0x75: {  	s9 =	simm.s32 $0x1400;
	s3 =	rddreg [dreg:$0x18]  }
0x76: {  	[tilespmem:s9], [sflag:$0x1] =	stream.linear.gather [hbm4b:s3+s5], $0x200, $0x38;
	[tilespmem:$0x12000] =	vst v63  }
0x77: {  	s12 =	simm.s32 $0x1800;
	s14 =	rddreg [dreg:$0x1b]  }
0x78: {  	[tilespmem:s12], [sflag:$0x1] =	stream.linear.gather [hbm4b:s11+s5], $0x200, $0x38;
	[tilespmem:$0x12000] =	vst v63  }
0x79: {  	s18 =	simm.s32 $0x1C00;
	s21 =	rddreg [dreg:$0xb]  }
0x7a: {  	[tilespmem:s18], [sflag:$0x1] =	stream.linear.gather [hbm4b:s14+s5], $0x200, $0x38;
	[tilespmem:$0x12000] =	vst v63  }
0x7b: {  	s22 =	rddreg [dreg:$0xa]  }
0x7c: {  	[tilespmem:s19], [sflag:$0x1] =	stream.linear.gather [hbm4b:s21+s5], $0x200, $0x38;
	[tilespmem:$0x12000] =	vst v63  }
0x7d: {  	s24 =	simm.s32 $0x600;
	s25 =	rddreg [dreg:$0xc]  }
0x7e: {  	[tilespmem:s24], [sflag:$0x1] =	stream.linear.gather [hbm4b:s22+s5], $0x200, $0x38;
	[tilespmem:$0x12000] =	vst v63  }
0x7f: {  	s26 =	simm.s32 $0xA00;
	s9 =	rddreg [dreg:$0xd]  }
0x80: {  	[tilespmem:s26], [sflag:$0x1] =	stream.linear.gather [hbm4b:s25+s5], $0x200, $0x38;
	[tilespmem:$0x12000] =	vst v63  }
0x81: {  	s11 =	simm.s32 $0xE00;
	s12 =	rddreg [dreg:$0xe]  }
0x82: {  	[tilespmem:s11], [sflag:$0x1] =	stream.linear.gather [hbm4b:s9+s5], $0x200, $0x38;
	[tilespmem:$0x12000] =	vst v63  }
0x83: {  	s14 =	simm.s32 $0x1200;
	s18 =	rddreg [dreg:$0xf]  }
0x84: {  	[tilespmem:s14], [sflag:$0x1] =	stream.linear.gather [hbm4b:s12+s5], $0x200, $0x38;
	[tilespmem:$0x12000] =	vst v63  }
0x85: {  	s21 =	simm.s32 $0x1600;
	s22 =	rddreg [dreg:$0x10]  }
0x86: {  	[tilespmem:s21], [sflag:$0x1] =	stream.linear.gather [hbm4b:s18+s5], $0x200, $0x38;
	[tilespmem:$0x12000] =	vst v63  }
0x87: {  	s24 =	simm.s32 $0x1A00;
	s25 =	rddreg [dreg:$0x11]  }
0x88: {  	[tilespmem:s24], [sflag:$0x1] =	stream.linear.gather [hbm4b:s22+s5], $0x200, $0x38;
	[tilespmem:$0x12000] =	vst v63  }
0x89: {  	s26 =	simm.s32 $0x1E00;
	s9 =	rddreg [dreg:$0x5]  }
0x8a: {  	[tilespmem:s26], [sflag:$0x1] =	stream.linear.gather [hbm4b:s25+s5], $0x200, $0x38;
	[tilespmem:$0x12000] =	vst v63  }
0x8b: {  	s11 =	simm.s32 $0x2000;
	s12 =	rddreg [dreg:$0x13]  }
0x8c: {  	[tilespmem:s11], [sflag:$0x1] =	stream.linear.gather [hbm4b:s9+s5], $0x200, $0x38;
	[tilespmem:$0x12000] =	vst v63  }
0x8d: {  	s14 =	simm.s32 $0x2400;
	s18 =	rddreg [dreg:$0x14]  }
0x8e: {  	[tilespmem:s14], [sflag:$0x1] =	stream.linear.gather [hbm4b:s12+s5], $0x200, $0x38;
	[tilespmem:$0x12000] =	vst v63  }
0x8f: {  	s21 =	simm.s32 $0x2800;
	s22 =	rddreg [dreg:$0x16]  }
0x90: {  	[tilespmem:s21], [sflag:$0x1] =	stream.linear.gather [hbm4b:s18+s5], $0x200, $0x38;
	[tilespmem:$0x12000] =	vst v63  }
0x91: {  	s24 =	simm.s32 $0x2C00;
	s25 =	rddreg [dreg:$0x17]  }
0x92: {  	[tilespmem:s24], [sflag:$0x1] =	stream.linear.gather [hbm4b:s22+s5], $0x200, $0x38;
	[tilespmem:$0x12000] =	vst v63  }
0x93: {  	s26 =	simm.s32 $0x3000;
	s9 =	rddreg [dreg:$0x19]  }
0x94: {  	[tilespmem:s26], [sflag:$0x1] =	stream.linear.gather [hbm4b:s25+s5], $0x200, $0x38;
	[tilespmem:$0x12000] =	vst v63  }
0x95: {  	s11 =	simm.s32 $0x3400;
	s12 =	rddreg [dreg:$0x1a]  }
0x96: {  	[tilespmem:s11], [sflag:$0x1] =	stream.linear.gather [hbm4b:s9+s5], $0x200, $0x38;
	[tilespmem:$0x12000] =	vst v63  }
0x97: {  	s14 =	simm.s32 $0x3800;
	s18 =	rddreg [dreg:$0x1c]  }
0x98: {  	[tilespmem:s14], [sflag:$0x1] =	stream.linear.gather [hbm4b:s12+s5], $0x200, $0x38;
	[tilespmem:$0x12000] =	vst v63  }
0x99: {  	s21 =	simm.s32 $0x3C00;
	s22 =	rddreg [dreg:$0x9]  }
0x9a: {  	[tilespmem:s21], [sflag:$0x1] =	stream.linear.gather [hbm4b:s18+s5], $0x200, $0x38;
	[tilespmem:$0x12000] =	vst v63  }
0x9b: {  	s24 =	simm.s32 $0x2200;
	s25 =	rddreg [dreg:$0x1d]  }
0x9c: {  	[tilespmem:s24], [sflag:$0x1] =	stream.linear.gather [hbm4b:s22+s5], $0x200, $0x38;
	[tilespmem:$0x12000] =	vst v63  }
0x9d: {  	s26 =	simm.s32 $0x2600;
	s9 =	rddreg [dreg:$0x1f]  }
0x9e: {  	[tilespmem:s26], [sflag:$0x1] =	stream.linear.gather [hbm4b:s25+s5], $0x200, $0x38;
	[tilespmem:$0x12000] =	vst v63  }
0x9f: {  	s11 =	simm.s32 $0x2A00;
	s12 =	sld [smem:$0x7DB]  }
0xa0: {  	[tilespmem:s11], [sflag:$0x1] =	stream.linear.gather [hbm4b:s9+s5], $0x200, $0x38;
	[tilespmem:$0x12000] =	vst v63  }
0xa1: {  	s14 =	simm.s32 $0x2E00;
	s18 =	sld [smem:$0x7D7]  }
0xa2: {  	[tilespmem:s14], [sflag:$0x1] =	stream.linear.gather [hbm4b:s12+s5], $0x200, $0x38;
	[tilespmem:$0x12000] =	vst v63  }
0xa3: {  	s21 =	simm.s32 $0x3200;
	s22 =	sld [smem:$0x7D9]  }
0xa4: {  	[tilespmem:s21], [sflag:$0x1] =	stream.linear.gather [hbm4b:s18+s5], $0x200, $0x38;
	[tilespmem:$0x12000] =	vst v63  }
0xa5: {  	s24 =	simm.s32 $0x3600;
	s25 =	sld [smem:$0x7DA]  }
0xa6: {  	[tilespmem:s24], [sflag:$0x1] =	stream.linear.gather [hbm4b:s22+s5], $0x200, $0x38;
	[tilespmem:$0x12000] =	vst v63  }
0xa7: {  	s26 =	simm.s32 $0x3A00;
	s9 =	sld [smem:$0x7DC]  }
0xa8: {  	[tilespmem:s26], [sflag:$0x1] =	stream.linear.gather [hbm4b:s25+s5], $0x200, $0x38;
	[tilespmem:$0x12000] =	vst v63  }
0xa9: {  	s11 =	simm.s32 $0x3E00;
	s12 =	sld [smem:$0x7E3]  }
0xaa: {  	[tilespmem:s11], [sflag:$0x1] =	stream.linear.gather [hbm4b:s9+s5], $0x200, $0x38;
	[tilespmem:$0x12000] =	vst v63  }
0xab: {  	s14 =	simm.s32 $0x10000;
	s18 =	rddreg [dreg:$0x12]  }
0xac: {  	[tilespmem:s14], [sflag:$0x5] =	stream.strided.gather [hbm4b:s12+s19], $0x1000, s10, s19, $0x38;
	[tilespmem:$0x12000] =	vst v63  }
0xad: {  	s21 =	simm.s32 $0x4000;
	s22 =	sld [smem:$0x7F6]  }
0xae: {  	[tilespmem:s21], [sflag:$0x2] =	stream.linear.gather [hbm4b:s18+s5], $0x200, $0x38;
	[tilespmem:$0x12000] =	vst v63  }
0xaf: {  	s24 =	simm.s32 $0x4400;
	s25 =	sld [smem:$0x7F9]  }
0xb0: {  	[tilespmem:s24], [sflag:$0x2] =	stream.linear.gather [hbm4b:s22+s5], $0x200, $0x38;
	[tilespmem:$0x12000] =	vst v63  }
0xb1: {  	s26 =	simm.s32 $0x4800;
	s9 =	sld [smem:$0x7DD]  }
0xb2: {  	[tilespmem:s26], [sflag:$0x2] =	stream.linear.gather [hbm4b:s25+s5], $0x200, $0x38;
	[tilespmem:$0x12000] =	vst v63  }
0xb3: {  	s11 =	simm.s32 $0x4C00;
	s12 =	sld [smem:$0x7DE]  }
0xb4: {  	[tilespmem:s11], [sflag:$0x2] =	stream.linear.gather [hbm4b:s9+s5], $0x200, $0x38;
	[tilespmem:$0x12000] =	vst v63  }
0xb5: {  	s14 =	simm.s32 $0x5000;
	s18 =	sld [smem:$0x7DF]  }
0xb6: {  	[tilespmem:s14], [sflag:$0x2] =	stream.linear.gather [hbm4b:s12+s5], $0x200, $0x38;
	[tilespmem:$0x12000] =	vst v63  }
0xb7: {  	s21 =	simm.s32 $0x5400;
	s22 =	sld [smem:$0x7E0]  }
0xb8: {  	[tilespmem:s21], [sflag:$0x2] =	stream.linear.gather [hbm4b:s18+s5], $0x200, $0x38;
	[tilespmem:$0x12000] =	vst v63  }
0xb9: {  	s24 =	simm.s32 $0x5800;
	s25 =	sld [smem:$0x7FC]  }
0xba: {  	[tilespmem:s24], [sflag:$0x2] =	stream.linear.gather [hbm4b:s22+s5], $0x200, $0x38;
	[tilespmem:$0x12000] =	vst v63  }
0xbb: {  	s26 =	simm.s32 $0x5C00;
	s9 =	rddreg [dreg:$0x6]  }
0xbc: {  	[tilespmem:s26], [sflag:$0x2] =	stream.linear.gather [hbm4b:s25+s5], $0x200, $0x38;
	[tilespmem:$0x12000] =	vst v63  }
0xbd: {  	s11 =	simm.s32 $0x4200;
	s12 =	sld [smem:$0x7E1]  }
0xbe: {  	[tilespmem:s11], [sflag:$0x2] =	stream.linear.gather [hbm4b:s9+s5], $0x200, $0x38;
	[tilespmem:$0x12000] =	vst v63  }
0xbf: {  	s14 =	simm.s32 $0x4600;
	s18 =	sld [smem:$0x7E2]  }
0xc0: {  	[tilespmem:s14], [sflag:$0x2] =	stream.linear.gather [hbm4b:s12+s5], $0x200, $0x38;
	[tilespmem:$0x12000] =	vst v63  }
0xc1: {  	s21 =	simm.s32 $0x4A00;
	s22 =	sld [smem:$0x7E4]  }
0xc2: {  	[tilespmem:s21], [sflag:$0x2] =	stream.linear.gather [hbm4b:s18+s5], $0x200, $0x38;
	[tilespmem:$0x12000] =	vst v63  }
0xc3: {  	s24 =	simm.s32 $0x4E00;
	s25 =	sld [smem:$0x7E5]  }
0xc4: {  	[tilespmem:s24], [sflag:$0x2] =	stream.linear.gather [hbm4b:s22+s5], $0x200, $0x38;
	[tilespmem:$0x12000] =	vst v63  }
0xc5: {  	s26 =	simm.s32 $0x5200;
	s9 =	sld [smem:$0x7E7]  }
0xc6: {  	[tilespmem:s26], [sflag:$0x2] =	stream.linear.gather [hbm4b:s25+s5], $0x200, $0x38;
	[tilespmem:$0x12000] =	vst v63  }
0xc7: {  	s11 =	simm.s32 $0x5600;
	s12 =	sld [smem:$0x7E8]  }
0xc8: {  	[tilespmem:s11], [sflag:$0x2] =	stream.linear.gather [hbm4b:s9+s5], $0x200, $0x38;
	[tilespmem:$0x12000] =	vst v63  }
0xc9: {  	s14 =	simm.s32 $0x5A00;
	s18 =	sld [smem:$0x7E9]  }
0xca: {  	[tilespmem:s14], [sflag:$0x2] =	stream.linear.gather [hbm4b:s12+s5], $0x200, $0x38;
	[tilespmem:$0x12000] =	vst v63  }
0xcb: {  	s21 =	simm.s32 $0x5E00;
	s22 =	rddreg [dreg:$0x7]  }
0xcc: {  	[tilespmem:s21], [sflag:$0x2] =	stream.linear.gather [hbm4b:s18+s5], $0x200, $0x38;
	[tilespmem:$0x12000] =	vst v63  }
0xcd: {  	s24 =	simm.s32 $0x6000;
	s25 =	sld [smem:$0x7EA]  }
0xce: {  	[tilespmem:s24], [sflag:$0x2] =	stream.linear.gather [hbm4b:s22+s5], $0x200, $0x38;
	[tilespmem:$0x12000] =	vst v63  }
0xcf: {  	s26 =	simm.s32 $0x6400;
	s9 =	sld [smem:$0x7EC]  }
0xd0: {  	[tilespmem:s26], [sflag:$0x2] =	stream.linear.gather [hbm4b:s25+s5], $0x200, $0x38;
	[tilespmem:$0x12000] =	vst v63  }
0xd1: {  	s11 =	simm.s32 $0x6800;
	s12 =	sld [smem:$0x7ED]  }
0xd2: {  	[tilespmem:s11], [sflag:$0x2] =	stream.linear.gather [hbm4b:s9+s5], $0x200, $0x38;
	[tilespmem:$0x12000] =	vst v63  }
0xd3: {  	s14 =	simm.s32 $0x6C00;
	s18 =	sld [smem:$0x7EE]  }
0xd4: {  	[tilespmem:s14], [sflag:$0x2] =	stream.linear.gather [hbm4b:s12+s5], $0x200, $0x38;
	[tilespmem:$0x12000] =	vst v63  }
0xd5: {  	s21 =	simm.s32 $0x7000;
	s22 =	sld [smem:$0x7EF]  }
0xd6: {  	[tilespmem:s21], [sflag:$0x2] =	stream.linear.gather [hbm4b:s18+s5], $0x200, $0x38;
	[tilespmem:$0x12000] =	vst v63  }
0xd7: {  	s24 =	simm.s32 $0x7400;
	s25 =	sld [smem:$0x7F1]  }
0xd8: {  	[tilespmem:s24], [sflag:$0x2] =	stream.linear.gather [hbm4b:s22+s5], $0x200, $0x38;
	[tilespmem:$0x12000] =	vst v63  }
0xd9: {  	s26 =	simm.s32 $0x7800;
	s9 =	sld [smem:$0x7F2]  }
0xda: {  	[tilespmem:s26], [sflag:$0x2] =	stream.linear.gather [hbm4b:s25+s5], $0x200, $0x38;
	[tilespmem:$0x12000] =	vst v63  }
0xdb: {  	s11 =	simm.s32 $0x7C00;
	s12 =	rddreg [dreg:$0x8]  }
0xdc: {  	[tilespmem:s11], [sflag:$0x2] =	stream.linear.gather [hbm4b:s9+s5], $0x200, $0x38;
	[tilespmem:$0x12000] =	vst v63  }
0xdd: {  	s14 =	simm.s32 $0x6200;
	s18 =	sld [smem:$0x7F4]  }
0xde: {  	[tilespmem:s14], [sflag:$0x2] =	stream.linear.gather [hbm4b:s12+s5], $0x200, $0x38;
	[tilespmem:$0x12000] =	vst v63  }
0xdf: {  	s21 =	simm.s32 $0x6600;
	s22 =	sld [smem:$0x7F5]  }
0xe0: {  	[tilespmem:s21], [sflag:$0x2] =	stream.linear.gather [hbm4b:s18+s5], $0x200, $0x38;
	[tilespmem:$0x12000] =	vst v63  }
0xe1: {  	s24 =	simm.s32 $0x6A00;
	s25 =	sld [smem:$0x7F7]  }
0xe2: {  	[tilespmem:s24], [sflag:$0x2] =	stream.linear.gather [hbm4b:s22+s5], $0x200, $0x38;
	[tilespmem:$0x12000] =	vst v63  }
0xe3: {  	s26 =	simm.s32 $0x6E00;
	s9 =	sld [smem:$0x7F8]  }
0xe4: {  	[tilespmem:s26], [sflag:$0x2] =	stream.linear.gather [hbm4b:s25+s5], $0x200, $0x38;
	[tilespmem:$0x12000] =	vst v63  }
0xe5: {  	s11 =	simm.s32 $0x7200;
	s12 =	sld [smem:$0x7FA]  }
0xe6: {  	[tilespmem:s11], [sflag:$0x2] =	stream.linear.gather [hbm4b:s9+s5], $0x200, $0x38;
	[tilespmem:$0x12000] =	vst v63  }
0xe7: {  	s14 =	simm.s32 $0x7600;
	s18 =	sld [smem:$0x7FB]  }
0xe8: {  	[tilespmem:s14], [sflag:$0x2] =	stream.linear.gather [hbm4b:s12+s5], $0x200, $0x38;
	[tilespmem:$0x12000] =	vst v63  }
0xe9: {  	s21 =	simm.s32 $0x7A00;
	s22 =	sld [smem:$0x7FD]  }
0xea: {  	[tilespmem:s21], [sflag:$0x2] =	stream.linear.gather [hbm4b:s18+s5], $0x200, $0x38;
	[tilespmem:$0x12000] =	vst v63  }
.Ltmp2:
0xeb: {  	_ = 	snop;
	(pc) =	sbr.rel .LBB2_2-.Ltmp2, $4  }
0xec: {  	s24 =	simm.s32 $0x7E00;
	s25 =	sld [smem:$0x7E6]  }
0xed: {  	[tilespmem:s24], [sflag:$0x2] =	stream.linear.gather [hbm4b:s22+s5], $0x200, $0x38;
	[tilespmem:$0x12000] =	vst v63  }
0xee: {  	s0 =	simm.s32 $0x0;
	s26 =	simm.s32 $0x11000  }
0xef: {  	[tilespmem:s26], [sflag:$0x6] =	stream.strided.gather [hbm4b:s25+s19], $0x1000, s10, s19, $0x38;
	[tilespmem:$0x12000] =	vst v63  }
.LBB2_22:
0xf0: {  	s3 =	sshrl.u32 s11, $0x3  }
0xf1: {  	s18 =	simm.s32 $0xC000;
	s9 =	sadd.s32 s3, s15  }
0xf2: {  	[hbm4b:s9+s5] =	stream.linear.scatter [tilespmem:s18], [sflag:$0x4], $0x200, $0x38;
	[tilespmem:$0x12000] =	vst v63  }
0xf3: {  	s12 =	simm.s32 $0xC400;
	s21 =	sadd.s32 $0x80, s9  }
0xf4: {  	[hbm4b:s21+s5] =	stream.linear.scatter [tilespmem:s12], [sflag:$0x4], $0x200, $0x38;
	[tilespmem:$0x12000] =	vst v63  }
0xf5: {  	s24 =	simm.s32 $0xC800;
	s22 =	sadd.s32 $0x100, s9  }
0xf6: {  	[hbm4b:s22+s5] =	stream.linear.scatter [tilespmem:s24], [sflag:$0x4], $0x200, $0x38;
	[tilespmem:$0x12000] =	vst v63  }
0xf7: {  	s26 =	simm.s32 $0xCC00;
	s25 =	sadd.s32 $0x180, s9  }
0xf8: {  	[hbm4b:s25+s5] =	stream.linear.scatter [tilespmem:s26], [sflag:$0x4], $0x200, $0x38;
	[tilespmem:$0x12000] =	vst v63  }
0xf9: {  	s14 =	sadd.s32 $0x200, s9;
	s18 =	simm.s32 $0xD000  }
0xfa: {  	[hbm4b:s14+s5] =	stream.linear.scatter [tilespmem:s18], [sflag:$0x4], $0x200, $0x38;
	[tilespmem:$0x12000] =	vst v63  }
0xfb: {  	s21 =	sadd.s32 $0x280, s9;
	s22 =	simm.s32 $0xD400  }
0xfc: {  	[hbm4b:s21+s5] =	stream.linear.scatter [tilespmem:s22], [sflag:$0x4], $0x200, $0x38;
	[tilespmem:$0x12000] =	vst v63  }
0xfd: {  	s24 =	sadd.s32 $0x300, s9;
	s25 =	simm.s32 $0xD800  }
0xfe: {  	[hbm4b:s24+s5] =	stream.linear.scatter [tilespmem:s25], [sflag:$0x4], $0x200, $0x38;
	[tilespmem:$0x12000] =	vst v63  }
0xff: {  	s12 =	sor.u32 $0x100040, s3;
	s9 =	sadd.s32 $0x380, s9;
	s26 =	simm.s32 $0xDC00  }
0x100: {  	[hbm4b:s9+s5] =	stream.linear.scatter [tilespmem:s26], [sflag:$0x4], $0x200, $0x38;
	[tilespmem:$0x12000] =	vst v63  }
0x101: {  	s14 =	simm.s32 $0xC200;
	s9 =	sadd.s32 s4, s12  }
0x102: {  	[hbm4b:s9+s5] =	stream.linear.scatter [tilespmem:s14], [sflag:$0x4], $0x200, $0x38;
	[tilespmem:$0x12000] =	vst v63  }
0x103: {  	s21 =	simm.s32 $0xC600;
	s18 =	sadd.s32 $0x80, s9  }
0x104: {  	[hbm4b:s18+s5] =	stream.linear.scatter [tilespmem:s21], [sflag:$0x4], $0x200, $0x38;
	[tilespmem:$0x12000] =	vst v63  }
0x105: {  	s24 =	simm.s32 $0xCA00;
	s22 =	sadd.s32 $0x100, s9  }
0x106: {  	[hbm4b:s22+s5] =	stream.linear.scatter [tilespmem:s24], [sflag:$0x4], $0x200, $0x38;
	[tilespmem:$0x12000] =	vst v63  }
0x107: {  	s26 =	simm.s32 $0xCE00;
	s25 =	sadd.s32 $0x180, s9  }
0x108: {  	[hbm4b:s25+s5] =	stream.linear.scatter [tilespmem:s26], [sflag:$0x4], $0x200, $0x38;
	[tilespmem:$0x12000] =	vst v63  }
0x109: {  	s14 =	sadd.s32 $0x200, s9;
	s18 =	simm.s32 $0xD200  }
0x10a: {  	[hbm4b:s14+s5] =	stream.linear.scatter [tilespmem:s18], [sflag:$0x4], $0x200, $0x38;
	[tilespmem:$0x12000] =	vst v63  }
0x10b: {  	s21 =	sadd.s32 $0x280, s9;
	s22 =	simm.s32 $0xD600  }
0x10c: {  	[hbm4b:s21+s5] =	stream.linear.scatter [tilespmem:s22], [sflag:$0x4], $0x200, $0x38;
	[tilespmem:$0x12000] =	vst v63  }
0x10d: {  	s24 =	sadd.s32 $0x300, s9;
	s25 =	simm.s32 $0xDA00  }
0x10e: {  	[hbm4b:s24+s5] =	stream.linear.scatter [tilespmem:s25], [sflag:$0x4], $0x200, $0x38;
	[tilespmem:$0x12000] =	vst v63  }
0x10f: {  	s12 =	sor.u32 $0x200040, s3;
	s9 =	sadd.s32 $0x380, s9;
	s26 =	simm.s32 $0xDE00  }
0x110: {  	[hbm4b:s9+s5] =	stream.linear.scatter [tilespmem:s26], [sflag:$0x4], $0x200, $0x38;
	[tilespmem:$0x12000] =	vst v63  }
0x111: {  	s14 =	simm.s32 $0xE000;
	s9 =	sadd.s32 s4, s12  }
0x112: {  	[hbm4b:s9+s5] =	stream.linear.scatter [tilespmem:s14], [sflag:$0x4], $0x200, $0x38;
	[tilespmem:$0x12000] =	vst v63  }
0x113: {  	s21 =	simm.s32 $0xE400;
	s18 =	sadd.s32 $0x80, s9  }
0x114: {  	[hbm4b:s18+s5] =	stream.linear.scatter [tilespmem:s21], [sflag:$0x4], $0x200, $0x38;
	[tilespmem:$0x12000] =	vst v63  }
0x115: {  	s24 =	simm.s32 $0xE800;
	s22 =	sadd.s32 $0x100, s9  }
0x116: {  	[hbm4b:s22+s5] =	stream.linear.scatter [tilespmem:s24], [sflag:$0x4], $0x200, $0x38;
	[tilespmem:$0x12000] =	vst v63  }
0x117: {  	s26 =	simm.s32 $0xEC00;
	s25 =	sadd.s32 $0x180, s9  }
0x118: {  	[hbm4b:s25+s5] =	stream.linear.scatter [tilespmem:s26], [sflag:$0x4], $0x200, $0x38;
	[tilespmem:$0x12000] =	vst v63  }
0x119: {  	s14 =	sadd.s32 $0x200, s9;
	s18 =	simm.s32 $0xF000  }
0x11a: {  	[hbm4b:s14+s5] =	stream.linear.scatter [tilespmem:s18], [sflag:$0x4], $0x200, $0x38;
	[tilespmem:$0x12000] =	vst v63  }
0x11b: {  	s21 =	sadd.s32 $0x280, s9;
	s22 =	simm.s32 $0xF400  }
0x11c: {  	[hbm4b:s21+s5] =	stream.linear.scatter [tilespmem:s22], [sflag:$0x4], $0x200, $0x38;
	[tilespmem:$0x12000] =	vst v63  }
0x11d: {  	s24 =	sadd.s32 $0x300, s9;
	s25 =	simm.s32 $0xF800  }
0x11e: {  	[hbm4b:s24+s5] =	stream.linear.scatter [tilespmem:s25], [sflag:$0x4], $0x200, $0x38;
	[tilespmem:$0x12000] =	vst v63  }
0x11f: {  	s3 =	sor.u32 $0x300040, s3;
	s9 =	sadd.s32 $0x380, s9;
	s26 =	simm.s32 $0xFC00  }
0x120: {  	[hbm4b:s9+s5] =	stream.linear.scatter [tilespmem:s26], [sflag:$0x4], $0x200, $0x38;
	[tilespmem:$0x12000] =	vst v63  }
0x121: {  	s11 =	simm.s32 $0xE200;
	s3 =	sadd.s32 s4, s3  }
0x122: {  	[hbm4b:s3+s5] =	stream.linear.scatter [tilespmem:s11], [sflag:$0x4], $0x200, $0x38;
	[tilespmem:$0x12000] =	vst v63  }
0x123: {  	s12 =	sadd.s32 $0x80, s3;
	s14 =	simm.s32 $0xE600  }
0x124: {  	[hbm4b:s12+s5] =	stream.linear.scatter [tilespmem:s14], [sflag:$0x4], $0x200, $0x38;
	[tilespmem:$0x12000] =	vst v63  }
0x125: {  	s18 =	sadd.s32 $0x100, s3;
	s21 =	simm.s32 $0xEA00  }
0x126: {  	[hbm4b:s18+s5] =	stream.linear.scatter [tilespmem:s21], [sflag:$0x4], $0x200, $0x38;
	[tilespmem:$0x12000] =	vst v63  }
0x127: {  	s22 =	sadd.s32 $0x180, s3  }
0x128: {  	[hbm4b:s22+s5] =	stream.linear.scatter [tilespmem:s28], [sflag:$0x4], $0x200, $0x38;
	[tilespmem:$0x12000] =	vst v63  }
0x129: {  	s0 =	sadd.s32 $0x1, s0;
	s24 =	sadd.s32 $0x200, s3  }
0x12a: {  	[hbm4b:s24+s5] =	stream.linear.scatter [tilespmem:s29], [sflag:$0x4], $0x200, $0x38;
	[tilespmem:$0x12000] =	vst v63  }
0x12b: {  	p0 =	sne.s32 s0, $0x20;
	s25 =	sadd.s32 $0x280, s3  }
0x12c: {  	[hbm4b:s25+s5] =	stream.linear.scatter [tilespmem:s30], [sflag:$0x4], $0x200, $0x38;
	[tilespmem:$0x12000] =	vst v63  }
.Ltmp3:
0x12d: {  	_ = 	snop;
	(pc) =	sbr.rel @!p0 .LBB2_23-.Ltmp3, $4  }
0x12e: {  	s26 =	sadd.s32 $0x300, s3  }
0x12f: {  	[hbm4b:s26+s5] =	stream.linear.scatter [tilespmem:s31], [sflag:$0x4], $0x200, $0x38;
	[tilespmem:$0x12000] =	vst v63  }
0x130: {  	s3 =	sadd.s32 $0x380, s3  }
0x131: {  	[hbm4b:s3+s5] =	stream.linear.scatter [tilespmem:s2], [sflag:$0x4], $0x200, $0x38;
	[tilespmem:$0x12000] =	vst v63  }
.LBB2_2:
0x132: {  	_ =	swait.ge [sflag:s16], $0x1000  }
0x133: {  	[sflag:s16] =	ssyncset.done $0x0  }
0x134: {  	[sflag:s16] =	ssyncadd.s32 $0xFFFFF000  }
0x135: {  	_ =	swait.ge [sflag:s16], $0x1000  }
0x136: {  	[sflag:s16] =	ssyncset.done $0x0  }
0x137: {  	[sflag:s16] =	ssyncadd.s32 $0xFFFFF000  }
0x138: {  	_ =	swait.ge [sflag:s16], $0x1000  }
0x139: {  	[sflag:s16] =	ssyncset.done $0x0  }
0x13a: {  	[sflag:s16] =	ssyncadd.s32 $0xFFFFF000  }
0x13b: {  	_ =	swait.ge [sflag:s16], $0x1000  }
0x13c: {  	[sflag:s16] =	ssyncset.done $0x0  }
0x13d: {  	[sflag:s16] =	ssyncadd.s32 $0xFFFFF000  }
0x13e: {  	_ =	swait.ge [sflag:s17], $0x1000  }
0x13f: {  	p0 =	seq.s32 s0, $0x0;
	[sflag:s17] =	ssyncset.done $0x0  }
0x140: {  	s3 =	simm.s32 @!p0 $0x3;
	[sflag:s17] =	ssyncadd.s32 $0xFFFFF000  }
0x141: {  	_ =	swait.ge @!p0 [sflag:s3], $0x1000  }
0x142: {  	[sflag:s3] =	ssyncset.done @!p0 $0x0  }
0x143: {  	[sflag:s3] =	ssyncadd.s32 @!p0 $0xFFFFF000  }
0x144: {  	_ =	swait.ge @!p0 [sflag:s3], $0x1000  }
0x145: {  	[sflag:s3] =	ssyncset.done @!p0 $0x0  }
0x146: {  	[sflag:s3] =	ssyncadd.s32 @!p0 $0xFFFFF000  }
0x147: {  	_ =	swait.ge @!p0 [sflag:s3], $0x1000  }
0x148: {  	[sflag:s3] =	ssyncset.done @!p0 $0x0  }
0x149: {  	[sflag:s3] =	ssyncadd.s32 @!p0 $0xFFFFF000  }
0x14a: {  	_ =	swait.ge @!p0 [sflag:s3], $0x1000  }
0x14b: {  	[sflag:s3] =	ssyncset.done @!p0 $0x0  }
0x14c: {  	s9 =	simm.s32 $0x10040;
	[sflag:s3] =	ssyncadd.s32 @!p0 $0xFFFFF000  }
0x14d: {  	s24 =	simm.s32 $0x2000;
	v0 =	vld [tilespmem:s9+$0x30]  }
0x14e: {  	v1 =	vld [tilespmem:s24+$0xFFFFE070]  }
0x14f: {  	v2 =	vld [tilespmem:s24+$0xFFFFE000]  }
0x150: {  	v3 =	vld [tilespmem:s9+$0xFFFFFFD0]  }
0x151: {  	v4 =	vld [tilespmem:s24+$0xFFFFE010]  }
0x152: {  	v5 =	vld [tilespmem:s9+$0xFFFFFFE0]  }
0x153: {  	v6 =	vld [tilespmem:s24+$0xFFFFE020]  }
0x154: {  	v7 =	vld [tilespmem:s9+$0xFFFFFFF0]  }
0x155: {  	v8 =	vld [tilespmem:s24+$0xFFFFE030]  }
0x156: {  	v9 =	vld [tilespmem:s9+$0x0]  }
0x157: {  	v10 =	vld [tilespmem:s24+$0xFFFFE040]  }
0x158: {  	v11 =	vld [tilespmem:s9+$0x10]  }
0x159: {  	v12 =	vld [tilespmem:s24+$0xFFFFE050]  }
0x15a: {  	s25 =	simm.s32 $0x10240;
	v13 =	vld [tilespmem:s9+$0x20]  }
0x15b: {  	s21 =	simm.s32 $0x2400;
	v18 =	vld [tilespmem:s25+$0x30]  }
0x15c: {  	v19 =	vld [tilespmem:s21+$0xFFFFE000]  }
0x15d: {  	v20 =	vld [tilespmem:s25+$0xFFFFFFD0];
	v1 =	vadd.f32 v1, v0  }
0x15e: {  	s14 =	simm.s32 $0xA000;
	v21 =	vld [tilespmem:s21+$0xFFFFE010]  }
0x15f: {  	[tilespmem:s14+$0xFFFFE070] =	vst v1;
	v1 =	vadd.f32 v4, v3;
	v4 =	vld [tilespmem:s24+$0xFFFFE060]  }
0x160: {  	v15 =	vadd.f32 v6, v5;
	v14 =	vld [tilespmem:s24+$0xFFFFE270]  }
0x161: {  	v6 =	vld [tilespmem:s9+$0xFFFFFFC0];
	[tilespmem:s14+$0xFFFFE010] =	vst v1;
	v1 =	vadd.f32 v8, v7  }
0x162: {  	[tilespmem:s14+$0xFFFFE020] =	vst v15;
	v8 =	vadd.f32 v10, v9;
	v10 =	vld [tilespmem:s24+$0xFFFFE210]  }
0x163: {  	[tilespmem:s14+$0xFFFFE030] =	vst v1;
	v1 =	vadd.f32 v12, v11;
	v12 =	vld [tilespmem:s24+$0xFFFFE220]  }
0x164: {  	[tilespmem:s14+$0xFFFFE040] =	vst v8;
	v8 =	vld [tilespmem:s24+$0xFFFFE230];
	v4 =	vadd.f32 v4, v13  }
0x165: {  	v14 =	vadd.f32 v14, v0;
	[tilespmem:s14+$0xFFFFE050] =	vst v1;
	v1 =	vld [tilespmem:s24+$0xFFFFE240]  }
0x166: {  	v2 =	vadd.f32 v2, v6;
	v15 =	vld [tilespmem:s24+$0xFFFFE250];
	[tilespmem:s14+$0xFFFFE060] =	vst v4  }
0x167: {  	[tilespmem:s14+$0xFFFFE270] =	vst v14;
	v4 =	vadd.f32 v10, v3;
	v10 =	vld [tilespmem:s24+$0xFFFFE260]  }
0x168: {  	[tilespmem:s14+$0xFFFFE000] =	vst v2;
	v14 =	vld [tilespmem:s24+$0x70];
	v2 =	vadd.f32 v12, v5  }
0x169: {  	v12 =	vld [tilespmem:s24+$0xFFFFE200];
	[tilespmem:s14+$0xFFFFE210] =	vst v4;
	v4 =	vadd.f32 v8, v7  }
0x16a: {  	v8 =	vld [tilespmem:s24+$0x10];
	[tilespmem:s14+$0xFFFFE220] =	vst v2;
	v1 =	vadd.f32 v1, v9  }
0x16b: {  	v2 =	vld [tilespmem:s24+$0x20];
	[tilespmem:s14+$0xFFFFE230] =	vst v4;
	v4 =	vadd.f32 v15, v11  }
0x16c: {  	v15 =	vld [tilespmem:s24+$0x30];
	[tilespmem:s14+$0xFFFFE240] =	vst v1;
	v1 =	vadd.f32 v10, v13  }
0x16d: {  	v10 =	vadd.f32 v14, v0;
	v14 =	vld [tilespmem:s24+$0x40];
	[tilespmem:s14+$0xFFFFE250] =	vst v4  }
0x16e: {  	v4 =	vadd.f32 v12, v6;
	v12 =	vld [tilespmem:s24+$0x50];
	[tilespmem:s14+$0xFFFFE260] =	vst v1  }
0x16f: {  	[tilespmem:s14+$0x70] =	vst v10;
	v1 =	vadd.f32 v8, v3;
	v8 =	vld [tilespmem:s24+$0x60]  }
0x170: {  	[tilespmem:s14+$0xFFFFE200] =	vst v4;
	v10 =	vld [tilespmem:s24+$0x270];
	v2 =	vadd.f32 v2, v5  }
0x171: {  	v4 =	vld [tilespmem:s24+$0x0];
	[tilespmem:s14+$0x10] =	vst v1;
	v1 =	vadd.f32 v15, v7  }
0x172: {  	v15 =	vld [tilespmem:s24+$0x210];
	[tilespmem:s14+$0x20] =	vst v2;
	v2 =	vadd.f32 v14, v9  }
0x173: {  	v14 =	vld [tilespmem:s24+$0x220];
	[tilespmem:s14+$0x30] =	vst v1  }
0x174: {  	v1 =	vadd.f32 v12, v11;
	v12 =	vld [tilespmem:s24+$0x230];
	[tilespmem:s14+$0x40] =	vst v2  }
0x175: {  	v2 =	vadd.f32 v8, v13;
	v8 =	vld [tilespmem:s24+$0x240]  }
0x176: {  	[tilespmem:s14+$0x50] =	vst v1;
	v1 =	vld [tilespmem:s25+$0xFFFFFFE0]  }
0x177: {  	[tilespmem:s14+$0x60] =	vst v2;
	v2 =	vld [tilespmem:s21+$0xFFFFE070]  }
0x178: {  	v0 =	vadd.f32 v10, v0;
	v10 =	vld [tilespmem:s21+$0xFFFFE020]  }
0x179: {  	v16 =	vld [tilespmem:s24+$0x250]  }
0x17a: {  	v17 =	vld [tilespmem:s24+$0x260];
	v3 =	vadd.f32 v15, v3  }
0x17b: {  	[tilespmem:s14+$0x270] =	vst v0;
	v0 =	vadd.f32 v4, v6;
	v15 =	vld [tilespmem:s21+$0xFFFFE030]  }
0x17c: {  	[tilespmem:s14+$0x210] =	vst v3;
	v3 =	vld [tilespmem:s25+$0x0];
	v22 =	vadd.f32 v2, v18  }
0x17d: {  	s18 =	simm.s32 $0xA400;
	[tilespmem:s14+$0x0] =	vst v0;
	v0 =	vadd.f32 v14, v5;
	v4 =	vadd.f32 v12, v7;
	v7 =	vld [tilespmem:s21+$0xFFFFE040]  }
0x17e: {  	v12 =	vld [tilespmem:s21+$0xFFFFE060];
	[tilespmem:s18+$0xFFFFE070] =	vst v22  }
0x17f: {  	v10 =	vadd.f32 v10, v1;
	[tilespmem:s14+$0x220] =	vst v0;
	v14 =	vld [tilespmem:s21+$0xFFFFE270]  }
0x180: {  	v2 =	vld [tilespmem:s25+$0xFFFFFFF0];
	v0 =	vadd.f32 v8, v9;
	[tilespmem:s14+$0x230] =	vst v4  }
0x181: {  	v5 =	vadd.f32 v16, v11;
	v4 =	vld [tilespmem:s25+$0x10];
	[tilespmem:s18+$0xFFFFE020] =	vst v10  }
0x182: {  	v8 =	vld [tilespmem:s21+$0xFFFFE050];
	[tilespmem:s14+$0x240] =	vst v0;
	v0 =	vadd.f32 v17, v13  }
0x183: {  	v11 =	vadd.f32 v21, v20;
	[tilespmem:s14+$0x250] =	vst v5;
	v5 =	vld [tilespmem:s25+$0x20]  }
0x184: {  	[tilespmem:s14+$0x260] =	vst v0;
	v0 =	vld [tilespmem:s25+$0xFFFFFFC0];
	v9 =	vadd.f32 v14, v18  }
0x185: {  	[tilespmem:s18+$0xFFFFE010] =	vst v11;
	v7 =	vadd.f32 v7, v3  }
0x186: {  	v10 =	vld [tilespmem:s21+$0xFFFFE210];
	[tilespmem:s18+$0xFFFFE270] =	vst v9;
	v9 =	vadd.f32 v15, v2  }
0x187: {  	v8 =	vadd.f32 v8, v4;
	[tilespmem:s18+$0xFFFFE040] =	vst v7;
	v11 =	vld [tilespmem:s21+$0x70]  }
0x188: {  	v12 =	vadd.f32 v12, v5;
	[tilespmem:s18+$0xFFFFE030] =	vst v9;
	v9 =	vld [tilespmem:s21+$0xFFFFE220]  }
0x189: {  	[tilespmem:s18+$0xFFFFE050] =	vst v8;
	v8 =	vadd.f32 v19, v0;
	v7 =	vld [tilespmem:s21+$0xFFFFE230]  }
0x18a: {  	v13 =	vld [tilespmem:s21+$0xFFFFE240];
	[tilespmem:s18+$0xFFFFE060] =	vst v12  }
0x18b: {  	v14 =	vld [tilespmem:s21+$0xFFFFE250];
	[tilespmem:s18+$0xFFFFE000] =	vst v8;
	v8 =	vadd.f32 v10, v20  }
0x18c: {  	v10 =	vld [tilespmem:s21+$0xFFFFE260];
	v11 =	vadd.f32 v11, v18  }
0x18d: {  	v12 =	vld [tilespmem:s21+$0xFFFFE200];
	[tilespmem:s18+$0xFFFFE210] =	vst v8;
	v9 =	vadd.f32 v9, v1  }
0x18e: {  	[tilespmem:s18+$0x70] =	vst v11;
	v7 =	vadd.f32 v7, v2;
	v11 =	vld [tilespmem:s21+$0x10]  }
0x18f: {  	v8 =	vld [tilespmem:s21+$0x270];
	[tilespmem:s18+$0xFFFFE220] =	vst v9;
	v9 =	vadd.f32 v13, v3  }
0x190: {  	v13 =	vld [tilespmem:s21+$0x20];
	[tilespmem:s18+$0xFFFFE230] =	vst v7;
	v7 =	vadd.f32 v14, v4  }
0x191: {  	v14 =	vld [tilespmem:s21+$0x30];
	[tilespmem:s18+$0xFFFFE240] =	vst v9;
	v9 =	vadd.f32 v10, v5  }
0x192: {  	v10 =	vadd.f32 v12, v0;
	v12 =	vld [tilespmem:s21+$0x40];
	[tilespmem:s18+$0xFFFFE250] =	vst v7  }
0x193: {  	v7 =	vld [tilespmem:s21+$0x50];
	[tilespmem:s18+$0xFFFFE260] =	vst v9;
	v9 =	vadd.f32 v11, v20  }
0x194: {  	[tilespmem:s18+$0xFFFFE200] =	vst v10;
	v8 =	vadd.f32 v8, v18;
	v10 =	vld [tilespmem:s21+$0x60]  }
0x195: {  	v11 =	vld [tilespmem:s21+$0x0];
	v13 =	vadd.f32 v13, v1;
	[tilespmem:s18+$0x10] =	vst v9  }
0x196: {  	[tilespmem:s18+$0x270] =	vst v8;
	v9 =	vadd.f32 v14, v2;
	v14 =	vld [tilespmem:s24+$0x200]  }
0x197: {  	v15 =	vld [tilespmem:s21+$0x210];
	[tilespmem:s18+$0x20] =	vst v13;
	v12 =	vadd.f32 v12, v3  }
0x198: {  	v8 =	vld [tilespmem:s21+$0x220];
	[tilespmem:s18+$0x30] =	vst v9;
	v13 =	vadd.f32 v7, v4  }
0x199: {  	v7 =	vld [tilespmem:s21+$0x230];
	[tilespmem:s18+$0x40] =	vst v12;
	v12 =	vadd.f32 v10, v5  }
0x19a: {  	s26 =	sor.u32 s8, s0;
	s22 =	simm.s32 $0x100F0;
	s12 =	simm.s32 $0xA080;
	v11 =	vadd.f32 v11, v0;
	v9 =	vld [tilespmem:s21+$0x240];
	[tilespmem:s18+$0x50] =	vst v13  }
0x19b: {  	s11 =	sshll.u32 s26, $0xA;
	s26 =	simm.s32 $0x10440;
	s3 =	simm.s32 $0x2080;
	v10 =	vld [tilespmem:s21+$0x250];
	[tilespmem:s18+$0x60] =	vst v12;
	v12 =	vadd.f32 v14, v6  }
0x19c: {  	s9 =	sshll.u32 s0, $0xD;
	s25 =	simm.s32 $0x2400;
	s24 =	simm.s32 $0x80;
	[tilespmem:s18+$0x0] =	vst v11;
	v6 =	vadd.f32 v15, v20;
	v11 =	vld [tilespmem:s21+$0x260]  }
.LBB2_3:
0x19d: {  	v13 =	vld [tilespmem:s26+$0x30];
	v1 =	vadd.f32 v8, v1;
	s21 =	sadd.s32 $0x400, s21;
	[tilespmem:s14+$0x200] =	vst v12;
	s14 =	smov.u32 s18  }
0x19e: {  	s24 =	sadd.s32 $0x80, s24;
	v8 =	vld [tilespmem:s21+$0xFFFFE070];
	[tilespmem:s18+$0x210] =	vst v6;
	v2 =	vadd.f32 v7, v2  }
0x19f: {  	p1 =	slt.u32 s24, $0x380;
	v7 =	vld [tilespmem:s21+$0xFFFFE000];
	[tilespmem:s18+$0x220] =	vst v1;
	v1 =	vadd.f32 v9, v3  }
0x1a0: {  	v6 =	vld [tilespmem:s26+$0xFFFFFFD0];
	[tilespmem:s18+$0x230] =	vst v2;
	v2 =	vadd.f32 v10, v4  }
0x1a1: {  	v3 =	vld [tilespmem:s21+$0xFFFFE010];
	[tilespmem:s18+$0x240] =	vst v1;
	v4 =	vadd.f32 v11, v5  }
0x1a2: {  	v1 =	vld [tilespmem:s26+$0xFFFFFFE0];
	[tilespmem:s18+$0x250] =	vst v2  }
0x1a3: {  	v5 =	vld [tilespmem:s21+$0xFFFFE020];
	v8 =	vadd.f32 v8, v13;
	[tilespmem:s18+$0x260] =	vst v4  }
0x1a4: {  	s18 =	sadd.s32 $0x400, s18;
	v2 =	vld [tilespmem:s26+$0xFFFFFFF0]  }
0x1a5: {  	v9 =	vld [tilespmem:s21+$0xFFFFE030];
	[tilespmem:s18+$0xFFFFE070] =	vst v8  }
0x1a6: {  	v4 =	vadd.f32 v3, v6;
	v8 =	vld [tilespmem:s21+$0xFFFFE270]  }
0x1a7: {  	v3 =	vld [tilespmem:s26+$0x0]  }
0x1a8: {  	[tilespmem:s18+$0xFFFFE010] =	vst v4;
	v5 =	vadd.f32 v5, v1;
	v10 =	vld [tilespmem:s21+$0xFFFFE040]  }
0x1a9: {  	v4 =	vld [tilespmem:s26+$0x10]  }
0x1aa: {  	[tilespmem:s18+$0xFFFFE020] =	vst v5;
	v9 =	vadd.f32 v9, v2;
	v11 =	vld [tilespmem:s21+$0xFFFFE050]  }
0x1ab: {  	v5 =	vld [tilespmem:s26+$0x20];
	v8 =	vadd.f32 v8, v13  }
0x1ac: {  	[tilespmem:s18+$0xFFFFE030] =	vst v9;
	v9 =	vld [tilespmem:s21+$0xFFFFE060]  }
0x1ad: {  	v14 =	vld [tilespmem:s26+$0xFFFFFFC0];
	v10 =	vadd.f32 v10, v3;
	[tilespmem:s18+$0xFFFFE270] =	vst v8  }
0x1ae: {  	v8 =	vld [tilespmem:s21+$0x70]  }
0x1af: {  	v12 =	vld [tilespmem:s21+$0xFFFFE210];
	[tilespmem:s18+$0xFFFFE040] =	vst v10;
	v10 =	vadd.f32 v11, v4  }
0x1b0: {  	v11 =	vld [tilespmem:s21+$0xFFFFE220]  }
0x1b1: {  	v15 =	vld [tilespmem:s21+$0xFFFFE230];
	[tilespmem:s18+$0xFFFFE050] =	vst v10;
	v9 =	vadd.f32 v9, v5  }
0x1b2: {  	v7 =	vadd.f32 v7, v14;
	v10 =	vld [tilespmem:s21+$0xFFFFE240]  }
0x1b3: {  	v16 =	vld [tilespmem:s21+$0xFFFFE250];
	[tilespmem:s18+$0xFFFFE060] =	vst v9;
	v8 =	vadd.f32 v8, v13  }
0x1b4: {  	[tilespmem:s18+$0xFFFFE000] =	vst v7;
	v7 =	vadd.f32 v12, v6;
	v9 =	vld [tilespmem:s21+$0xFFFFE260]  }
0x1b5: {  	v12 =	vld [tilespmem:s21+$0xFFFFE200];
	v11 =	vadd.f32 v11, v1;
	[tilespmem:s18+$0x70] =	vst v8  }
0x1b6: {  	[tilespmem:s18+$0xFFFFE210] =	vst v7;
	v7 =	vadd.f32 v15, v2;
	v8 =	vld [tilespmem:s21+$0x270]  }
0x1b7: {  	v15 =	vld [tilespmem:s21+$0x10];
	[tilespmem:s18+$0xFFFFE220] =	vst v11;
	v10 =	vadd.f32 v10, v3  }
0x1b8: {  	v11 =	vld [tilespmem:s21+$0x20];
	[tilespmem:s18+$0xFFFFE230] =	vst v7;
	v7 =	vadd.f32 v16, v4  }
0x1b9: {  	v16 =	vld [tilespmem:s21+$0x30];
	[tilespmem:s18+$0xFFFFE240] =	vst v10;
	v9 =	vadd.f32 v9, v5  }
0x1ba: {  	v10 =	vadd.f32 v12, v14;
	v12 =	vld [tilespmem:s21+$0x40];
	[tilespmem:s18+$0xFFFFE250] =	vst v7  }
0x1bb: {  	v7 =	vld [tilespmem:s21+$0x50];
	[tilespmem:s18+$0xFFFFE260] =	vst v9;
	v8 =	vadd.f32 v8, v13  }
0x1bc: {  	[tilespmem:s18+$0xFFFFE200] =	vst v10;
	v9 =	vadd.f32 v15, v6;
	v10 =	vld [tilespmem:s21+$0x60]  }
0x1bd: {  	v13 =	vld [tilespmem:s21+$0x0];
	v11 =	vadd.f32 v11, v1;
	[tilespmem:s18+$0x270] =	vst v8  }
0x1be: {  	[tilespmem:s18+$0x10] =	vst v9;
	v9 =	vadd.f32 v16, v2;
	v15 =	vld [tilespmem:s25+$0x200];
	s25 =	smov.u32 s21  }
0x1bf: {  	v16 =	vld [tilespmem:s21+$0x210];
	[tilespmem:s18+$0x20] =	vst v11;
	v11 =	vadd.f32 v12, v3  }
.Ltmp4:
0x1c0: {  	v8 =	vld [tilespmem:s21+$0x220];
	[tilespmem:s18+$0x30] =	vst v9;
	v12 =	vadd.f32 v7, v4;
	(pc) =	sbr.rel @p1 .LBB2_3-.Ltmp4, $4  }
0x1c1: {  	v7 =	vld [tilespmem:s21+$0x230];
	[tilespmem:s18+$0x40] =	vst v11;
	v11 =	vadd.f32 v10, v5  }
0x1c2: {  	v13 =	vadd.f32 v13, v14;
	v9 =	vld [tilespmem:s21+$0x240];
	[tilespmem:s18+$0x50] =	vst v12  }
0x1c3: {  	v10 =	vld [tilespmem:s21+$0x250];
	[tilespmem:s18+$0x60] =	vst v11;
	v12 =	vadd.f32 v15, v0;
	v0 =	vmov v14  }
0x1c4: {  	s26 =	sadd.s32 $0x200, s26;
	[tilespmem:s18+$0x0] =	vst v13;
	v6 =	vadd.f32 v16, v6;
	v11 =	vld [tilespmem:s21+$0x260]  }
0x1c5: {  	v1 =	vadd.f32 v8, v1;
	[tilespmem:s14+$0x200] =	vst v12;
	v8 =	vld [tilespmem:s25+$0x200]  }
0x1c6: {  	[tilespmem:s18+$0x210] =	vst v6;
	v2 =	vadd.f32 v7, v2  }
0x1c7: {  	[tilespmem:s18+$0x220] =	vst v1;
	v1 =	vadd.f32 v9, v3  }
0x1c8: {  	[tilespmem:s18+$0x230] =	vst v2;
	v2 =	vadd.f32 v10, v4  }
0x1c9: {  	[tilespmem:s18+$0x240] =	vst v1;
	v1 =	vadd.f32 v11, v5  }
0x1ca: {  	[tilespmem:s18+$0x250] =	vst v2;
	v0 =	vadd.f32 v8, v0  }
0x1cb: {  	[tilespmem:s18+$0x260] =	vst v1  }
0x1cc: {  	[tilespmem:s18+$0x200] =	vst v0  }
0x1cd: {  	v0 =	vld [tilespmem:s22+$0x0]  }
0x1ce: {  	v1 =	vld [tilespmem:s3+$0xFFFFE070]  }
0x1cf: {  	v2 =	vld [tilespmem:s3+$0xFFFFE000]  }
0x1d0: {  	v3 =	vld [tilespmem:s22+$0xFFFFFFA0]  }
0x1d1: {  	v4 =	vld [tilespmem:s3+$0xFFFFE010]  }
0x1d2: {  	v5 =	vld [tilespmem:s22+$0xFFFFFFB0]  }
0x1d3: {  	v6 =	vld [tilespmem:s3+$0xFFFFE020]  }
0x1d4: {  	v7 =	vld [tilespmem:s22+$0xFFFFFFC0]  }
0x1d5: {  	v8 =	vld [tilespmem:s3+$0xFFFFE030]  }
0x1d6: {  	v9 =	vld [tilespmem:s22+$0xFFFFFFD0]  }
0x1d7: {  	v10 =	vld [tilespmem:s3+$0xFFFFE040]  }
0x1d8: {  	v11 =	vld [tilespmem:s22+$0xFFFFFFE0]  }
0x1d9: {  	v12 =	vld [tilespmem:s3+$0xFFFFE050]  }
0x1da: {  	s26 =	simm.s32 $0x102F0;
	v13 =	vld [tilespmem:s22+$0xFFFFFFF0]  }
0x1db: {  	s21 =	simm.s32 $0x2480;
	v18 =	vld [tilespmem:s26+$0x0]  }
0x1dc: {  	v19 =	vld [tilespmem:s21+$0xFFFFE000]  }
0x1dd: {  	v20 =	vld [tilespmem:s26+$0xFFFFFFA0];
	v1 =	vadd.f32 v1, v0  }
0x1de: {  	v21 =	vld [tilespmem:s21+$0xFFFFE010]  }
0x1df: {  	[tilespmem:s12+$0xFFFFE070] =	vst v1;
	v1 =	vadd.f32 v4, v3;
	v4 =	vld [tilespmem:s3+$0xFFFFE060]  }
0x1e0: {  	v15 =	vadd.f32 v6, v5;
	v14 =	vld [tilespmem:s3+$0xFFFFE270]  }
0x1e1: {  	v6 =	vld [tilespmem:s22+$0xFFFFFF90];
	[tilespmem:s12+$0xFFFFE010] =	vst v1;
	v1 =	vadd.f32 v8, v7  }
0x1e2: {  	[tilespmem:s12+$0xFFFFE020] =	vst v15;
	v8 =	vadd.f32 v10, v9;
	v10 =	vld [tilespmem:s3+$0xFFFFE210]  }
0x1e3: {  	[tilespmem:s12+$0xFFFFE030] =	vst v1;
	v1 =	vadd.f32 v12, v11;
	v12 =	vld [tilespmem:s3+$0xFFFFE220]  }
0x1e4: {  	[tilespmem:s12+$0xFFFFE040] =	vst v8;
	v8 =	vld [tilespmem:s3+$0xFFFFE230];
	v4 =	vadd.f32 v4, v13  }
0x1e5: {  	v14 =	vadd.f32 v14, v0;
	[tilespmem:s12+$0xFFFFE050] =	vst v1;
	v1 =	vld [tilespmem:s3+$0xFFFFE240]  }
0x1e6: {  	v2 =	vadd.f32 v2, v6;
	v15 =	vld [tilespmem:s3+$0xFFFFE250];
	[tilespmem:s12+$0xFFFFE060] =	vst v4  }
0x1e7: {  	[tilespmem:s12+$0xFFFFE270] =	vst v14;
	v4 =	vadd.f32 v10, v3;
	v10 =	vld [tilespmem:s3+$0xFFFFE260]  }
0x1e8: {  	[tilespmem:s12+$0xFFFFE000] =	vst v2;
	v14 =	vld [tilespmem:s3+$0x70];
	v2 =	vadd.f32 v12, v5  }
0x1e9: {  	v12 =	vld [tilespmem:s3+$0xFFFFE200];
	[tilespmem:s12+$0xFFFFE210] =	vst v4;
	v4 =	vadd.f32 v8, v7  }
0x1ea: {  	v8 =	vld [tilespmem:s3+$0x10];
	[tilespmem:s12+$0xFFFFE220] =	vst v2;
	v1 =	vadd.f32 v1, v9  }
0x1eb: {  	v2 =	vld [tilespmem:s3+$0x20];
	[tilespmem:s12+$0xFFFFE230] =	vst v4;
	v4 =	vadd.f32 v15, v11  }
0x1ec: {  	v15 =	vld [tilespmem:s3+$0x30];
	[tilespmem:s12+$0xFFFFE240] =	vst v1;
	v1 =	vadd.f32 v10, v13  }
0x1ed: {  	v10 =	vadd.f32 v14, v0;
	v14 =	vld [tilespmem:s3+$0x40];
	[tilespmem:s12+$0xFFFFE250] =	vst v4  }
0x1ee: {  	v4 =	vadd.f32 v12, v6;
	v12 =	vld [tilespmem:s3+$0x50];
	[tilespmem:s12+$0xFFFFE260] =	vst v1  }
0x1ef: {  	[tilespmem:s12+$0x70] =	vst v10;
	v1 =	vadd.f32 v8, v3;
	v8 =	vld [tilespmem:s3+$0x60]  }
0x1f0: {  	[tilespmem:s12+$0xFFFFE200] =	vst v4;
	v10 =	vld [tilespmem:s3+$0x270];
	v2 =	vadd.f32 v2, v5  }
0x1f1: {  	v4 =	vld [tilespmem:s3+$0x0];
	[tilespmem:s12+$0x10] =	vst v1;
	v1 =	vadd.f32 v15, v7  }
0x1f2: {  	v15 =	vld [tilespmem:s3+$0x210];
	[tilespmem:s12+$0x20] =	vst v2;
	v2 =	vadd.f32 v14, v9  }
0x1f3: {  	v14 =	vld [tilespmem:s3+$0x220];
	[tilespmem:s12+$0x30] =	vst v1  }
0x1f4: {  	v1 =	vadd.f32 v12, v11;
	v12 =	vld [tilespmem:s3+$0x230];
	[tilespmem:s12+$0x40] =	vst v2  }
0x1f5: {  	v2 =	vadd.f32 v8, v13;
	v8 =	vld [tilespmem:s3+$0x240]  }
0x1f6: {  	[tilespmem:s12+$0x50] =	vst v1;
	v1 =	vld [tilespmem:s26+$0xFFFFFFB0]  }
0x1f7: {  	[tilespmem:s12+$0x60] =	vst v2;
	v2 =	vld [tilespmem:s21+$0xFFFFE070]  }
0x1f8: {  	v0 =	vadd.f32 v10, v0;
	v10 =	vld [tilespmem:s21+$0xFFFFE020]  }
0x1f9: {  	v16 =	vld [tilespmem:s3+$0x250]  }
0x1fa: {  	v17 =	vld [tilespmem:s3+$0x260];
	v3 =	vadd.f32 v15, v3  }
0x1fb: {  	[tilespmem:s12+$0x270] =	vst v0;
	v0 =	vadd.f32 v4, v6;
	v15 =	vld [tilespmem:s21+$0xFFFFE030]  }
0x1fc: {  	[tilespmem:s12+$0x210] =	vst v3;
	v3 =	vld [tilespmem:s26+$0xFFFFFFD0];
	v22 =	vadd.f32 v2, v18  }
0x1fd: {  	s18 =	simm.s32 $0xA480;
	[tilespmem:s12+$0x0] =	vst v0;
	v0 =	vadd.f32 v14, v5;
	v4 =	vadd.f32 v12, v7;
	v7 =	vld [tilespmem:s21+$0xFFFFE040]  }
0x1fe: {  	v12 =	vld [tilespmem:s21+$0xFFFFE060];
	[tilespmem:s18+$0xFFFFE070] =	vst v22  }
0x1ff: {  	v10 =	vadd.f32 v10, v1;
	[tilespmem:s12+$0x220] =	vst v0;
	v14 =	vld [tilespmem:s21+$0xFFFFE270]  }
0x200: {  	v2 =	vld [tilespmem:s26+$0xFFFFFFC0];
	v0 =	vadd.f32 v8, v9;
	[tilespmem:s12+$0x230] =	vst v4  }
0x201: {  	v5 =	vadd.f32 v16, v11;
	v4 =	vld [tilespmem:s26+$0xFFFFFFE0];
	[tilespmem:s18+$0xFFFFE020] =	vst v10  }
0x202: {  	v8 =	vld [tilespmem:s21+$0xFFFFE050];
	[tilespmem:s12+$0x240] =	vst v0;
	v0 =	vadd.f32 v17, v13  }
0x203: {  	v11 =	vadd.f32 v21, v20;
	[tilespmem:s12+$0x250] =	vst v5;
	v5 =	vld [tilespmem:s26+$0xFFFFFFF0]  }
0x204: {  	[tilespmem:s12+$0x260] =	vst v0;
	v0 =	vld [tilespmem:s26+$0xFFFFFF90];
	v9 =	vadd.f32 v14, v18  }
0x205: {  	[tilespmem:s18+$0xFFFFE010] =	vst v11;
	v7 =	vadd.f32 v7, v3  }
0x206: {  	v10 =	vld [tilespmem:s21+$0xFFFFE210];
	[tilespmem:s18+$0xFFFFE270] =	vst v9;
	v9 =	vadd.f32 v15, v2  }
0x207: {  	v8 =	vadd.f32 v8, v4;
	[tilespmem:s18+$0xFFFFE040] =	vst v7;
	v11 =	vld [tilespmem:s21+$0x70]  }
0x208: {  	v12 =	vadd.f32 v12, v5;
	[tilespmem:s18+$0xFFFFE030] =	vst v9;
	v9 =	vld [tilespmem:s21+$0xFFFFE220]  }
0x209: {  	[tilespmem:s18+$0xFFFFE050] =	vst v8;
	v8 =	vadd.f32 v19, v0;
	v7 =	vld [tilespmem:s21+$0xFFFFE230]  }
0x20a: {  	v13 =	vld [tilespmem:s21+$0xFFFFE240];
	[tilespmem:s18+$0xFFFFE060] =	vst v12  }
0x20b: {  	v14 =	vld [tilespmem:s21+$0xFFFFE250];
	[tilespmem:s18+$0xFFFFE000] =	vst v8;
	v8 =	vadd.f32 v10, v20  }
0x20c: {  	v10 =	vld [tilespmem:s21+$0xFFFFE260];
	v11 =	vadd.f32 v11, v18  }
0x20d: {  	v12 =	vld [tilespmem:s21+$0xFFFFE200];
	[tilespmem:s18+$0xFFFFE210] =	vst v8;
	v9 =	vadd.f32 v9, v1  }
0x20e: {  	[tilespmem:s18+$0x70] =	vst v11;
	v7 =	vadd.f32 v7, v2;
	v11 =	vld [tilespmem:s21+$0x10]  }
0x20f: {  	v8 =	vld [tilespmem:s21+$0x270];
	[tilespmem:s18+$0xFFFFE220] =	vst v9;
	v9 =	vadd.f32 v13, v3  }
0x210: {  	v13 =	vld [tilespmem:s21+$0x20];
	[tilespmem:s18+$0xFFFFE230] =	vst v7;
	v7 =	vadd.f32 v14, v4  }
0x211: {  	v14 =	vld [tilespmem:s21+$0x30];
	[tilespmem:s18+$0xFFFFE240] =	vst v9;
	v9 =	vadd.f32 v10, v5  }
0x212: {  	v10 =	vadd.f32 v12, v0;
	v12 =	vld [tilespmem:s21+$0x40];
	[tilespmem:s18+$0xFFFFE250] =	vst v7  }
0x213: {  	v7 =	vld [tilespmem:s21+$0x50];
	[tilespmem:s18+$0xFFFFE260] =	vst v9;
	v9 =	vadd.f32 v11, v20  }
0x214: {  	[tilespmem:s18+$0xFFFFE200] =	vst v10;
	v8 =	vadd.f32 v8, v18;
	v11 =	vld [tilespmem:s21+$0x60]  }
0x215: {  	v15 =	vld [tilespmem:s21+$0x0];
	v10 =	vadd.f32 v13, v1;
	[tilespmem:s18+$0x10] =	vst v9  }
0x216: {  	v13 =	vld [tilespmem:s3+$0x200];
	[tilespmem:s18+$0x270] =	vst v8;
	v8 =	vadd.f32 v14, v2  }
0x217: {  	v14 =	vld [tilespmem:s21+$0x210];
	[tilespmem:s18+$0x20] =	vst v10;
	v9 =	vadd.f32 v12, v3  }
0x218: {  	v10 =	vld [tilespmem:s21+$0x220];
	[tilespmem:s18+$0x30] =	vst v8;
	v12 =	vadd.f32 v7, v4  }
0x219: {  	v7 =	vld [tilespmem:s21+$0x230];
	[tilespmem:s18+$0x40] =	vst v9;
	v11 =	vadd.f32 v11, v5  }
0x21a: {  	v15 =	vadd.f32 v15, v0;
	v8 =	vld [tilespmem:s21+$0x240];
	[tilespmem:s18+$0x50] =	vst v12  }
0x21b: {  	s14 =	simm.s32 $0xA100;
	s24 =	simm.s32 $0x80;
	s25 =	simm.s32 $0x2480;
	v12 =	vadd.f32 v13, v6;
	v9 =	vld [tilespmem:s21+$0x250];
	[tilespmem:s18+$0x60] =	vst v11  }
0x21c: {  	s22 =	simm.s32 $0x10170;
	s26 =	simm.s32 $0x104F0;
	s3 =	simm.s32 $0x2100;
	[tilespmem:s18+$0x0] =	vst v15;
	v6 =	vadd.f32 v14, v20;
	v11 =	vld [tilespmem:s21+$0x260]  }
.LBB2_5:
0x21d: {  	v13 =	vld [tilespmem:s26+$0x0];
	v1 =	vadd.f32 v10, v1;
	s21 =	sadd.s32 $0x400, s21;
	[tilespmem:s12+$0x200] =	vst v12;
	s12 =	smov.u32 s18  }
0x21e: {  	s24 =	sadd.s32 $0x80, s24;
	v10 =	vld [tilespmem:s21+$0xFFFFE070];
	[tilespmem:s18+$0x210] =	vst v6;
	v2 =	vadd.f32 v7, v2  }
0x21f: {  	p1 =	slt.u32 s24, $0x380;
	v7 =	vld [tilespmem:s21+$0xFFFFE000];
	[tilespmem:s18+$0x220] =	vst v1;
	v1 =	vadd.f32 v8, v3  }
0x220: {  	v6 =	vld [tilespmem:s26+$0xFFFFFFA0];
	[tilespmem:s18+$0x230] =	vst v2;
	v2 =	vadd.f32 v9, v4  }
0x221: {  	v3 =	vld [tilespmem:s21+$0xFFFFE010];
	[tilespmem:s18+$0x240] =	vst v1;
	v4 =	vadd.f32 v11, v5  }
0x222: {  	v1 =	vld [tilespmem:s26+$0xFFFFFFB0];
	[tilespmem:s18+$0x250] =	vst v2  }
0x223: {  	v5 =	vld [tilespmem:s21+$0xFFFFE020];
	v8 =	vadd.f32 v10, v13;
	[tilespmem:s18+$0x260] =	vst v4  }
0x224: {  	s18 =	sadd.s32 $0x400, s18;
	v2 =	vld [tilespmem:s26+$0xFFFFFFC0]  }
0x225: {  	v9 =	vld [tilespmem:s21+$0xFFFFE030];
	[tilespmem:s18+$0xFFFFE070] =	vst v8  }
0x226: {  	v4 =	vadd.f32 v3, v6;
	v8 =	vld [tilespmem:s21+$0xFFFFE270]  }
0x227: {  	v3 =	vld [tilespmem:s26+$0xFFFFFFD0]  }
0x228: {  	[tilespmem:s18+$0xFFFFE010] =	vst v4;
	v5 =	vadd.f32 v5, v1;
	v10 =	vld [tilespmem:s21+$0xFFFFE040]  }
0x229: {  	v4 =	vld [tilespmem:s26+$0xFFFFFFE0]  }
0x22a: {  	[tilespmem:s18+$0xFFFFE020] =	vst v5;
	v9 =	vadd.f32 v9, v2;
	v11 =	vld [tilespmem:s21+$0xFFFFE050]  }
0x22b: {  	v5 =	vld [tilespmem:s26+$0xFFFFFFF0];
	v8 =	vadd.f32 v8, v13  }
0x22c: {  	[tilespmem:s18+$0xFFFFE030] =	vst v9;
	v9 =	vld [tilespmem:s21+$0xFFFFE060]  }
0x22d: {  	v14 =	vld [tilespmem:s26+$0xFFFFFF90];
	v10 =	vadd.f32 v10, v3;
	[tilespmem:s18+$0xFFFFE270] =	vst v8  }
0x22e: {  	v8 =	vld [tilespmem:s21+$0x70]  }
0x22f: {  	v12 =	vld [tilespmem:s21+$0xFFFFE210];
	[tilespmem:s18+$0xFFFFE040] =	vst v10;
	v10 =	vadd.f32 v11, v4  }
0x230: {  	v11 =	vld [tilespmem:s21+$0xFFFFE220]  }
0x231: {  	v15 =	vld [tilespmem:s21+$0xFFFFE230];
	[tilespmem:s18+$0xFFFFE050] =	vst v10;
	v9 =	vadd.f32 v9, v5  }
0x232: {  	v7 =	vadd.f32 v7, v14;
	v10 =	vld [tilespmem:s21+$0xFFFFE240]  }
0x233: {  	v16 =	vld [tilespmem:s21+$0xFFFFE250];
	[tilespmem:s18+$0xFFFFE060] =	vst v9;
	v8 =	vadd.f32 v8, v13  }
0x234: {  	[tilespmem:s18+$0xFFFFE000] =	vst v7;
	v7 =	vadd.f32 v12, v6;
	v9 =	vld [tilespmem:s21+$0xFFFFE260]  }
0x235: {  	v12 =	vld [tilespmem:s21+$0xFFFFE200];
	v11 =	vadd.f32 v11, v1;
	[tilespmem:s18+$0x70] =	vst v8  }
0x236: {  	[tilespmem:s18+$0xFFFFE210] =	vst v7;
	v7 =	vadd.f32 v15, v2;
	v8 =	vld [tilespmem:s21+$0x270]  }
0x237: {  	v15 =	vld [tilespmem:s21+$0x10];
	[tilespmem:s18+$0xFFFFE220] =	vst v11;
	v10 =	vadd.f32 v10, v3  }
0x238: {  	v11 =	vld [tilespmem:s21+$0x20];
	[tilespmem:s18+$0xFFFFE230] =	vst v7;
	v7 =	vadd.f32 v16, v4  }
0x239: {  	v16 =	vld [tilespmem:s21+$0x30];
	[tilespmem:s18+$0xFFFFE240] =	vst v10;
	v9 =	vadd.f32 v9, v5  }
0x23a: {  	v10 =	vadd.f32 v12, v14;
	v12 =	vld [tilespmem:s21+$0x40];
	[tilespmem:s18+$0xFFFFE250] =	vst v7  }
0x23b: {  	v7 =	vld [tilespmem:s21+$0x50];
	[tilespmem:s18+$0xFFFFE260] =	vst v9;
	v8 =	vadd.f32 v8, v13  }
0x23c: {  	[tilespmem:s18+$0xFFFFE200] =	vst v10;
	v9 =	vadd.f32 v15, v6;
	v13 =	vld [tilespmem:s21+$0x60]  }
0x23d: {  	v15 =	vld [tilespmem:s21+$0x0];
	v10 =	vadd.f32 v11, v1;
	[tilespmem:s18+$0x270] =	vst v8  }
0x23e: {  	[tilespmem:s18+$0x10] =	vst v9;
	v8 =	vadd.f32 v16, v2;
	v11 =	vld [tilespmem:s25+$0x200];
	s25 =	smov.u32 s21  }
0x23f: {  	v16 =	vld [tilespmem:s21+$0x210];
	[tilespmem:s18+$0x20] =	vst v10;
	v9 =	vadd.f32 v12, v3  }
.Ltmp5:
0x240: {  	v10 =	vld [tilespmem:s21+$0x220];
	[tilespmem:s18+$0x30] =	vst v8;
	v12 =	vadd.f32 v7, v4;
	(pc) =	sbr.rel @p1 .LBB2_5-.Ltmp5, $4  }
0x241: {  	v7 =	vld [tilespmem:s21+$0x230];
	[tilespmem:s18+$0x40] =	vst v9;
	v13 =	vadd.f32 v13, v5  }
0x242: {  	v15 =	vadd.f32 v15, v14;
	v8 =	vld [tilespmem:s21+$0x240];
	[tilespmem:s18+$0x50] =	vst v12  }
0x243: {  	v9 =	vld [tilespmem:s21+$0x250];
	[tilespmem:s18+$0x60] =	vst v13;
	v12 =	vadd.f32 v11, v0;
	v0 =	vmov v14  }
0x244: {  	s26 =	sadd.s32 $0x200, s26;
	[tilespmem:s18+$0x0] =	vst v15;
	v6 =	vadd.f32 v16, v6;
	v11 =	vld [tilespmem:s21+$0x260]  }
0x245: {  	v1 =	vadd.f32 v10, v1;
	[tilespmem:s12+$0x200] =	vst v12;
	v10 =	vld [tilespmem:s25+$0x200]  }
0x246: {  	[tilespmem:s18+$0x210] =	vst v6;
	v2 =	vadd.f32 v7, v2  }
0x247: {  	[tilespmem:s18+$0x220] =	vst v1;
	v1 =	vadd.f32 v8, v3  }
0x248: {  	[tilespmem:s18+$0x230] =	vst v2;
	v2 =	vadd.f32 v9, v4  }
0x249: {  	[tilespmem:s18+$0x240] =	vst v1;
	v1 =	vadd.f32 v11, v5  }
0x24a: {  	[tilespmem:s18+$0x250] =	vst v2;
	v0 =	vadd.f32 v10, v0  }
0x24b: {  	[tilespmem:s18+$0x260] =	vst v1  }
0x24c: {  	[tilespmem:s18+$0x200] =	vst v0  }
0x24d: {  	v0 =	vld [tilespmem:s22+$0x0]  }
0x24e: {  	v1 =	vld [tilespmem:s3+$0xFFFFE070]  }
0x24f: {  	v2 =	vld [tilespmem:s3+$0xFFFFE000]  }
0x250: {  	v3 =	vld [tilespmem:s22+$0xFFFFFFA0]  }
0x251: {  	v4 =	vld [tilespmem:s3+$0xFFFFE010]  }
0x252: {  	v5 =	vld [tilespmem:s22+$0xFFFFFFB0]  }
0x253: {  	v6 =	vld [tilespmem:s3+$0xFFFFE020]  }
0x254: {  	v7 =	vld [tilespmem:s22+$0xFFFFFFC0]  }
0x255: {  	v8 =	vld [tilespmem:s3+$0xFFFFE030]  }
0x256: {  	v9 =	vld [tilespmem:s22+$0xFFFFFFD0]  }
0x257: {  	v10 =	vld [tilespmem:s3+$0xFFFFE040]  }
0x258: {  	v11 =	vld [tilespmem:s22+$0xFFFFFFE0]  }
0x259: {  	v12 =	vld [tilespmem:s3+$0xFFFFE050]  }
0x25a: {  	s26 =	simm.s32 $0x10370;
	v13 =	vld [tilespmem:s22+$0xFFFFFFF0]  }
0x25b: {  	s21 =	simm.s32 $0x2500;
	v18 =	vld [tilespmem:s26+$0x0]  }
0x25c: {  	v19 =	vld [tilespmem:s21+$0xFFFFE000]  }
0x25d: {  	v20 =	vld [tilespmem:s26+$0xFFFFFFA0];
	v1 =	vadd.f32 v1, v0  }
0x25e: {  	v21 =	vld [tilespmem:s21+$0xFFFFE010]  }
0x25f: {  	[tilespmem:s14+$0xFFFFE070] =	vst v1;
	v1 =	vadd.f32 v4, v3;
	v4 =	vld [tilespmem:s3+$0xFFFFE060]  }
0x260: {  	v15 =	vadd.f32 v6, v5;
	v14 =	vld [tilespmem:s3+$0xFFFFE270]  }
0x261: {  	v6 =	vld [tilespmem:s22+$0xFFFFFF90];
	[tilespmem:s14+$0xFFFFE010] =	vst v1;
	v1 =	vadd.f32 v8, v7  }
0x262: {  	[tilespmem:s14+$0xFFFFE020] =	vst v15;
	v8 =	vadd.f32 v10, v9;
	v10 =	vld [tilespmem:s3+$0xFFFFE210]  }
0x263: {  	[tilespmem:s14+$0xFFFFE030] =	vst v1;
	v1 =	vadd.f32 v12, v11;
	v12 =	vld [tilespmem:s3+$0xFFFFE220]  }
0x264: {  	[tilespmem:s14+$0xFFFFE040] =	vst v8;
	v8 =	vld [tilespmem:s3+$0xFFFFE230];
	v4 =	vadd.f32 v4, v13  }
0x265: {  	v14 =	vadd.f32 v14, v0;
	[tilespmem:s14+$0xFFFFE050] =	vst v1;
	v1 =	vld [tilespmem:s3+$0xFFFFE240]  }
0x266: {  	v2 =	vadd.f32 v2, v6;
	v15 =	vld [tilespmem:s3+$0xFFFFE250];
	[tilespmem:s14+$0xFFFFE060] =	vst v4  }
0x267: {  	[tilespmem:s14+$0xFFFFE270] =	vst v14;
	v4 =	vadd.f32 v10, v3;
	v10 =	vld [tilespmem:s3+$0xFFFFE260]  }
0x268: {  	[tilespmem:s14+$0xFFFFE000] =	vst v2;
	v14 =	vld [tilespmem:s3+$0x70];
	v2 =	vadd.f32 v12, v5  }
0x269: {  	v12 =	vld [tilespmem:s3+$0xFFFFE200];
	[tilespmem:s14+$0xFFFFE210] =	vst v4;
	v4 =	vadd.f32 v8, v7  }
0x26a: {  	v8 =	vld [tilespmem:s3+$0x10];
	[tilespmem:s14+$0xFFFFE220] =	vst v2;
	v1 =	vadd.f32 v1, v9  }
0x26b: {  	v2 =	vld [tilespmem:s3+$0x20];
	[tilespmem:s14+$0xFFFFE230] =	vst v4;
	v4 =	vadd.f32 v15, v11  }
0x26c: {  	v15 =	vld [tilespmem:s3+$0x30];
	[tilespmem:s14+$0xFFFFE240] =	vst v1;
	v1 =	vadd.f32 v10, v13  }
0x26d: {  	v10 =	vadd.f32 v14, v0;
	v14 =	vld [tilespmem:s3+$0x40];
	[tilespmem:s14+$0xFFFFE250] =	vst v4  }
0x26e: {  	v4 =	vadd.f32 v12, v6;
	v12 =	vld [tilespmem:s3+$0x50];
	[tilespmem:s14+$0xFFFFE260] =	vst v1  }
0x26f: {  	[tilespmem:s14+$0x70] =	vst v10;
	v1 =	vadd.f32 v8, v3;
	v8 =	vld [tilespmem:s3+$0x60]  }
0x270: {  	[tilespmem:s14+$0xFFFFE200] =	vst v4;
	v10 =	vld [tilespmem:s3+$0x270];
	v2 =	vadd.f32 v2, v5  }
0x271: {  	v4 =	vld [tilespmem:s3+$0x0];
	[tilespmem:s14+$0x10] =	vst v1;
	v1 =	vadd.f32 v15, v7  }
0x272: {  	v15 =	vld [tilespmem:s3+$0x210];
	[tilespmem:s14+$0x20] =	vst v2;
	v2 =	vadd.f32 v14, v9  }
0x273: {  	v14 =	vld [tilespmem:s3+$0x220];
	[tilespmem:s14+$0x30] =	vst v1  }
0x274: {  	v1 =	vadd.f32 v12, v11;
	v12 =	vld [tilespmem:s3+$0x230];
	[tilespmem:s14+$0x40] =	vst v2  }
0x275: {  	v2 =	vadd.f32 v8, v13;
	v8 =	vld [tilespmem:s3+$0x240]  }
0x276: {  	[tilespmem:s14+$0x50] =	vst v1;
	v1 =	vld [tilespmem:s26+$0xFFFFFFB0]  }
0x277: {  	[tilespmem:s14+$0x60] =	vst v2;
	v2 =	vld [tilespmem:s21+$0xFFFFE070]  }
0x278: {  	v0 =	vadd.f32 v10, v0;
	v10 =	vld [tilespmem:s21+$0xFFFFE020]  }
0x279: {  	v16 =	vld [tilespmem:s3+$0x250]  }
0x27a: {  	v17 =	vld [tilespmem:s3+$0x260];
	v3 =	vadd.f32 v15, v3  }
0x27b: {  	[tilespmem:s14+$0x270] =	vst v0;
	v0 =	vadd.f32 v4, v6;
	v15 =	vld [tilespmem:s21+$0xFFFFE030]  }
0x27c: {  	[tilespmem:s14+$0x210] =	vst v3;
	v3 =	vld [tilespmem:s26+$0xFFFFFFD0];
	v22 =	vadd.f32 v2, v18  }
0x27d: {  	s18 =	simm.s32 $0xA500;
	[tilespmem:s14+$0x0] =	vst v0;
	v0 =	vadd.f32 v14, v5;
	v4 =	vadd.f32 v12, v7;
	v7 =	vld [tilespmem:s21+$0xFFFFE040]  }
0x27e: {  	v12 =	vld [tilespmem:s21+$0xFFFFE060];
	[tilespmem:s18+$0xFFFFE070] =	vst v22  }
0x27f: {  	v10 =	vadd.f32 v10, v1;
	[tilespmem:s14+$0x220] =	vst v0;
	v14 =	vld [tilespmem:s21+$0xFFFFE270]  }
0x280: {  	v2 =	vld [tilespmem:s26+$0xFFFFFFC0];
	v0 =	vadd.f32 v8, v9;
	[tilespmem:s14+$0x230] =	vst v4  }
0x281: {  	v5 =	vadd.f32 v16, v11;
	v4 =	vld [tilespmem:s26+$0xFFFFFFE0];
	[tilespmem:s18+$0xFFFFE020] =	vst v10  }
0x282: {  	v8 =	vld [tilespmem:s21+$0xFFFFE050];
	[tilespmem:s14+$0x240] =	vst v0;
	v0 =	vadd.f32 v17, v13  }
0x283: {  	v11 =	vadd.f32 v21, v20;
	[tilespmem:s14+$0x250] =	vst v5;
	v5 =	vld [tilespmem:s26+$0xFFFFFFF0]  }
0x284: {  	[tilespmem:s14+$0x260] =	vst v0;
	v0 =	vld [tilespmem:s26+$0xFFFFFF90];
	v9 =	vadd.f32 v14, v18  }
0x285: {  	[tilespmem:s18+$0xFFFFE010] =	vst v11;
	v7 =	vadd.f32 v7, v3  }
0x286: {  	v10 =	vld [tilespmem:s21+$0xFFFFE210];
	[tilespmem:s18+$0xFFFFE270] =	vst v9;
	v9 =	vadd.f32 v15, v2  }
0x287: {  	v8 =	vadd.f32 v8, v4;
	[tilespmem:s18+$0xFFFFE040] =	vst v7;
	v11 =	vld [tilespmem:s21+$0x70]  }
0x288: {  	v12 =	vadd.f32 v12, v5;
	[tilespmem:s18+$0xFFFFE030] =	vst v9;
	v9 =	vld [tilespmem:s21+$0xFFFFE220]  }
0x289: {  	[tilespmem:s18+$0xFFFFE050] =	vst v8;
	v8 =	vadd.f32 v19, v0;
	v7 =	vld [tilespmem:s21+$0xFFFFE230]  }
0x28a: {  	v13 =	vld [tilespmem:s21+$0xFFFFE240];
	[tilespmem:s18+$0xFFFFE060] =	vst v12  }
0x28b: {  	v14 =	vld [tilespmem:s21+$0xFFFFE250];
	[tilespmem:s18+$0xFFFFE000] =	vst v8;
	v8 =	vadd.f32 v10, v20  }
0x28c: {  	v10 =	vld [tilespmem:s21+$0xFFFFE260];
	v11 =	vadd.f32 v11, v18  }
0x28d: {  	v12 =	vld [tilespmem:s21+$0xFFFFE200];
	[tilespmem:s18+$0xFFFFE210] =	vst v8;
	v9 =	vadd.f32 v9, v1  }
0x28e: {  	[tilespmem:s18+$0x70] =	vst v11;
	v7 =	vadd.f32 v7, v2;
	v11 =	vld [tilespmem:s21+$0x10]  }
0x28f: {  	v8 =	vld [tilespmem:s21+$0x270];
	[tilespmem:s18+$0xFFFFE220] =	vst v9;
	v9 =	vadd.f32 v13, v3  }
0x290: {  	v13 =	vld [tilespmem:s21+$0x20];
	[tilespmem:s18+$0xFFFFE230] =	vst v7;
	v7 =	vadd.f32 v14, v4  }
0x291: {  	v14 =	vld [tilespmem:s21+$0x30];
	[tilespmem:s18+$0xFFFFE240] =	vst v9;
	v9 =	vadd.f32 v10, v5  }
0x292: {  	v10 =	vadd.f32 v12, v0;
	v12 =	vld [tilespmem:s21+$0x40];
	[tilespmem:s18+$0xFFFFE250] =	vst v7  }
0x293: {  	v7 =	vld [tilespmem:s21+$0x50];
	[tilespmem:s18+$0xFFFFE260] =	vst v9;
	v9 =	vadd.f32 v11, v20  }
0x294: {  	[tilespmem:s18+$0xFFFFE200] =	vst v10;
	v8 =	vadd.f32 v8, v18;
	v11 =	vld [tilespmem:s21+$0x60]  }
0x295: {  	v15 =	vld [tilespmem:s21+$0x0];
	v10 =	vadd.f32 v13, v1;
	[tilespmem:s18+$0x10] =	vst v9  }
0x296: {  	v13 =	vld [tilespmem:s3+$0x200];
	[tilespmem:s18+$0x270] =	vst v8;
	v8 =	vadd.f32 v14, v2  }
0x297: {  	v14 =	vld [tilespmem:s21+$0x210];
	[tilespmem:s18+$0x20] =	vst v10;
	v9 =	vadd.f32 v12, v3  }
0x298: {  	v10 =	vld [tilespmem:s21+$0x220];
	[tilespmem:s18+$0x30] =	vst v8;
	v12 =	vadd.f32 v7, v4  }
0x299: {  	v7 =	vld [tilespmem:s21+$0x230];
	[tilespmem:s18+$0x40] =	vst v9;
	v11 =	vadd.f32 v11, v5  }
0x29a: {  	v15 =	vadd.f32 v15, v0;
	v8 =	vld [tilespmem:s21+$0x240];
	[tilespmem:s18+$0x50] =	vst v12  }
0x29b: {  	s12 =	simm.s32 $0xA180;
	s24 =	simm.s32 $0x80;
	s25 =	simm.s32 $0x2500;
	v12 =	vadd.f32 v13, v6;
	v9 =	vld [tilespmem:s21+$0x250];
	[tilespmem:s18+$0x60] =	vst v11  }
0x29c: {  	s22 =	simm.s32 $0x101F0;
	s26 =	simm.s32 $0x10570;
	s3 =	simm.s32 $0x2180;
	[tilespmem:s18+$0x0] =	vst v15;
	v6 =	vadd.f32 v14, v20;
	v11 =	vld [tilespmem:s21+$0x260]  }
.LBB2_7:
0x29d: {  	v13 =	vld [tilespmem:s26+$0x0];
	v1 =	vadd.f32 v10, v1;
	s21 =	sadd.s32 $0x400, s21;
	[tilespmem:s14+$0x200] =	vst v12;
	s14 =	smov.u32 s18  }
0x29e: {  	s24 =	sadd.s32 $0x80, s24;
	v10 =	vld [tilespmem:s21+$0xFFFFE070];
	[tilespmem:s18+$0x210] =	vst v6;
	v2 =	vadd.f32 v7, v2  }
0x29f: {  	p1 =	slt.u32 s24, $0x380;
	v7 =	vld [tilespmem:s21+$0xFFFFE000];
	[tilespmem:s18+$0x220] =	vst v1;
	v1 =	vadd.f32 v8, v3  }
0x2a0: {  	v6 =	vld [tilespmem:s26+$0xFFFFFFA0];
	[tilespmem:s18+$0x230] =	vst v2;
	v2 =	vadd.f32 v9, v4  }
0x2a1: {  	v3 =	vld [tilespmem:s21+$0xFFFFE010];
	[tilespmem:s18+$0x240] =	vst v1;
	v4 =	vadd.f32 v11, v5  }
0x2a2: {  	v1 =	vld [tilespmem:s26+$0xFFFFFFB0];
	[tilespmem:s18+$0x250] =	vst v2  }
0x2a3: {  	v5 =	vld [tilespmem:s21+$0xFFFFE020];
	v8 =	vadd.f32 v10, v13;
	[tilespmem:s18+$0x260] =	vst v4  }
0x2a4: {  	s18 =	sadd.s32 $0x400, s18;
	v2 =	vld [tilespmem:s26+$0xFFFFFFC0]  }
0x2a5: {  	v9 =	vld [tilespmem:s21+$0xFFFFE030];
	[tilespmem:s18+$0xFFFFE070] =	vst v8  }
0x2a6: {  	v4 =	vadd.f32 v3, v6;
	v8 =	vld [tilespmem:s21+$0xFFFFE270]  }
0x2a7: {  	v3 =	vld [tilespmem:s26+$0xFFFFFFD0]  }
0x2a8: {  	[tilespmem:s18+$0xFFFFE010] =	vst v4;
	v5 =	vadd.f32 v5, v1;
	v10 =	vld [tilespmem:s21+$0xFFFFE040]  }
0x2a9: {  	v4 =	vld [tilespmem:s26+$0xFFFFFFE0]  }
0x2aa: {  	[tilespmem:s18+$0xFFFFE020] =	vst v5;
	v9 =	vadd.f32 v9, v2;
	v11 =	vld [tilespmem:s21+$0xFFFFE050]  }
0x2ab: {  	v5 =	vld [tilespmem:s26+$0xFFFFFFF0];
	v8 =	vadd.f32 v8, v13  }
0x2ac: {  	[tilespmem:s18+$0xFFFFE030] =	vst v9;
	v9 =	vld [tilespmem:s21+$0xFFFFE060]  }
0x2ad: {  	v14 =	vld [tilespmem:s26+$0xFFFFFF90];
	v10 =	vadd.f32 v10, v3;
	[tilespmem:s18+$0xFFFFE270] =	vst v8  }
0x2ae: {  	v8 =	vld [tilespmem:s21+$0x70]  }
0x2af: {  	v12 =	vld [tilespmem:s21+$0xFFFFE210];
	[tilespmem:s18+$0xFFFFE040] =	vst v10;
	v10 =	vadd.f32 v11, v4  }
0x2b0: {  	v11 =	vld [tilespmem:s21+$0xFFFFE220]  }
0x2b1: {  	v15 =	vld [tilespmem:s21+$0xFFFFE230];
	[tilespmem:s18+$0xFFFFE050] =	vst v10;
	v9 =	vadd.f32 v9, v5  }
0x2b2: {  	v7 =	vadd.f32 v7, v14;
	v10 =	vld [tilespmem:s21+$0xFFFFE240]  }
0x2b3: {  	v16 =	vld [tilespmem:s21+$0xFFFFE250];
	[tilespmem:s18+$0xFFFFE060] =	vst v9;
	v8 =	vadd.f32 v8, v13  }
0x2b4: {  	[tilespmem:s18+$0xFFFFE000] =	vst v7;
	v7 =	vadd.f32 v12, v6;
	v9 =	vld [tilespmem:s21+$0xFFFFE260]  }
0x2b5: {  	v12 =	vld [tilespmem:s21+$0xFFFFE200];
	v11 =	vadd.f32 v11, v1;
	[tilespmem:s18+$0x70] =	vst v8  }
0x2b6: {  	[tilespmem:s18+$0xFFFFE210] =	vst v7;
	v7 =	vadd.f32 v15, v2;
	v8 =	vld [tilespmem:s21+$0x270]  }
0x2b7: {  	v15 =	vld [tilespmem:s21+$0x10];
	[tilespmem:s18+$0xFFFFE220] =	vst v11;
	v10 =	vadd.f32 v10, v3  }
0x2b8: {  	v11 =	vld [tilespmem:s21+$0x20];
	[tilespmem:s18+$0xFFFFE230] =	vst v7;
	v7 =	vadd.f32 v16, v4  }
0x2b9: {  	v16 =	vld [tilespmem:s21+$0x30];
	[tilespmem:s18+$0xFFFFE240] =	vst v10;
	v9 =	vadd.f32 v9, v5  }
0x2ba: {  	v10 =	vadd.f32 v12, v14;
	v12 =	vld [tilespmem:s21+$0x40];
	[tilespmem:s18+$0xFFFFE250] =	vst v7  }
0x2bb: {  	v7 =	vld [tilespmem:s21+$0x50];
	[tilespmem:s18+$0xFFFFE260] =	vst v9;
	v8 =	vadd.f32 v8, v13  }
0x2bc: {  	[tilespmem:s18+$0xFFFFE200] =	vst v10;
	v9 =	vadd.f32 v15, v6;
	v13 =	vld [tilespmem:s21+$0x60]  }
0x2bd: {  	v15 =	vld [tilespmem:s21+$0x0];
	v10 =	vadd.f32 v11, v1;
	[tilespmem:s18+$0x270] =	vst v8  }
0x2be: {  	[tilespmem:s18+$0x10] =	vst v9;
	v8 =	vadd.f32 v16, v2;
	v11 =	vld [tilespmem:s25+$0x200];
	s25 =	smov.u32 s21  }
0x2bf: {  	v16 =	vld [tilespmem:s21+$0x210];
	[tilespmem:s18+$0x20] =	vst v10;
	v9 =	vadd.f32 v12, v3  }
.Ltmp6:
0x2c0: {  	v10 =	vld [tilespmem:s21+$0x220];
	[tilespmem:s18+$0x30] =	vst v8;
	v12 =	vadd.f32 v7, v4;
	(pc) =	sbr.rel @p1 .LBB2_7-.Ltmp6, $4  }
0x2c1: {  	v7 =	vld [tilespmem:s21+$0x230];
	[tilespmem:s18+$0x40] =	vst v9;
	v13 =	vadd.f32 v13, v5  }
0x2c2: {  	v15 =	vadd.f32 v15, v14;
	v8 =	vld [tilespmem:s21+$0x240];
	[tilespmem:s18+$0x50] =	vst v12  }
0x2c3: {  	v9 =	vld [tilespmem:s21+$0x250];
	[tilespmem:s18+$0x60] =	vst v13;
	v12 =	vadd.f32 v11, v0;
	v0 =	vmov v14  }
0x2c4: {  	s26 =	sadd.s32 $0x200, s26;
	[tilespmem:s18+$0x0] =	vst v15;
	v6 =	vadd.f32 v16, v6;
	v11 =	vld [tilespmem:s21+$0x260]  }
0x2c5: {  	v1 =	vadd.f32 v10, v1;
	[tilespmem:s14+$0x200] =	vst v12;
	v10 =	vld [tilespmem:s25+$0x200]  }
0x2c6: {  	[tilespmem:s18+$0x210] =	vst v6;
	v2 =	vadd.f32 v7, v2  }
0x2c7: {  	[tilespmem:s18+$0x220] =	vst v1;
	v1 =	vadd.f32 v8, v3  }
0x2c8: {  	[tilespmem:s18+$0x230] =	vst v2;
	v2 =	vadd.f32 v9, v4  }
0x2c9: {  	[tilespmem:s18+$0x240] =	vst v1;
	v1 =	vadd.f32 v11, v5  }
0x2ca: {  	[tilespmem:s18+$0x250] =	vst v2;
	v0 =	vadd.f32 v10, v0  }
0x2cb: {  	[tilespmem:s18+$0x260] =	vst v1  }
0x2cc: {  	[tilespmem:s18+$0x200] =	vst v0  }
0x2cd: {  	v0 =	vld [tilespmem:s22+$0x0]  }
0x2ce: {  	v1 =	vld [tilespmem:s3+$0xFFFFE070]  }
0x2cf: {  	v2 =	vld [tilespmem:s3+$0xFFFFE000]  }
0x2d0: {  	v3 =	vld [tilespmem:s22+$0xFFFFFFA0]  }
0x2d1: {  	v4 =	vld [tilespmem:s3+$0xFFFFE010]  }
0x2d2: {  	v5 =	vld [tilespmem:s22+$0xFFFFFFB0]  }
0x2d3: {  	v6 =	vld [tilespmem:s3+$0xFFFFE020]  }
0x2d4: {  	v7 =	vld [tilespmem:s22+$0xFFFFFFC0]  }
0x2d5: {  	v8 =	vld [tilespmem:s3+$0xFFFFE030]  }
0x2d6: {  	v9 =	vld [tilespmem:s22+$0xFFFFFFD0]  }
0x2d7: {  	v10 =	vld [tilespmem:s3+$0xFFFFE040]  }
0x2d8: {  	v11 =	vld [tilespmem:s22+$0xFFFFFFE0]  }
0x2d9: {  	v12 =	vld [tilespmem:s3+$0xFFFFE050]  }
0x2da: {  	s21 =	simm.s32 $0x103F0;
	v13 =	vld [tilespmem:s22+$0xFFFFFFF0]  }
0x2db: {  	s18 =	simm.s32 $0x2580;
	v18 =	vld [tilespmem:s21+$0x0]  }
0x2dc: {  	v19 =	vld [tilespmem:s18+$0xFFFFE000]  }
0x2dd: {  	v20 =	vld [tilespmem:s21+$0xFFFFFFA0];
	v1 =	vadd.f32 v1, v0  }
0x2de: {  	v21 =	vld [tilespmem:s18+$0xFFFFE010]  }
0x2df: {  	[tilespmem:s12+$0xFFFFE070] =	vst v1;
	v1 =	vadd.f32 v4, v3;
	v4 =	vld [tilespmem:s3+$0xFFFFE060]  }
0x2e0: {  	v15 =	vadd.f32 v6, v5;
	v14 =	vld [tilespmem:s3+$0xFFFFE270]  }
0x2e1: {  	v6 =	vld [tilespmem:s22+$0xFFFFFF90];
	[tilespmem:s12+$0xFFFFE010] =	vst v1;
	v1 =	vadd.f32 v8, v7  }
0x2e2: {  	[tilespmem:s12+$0xFFFFE020] =	vst v15;
	v8 =	vadd.f32 v10, v9;
	v10 =	vld [tilespmem:s3+$0xFFFFE210]  }
0x2e3: {  	[tilespmem:s12+$0xFFFFE030] =	vst v1;
	v1 =	vadd.f32 v12, v11;
	v12 =	vld [tilespmem:s3+$0xFFFFE220]  }
0x2e4: {  	[tilespmem:s12+$0xFFFFE040] =	vst v8;
	v8 =	vld [tilespmem:s3+$0xFFFFE230];
	v4 =	vadd.f32 v4, v13  }
0x2e5: {  	v14 =	vadd.f32 v14, v0;
	[tilespmem:s12+$0xFFFFE050] =	vst v1;
	v1 =	vld [tilespmem:s3+$0xFFFFE240]  }
0x2e6: {  	v2 =	vadd.f32 v2, v6;
	v15 =	vld [tilespmem:s3+$0xFFFFE250];
	[tilespmem:s12+$0xFFFFE060] =	vst v4  }
0x2e7: {  	[tilespmem:s12+$0xFFFFE270] =	vst v14;
	v4 =	vadd.f32 v10, v3;
	v10 =	vld [tilespmem:s3+$0xFFFFE260]  }
0x2e8: {  	[tilespmem:s12+$0xFFFFE000] =	vst v2;
	v14 =	vld [tilespmem:s3+$0x70];
	v2 =	vadd.f32 v12, v5  }
0x2e9: {  	v12 =	vld [tilespmem:s3+$0xFFFFE200];
	[tilespmem:s12+$0xFFFFE210] =	vst v4;
	v4 =	vadd.f32 v8, v7  }
0x2ea: {  	v8 =	vld [tilespmem:s3+$0x10];
	[tilespmem:s12+$0xFFFFE220] =	vst v2;
	v1 =	vadd.f32 v1, v9  }
0x2eb: {  	v2 =	vld [tilespmem:s3+$0x20];
	[tilespmem:s12+$0xFFFFE230] =	vst v4;
	v4 =	vadd.f32 v15, v11  }
0x2ec: {  	v15 =	vld [tilespmem:s3+$0x30];
	[tilespmem:s12+$0xFFFFE240] =	vst v1;
	v1 =	vadd.f32 v10, v13  }
0x2ed: {  	v10 =	vadd.f32 v14, v0;
	v14 =	vld [tilespmem:s3+$0x40];
	[tilespmem:s12+$0xFFFFE250] =	vst v4  }
0x2ee: {  	v4 =	vadd.f32 v12, v6;
	v12 =	vld [tilespmem:s3+$0x50];
	[tilespmem:s12+$0xFFFFE260] =	vst v1  }
0x2ef: {  	[tilespmem:s12+$0x70] =	vst v10;
	v1 =	vadd.f32 v8, v3;
	v8 =	vld [tilespmem:s3+$0x60]  }
0x2f0: {  	[tilespmem:s12+$0xFFFFE200] =	vst v4;
	v10 =	vld [tilespmem:s3+$0x270];
	v2 =	vadd.f32 v2, v5  }
0x2f1: {  	v4 =	vld [tilespmem:s3+$0x0];
	[tilespmem:s12+$0x10] =	vst v1;
	v1 =	vadd.f32 v15, v7  }
0x2f2: {  	v15 =	vld [tilespmem:s3+$0x210];
	[tilespmem:s12+$0x20] =	vst v2;
	v2 =	vadd.f32 v14, v9  }
0x2f3: {  	v14 =	vld [tilespmem:s3+$0x220];
	[tilespmem:s12+$0x30] =	vst v1  }
0x2f4: {  	v1 =	vadd.f32 v12, v11;
	v12 =	vld [tilespmem:s3+$0x230];
	[tilespmem:s12+$0x40] =	vst v2  }
0x2f5: {  	v2 =	vadd.f32 v8, v13;
	v8 =	vld [tilespmem:s3+$0x240]  }
0x2f6: {  	[tilespmem:s12+$0x50] =	vst v1;
	v1 =	vld [tilespmem:s21+$0xFFFFFFB0]  }
0x2f7: {  	[tilespmem:s12+$0x60] =	vst v2;
	v2 =	vld [tilespmem:s18+$0xFFFFE070]  }
0x2f8: {  	v0 =	vadd.f32 v10, v0;
	v10 =	vld [tilespmem:s18+$0xFFFFE020]  }
0x2f9: {  	v16 =	vld [tilespmem:s3+$0x250]  }
0x2fa: {  	v17 =	vld [tilespmem:s3+$0x260];
	v3 =	vadd.f32 v15, v3  }
0x2fb: {  	[tilespmem:s12+$0x270] =	vst v0;
	v0 =	vadd.f32 v4, v6;
	v15 =	vld [tilespmem:s18+$0xFFFFE030]  }
0x2fc: {  	[tilespmem:s12+$0x210] =	vst v3;
	v3 =	vld [tilespmem:s21+$0xFFFFFFD0];
	v22 =	vadd.f32 v2, v18  }
0x2fd: {  	s14 =	simm.s32 $0xA580;
	[tilespmem:s12+$0x0] =	vst v0;
	v0 =	vadd.f32 v14, v5;
	v4 =	vadd.f32 v12, v7;
	v7 =	vld [tilespmem:s18+$0xFFFFE040]  }
0x2fe: {  	v12 =	vld [tilespmem:s18+$0xFFFFE060];
	[tilespmem:s14+$0xFFFFE070] =	vst v22  }
0x2ff: {  	v10 =	vadd.f32 v10, v1;
	[tilespmem:s12+$0x220] =	vst v0;
	v14 =	vld [tilespmem:s18+$0xFFFFE270]  }
0x300: {  	v2 =	vld [tilespmem:s21+$0xFFFFFFC0];
	v0 =	vadd.f32 v8, v9;
	[tilespmem:s12+$0x230] =	vst v4  }
0x301: {  	v5 =	vadd.f32 v16, v11;
	v4 =	vld [tilespmem:s21+$0xFFFFFFE0];
	[tilespmem:s14+$0xFFFFE020] =	vst v10  }
0x302: {  	v8 =	vld [tilespmem:s18+$0xFFFFE050];
	[tilespmem:s12+$0x240] =	vst v0;
	v0 =	vadd.f32 v17, v13  }
0x303: {  	v11 =	vadd.f32 v21, v20;
	[tilespmem:s12+$0x250] =	vst v5;
	v5 =	vld [tilespmem:s21+$0xFFFFFFF0]  }
0x304: {  	[tilespmem:s12+$0x260] =	vst v0;
	v0 =	vld [tilespmem:s21+$0xFFFFFF90];
	v9 =	vadd.f32 v14, v18  }
0x305: {  	[tilespmem:s14+$0xFFFFE010] =	vst v11;
	v7 =	vadd.f32 v7, v3  }
0x306: {  	v10 =	vld [tilespmem:s18+$0xFFFFE210];
	[tilespmem:s14+$0xFFFFE270] =	vst v9;
	v9 =	vadd.f32 v15, v2  }
0x307: {  	v8 =	vadd.f32 v8, v4;
	[tilespmem:s14+$0xFFFFE040] =	vst v7;
	v11 =	vld [tilespmem:s18+$0x70]  }
0x308: {  	v12 =	vadd.f32 v12, v5;
	[tilespmem:s14+$0xFFFFE030] =	vst v9;
	v9 =	vld [tilespmem:s18+$0xFFFFE220]  }
0x309: {  	[tilespmem:s14+$0xFFFFE050] =	vst v8;
	v8 =	vadd.f32 v19, v0;
	v7 =	vld [tilespmem:s18+$0xFFFFE230]  }
0x30a: {  	v13 =	vld [tilespmem:s18+$0xFFFFE240];
	[tilespmem:s14+$0xFFFFE060] =	vst v12  }
0x30b: {  	v14 =	vld [tilespmem:s18+$0xFFFFE250];
	[tilespmem:s14+$0xFFFFE000] =	vst v8;
	v8 =	vadd.f32 v10, v20  }
0x30c: {  	v10 =	vld [tilespmem:s18+$0xFFFFE260];
	v11 =	vadd.f32 v11, v18  }
0x30d: {  	v12 =	vld [tilespmem:s18+$0xFFFFE200];
	[tilespmem:s14+$0xFFFFE210] =	vst v8;
	v9 =	vadd.f32 v9, v1  }
0x30e: {  	[tilespmem:s14+$0x70] =	vst v11;
	v7 =	vadd.f32 v7, v2;
	v11 =	vld [tilespmem:s18+$0x10]  }
0x30f: {  	v8 =	vld [tilespmem:s18+$0x270];
	[tilespmem:s14+$0xFFFFE220] =	vst v9;
	v9 =	vadd.f32 v13, v3  }
0x310: {  	v13 =	vld [tilespmem:s18+$0x20];
	[tilespmem:s14+$0xFFFFE230] =	vst v7;
	v7 =	vadd.f32 v14, v4  }
0x311: {  	v14 =	vld [tilespmem:s18+$0x30];
	[tilespmem:s14+$0xFFFFE240] =	vst v9;
	v9 =	vadd.f32 v10, v5  }
0x312: {  	v10 =	vadd.f32 v12, v0;
	v12 =	vld [tilespmem:s18+$0x40];
	[tilespmem:s14+$0xFFFFE250] =	vst v7  }
0x313: {  	v7 =	vld [tilespmem:s18+$0x50];
	[tilespmem:s14+$0xFFFFE260] =	vst v9;
	v9 =	vadd.f32 v11, v20  }
0x314: {  	[tilespmem:s14+$0xFFFFE200] =	vst v10;
	v8 =	vadd.f32 v8, v18;
	v11 =	vld [tilespmem:s18+$0x60]  }
0x315: {  	v15 =	vld [tilespmem:s18+$0x0];
	v10 =	vadd.f32 v13, v1;
	[tilespmem:s14+$0x10] =	vst v9  }
0x316: {  	v13 =	vld [tilespmem:s3+$0x200];
	[tilespmem:s14+$0x270] =	vst v8;
	v8 =	vadd.f32 v14, v2  }
0x317: {  	v14 =	vld [tilespmem:s18+$0x210];
	[tilespmem:s14+$0x20] =	vst v10;
	v9 =	vadd.f32 v12, v3  }
0x318: {  	v10 =	vld [tilespmem:s18+$0x220];
	[tilespmem:s14+$0x30] =	vst v8;
	v8 =	vadd.f32 v7, v4  }
0x319: {  	v7 =	vld [tilespmem:s18+$0x230];
	[tilespmem:s14+$0x40] =	vst v9;
	v11 =	vadd.f32 v11, v5  }
0x31a: {  	v15 =	vadd.f32 v15, v0;
	v9 =	vld [tilespmem:s18+$0x240];
	[tilespmem:s14+$0x50] =	vst v8  }
0x31b: {  	v12 =	vadd.f32 v13, v6;
	v8 =	vld [tilespmem:s18+$0x250];
	[tilespmem:s14+$0x60] =	vst v11  }
0x31c: {  	s22 =	simm.s32 $0x105F0;
	s21 =	simm.s32 $0x2580;
	s3 =	simm.s32 $0x80;
	[tilespmem:s14+$0x0] =	vst v15;
	v6 =	vadd.f32 v14, v20;
	v11 =	vld [tilespmem:s18+$0x260]  }
.LBB2_9:
0x31d: {  	v13 =	vld [tilespmem:s22+$0x0];
	v1 =	vadd.f32 v10, v1;
	s18 =	sadd.s32 $0x400, s18;
	[tilespmem:s12+$0x200] =	vst v12;
	s12 =	smov.u32 s14  }
0x31e: {  	s3 =	sadd.s32 $0x80, s3;
	v10 =	vld [tilespmem:s18+$0xFFFFE070];
	[tilespmem:s14+$0x210] =	vst v6;
	v2 =	vadd.f32 v7, v2  }
0x31f: {  	p1 =	slt.u32 s3, $0x380;
	v7 =	vld [tilespmem:s18+$0xFFFFE000];
	[tilespmem:s14+$0x220] =	vst v1;
	v1 =	vadd.f32 v9, v3  }
0x320: {  	v6 =	vld [tilespmem:s22+$0xFFFFFFA0];
	[tilespmem:s14+$0x230] =	vst v2;
	v2 =	vadd.f32 v8, v4  }
0x321: {  	v3 =	vld [tilespmem:s18+$0xFFFFE010];
	[tilespmem:s14+$0x240] =	vst v1;
	v4 =	vadd.f32 v11, v5  }
0x322: {  	v1 =	vld [tilespmem:s22+$0xFFFFFFB0];
	[tilespmem:s14+$0x250] =	vst v2  }
0x323: {  	v5 =	vld [tilespmem:s18+$0xFFFFE020];
	v8 =	vadd.f32 v10, v13;
	[tilespmem:s14+$0x260] =	vst v4  }
0x324: {  	s14 =	sadd.s32 $0x400, s14;
	v2 =	vld [tilespmem:s22+$0xFFFFFFC0]  }
0x325: {  	v9 =	vld [tilespmem:s18+$0xFFFFE030];
	[tilespmem:s14+$0xFFFFE070] =	vst v8  }
0x326: {  	v4 =	vadd.f32 v3, v6;
	v8 =	vld [tilespmem:s18+$0xFFFFE270]  }
0x327: {  	v3 =	vld [tilespmem:s22+$0xFFFFFFD0]  }
0x328: {  	[tilespmem:s14+$0xFFFFE010] =	vst v4;
	v5 =	vadd.f32 v5, v1;
	v10 =	vld [tilespmem:s18+$0xFFFFE040]  }
0x329: {  	v4 =	vld [tilespmem:s22+$0xFFFFFFE0]  }
0x32a: {  	[tilespmem:s14+$0xFFFFE020] =	vst v5;
	v9 =	vadd.f32 v9, v2;
	v11 =	vld [tilespmem:s18+$0xFFFFE050]  }
0x32b: {  	v5 =	vld [tilespmem:s22+$0xFFFFFFF0];
	v8 =	vadd.f32 v8, v13  }
0x32c: {  	[tilespmem:s14+$0xFFFFE030] =	vst v9;
	v9 =	vld [tilespmem:s18+$0xFFFFE060]  }
0x32d: {  	v14 =	vld [tilespmem:s22+$0xFFFFFF90];
	v10 =	vadd.f32 v10, v3;
	[tilespmem:s14+$0xFFFFE270] =	vst v8  }
0x32e: {  	v8 =	vld [tilespmem:s18+$0x70]  }
0x32f: {  	v12 =	vld [tilespmem:s18+$0xFFFFE210];
	[tilespmem:s14+$0xFFFFE040] =	vst v10;
	v10 =	vadd.f32 v11, v4  }
0x330: {  	v11 =	vld [tilespmem:s18+$0xFFFFE220]  }
0x331: {  	v15 =	vld [tilespmem:s18+$0xFFFFE230];
	[tilespmem:s14+$0xFFFFE050] =	vst v10;
	v9 =	vadd.f32 v9, v5  }
0x332: {  	v7 =	vadd.f32 v7, v14;
	v10 =	vld [tilespmem:s18+$0xFFFFE240]  }
0x333: {  	v16 =	vld [tilespmem:s18+$0xFFFFE250];
	[tilespmem:s14+$0xFFFFE060] =	vst v9;
	v8 =	vadd.f32 v8, v13  }
0x334: {  	[tilespmem:s14+$0xFFFFE000] =	vst v7;
	v7 =	vadd.f32 v12, v6;
	v9 =	vld [tilespmem:s18+$0xFFFFE260]  }
0x335: {  	v12 =	vld [tilespmem:s18+$0xFFFFE200];
	v11 =	vadd.f32 v11, v1;
	[tilespmem:s14+$0x70] =	vst v8  }
0x336: {  	[tilespmem:s14+$0xFFFFE210] =	vst v7;
	v7 =	vadd.f32 v15, v2;
	v8 =	vld [tilespmem:s18+$0x270]  }
0x337: {  	v15 =	vld [tilespmem:s18+$0x10];
	[tilespmem:s14+$0xFFFFE220] =	vst v11;
	v10 =	vadd.f32 v10, v3  }
0x338: {  	v11 =	vld [tilespmem:s18+$0x20];
	[tilespmem:s14+$0xFFFFE230] =	vst v7;
	v7 =	vadd.f32 v16, v4  }
0x339: {  	v16 =	vld [tilespmem:s18+$0x30];
	[tilespmem:s14+$0xFFFFE240] =	vst v10;
	v9 =	vadd.f32 v9, v5  }
0x33a: {  	v10 =	vadd.f32 v12, v14;
	v12 =	vld [tilespmem:s18+$0x40];
	[tilespmem:s14+$0xFFFFE250] =	vst v7  }
0x33b: {  	v7 =	vld [tilespmem:s18+$0x50];
	[tilespmem:s14+$0xFFFFE260] =	vst v9;
	v8 =	vadd.f32 v8, v13  }
0x33c: {  	[tilespmem:s14+$0xFFFFE200] =	vst v10;
	v9 =	vadd.f32 v15, v6;
	v13 =	vld [tilespmem:s18+$0x60]  }
0x33d: {  	v15 =	vld [tilespmem:s18+$0x0];
	v10 =	vadd.f32 v11, v1;
	[tilespmem:s14+$0x270] =	vst v8  }
0x33e: {  	[tilespmem:s14+$0x10] =	vst v9;
	v8 =	vadd.f32 v16, v2;
	v11 =	vld [tilespmem:s21+$0x200];
	s21 =	smov.u32 s18  }
0x33f: {  	v16 =	vld [tilespmem:s18+$0x210];
	[tilespmem:s14+$0x20] =	vst v10;
	v9 =	vadd.f32 v12, v3  }
.Ltmp7:
0x340: {  	v10 =	vld [tilespmem:s18+$0x220];
	[tilespmem:s14+$0x30] =	vst v8;
	v8 =	vadd.f32 v7, v4;
	(pc) =	sbr.rel @p1 .LBB2_9-.Ltmp7, $4  }
0x341: {  	v7 =	vld [tilespmem:s18+$0x230];
	[tilespmem:s14+$0x40] =	vst v9;
	v12 =	vadd.f32 v13, v5  }
0x342: {  	v13 =	vadd.f32 v15, v14;
	v9 =	vld [tilespmem:s18+$0x240];
	[tilespmem:s14+$0x50] =	vst v8  }
0x343: {  	v8 =	vld [tilespmem:s18+$0x250];
	[tilespmem:s14+$0x60] =	vst v12;
	v12 =	vadd.f32 v11, v0;
	v0 =	vmov v14  }
0x344: {  	s22 =	sadd.s32 $0x200, s22;
	[tilespmem:s14+$0x0] =	vst v13;
	v6 =	vadd.f32 v16, v6;
	v11 =	vld [tilespmem:s18+$0x260]  }
0x345: {  	v1 =	vadd.f32 v10, v1;
	[tilespmem:s12+$0x200] =	vst v12;
	v60 =	vld [tilespmem:s21+$0x200]  }
0x346: {  	[tilespmem:s14+$0x210] =	vst v6;
	v2 =	vadd.f32 v7, v2  }
0x347: {  	p1 =	seq.s32 s0, $0x1F;
	[tilespmem:s14+$0x220] =	vst v1;
	v61 =	vadd.f32 v9, v3  }
.Ltmp8:
0x348: {  	[tilespmem:s14+$0x230] =	vst v2;
	v62 =	vadd.f32 v8, v4;
	(pc) =	sbr.rel @p1 .LBB2_12-.Ltmp8, $4  }
0x349: {  	[tilespmem:s14+$0x240] =	vst v61;
	v63 =	vadd.f32 v11, v5  }
0x34a: {  	[tilespmem:s14+$0x250] =	vst v62;
	v0 =	vadd.f32 v60, v0  }
0x34b: {  	[tilespmem:s14+$0x260] =	vst v63  }
0x34c: {  	[tilespmem:s14+$0x200] =	vst v0  }
0x34d: {  	s3 =	sadd.s32 s9, s13  }
0x34e: {  	s3 =	sshrl.u32 s3, $0x3  }
0x34f: {  	s12 =	sadd.s32 s1, s3  }
0x350: {  	[tilespmem:s5], [sflag:$0x1] =	stream.linear.gather [hbm4b:s12+s5], $0x200, $0x38;
	[tilespmem:$0x12000] =	vst v63  }
0x351: {  	s14 =	sadd.s32 $0x80, s12  }
0x352: {  	[tilespmem:s10], [sflag:$0x1] =	stream.linear.gather [hbm4b:s14+s5], $0x200, $0x38;
	[tilespmem:$0x12000] =	vst v63  }
0x353: {  	s18 =	simm.s32 $0x800;
	s24 =	sadd.s32 $0x100, s12  }
0x354: {  	[tilespmem:s18], [sflag:$0x1] =	stream.linear.gather [hbm4b:s24+s5], $0x200, $0x38;
	[tilespmem:$0x12000] =	vst v63  }
0x355: {  	s26 =	simm.s32 $0xC00;
	s25 =	sadd.s32 $0x180, s12  }
0x356: {  	[tilespmem:s26], [sflag:$0x1] =	stream.linear.gather [hbm4b:s25+s5], $0x200, $0x38;
	[tilespmem:$0x12000] =	vst v63  }
0x357: {  	s21 =	simm.s32 $0x1000;
	s18 =	sadd.s32 $0x200, s12  }
0x358: {  	[tilespmem:s21], [sflag:$0x1] =	stream.linear.gather [hbm4b:s18+s5], $0x200, $0x38;
	[tilespmem:$0x12000] =	vst v63  }
0x359: {  	s22 =	sadd.s32 $0x280, s12;
	s24 =	simm.s32 $0x1400  }
0x35a: {  	[tilespmem:s24], [sflag:$0x1] =	stream.linear.gather [hbm4b:s22+s5], $0x200, $0x38;
	[tilespmem:$0x12000] =	vst v63  }
0x35b: {  	s25 =	sadd.s32 $0x300, s12;
	s26 =	simm.s32 $0x1800  }
0x35c: {  	[tilespmem:s26], [sflag:$0x1] =	stream.linear.gather [hbm4b:s25+s5], $0x200, $0x38;
	[tilespmem:$0x12000] =	vst v63  }
0x35d: {  	s21 =	sadd.s32 $0x380, s12;
	s22 =	simm.s32 $0x1C00  }
0x35e: {  	[tilespmem:s22], [sflag:$0x1] =	stream.linear.gather [hbm4b:s21+s5], $0x200, $0x38;
	[tilespmem:$0x12000] =	vst v63  }
0x35f: {  	s14 =	sadd.s32 $0x100000, s12  }
0x360: {  	[tilespmem:s19], [sflag:$0x1] =	stream.linear.gather [hbm4b:s14+s5], $0x200, $0x38;
	[tilespmem:$0x12000] =	vst v63  }
0x361: {  	s24 =	sadd.s32 $0x80, s14;
	s21 =	simm.s32 $0x600  }
0x362: {  	[tilespmem:s21], [sflag:$0x1] =	stream.linear.gather [hbm4b:s24+s5], $0x200, $0x38;
	[tilespmem:$0x12000] =	vst v63  }
0x363: {  	s25 =	sadd.s32 $0x100, s14;
	s26 =	simm.s32 $0xA00  }
0x364: {  	[tilespmem:s26], [sflag:$0x1] =	stream.linear.gather [hbm4b:s25+s5], $0x200, $0x38;
	[tilespmem:$0x12000] =	vst v63  }
0x365: {  	s22 =	sadd.s32 $0x180, s14;
	s24 =	simm.s32 $0xE00  }
0x366: {  	[tilespmem:s24], [sflag:$0x1] =	stream.linear.gather [hbm4b:s22+s5], $0x200, $0x38;
	[tilespmem:$0x12000] =	vst v63  }
0x367: {  	s25 =	sadd.s32 $0x200, s14;
	s26 =	simm.s32 $0x1200  }
0x368: {  	[tilespmem:s26], [sflag:$0x1] =	stream.linear.gather [hbm4b:s25+s5], $0x200, $0x38;
	[tilespmem:$0x12000] =	vst v63  }
0x369: {  	s21 =	sadd.s32 $0x280, s14;
	s22 =	simm.s32 $0x1600  }
0x36a: {  	[tilespmem:s22], [sflag:$0x1] =	stream.linear.gather [hbm4b:s21+s5], $0x200, $0x38;
	[tilespmem:$0x12000] =	vst v63  }
0x36b: {  	s24 =	sadd.s32 $0x300, s14;
	s25 =	simm.s32 $0x1A00  }
0x36c: {  	[tilespmem:s25], [sflag:$0x1] =	stream.linear.gather [hbm4b:s24+s5], $0x200, $0x38;
	[tilespmem:$0x12000] =	vst v63  }
0x36d: {  	s18 =	sor.u32 $0x200000, s3;
	s14 =	sadd.s32 $0x380, s14;
	s26 =	simm.s32 $0x1E00  }
0x36e: {  	[tilespmem:s26], [sflag:$0x1] =	stream.linear.gather [hbm4b:s14+s5], $0x200, $0x38;
	[tilespmem:$0x12000] =	vst v63  }
0x36f: {  	s21 =	simm.s32 $0x2000;
	s14 =	sadd.s32 s1, s18  }
0x370: {  	[tilespmem:s21], [sflag:$0x1] =	stream.linear.gather [hbm4b:s14+s5], $0x200, $0x38;
	[tilespmem:$0x12000] =	vst v63  }
0x371: {  	s24 =	simm.s32 $0x2400;
	s22 =	sadd.s32 $0x80, s14  }
0x372: {  	[tilespmem:s24], [sflag:$0x1] =	stream.linear.gather [hbm4b:s22+s5], $0x200, $0x38;
	[tilespmem:$0x12000] =	vst v63  }
0x373: {  	s26 =	simm.s32 $0x2800;
	s25 =	sadd.s32 $0x100, s14  }
0x374: {  	[tilespmem:s26], [sflag:$0x1] =	stream.linear.gather [hbm4b:s25+s5], $0x200, $0x38;
	[tilespmem:$0x12000] =	vst v63  }
0x375: {  	s22 =	sadd.s32 $0x180, s14;
	s24 =	simm.s32 $0x2C00  }
0x376: {  	[tilespmem:s24], [sflag:$0x1] =	stream.linear.gather [hbm4b:s22+s5], $0x200, $0x38;
	[tilespmem:$0x12000] =	vst v63  }
0x377: {  	s25 =	sadd.s32 $0x200, s14;
	s26 =	simm.s32 $0x3000  }
0x378: {  	[tilespmem:s26], [sflag:$0x1] =	stream.linear.gather [hbm4b:s25+s5], $0x200, $0x38;
	[tilespmem:$0x12000] =	vst v63  }
0x379: {  	s21 =	sadd.s32 $0x280, s14;
	s22 =	simm.s32 $0x3400  }
0x37a: {  	[tilespmem:s22], [sflag:$0x1] =	stream.linear.gather [hbm4b:s21+s5], $0x200, $0x38;
	[tilespmem:$0x12000] =	vst v63  }
0x37b: {  	s24 =	sadd.s32 $0x300, s14;
	s25 =	simm.s32 $0x3800  }
0x37c: {  	[tilespmem:s25], [sflag:$0x1] =	stream.linear.gather [hbm4b:s24+s5], $0x200, $0x38;
	[tilespmem:$0x12000] =	vst v63  }
0x37d: {  	s14 =	sadd.s32 $0x380, s14;
	s26 =	simm.s32 $0x3C00  }
0x37e: {  	[tilespmem:s26], [sflag:$0x1] =	stream.linear.gather [hbm4b:s14+s5], $0x200, $0x38;
	[tilespmem:$0x12000] =	vst v63  }
0x37f: {  	s12 =	sadd.s32 $0x300000, s12;
	s21 =	simm.s32 $0x2200  }
0x380: {  	[tilespmem:s21], [sflag:$0x1] =	stream.linear.gather [hbm4b:s12+s5], $0x200, $0x38;
	[tilespmem:$0x12000] =	vst v63  }
0x381: {  	s22 =	sadd.s32 $0x80, s12;
	s24 =	simm.s32 $0x2600  }
0x382: {  	[tilespmem:s24], [sflag:$0x1] =	stream.linear.gather [hbm4b:s22+s5], $0x200, $0x38;
	[tilespmem:$0x12000] =	vst v63  }
0x383: {  	s25 =	sadd.s32 $0x100, s12;
	s26 =	simm.s32 $0x2A00  }
0x384: {  	[tilespmem:s26], [sflag:$0x1] =	stream.linear.gather [hbm4b:s25+s5], $0x200, $0x38;
	[tilespmem:$0x12000] =	vst v63  }
0x385: {  	s18 =	sadd.s32 $0x180, s12;
	s21 =	simm.s32 $0x2E00  }
0x386: {  	[tilespmem:s21], [sflag:$0x1] =	stream.linear.gather [hbm4b:s18+s5], $0x200, $0x38;
	[tilespmem:$0x12000] =	vst v63  }
0x387: {  	s22 =	sadd.s32 $0x200, s12;
	s24 =	simm.s32 $0x3200  }
0x388: {  	[tilespmem:s24], [sflag:$0x1] =	stream.linear.gather [hbm4b:s22+s5], $0x200, $0x38;
	[tilespmem:$0x12000] =	vst v63  }
0x389: {  	s25 =	sadd.s32 $0x280, s12;
	s26 =	simm.s32 $0x3600  }
0x38a: {  	[tilespmem:s26], [sflag:$0x1] =	stream.linear.gather [hbm4b:s25+s5], $0x200, $0x38;
	[tilespmem:$0x12000] =	vst v63  }
0x38b: {  	s21 =	sadd.s32 $0x300, s12;
	s22 =	simm.s32 $0x3A00  }
0x38c: {  	[tilespmem:s22], [sflag:$0x1] =	stream.linear.gather [hbm4b:s21+s5], $0x200, $0x38;
	[tilespmem:$0x12000] =	vst v63  }
0x38d: {  	s12 =	sadd.s32 $0x380, s12;
	s24 =	simm.s32 $0x3E00;
	s25 =	rddreg [dreg:$0x1]  }
0x38e: {  	[tilespmem:s24], [sflag:$0x1] =	stream.linear.gather [hbm4b:s12+s5], $0x200, $0x38;
	[tilespmem:$0x12000] =	vst v63  }
0x38f: {  	s26 =	simm.s32 $0x10000;
	s3 =	sadd.s32 s25, s3  }
0x390: {  	[tilespmem:s26], [sflag:$0x5] =	stream.strided.gather [hbm4b:s3+s19], $0x1000, s10, s19, $0x38;
	[tilespmem:$0x12000] =	vst v63  }
.LBB2_12:
0x391: {  	s3 =	sadd.s32 s4, s11;
	s12 =	simm.s32 $0x8000  }
0x392: {  	[hbm4b:s3+s5] =	stream.linear.scatter [tilespmem:s12], [sflag:$0x3], $0x200, $0x38;
	[tilespmem:$0x12000] =	vst v63  }
0x393: {  	s14 =	simm.s32 $0x8400;
	s21 =	sadd.s32 $0x80, s3  }
0x394: {  	[hbm4b:s21+s5] =	stream.linear.scatter [tilespmem:s14], [sflag:$0x3], $0x200, $0x38;
	[tilespmem:$0x12000] =	vst v63  }
0x395: {  	s24 =	simm.s32 $0x8800;
	s22 =	sadd.s32 $0x100, s3  }
0x396: {  	[hbm4b:s22+s5] =	stream.linear.scatter [tilespmem:s24], [sflag:$0x3], $0x200, $0x38;
	[tilespmem:$0x12000] =	vst v63  }
0x397: {  	s26 =	simm.s32 $0x8C00;
	s25 =	sadd.s32 $0x180, s3  }
0x398: {  	[hbm4b:s25+s5] =	stream.linear.scatter [tilespmem:s26], [sflag:$0x3], $0x200, $0x38;
	[tilespmem:$0x12000] =	vst v63  }
0x399: {  	s18 =	sadd.s32 $0x200, s3;
	s21 =	simm.s32 $0x9000  }
0x39a: {  	[hbm4b:s18+s5] =	stream.linear.scatter [tilespmem:s21], [sflag:$0x3], $0x200, $0x38;
	[tilespmem:$0x12000] =	vst v63  }
0x39b: {  	s22 =	sadd.s32 $0x280, s3;
	s24 =	simm.s32 $0x9400  }
0x39c: {  	[hbm4b:s22+s5] =	stream.linear.scatter [tilespmem:s24], [sflag:$0x3], $0x200, $0x38;
	[tilespmem:$0x12000] =	vst v63  }
0x39d: {  	s25 =	sadd.s32 $0x300, s3;
	s26 =	simm.s32 $0x9800  }
0x39e: {  	[hbm4b:s25+s5] =	stream.linear.scatter [tilespmem:s26], [sflag:$0x3], $0x200, $0x38;
	[tilespmem:$0x12000] =	vst v63  }
0x39f: {  	s14 =	simm.s32 $0x9C00;
	s3 =	sadd.s32 $0x380, s3;
	s18 =	sor.u32 $0x100000, s11  }
0x3a0: {  	[hbm4b:s3+s5] =	stream.linear.scatter [tilespmem:s14], [sflag:$0x3], $0x200, $0x38;
	[tilespmem:$0x12000] =	vst v63  }
0x3a1: {  	s21 =	simm.s32 $0x8200;
	s3 =	sadd.s32 s4, s18  }
0x3a2: {  	[hbm4b:s3+s5] =	stream.linear.scatter [tilespmem:s21], [sflag:$0x3], $0x200, $0x38;
	[tilespmem:$0x12000] =	vst v63  }
0x3a3: {  	s24 =	simm.s32 $0x8600;
	s22 =	sadd.s32 $0x80, s3  }
0x3a4: {  	[hbm4b:s22+s5] =	stream.linear.scatter [tilespmem:s24], [sflag:$0x3], $0x200, $0x38;
	[tilespmem:$0x12000] =	vst v63  }
0x3a5: {  	s26 =	simm.s32 $0x8A00;
	s25 =	sadd.s32 $0x100, s3  }
0x3a6: {  	[hbm4b:s25+s5] =	stream.linear.scatter [tilespmem:s26], [sflag:$0x3], $0x200, $0x38;
	[tilespmem:$0x12000] =	vst v63  }
0x3a7: {  	s18 =	sadd.s32 $0x180, s3;
	s21 =	simm.s32 $0x8E00  }
0x3a8: {  	[hbm4b:s18+s5] =	stream.linear.scatter [tilespmem:s21], [sflag:$0x3], $0x200, $0x38;
	[tilespmem:$0x12000] =	vst v63  }
0x3a9: {  	s22 =	sadd.s32 $0x200, s3;
	s24 =	simm.s32 $0x9200  }
0x3aa: {  	[hbm4b:s22+s5] =	stream.linear.scatter [tilespmem:s24], [sflag:$0x3], $0x200, $0x38;
	[tilespmem:$0x12000] =	vst v63  }
0x3ab: {  	s25 =	sadd.s32 $0x280, s3;
	s26 =	simm.s32 $0x9600  }
0x3ac: {  	[hbm4b:s25+s5] =	stream.linear.scatter [tilespmem:s26], [sflag:$0x3], $0x200, $0x38;
	[tilespmem:$0x12000] =	vst v63  }
0x3ad: {  	s14 =	sadd.s32 $0x300, s3;
	s18 =	simm.s32 $0x9A00  }
0x3ae: {  	[hbm4b:s14+s5] =	stream.linear.scatter [tilespmem:s18], [sflag:$0x3], $0x200, $0x38;
	[tilespmem:$0x12000] =	vst v63  }
0x3af: {  	s3 =	sadd.s32 $0x380, s3;
	s21 =	simm.s32 $0x9E00;
	s22 =	sor.u32 $0x200000, s11  }
0x3b0: {  	[hbm4b:s3+s5] =	stream.linear.scatter [tilespmem:s21], [sflag:$0x3], $0x200, $0x38;
	[tilespmem:$0x12000] =	vst v63  }
0x3b1: {  	s24 =	simm.s32 $0xA000;
	s3 =	sadd.s32 s4, s22  }
0x3b2: {  	[hbm4b:s3+s5] =	stream.linear.scatter [tilespmem:s24], [sflag:$0x3], $0x200, $0x38;
	[tilespmem:$0x12000] =	vst v63  }
0x3b3: {  	s26 =	simm.s32 $0xA400;
	s25 =	sadd.s32 $0x80, s3  }
0x3b4: {  	[hbm4b:s25+s5] =	stream.linear.scatter [tilespmem:s26], [sflag:$0x3], $0x200, $0x38;
	[tilespmem:$0x12000] =	vst v63  }
0x3b5: {  	s21 =	simm.s32 $0xA800;
	s18 =	sadd.s32 $0x100, s3  }
0x3b6: {  	[hbm4b:s18+s5] =	stream.linear.scatter [tilespmem:s21], [sflag:$0x3], $0x200, $0x38;
	[tilespmem:$0x12000] =	vst v63  }
0x3b7: {  	s22 =	sadd.s32 $0x180, s3;
	s24 =	simm.s32 $0xAC00  }
0x3b8: {  	[hbm4b:s22+s5] =	stream.linear.scatter [tilespmem:s24], [sflag:$0x3], $0x200, $0x38;
	[tilespmem:$0x12000] =	vst v63  }
0x3b9: {  	s25 =	sadd.s32 $0x200, s3;
	s26 =	simm.s32 $0xB000  }
0x3ba: {  	[hbm4b:s25+s5] =	stream.linear.scatter [tilespmem:s26], [sflag:$0x3], $0x200, $0x38;
	[tilespmem:$0x12000] =	vst v63  }
0x3bb: {  	s18 =	sadd.s32 $0x280, s3;
	s21 =	simm.s32 $0xB400  }
0x3bc: {  	[hbm4b:s18+s5] =	stream.linear.scatter [tilespmem:s21], [sflag:$0x3], $0x200, $0x38;
	[tilespmem:$0x12000] =	vst v63  }
0x3bd: {  	s22 =	sadd.s32 $0x300, s3;
	s24 =	simm.s32 $0xB800  }
0x3be: {  	[hbm4b:s22+s5] =	stream.linear.scatter [tilespmem:s24], [sflag:$0x3], $0x200, $0x38;
	[tilespmem:$0x12000] =	vst v63  }
0x3bf: {  	s3 =	sadd.s32 $0x380, s3;
	s25 =	simm.s32 $0xBC00  }
0x3c0: {  	[hbm4b:s3+s5] =	stream.linear.scatter [tilespmem:s25], [sflag:$0x3], $0x200, $0x38;
	[tilespmem:$0x12000] =	vst v63  }
0x3c1: {  	s26 =	simm.s32 $0xA200;
	s3 =	sadd.s32 s11, s20  }
0x3c2: {  	[hbm4b:s3+s5] =	stream.linear.scatter [tilespmem:s26], [sflag:$0x3], $0x200, $0x38;
	[tilespmem:$0x12000] =	vst v63  }
0x3c3: {  	s14 =	simm.s32 $0xA600;
	s12 =	sadd.s32 $0x80, s3  }
0x3c4: {  	[hbm4b:s12+s5] =	stream.linear.scatter [tilespmem:s14], [sflag:$0x3], $0x200, $0x38;
	[tilespmem:$0x12000] =	vst v63  }
0x3c5: {  	s21 =	simm.s32 $0xAA00;
	s18 =	sadd.s32 $0x100, s3  }
0x3c6: {  	[hbm4b:s18+s5] =	stream.linear.scatter [tilespmem:s21], [sflag:$0x3], $0x200, $0x38;
	[tilespmem:$0x12000] =	vst v63  }
0x3c7: {  	s24 =	simm.s32 $0xAE00;
	s22 =	sadd.s32 $0x180, s3  }
0x3c8: {  	[hbm4b:s22+s5] =	stream.linear.scatter [tilespmem:s24], [sflag:$0x3], $0x200, $0x38;
	[tilespmem:$0x12000] =	vst v63  }
0x3c9: {  	s25 =	sadd.s32 $0x200, s3;
	s26 =	simm.s32 $0xB200  }
0x3ca: {  	[hbm4b:s25+s5] =	stream.linear.scatter [tilespmem:s26], [sflag:$0x3], $0x200, $0x38;
	[tilespmem:$0x12000] =	vst v63  }
0x3cb: {  	s12 =	sadd.s32 $0x280, s3;
	s14 =	simm.s32 $0xB600  }
0x3cc: {  	[hbm4b:s12+s5] =	stream.linear.scatter [tilespmem:s14], [sflag:$0x3], $0x200, $0x38;
	[tilespmem:$0x12000] =	vst v63  }
0x3cd: {  	s18 =	sadd.s32 $0x300, s3;
	s21 =	simm.s32 $0xBA00  }
0x3ce: {  	[hbm4b:s18+s5] =	stream.linear.scatter [tilespmem:s21], [sflag:$0x3], $0x200, $0x38;
	[tilespmem:$0x12000] =	vst v63  }
0x3cf: {  	s3 =	sadd.s32 $0x380, s3;
	s22 =	simm.s32 $0xBE00  }
0x3d0: {  	[hbm4b:s3+s5] =	stream.linear.scatter [tilespmem:s22], [sflag:$0x3], $0x200, $0x38;
	[tilespmem:$0x12000] =	vst v63  }
0x3d1: {  	_ =	swait.ge [sflag:s23], $0x1000  }
0x3d2: {  	[sflag:s23] =	ssyncset.done $0x0  }
0x3d3: {  	[sflag:s23] =	ssyncadd.s32 $0xFFFFF000  }
0x3d4: {  	_ =	swait.ge [sflag:s23], $0x1000  }
0x3d5: {  	[sflag:s23] =	ssyncset.done $0x0  }
0x3d6: {  	[sflag:s23] =	ssyncadd.s32 $0xFFFFF000  }
0x3d7: {  	_ =	swait.ge [sflag:s23], $0x1000  }
0x3d8: {  	[sflag:s23] =	ssyncset.done $0x0  }
0x3d9: {  	[sflag:s23] =	ssyncadd.s32 $0xFFFFF000  }
0x3da: {  	_ =	swait.ge [sflag:s23], $0x1000  }
0x3db: {  	[sflag:s23] =	ssyncset.done $0x0  }
0x3dc: {  	[sflag:s23] =	ssyncadd.s32 $0xFFFFF000  }
0x3dd: {  	_ =	swait.ge [sflag:s6], $0x1000  }
0x3de: {  	[sflag:s6] =	ssyncset.done $0x0  }
0x3df: {  	s3 =	simm.s32 @!p0 $0x4;
	[sflag:s6] =	ssyncadd.s32 $0xFFFFF000  }
0x3e0: {  	_ =	swait.ge @!p0 [sflag:s3], $0x1000  }
0x3e1: {  	[sflag:s3] =	ssyncset.done @!p0 $0x0  }
0x3e2: {  	[sflag:s3] =	ssyncadd.s32 @!p0 $0xFFFFF000  }
0x3e3: {  	_ =	swait.ge @!p0 [sflag:s3], $0x1000  }
0x3e4: {  	[sflag:s3] =	ssyncset.done @!p0 $0x0  }
0x3e5: {  	[sflag:s3] =	ssyncadd.s32 @!p0 $0xFFFFF000  }
0x3e6: {  	_ =	swait.ge @!p0 [sflag:s3], $0x1000  }
0x3e7: {  	[sflag:s3] =	ssyncset.done @!p0 $0x0  }
0x3e8: {  	[sflag:s3] =	ssyncadd.s32 @!p0 $0xFFFFF000  }
0x3e9: {  	_ =	swait.ge @!p0 [sflag:s3], $0x1000  }
0x3ea: {  	[sflag:s3] =	ssyncset.done @!p0 $0x0  }
0x3eb: {  	s24 =	simm.s32 $0x11040;
	[sflag:s3] =	ssyncadd.s32 @!p0 $0xFFFFF000  }
0x3ec: {  	s25 =	simm.s32 $0x6000;
	v0 =	vld [tilespmem:s24+$0x30]  }
0x3ed: {  	v1 =	vld [tilespmem:s25+$0xFFFFE070]  }
0x3ee: {  	v2 =	vld [tilespmem:s25+$0xFFFFE000]  }
0x3ef: {  	v3 =	vld [tilespmem:s24+$0xFFFFFFD0]  }
0x3f0: {  	v4 =	vld [tilespmem:s25+$0xFFFFE010]  }
0x3f1: {  	v5 =	vld [tilespmem:s24+$0xFFFFFFE0]  }
0x3f2: {  	v6 =	vld [tilespmem:s25+$0xFFFFE020]  }
0x3f3: {  	v7 =	vld [tilespmem:s24+$0xFFFFFFF0]  }
0x3f4: {  	v8 =	vld [tilespmem:s25+$0xFFFFE030]  }
0x3f5: {  	v9 =	vld [tilespmem:s24+$0x0]  }
0x3f6: {  	v10 =	vld [tilespmem:s25+$0xFFFFE040]  }
0x3f7: {  	v11 =	vld [tilespmem:s24+$0x10]  }
0x3f8: {  	v12 =	vld [tilespmem:s25+$0xFFFFE050]  }
0x3f9: {  	s26 =	simm.s32 $0x11240;
	v13 =	vld [tilespmem:s24+$0x20]  }
0x3fa: {  	s21 =	simm.s32 $0x6400;
	v18 =	vld [tilespmem:s26+$0x30]  }
0x3fb: {  	v19 =	vld [tilespmem:s21+$0xFFFFE000]  }
0x3fc: {  	v20 =	vld [tilespmem:s26+$0xFFFFFFD0];
	v1 =	vadd.f32 v1, v0  }
0x3fd: {  	s14 =	simm.s32 $0xE000;
	v21 =	vld [tilespmem:s21+$0xFFFFE010]  }
0x3fe: {  	[tilespmem:s14+$0xFFFFE070] =	vst v1;
	v1 =	vadd.f32 v4, v3;
	v4 =	vld [tilespmem:s25+$0xFFFFE060]  }
0x3ff: {  	v15 =	vadd.f32 v6, v5;
	v14 =	vld [tilespmem:s25+$0xFFFFE270]  }
0x400: {  	v6 =	vld [tilespmem:s24+$0xFFFFFFC0];
	[tilespmem:s14+$0xFFFFE010] =	vst v1;
	v1 =	vadd.f32 v8, v7  }
0x401: {  	[tilespmem:s14+$0xFFFFE020] =	vst v15;
	v8 =	vadd.f32 v10, v9;
	v10 =	vld [tilespmem:s25+$0xFFFFE210]  }
0x402: {  	[tilespmem:s14+$0xFFFFE030] =	vst v1;
	v1 =	vadd.f32 v12, v11;
	v12 =	vld [tilespmem:s25+$0xFFFFE220]  }
0x403: {  	[tilespmem:s14+$0xFFFFE040] =	vst v8;
	v8 =	vld [tilespmem:s25+$0xFFFFE230];
	v4 =	vadd.f32 v4, v13  }
0x404: {  	v14 =	vadd.f32 v14, v0;
	[tilespmem:s14+$0xFFFFE050] =	vst v1;
	v1 =	vld [tilespmem:s25+$0xFFFFE240]  }
0x405: {  	v2 =	vadd.f32 v2, v6;
	v15 =	vld [tilespmem:s25+$0xFFFFE250];
	[tilespmem:s14+$0xFFFFE060] =	vst v4  }
0x406: {  	[tilespmem:s14+$0xFFFFE270] =	vst v14;
	v4 =	vadd.f32 v10, v3;
	v10 =	vld [tilespmem:s25+$0xFFFFE260]  }
0x407: {  	[tilespmem:s14+$0xFFFFE000] =	vst v2;
	v14 =	vld [tilespmem:s25+$0x70];
	v2 =	vadd.f32 v12, v5  }
0x408: {  	v12 =	vld [tilespmem:s25+$0xFFFFE200];
	[tilespmem:s14+$0xFFFFE210] =	vst v4;
	v4 =	vadd.f32 v8, v7  }
0x409: {  	v8 =	vld [tilespmem:s25+$0x10];
	[tilespmem:s14+$0xFFFFE220] =	vst v2;
	v1 =	vadd.f32 v1, v9  }
0x40a: {  	v2 =	vld [tilespmem:s25+$0x20];
	[tilespmem:s14+$0xFFFFE230] =	vst v4;
	v4 =	vadd.f32 v15, v11  }
0x40b: {  	v15 =	vld [tilespmem:s25+$0x30];
	[tilespmem:s14+$0xFFFFE240] =	vst v1;
	v1 =	vadd.f32 v10, v13  }
0x40c: {  	v10 =	vadd.f32 v14, v0;
	v14 =	vld [tilespmem:s25+$0x40];
	[tilespmem:s14+$0xFFFFE250] =	vst v4  }
0x40d: {  	v4 =	vadd.f32 v12, v6;
	v12 =	vld [tilespmem:s25+$0x50];
	[tilespmem:s14+$0xFFFFE260] =	vst v1  }
0x40e: {  	[tilespmem:s14+$0x70] =	vst v10;
	v1 =	vadd.f32 v8, v3;
	v8 =	vld [tilespmem:s25+$0x60]  }
0x40f: {  	[tilespmem:s14+$0xFFFFE200] =	vst v4;
	v10 =	vld [tilespmem:s25+$0x270];
	v2 =	vadd.f32 v2, v5  }
0x410: {  	v4 =	vld [tilespmem:s25+$0x0];
	[tilespmem:s14+$0x10] =	vst v1;
	v1 =	vadd.f32 v15, v7  }
0x411: {  	v15 =	vld [tilespmem:s25+$0x210];
	[tilespmem:s14+$0x20] =	vst v2;
	v2 =	vadd.f32 v14, v9  }
0x412: {  	v14 =	vld [tilespmem:s25+$0x220];
	[tilespmem:s14+$0x30] =	vst v1  }
0x413: {  	v1 =	vadd.f32 v12, v11;
	v12 =	vld [tilespmem:s25+$0x230];
	[tilespmem:s14+$0x40] =	vst v2  }
0x414: {  	v2 =	vadd.f32 v8, v13;
	v8 =	vld [tilespmem:s25+$0x240]  }
0x415: {  	[tilespmem:s14+$0x50] =	vst v1;
	v1 =	vld [tilespmem:s26+$0xFFFFFFE0]  }
0x416: {  	[tilespmem:s14+$0x60] =	vst v2;
	v2 =	vld [tilespmem:s21+$0xFFFFE070]  }
0x417: {  	v0 =	vadd.f32 v10, v0;
	v10 =	vld [tilespmem:s21+$0xFFFFE020]  }
0x418: {  	v16 =	vld [tilespmem:s25+$0x250]  }
0x419: {  	v17 =	vld [tilespmem:s25+$0x260];
	v3 =	vadd.f32 v15, v3  }
0x41a: {  	[tilespmem:s14+$0x270] =	vst v0;
	v0 =	vadd.f32 v4, v6;
	v15 =	vld [tilespmem:s21+$0xFFFFE030]  }
0x41b: {  	[tilespmem:s14+$0x210] =	vst v3;
	v3 =	vld [tilespmem:s26+$0x0];
	v22 =	vadd.f32 v2, v18  }
0x41c: {  	s18 =	simm.s32 $0xE400;
	[tilespmem:s14+$0x0] =	vst v0;
	v0 =	vadd.f32 v14, v5;
	v4 =	vadd.f32 v12, v7;
	v7 =	vld [tilespmem:s21+$0xFFFFE040]  }
0x41d: {  	v12 =	vld [tilespmem:s21+$0xFFFFE060];
	[tilespmem:s18+$0xFFFFE070] =	vst v22  }
0x41e: {  	v10 =	vadd.f32 v10, v1;
	[tilespmem:s14+$0x220] =	vst v0;
	v14 =	vld [tilespmem:s21+$0xFFFFE270]  }
0x41f: {  	v2 =	vld [tilespmem:s26+$0xFFFFFFF0];
	v0 =	vadd.f32 v8, v9;
	[tilespmem:s14+$0x230] =	vst v4  }
0x420: {  	v5 =	vadd.f32 v16, v11;
	v4 =	vld [tilespmem:s26+$0x10];
	[tilespmem:s18+$0xFFFFE020] =	vst v10  }
0x421: {  	v8 =	vld [tilespmem:s21+$0xFFFFE050];
	[tilespmem:s14+$0x240] =	vst v0;
	v0 =	vadd.f32 v17, v13  }
0x422: {  	v11 =	vadd.f32 v21, v20;
	[tilespmem:s14+$0x250] =	vst v5;
	v5 =	vld [tilespmem:s26+$0x20]  }
0x423: {  	[tilespmem:s14+$0x260] =	vst v0;
	v0 =	vld [tilespmem:s26+$0xFFFFFFC0];
	v9 =	vadd.f32 v14, v18  }
0x424: {  	[tilespmem:s18+$0xFFFFE010] =	vst v11;
	v7 =	vadd.f32 v7, v3  }
0x425: {  	v10 =	vld [tilespmem:s21+$0xFFFFE210];
	[tilespmem:s18+$0xFFFFE270] =	vst v9;
	v9 =	vadd.f32 v15, v2  }
0x426: {  	v8 =	vadd.f32 v8, v4;
	[tilespmem:s18+$0xFFFFE040] =	vst v7;
	v11 =	vld [tilespmem:s21+$0x70]  }
0x427: {  	v12 =	vadd.f32 v12, v5;
	[tilespmem:s18+$0xFFFFE030] =	vst v9;
	v9 =	vld [tilespmem:s21+$0xFFFFE220]  }
0x428: {  	[tilespmem:s18+$0xFFFFE050] =	vst v8;
	v8 =	vadd.f32 v19, v0;
	v7 =	vld [tilespmem:s21+$0xFFFFE230]  }
0x429: {  	v13 =	vld [tilespmem:s21+$0xFFFFE240];
	[tilespmem:s18+$0xFFFFE060] =	vst v12  }
0x42a: {  	v14 =	vld [tilespmem:s21+$0xFFFFE250];
	[tilespmem:s18+$0xFFFFE000] =	vst v8;
	v8 =	vadd.f32 v10, v20  }
0x42b: {  	v10 =	vld [tilespmem:s21+$0xFFFFE260];
	v11 =	vadd.f32 v11, v18  }
0x42c: {  	v12 =	vld [tilespmem:s21+$0xFFFFE200];
	[tilespmem:s18+$0xFFFFE210] =	vst v8;
	v9 =	vadd.f32 v9, v1  }
0x42d: {  	[tilespmem:s18+$0x70] =	vst v11;
	v7 =	vadd.f32 v7, v2;
	v11 =	vld [tilespmem:s21+$0x10]  }
0x42e: {  	v8 =	vld [tilespmem:s21+$0x270];
	[tilespmem:s18+$0xFFFFE220] =	vst v9;
	v9 =	vadd.f32 v13, v3  }
0x42f: {  	v13 =	vld [tilespmem:s21+$0x20];
	[tilespmem:s18+$0xFFFFE230] =	vst v7;
	v7 =	vadd.f32 v14, v4  }
0x430: {  	v14 =	vld [tilespmem:s21+$0x30];
	[tilespmem:s18+$0xFFFFE240] =	vst v9;
	v9 =	vadd.f32 v10, v5  }
0x431: {  	v10 =	vadd.f32 v12, v0;
	v12 =	vld [tilespmem:s21+$0x40];
	[tilespmem:s18+$0xFFFFE250] =	vst v7  }
0x432: {  	v7 =	vld [tilespmem:s21+$0x50];
	[tilespmem:s18+$0xFFFFE260] =	vst v9;
	v9 =	vadd.f32 v11, v20  }
0x433: {  	[tilespmem:s18+$0xFFFFE200] =	vst v10;
	v8 =	vadd.f32 v8, v18;
	v10 =	vld [tilespmem:s21+$0x60]  }
0x434: {  	v11 =	vld [tilespmem:s21+$0x0];
	v13 =	vadd.f32 v13, v1;
	[tilespmem:s18+$0x10] =	vst v9  }
0x435: {  	[tilespmem:s18+$0x270] =	vst v8;
	v8 =	vadd.f32 v14, v2;
	v14 =	vld [tilespmem:s25+$0x200]  }
0x436: {  	v15 =	vld [tilespmem:s21+$0x210];
	[tilespmem:s18+$0x20] =	vst v13;
	v12 =	vadd.f32 v12, v3  }
0x437: {  	v9 =	vld [tilespmem:s21+$0x220];
	[tilespmem:s18+$0x30] =	vst v8;
	v13 =	vadd.f32 v7, v4  }
0x438: {  	v7 =	vld [tilespmem:s21+$0x230];
	[tilespmem:s18+$0x40] =	vst v12;
	v12 =	vadd.f32 v10, v5  }
0x439: {  	s11 =	sor.u32 s7, s9;
	v11 =	vadd.f32 v11, v0;
	v8 =	vld [tilespmem:s21+$0x240];
	[tilespmem:s18+$0x50] =	vst v13  }
0x43a: {  	s12 =	simm.s32 $0xE080;
	s22 =	simm.s32 $0x110F0;
	s3 =	simm.s32 $0x6080;
	v10 =	vld [tilespmem:s21+$0x250];
	[tilespmem:s18+$0x60] =	vst v12;
	v12 =	vadd.f32 v14, v6  }
0x43b: {  	s24 =	simm.s32 $0x80;
	s26 =	simm.s32 $0x11440;
	s25 =	simm.s32 $0x6400;
	[tilespmem:s18+$0x0] =	vst v11;
	v6 =	vadd.f32 v15, v20;
	v11 =	vld [tilespmem:s21+$0x260]  }
.LBB2_13:
0x43c: {  	v13 =	vld [tilespmem:s26+$0x30];
	v1 =	vadd.f32 v9, v1;
	s21 =	sadd.s32 $0x400, s21;
	[tilespmem:s14+$0x200] =	vst v12;
	s14 =	smov.u32 s18  }
0x43d: {  	s24 =	sadd.s32 $0x80, s24;
	v9 =	vld [tilespmem:s21+$0xFFFFE070];
	[tilespmem:s18+$0x210] =	vst v6;
	v2 =	vadd.f32 v7, v2  }
0x43e: {  	p0 =	slt.u32 s24, $0x380;
	v7 =	vld [tilespmem:s21+$0xFFFFE000];
	[tilespmem:s18+$0x220] =	vst v1;
	v1 =	vadd.f32 v8, v3  }
0x43f: {  	v6 =	vld [tilespmem:s26+$0xFFFFFFD0];
	[tilespmem:s18+$0x230] =	vst v2;
	v2 =	vadd.f32 v10, v4  }
0x440: {  	v3 =	vld [tilespmem:s21+$0xFFFFE010];
	[tilespmem:s18+$0x240] =	vst v1;
	v4 =	vadd.f32 v11, v5  }
0x441: {  	v1 =	vld [tilespmem:s26+$0xFFFFFFE0];
	[tilespmem:s18+$0x250] =	vst v2  }
0x442: {  	v5 =	vld [tilespmem:s21+$0xFFFFE020];
	v8 =	vadd.f32 v9, v13;
	[tilespmem:s18+$0x260] =	vst v4  }
0x443: {  	s18 =	sadd.s32 $0x400, s18;
	v2 =	vld [tilespmem:s26+$0xFFFFFFF0]  }
0x444: {  	v9 =	vld [tilespmem:s21+$0xFFFFE030];
	[tilespmem:s18+$0xFFFFE070] =	vst v8  }
0x445: {  	v4 =	vadd.f32 v3, v6;
	v8 =	vld [tilespmem:s21+$0xFFFFE270]  }
0x446: {  	v3 =	vld [tilespmem:s26+$0x0]  }
0x447: {  	[tilespmem:s18+$0xFFFFE010] =	vst v4;
	v5 =	vadd.f32 v5, v1;
	v10 =	vld [tilespmem:s21+$0xFFFFE040]  }
0x448: {  	v4 =	vld [tilespmem:s26+$0x10]  }
0x449: {  	[tilespmem:s18+$0xFFFFE020] =	vst v5;
	v9 =	vadd.f32 v9, v2;
	v11 =	vld [tilespmem:s21+$0xFFFFE050]  }
0x44a: {  	v5 =	vld [tilespmem:s26+$0x20];
	v8 =	vadd.f32 v8, v13  }
0x44b: {  	[tilespmem:s18+$0xFFFFE030] =	vst v9;
	v9 =	vld [tilespmem:s21+$0xFFFFE060]  }
0x44c: {  	v14 =	vld [tilespmem:s26+$0xFFFFFFC0];
	v10 =	vadd.f32 v10, v3;
	[tilespmem:s18+$0xFFFFE270] =	vst v8  }
0x44d: {  	v8 =	vld [tilespmem:s21+$0x70]  }
0x44e: {  	v12 =	vld [tilespmem:s21+$0xFFFFE210];
	[tilespmem:s18+$0xFFFFE040] =	vst v10;
	v10 =	vadd.f32 v11, v4  }
0x44f: {  	v11 =	vld [tilespmem:s21+$0xFFFFE220]  }
0x450: {  	v15 =	vld [tilespmem:s21+$0xFFFFE230];
	[tilespmem:s18+$0xFFFFE050] =	vst v10;
	v9 =	vadd.f32 v9, v5  }
0x451: {  	v7 =	vadd.f32 v7, v14;
	v10 =	vld [tilespmem:s21+$0xFFFFE240]  }
0x452: {  	v16 =	vld [tilespmem:s21+$0xFFFFE250];
	[tilespmem:s18+$0xFFFFE060] =	vst v9;
	v8 =	vadd.f32 v8, v13  }
0x453: {  	[tilespmem:s18+$0xFFFFE000] =	vst v7;
	v7 =	vadd.f32 v12, v6;
	v9 =	vld [tilespmem:s21+$0xFFFFE260]  }
0x454: {  	v12 =	vld [tilespmem:s21+$0xFFFFE200];
	v11 =	vadd.f32 v11, v1;
	[tilespmem:s18+$0x70] =	vst v8  }
0x455: {  	[tilespmem:s18+$0xFFFFE210] =	vst v7;
	v7 =	vadd.f32 v15, v2;
	v8 =	vld [tilespmem:s21+$0x270]  }
0x456: {  	v15 =	vld [tilespmem:s21+$0x10];
	[tilespmem:s18+$0xFFFFE220] =	vst v11;
	v10 =	vadd.f32 v10, v3  }
0x457: {  	v11 =	vld [tilespmem:s21+$0x20];
	[tilespmem:s18+$0xFFFFE230] =	vst v7;
	v7 =	vadd.f32 v16, v4  }
0x458: {  	v16 =	vld [tilespmem:s21+$0x30];
	[tilespmem:s18+$0xFFFFE240] =	vst v10;
	v9 =	vadd.f32 v9, v5  }
0x459: {  	v10 =	vadd.f32 v12, v14;
	v12 =	vld [tilespmem:s21+$0x40];
	[tilespmem:s18+$0xFFFFE250] =	vst v7  }
0x45a: {  	v7 =	vld [tilespmem:s21+$0x50];
	[tilespmem:s18+$0xFFFFE260] =	vst v9;
	v8 =	vadd.f32 v8, v13  }
0x45b: {  	[tilespmem:s18+$0xFFFFE200] =	vst v10;
	v9 =	vadd.f32 v15, v6;
	v10 =	vld [tilespmem:s21+$0x60]  }
0x45c: {  	v13 =	vld [tilespmem:s21+$0x0];
	v11 =	vadd.f32 v11, v1;
	[tilespmem:s18+$0x270] =	vst v8  }
0x45d: {  	[tilespmem:s18+$0x10] =	vst v9;
	v8 =	vadd.f32 v16, v2;
	v15 =	vld [tilespmem:s25+$0x200];
	s25 =	smov.u32 s21  }
0x45e: {  	v16 =	vld [tilespmem:s21+$0x210];
	[tilespmem:s18+$0x20] =	vst v11;
	v11 =	vadd.f32 v12, v3  }
.Ltmp9:
0x45f: {  	v9 =	vld [tilespmem:s21+$0x220];
	[tilespmem:s18+$0x30] =	vst v8;
	v12 =	vadd.f32 v7, v4;
	(pc) =	sbr.rel @p0 .LBB2_13-.Ltmp9, $4  }
0x460: {  	v7 =	vld [tilespmem:s21+$0x230];
	[tilespmem:s18+$0x40] =	vst v11;
	v11 =	vadd.f32 v10, v5  }
0x461: {  	v13 =	vadd.f32 v13, v14;
	v8 =	vld [tilespmem:s21+$0x240];
	[tilespmem:s18+$0x50] =	vst v12  }
0x462: {  	v10 =	vld [tilespmem:s21+$0x250];
	[tilespmem:s18+$0x60] =	vst v11;
	v12 =	vadd.f32 v15, v0;
	v0 =	vmov v14  }
0x463: {  	s26 =	sadd.s32 $0x200, s26;
	[tilespmem:s18+$0x0] =	vst v13;
	v6 =	vadd.f32 v16, v6;
	v11 =	vld [tilespmem:s21+$0x260]  }
0x464: {  	v1 =	vadd.f32 v9, v1;
	[tilespmem:s14+$0x200] =	vst v12;
	v9 =	vld [tilespmem:s25+$0x200]  }
0x465: {  	[tilespmem:s18+$0x210] =	vst v6;
	v2 =	vadd.f32 v7, v2  }
0x466: {  	[tilespmem:s18+$0x220] =	vst v1;
	v1 =	vadd.f32 v8, v3  }
0x467: {  	[tilespmem:s18+$0x230] =	vst v2;
	v2 =	vadd.f32 v10, v4  }
0x468: {  	[tilespmem:s18+$0x240] =	vst v1;
	v1 =	vadd.f32 v11, v5  }
0x469: {  	[tilespmem:s18+$0x250] =	vst v2;
	v0 =	vadd.f32 v9, v0  }
0x46a: {  	[tilespmem:s18+$0x260] =	vst v1  }
0x46b: {  	[tilespmem:s18+$0x200] =	vst v0  }
0x46c: {  	v0 =	vld [tilespmem:s22+$0x0]  }
0x46d: {  	v1 =	vld [tilespmem:s3+$0xFFFFE070]  }
0x46e: {  	v2 =	vld [tilespmem:s3+$0xFFFFE000]  }
0x46f: {  	v3 =	vld [tilespmem:s22+$0xFFFFFFA0]  }
0x470: {  	v4 =	vld [tilespmem:s3+$0xFFFFE010]  }
0x471: {  	v5 =	vld [tilespmem:s22+$0xFFFFFFB0]  }
0x472: {  	v6 =	vld [tilespmem:s3+$0xFFFFE020]  }
0x473: {  	v7 =	vld [tilespmem:s22+$0xFFFFFFC0]  }
0x474: {  	v8 =	vld [tilespmem:s3+$0xFFFFE030]  }
0x475: {  	v9 =	vld [tilespmem:s22+$0xFFFFFFD0]  }
0x476: {  	v10 =	vld [tilespmem:s3+$0xFFFFE040]  }
0x477: {  	v11 =	vld [tilespmem:s22+$0xFFFFFFE0]  }
0x478: {  	v12 =	vld [tilespmem:s3+$0xFFFFE050]  }
0x479: {  	s26 =	simm.s32 $0x112F0;
	v13 =	vld [tilespmem:s22+$0xFFFFFFF0]  }
0x47a: {  	s21 =	simm.s32 $0x6480;
	v18 =	vld [tilespmem:s26+$0x0]  }
0x47b: {  	v19 =	vld [tilespmem:s21+$0xFFFFE000]  }
0x47c: {  	v20 =	vld [tilespmem:s26+$0xFFFFFFA0];
	v1 =	vadd.f32 v1, v0  }
0x47d: {  	v21 =	vld [tilespmem:s21+$0xFFFFE010]  }
0x47e: {  	[tilespmem:s12+$0xFFFFE070] =	vst v1;
	v1 =	vadd.f32 v4, v3;
	v4 =	vld [tilespmem:s3+$0xFFFFE060]  }
0x47f: {  	v15 =	vadd.f32 v6, v5;
	v14 =	vld [tilespmem:s3+$0xFFFFE270]  }
0x480: {  	v6 =	vld [tilespmem:s22+$0xFFFFFF90];
	[tilespmem:s12+$0xFFFFE010] =	vst v1;
	v1 =	vadd.f32 v8, v7  }
0x481: {  	[tilespmem:s12+$0xFFFFE020] =	vst v15;
	v8 =	vadd.f32 v10, v9;
	v10 =	vld [tilespmem:s3+$0xFFFFE210]  }
0x482: {  	[tilespmem:s12+$0xFFFFE030] =	vst v1;
	v1 =	vadd.f32 v12, v11;
	v12 =	vld [tilespmem:s3+$0xFFFFE220]  }
0x483: {  	[tilespmem:s12+$0xFFFFE040] =	vst v8;
	v8 =	vld [tilespmem:s3+$0xFFFFE230];
	v4 =	vadd.f32 v4, v13  }
0x484: {  	v14 =	vadd.f32 v14, v0;
	[tilespmem:s12+$0xFFFFE050] =	vst v1;
	v1 =	vld [tilespmem:s3+$0xFFFFE240]  }
0x485: {  	v2 =	vadd.f32 v2, v6;
	v15 =	vld [tilespmem:s3+$0xFFFFE250];
	[tilespmem:s12+$0xFFFFE060] =	vst v4  }
0x486: {  	[tilespmem:s12+$0xFFFFE270] =	vst v14;
	v4 =	vadd.f32 v10, v3;
	v10 =	vld [tilespmem:s3+$0xFFFFE260]  }
0x487: {  	[tilespmem:s12+$0xFFFFE000] =	vst v2;
	v14 =	vld [tilespmem:s3+$0x70];
	v2 =	vadd.f32 v12, v5  }
0x488: {  	v12 =	vld [tilespmem:s3+$0xFFFFE200];
	[tilespmem:s12+$0xFFFFE210] =	vst v4;
	v4 =	vadd.f32 v8, v7  }
0x489: {  	v8 =	vld [tilespmem:s3+$0x10];
	[tilespmem:s12+$0xFFFFE220] =	vst v2;
	v1 =	vadd.f32 v1, v9  }
0x48a: {  	v2 =	vld [tilespmem:s3+$0x20];
	[tilespmem:s12+$0xFFFFE230] =	vst v4;
	v4 =	vadd.f32 v15, v11  }
0x48b: {  	v15 =	vld [tilespmem:s3+$0x30];
	[tilespmem:s12+$0xFFFFE240] =	vst v1;
	v1 =	vadd.f32 v10, v13  }
0x48c: {  	v10 =	vadd.f32 v14, v0;
	v14 =	vld [tilespmem:s3+$0x40];
	[tilespmem:s12+$0xFFFFE250] =	vst v4  }
0x48d: {  	v4 =	vadd.f32 v12, v6;
	v12 =	vld [tilespmem:s3+$0x50];
	[tilespmem:s12+$0xFFFFE260] =	vst v1  }
0x48e: {  	[tilespmem:s12+$0x70] =	vst v10;
	v1 =	vadd.f32 v8, v3;
	v8 =	vld [tilespmem:s3+$0x60]  }
0x48f: {  	[tilespmem:s12+$0xFFFFE200] =	vst v4;
	v10 =	vld [tilespmem:s3+$0x270];
	v2 =	vadd.f32 v2, v5  }
0x490: {  	v4 =	vld [tilespmem:s3+$0x0];
	[tilespmem:s12+$0x10] =	vst v1;
	v1 =	vadd.f32 v15, v7  }
0x491: {  	v15 =	vld [tilespmem:s3+$0x210];
	[tilespmem:s12+$0x20] =	vst v2;
	v2 =	vadd.f32 v14, v9  }
0x492: {  	v14 =	vld [tilespmem:s3+$0x220];
	[tilespmem:s12+$0x30] =	vst v1  }
0x493: {  	v1 =	vadd.f32 v12, v11;
	v12 =	vld [tilespmem:s3+$0x230];
	[tilespmem:s12+$0x40] =	vst v2  }
0x494: {  	v2 =	vadd.f32 v8, v13;
	v8 =	vld [tilespmem:s3+$0x240]  }
0x495: {  	[tilespmem:s12+$0x50] =	vst v1;
	v1 =	vld [tilespmem:s26+$0xFFFFFFB0]  }
0x496: {  	[tilespmem:s12+$0x60] =	vst v2;
	v2 =	vld [tilespmem:s21+$0xFFFFE070]  }
0x497: {  	v0 =	vadd.f32 v10, v0;
	v10 =	vld [tilespmem:s21+$0xFFFFE020]  }
0x498: {  	v16 =	vld [tilespmem:s3+$0x250]  }
0x499: {  	v17 =	vld [tilespmem:s3+$0x260];
	v3 =	vadd.f32 v15, v3  }
0x49a: {  	[tilespmem:s12+$0x270] =	vst v0;
	v0 =	vadd.f32 v4, v6;
	v15 =	vld [tilespmem:s21+$0xFFFFE030]  }
0x49b: {  	[tilespmem:s12+$0x210] =	vst v3;
	v3 =	vld [tilespmem:s26+$0xFFFFFFD0];
	v22 =	vadd.f32 v2, v18  }
0x49c: {  	s18 =	simm.s32 $0xE480;
	[tilespmem:s12+$0x0] =	vst v0;
	v0 =	vadd.f32 v14, v5;
	v4 =	vadd.f32 v12, v7;
	v7 =	vld [tilespmem:s21+$0xFFFFE040]  }
0x49d: {  	v12 =	vld [tilespmem:s21+$0xFFFFE060];
	[tilespmem:s18+$0xFFFFE070] =	vst v22  }
0x49e: {  	v10 =	vadd.f32 v10, v1;
	[tilespmem:s12+$0x220] =	vst v0;
	v14 =	vld [tilespmem:s21+$0xFFFFE270]  }
0x49f: {  	v2 =	vld [tilespmem:s26+$0xFFFFFFC0];
	v0 =	vadd.f32 v8, v9;
	[tilespmem:s12+$0x230] =	vst v4  }
0x4a0: {  	v5 =	vadd.f32 v16, v11;
	v4 =	vld [tilespmem:s26+$0xFFFFFFE0];
	[tilespmem:s18+$0xFFFFE020] =	vst v10  }
0x4a1: {  	v8 =	vld [tilespmem:s21+$0xFFFFE050];
	[tilespmem:s12+$0x240] =	vst v0;
	v0 =	vadd.f32 v17, v13  }
0x4a2: {  	v11 =	vadd.f32 v21, v20;
	[tilespmem:s12+$0x250] =	vst v5;
	v5 =	vld [tilespmem:s26+$0xFFFFFFF0]  }
0x4a3: {  	[tilespmem:s12+$0x260] =	vst v0;
	v0 =	vld [tilespmem:s26+$0xFFFFFF90];
	v9 =	vadd.f32 v14, v18  }
0x4a4: {  	[tilespmem:s18+$0xFFFFE010] =	vst v11;
	v7 =	vadd.f32 v7, v3  }
0x4a5: {  	v10 =	vld [tilespmem:s21+$0xFFFFE210];
	[tilespmem:s18+$0xFFFFE270] =	vst v9;
	v9 =	vadd.f32 v15, v2  }
0x4a6: {  	v8 =	vadd.f32 v8, v4;
	[tilespmem:s18+$0xFFFFE040] =	vst v7;
	v11 =	vld [tilespmem:s21+$0x70]  }
0x4a7: {  	v12 =	vadd.f32 v12, v5;
	[tilespmem:s18+$0xFFFFE030] =	vst v9;
	v9 =	vld [tilespmem:s21+$0xFFFFE220]  }
0x4a8: {  	[tilespmem:s18+$0xFFFFE050] =	vst v8;
	v8 =	vadd.f32 v19, v0;
	v7 =	vld [tilespmem:s21+$0xFFFFE230]  }
0x4a9: {  	v13 =	vld [tilespmem:s21+$0xFFFFE240];
	[tilespmem:s18+$0xFFFFE060] =	vst v12  }
0x4aa: {  	v14 =	vld [tilespmem:s21+$0xFFFFE250];
	[tilespmem:s18+$0xFFFFE000] =	vst v8;
	v8 =	vadd.f32 v10, v20  }
0x4ab: {  	v10 =	vld [tilespmem:s21+$0xFFFFE260];
	v11 =	vadd.f32 v11, v18  }
0x4ac: {  	v12 =	vld [tilespmem:s21+$0xFFFFE200];
	[tilespmem:s18+$0xFFFFE210] =	vst v8;
	v9 =	vadd.f32 v9, v1  }
0x4ad: {  	[tilespmem:s18+$0x70] =	vst v11;
	v7 =	vadd.f32 v7, v2;
	v11 =	vld [tilespmem:s21+$0x10]  }
0x4ae: {  	v8 =	vld [tilespmem:s21+$0x270];
	[tilespmem:s18+$0xFFFFE220] =	vst v9;
	v9 =	vadd.f32 v13, v3  }
0x4af: {  	v13 =	vld [tilespmem:s21+$0x20];
	[tilespmem:s18+$0xFFFFE230] =	vst v7;
	v7 =	vadd.f32 v14, v4  }
0x4b0: {  	v14 =	vld [tilespmem:s21+$0x30];
	[tilespmem:s18+$0xFFFFE240] =	vst v9;
	v9 =	vadd.f32 v10, v5  }
0x4b1: {  	v10 =	vadd.f32 v12, v0;
	v12 =	vld [tilespmem:s21+$0x40];
	[tilespmem:s18+$0xFFFFE250] =	vst v7  }
0x4b2: {  	v7 =	vld [tilespmem:s21+$0x50];
	[tilespmem:s18+$0xFFFFE260] =	vst v9;
	v9 =	vadd.f32 v11, v20  }
0x4b3: {  	[tilespmem:s18+$0xFFFFE200] =	vst v10;
	v8 =	vadd.f32 v8, v18;
	v11 =	vld [tilespmem:s21+$0x60]  }
0x4b4: {  	v15 =	vld [tilespmem:s21+$0x0];
	v10 =	vadd.f32 v13, v1;
	[tilespmem:s18+$0x10] =	vst v9  }
0x4b5: {  	v13 =	vld [tilespmem:s3+$0x200];
	[tilespmem:s18+$0x270] =	vst v8;
	v8 =	vadd.f32 v14, v2  }
0x4b6: {  	v14 =	vld [tilespmem:s21+$0x210];
	[tilespmem:s18+$0x20] =	vst v10;
	v9 =	vadd.f32 v12, v3  }
0x4b7: {  	v10 =	vld [tilespmem:s21+$0x220];
	[tilespmem:s18+$0x30] =	vst v8;
	v12 =	vadd.f32 v7, v4  }
0x4b8: {  	v7 =	vld [tilespmem:s21+$0x230];
	[tilespmem:s18+$0x40] =	vst v9;
	v11 =	vadd.f32 v11, v5  }
0x4b9: {  	v15 =	vadd.f32 v15, v0;
	v8 =	vld [tilespmem:s21+$0x240];
	[tilespmem:s18+$0x50] =	vst v12  }
0x4ba: {  	s14 =	simm.s32 $0xE100;
	s24 =	simm.s32 $0x80;
	s25 =	simm.s32 $0x6480;
	v12 =	vadd.f32 v13, v6;
	v9 =	vld [tilespmem:s21+$0x250];
	[tilespmem:s18+$0x60] =	vst v11  }
0x4bb: {  	s22 =	simm.s32 $0x11170;
	s26 =	simm.s32 $0x114F0;
	s3 =	simm.s32 $0x6100;
	[tilespmem:s18+$0x0] =	vst v15;
	v6 =	vadd.f32 v14, v20;
	v11 =	vld [tilespmem:s21+$0x260]  }
.LBB2_15:
0x4bc: {  	v13 =	vld [tilespmem:s26+$0x0];
	v1 =	vadd.f32 v10, v1;
	s21 =	sadd.s32 $0x400, s21;
	[tilespmem:s12+$0x200] =	vst v12;
	s12 =	smov.u32 s18  }
0x4bd: {  	s24 =	sadd.s32 $0x80, s24;
	v10 =	vld [tilespmem:s21+$0xFFFFE070];
	[tilespmem:s18+$0x210] =	vst v6;
	v2 =	vadd.f32 v7, v2  }
0x4be: {  	p0 =	slt.u32 s24, $0x380;
	v7 =	vld [tilespmem:s21+$0xFFFFE000];
	[tilespmem:s18+$0x220] =	vst v1;
	v1 =	vadd.f32 v8, v3  }
0x4bf: {  	v6 =	vld [tilespmem:s26+$0xFFFFFFA0];
	[tilespmem:s18+$0x230] =	vst v2;
	v2 =	vadd.f32 v9, v4  }
0x4c0: {  	v3 =	vld [tilespmem:s21+$0xFFFFE010];
	[tilespmem:s18+$0x240] =	vst v1;
	v4 =	vadd.f32 v11, v5  }
0x4c1: {  	v1 =	vld [tilespmem:s26+$0xFFFFFFB0];
	[tilespmem:s18+$0x250] =	vst v2  }
0x4c2: {  	v5 =	vld [tilespmem:s21+$0xFFFFE020];
	v8 =	vadd.f32 v10, v13;
	[tilespmem:s18+$0x260] =	vst v4  }
0x4c3: {  	s18 =	sadd.s32 $0x400, s18;
	v2 =	vld [tilespmem:s26+$0xFFFFFFC0]  }
0x4c4: {  	v9 =	vld [tilespmem:s21+$0xFFFFE030];
	[tilespmem:s18+$0xFFFFE070] =	vst v8  }
0x4c5: {  	v4 =	vadd.f32 v3, v6;
	v8 =	vld [tilespmem:s21+$0xFFFFE270]  }
0x4c6: {  	v3 =	vld [tilespmem:s26+$0xFFFFFFD0]  }
0x4c7: {  	[tilespmem:s18+$0xFFFFE010] =	vst v4;
	v5 =	vadd.f32 v5, v1;
	v10 =	vld [tilespmem:s21+$0xFFFFE040]  }
0x4c8: {  	v4 =	vld [tilespmem:s26+$0xFFFFFFE0]  }
0x4c9: {  	[tilespmem:s18+$0xFFFFE020] =	vst v5;
	v9 =	vadd.f32 v9, v2;
	v11 =	vld [tilespmem:s21+$0xFFFFE050]  }
0x4ca: {  	v5 =	vld [tilespmem:s26+$0xFFFFFFF0];
	v8 =	vadd.f32 v8, v13  }
0x4cb: {  	[tilespmem:s18+$0xFFFFE030] =	vst v9;
	v9 =	vld [tilespmem:s21+$0xFFFFE060]  }
0x4cc: {  	v14 =	vld [tilespmem:s26+$0xFFFFFF90];
	v10 =	vadd.f32 v10, v3;
	[tilespmem:s18+$0xFFFFE270] =	vst v8  }
0x4cd: {  	v8 =	vld [tilespmem:s21+$0x70]  }
0x4ce: {  	v12 =	vld [tilespmem:s21+$0xFFFFE210];
	[tilespmem:s18+$0xFFFFE040] =	vst v10;
	v10 =	vadd.f32 v11, v4  }
0x4cf: {  	v11 =	vld [tilespmem:s21+$0xFFFFE220]  }
0x4d0: {  	v15 =	vld [tilespmem:s21+$0xFFFFE230];
	[tilespmem:s18+$0xFFFFE050] =	vst v10;
	v9 =	vadd.f32 v9, v5  }
0x4d1: {  	v7 =	vadd.f32 v7, v14;
	v10 =	vld [tilespmem:s21+$0xFFFFE240]  }
0x4d2: {  	v16 =	vld [tilespmem:s21+$0xFFFFE250];
	[tilespmem:s18+$0xFFFFE060] =	vst v9;
	v8 =	vadd.f32 v8, v13  }
0x4d3: {  	[tilespmem:s18+$0xFFFFE000] =	vst v7;
	v7 =	vadd.f32 v12, v6;
	v9 =	vld [tilespmem:s21+$0xFFFFE260]  }
0x4d4: {  	v12 =	vld [tilespmem:s21+$0xFFFFE200];
	v11 =	vadd.f32 v11, v1;
	[tilespmem:s18+$0x70] =	vst v8  }
0x4d5: {  	[tilespmem:s18+$0xFFFFE210] =	vst v7;
	v7 =	vadd.f32 v15, v2;
	v8 =	vld [tilespmem:s21+$0x270]  }
0x4d6: {  	v15 =	vld [tilespmem:s21+$0x10];
	[tilespmem:s18+$0xFFFFE220] =	vst v11;
	v10 =	vadd.f32 v10, v3  }
0x4d7: {  	v11 =	vld [tilespmem:s21+$0x20];
	[tilespmem:s18+$0xFFFFE230] =	vst v7;
	v7 =	vadd.f32 v16, v4  }
0x4d8: {  	v16 =	vld [tilespmem:s21+$0x30];
	[tilespmem:s18+$0xFFFFE240] =	vst v10;
	v9 =	vadd.f32 v9, v5  }
0x4d9: {  	v10 =	vadd.f32 v12, v14;
	v12 =	vld [tilespmem:s21+$0x40];
	[tilespmem:s18+$0xFFFFE250] =	vst v7  }
0x4da: {  	v7 =	vld [tilespmem:s21+$0x50];
	[tilespmem:s18+$0xFFFFE260] =	vst v9;
	v8 =	vadd.f32 v8, v13  }
0x4db: {  	[tilespmem:s18+$0xFFFFE200] =	vst v10;
	v9 =	vadd.f32 v15, v6;
	v13 =	vld [tilespmem:s21+$0x60]  }
0x4dc: {  	v15 =	vld [tilespmem:s21+$0x0];
	v10 =	vadd.f32 v11, v1;
	[tilespmem:s18+$0x270] =	vst v8  }
0x4dd: {  	[tilespmem:s18+$0x10] =	vst v9;
	v8 =	vadd.f32 v16, v2;
	v11 =	vld [tilespmem:s25+$0x200];
	s25 =	smov.u32 s21  }
0x4de: {  	v16 =	vld [tilespmem:s21+$0x210];
	[tilespmem:s18+$0x20] =	vst v10;
	v9 =	vadd.f32 v12, v3  }
.Ltmp10:
0x4df: {  	v10 =	vld [tilespmem:s21+$0x220];
	[tilespmem:s18+$0x30] =	vst v8;
	v12 =	vadd.f32 v7, v4;
	(pc) =	sbr.rel @p0 .LBB2_15-.Ltmp10, $4  }
0x4e0: {  	v7 =	vld [tilespmem:s21+$0x230];
	[tilespmem:s18+$0x40] =	vst v9;
	v13 =	vadd.f32 v13, v5  }
0x4e1: {  	v15 =	vadd.f32 v15, v14;
	v8 =	vld [tilespmem:s21+$0x240];
	[tilespmem:s18+$0x50] =	vst v12  }
0x4e2: {  	v9 =	vld [tilespmem:s21+$0x250];
	[tilespmem:s18+$0x60] =	vst v13;
	v12 =	vadd.f32 v11, v0;
	v0 =	vmov v14  }
0x4e3: {  	s26 =	sadd.s32 $0x200, s26;
	[tilespmem:s18+$0x0] =	vst v15;
	v6 =	vadd.f32 v16, v6;
	v11 =	vld [tilespmem:s21+$0x260]  }
0x4e4: {  	v1 =	vadd.f32 v10, v1;
	[tilespmem:s12+$0x200] =	vst v12;
	v10 =	vld [tilespmem:s25+$0x200]  }
0x4e5: {  	[tilespmem:s18+$0x210] =	vst v6;
	v2 =	vadd.f32 v7, v2  }
0x4e6: {  	[tilespmem:s18+$0x220] =	vst v1;
	v1 =	vadd.f32 v8, v3  }
0x4e7: {  	[tilespmem:s18+$0x230] =	vst v2;
	v2 =	vadd.f32 v9, v4  }
0x4e8: {  	[tilespmem:s18+$0x240] =	vst v1;
	v1 =	vadd.f32 v11, v5  }
0x4e9: {  	[tilespmem:s18+$0x250] =	vst v2;
	v0 =	vadd.f32 v10, v0  }
0x4ea: {  	[tilespmem:s18+$0x260] =	vst v1  }
0x4eb: {  	[tilespmem:s18+$0x200] =	vst v0  }
0x4ec: {  	v0 =	vld [tilespmem:s22+$0x0]  }
0x4ed: {  	v1 =	vld [tilespmem:s3+$0xFFFFE070]  }
0x4ee: {  	v2 =	vld [tilespmem:s3+$0xFFFFE000]  }
0x4ef: {  	v3 =	vld [tilespmem:s22+$0xFFFFFFA0]  }
0x4f0: {  	v4 =	vld [tilespmem:s3+$0xFFFFE010]  }
0x4f1: {  	v5 =	vld [tilespmem:s22+$0xFFFFFFB0]  }
0x4f2: {  	v6 =	vld [tilespmem:s3+$0xFFFFE020]  }
0x4f3: {  	v7 =	vld [tilespmem:s22+$0xFFFFFFC0]  }
0x4f4: {  	v8 =	vld [tilespmem:s3+$0xFFFFE030]  }
0x4f5: {  	v9 =	vld [tilespmem:s22+$0xFFFFFFD0]  }
0x4f6: {  	v10 =	vld [tilespmem:s3+$0xFFFFE040]  }
0x4f7: {  	v11 =	vld [tilespmem:s22+$0xFFFFFFE0]  }
0x4f8: {  	v12 =	vld [tilespmem:s3+$0xFFFFE050]  }
0x4f9: {  	s26 =	simm.s32 $0x11370;
	v13 =	vld [tilespmem:s22+$0xFFFFFFF0]  }
0x4fa: {  	s21 =	simm.s32 $0x6500;
	v18 =	vld [tilespmem:s26+$0x0]  }
0x4fb: {  	v19 =	vld [tilespmem:s21+$0xFFFFE000]  }
0x4fc: {  	v20 =	vld [tilespmem:s26+$0xFFFFFFA0];
	v1 =	vadd.f32 v1, v0  }
0x4fd: {  	v21 =	vld [tilespmem:s21+$0xFFFFE010]  }
0x4fe: {  	[tilespmem:s14+$0xFFFFE070] =	vst v1;
	v1 =	vadd.f32 v4, v3;
	v4 =	vld [tilespmem:s3+$0xFFFFE060]  }
0x4ff: {  	v15 =	vadd.f32 v6, v5;
	v14 =	vld [tilespmem:s3+$0xFFFFE270]  }
0x500: {  	v6 =	vld [tilespmem:s22+$0xFFFFFF90];
	[tilespmem:s14+$0xFFFFE010] =	vst v1;
	v1 =	vadd.f32 v8, v7  }
0x501: {  	[tilespmem:s14+$0xFFFFE020] =	vst v15;
	v8 =	vadd.f32 v10, v9;
	v10 =	vld [tilespmem:s3+$0xFFFFE210]  }
0x502: {  	[tilespmem:s14+$0xFFFFE030] =	vst v1;
	v1 =	vadd.f32 v12, v11;
	v12 =	vld [tilespmem:s3+$0xFFFFE220]  }
0x503: {  	[tilespmem:s14+$0xFFFFE040] =	vst v8;
	v8 =	vld [tilespmem:s3+$0xFFFFE230];
	v4 =	vadd.f32 v4, v13  }
0x504: {  	v14 =	vadd.f32 v14, v0;
	[tilespmem:s14+$0xFFFFE050] =	vst v1;
	v1 =	vld [tilespmem:s3+$0xFFFFE240]  }
0x505: {  	v2 =	vadd.f32 v2, v6;
	v15 =	vld [tilespmem:s3+$0xFFFFE250];
	[tilespmem:s14+$0xFFFFE060] =	vst v4  }
0x506: {  	[tilespmem:s14+$0xFFFFE270] =	vst v14;
	v4 =	vadd.f32 v10, v3;
	v10 =	vld [tilespmem:s3+$0xFFFFE260]  }
0x507: {  	[tilespmem:s14+$0xFFFFE000] =	vst v2;
	v14 =	vld [tilespmem:s3+$0x70];
	v2 =	vadd.f32 v12, v5  }
0x508: {  	v12 =	vld [tilespmem:s3+$0xFFFFE200];
	[tilespmem:s14+$0xFFFFE210] =	vst v4;
	v4 =	vadd.f32 v8, v7  }
0x509: {  	v8 =	vld [tilespmem:s3+$0x10];
	[tilespmem:s14+$0xFFFFE220] =	vst v2;
	v1 =	vadd.f32 v1, v9  }
0x50a: {  	v2 =	vld [tilespmem:s3+$0x20];
	[tilespmem:s14+$0xFFFFE230] =	vst v4;
	v4 =	vadd.f32 v15, v11  }
0x50b: {  	v15 =	vld [tilespmem:s3+$0x30];
	[tilespmem:s14+$0xFFFFE240] =	vst v1;
	v1 =	vadd.f32 v10, v13  }
0x50c: {  	v10 =	vadd.f32 v14, v0;
	v14 =	vld [tilespmem:s3+$0x40];
	[tilespmem:s14+$0xFFFFE250] =	vst v4  }
0x50d: {  	v4 =	vadd.f32 v12, v6;
	v12 =	vld [tilespmem:s3+$0x50];
	[tilespmem:s14+$0xFFFFE260] =	vst v1  }
0x50e: {  	[tilespmem:s14+$0x70] =	vst v10;
	v1 =	vadd.f32 v8, v3;
	v8 =	vld [tilespmem:s3+$0x60]  }
0x50f: {  	[tilespmem:s14+$0xFFFFE200] =	vst v4;
	v10 =	vld [tilespmem:s3+$0x270];
	v2 =	vadd.f32 v2, v5  }
0x510: {  	v4 =	vld [tilespmem:s3+$0x0];
	[tilespmem:s14+$0x10] =	vst v1;
	v1 =	vadd.f32 v15, v7  }
0x511: {  	v15 =	vld [tilespmem:s3+$0x210];
	[tilespmem:s14+$0x20] =	vst v2;
	v2 =	vadd.f32 v14, v9  }
0x512: {  	v14 =	vld [tilespmem:s3+$0x220];
	[tilespmem:s14+$0x30] =	vst v1  }
0x513: {  	v1 =	vadd.f32 v12, v11;
	v12 =	vld [tilespmem:s3+$0x230];
	[tilespmem:s14+$0x40] =	vst v2  }
0x514: {  	v2 =	vadd.f32 v8, v13;
	v8 =	vld [tilespmem:s3+$0x240]  }
0x515: {  	[tilespmem:s14+$0x50] =	vst v1;
	v1 =	vld [tilespmem:s26+$0xFFFFFFB0]  }
0x516: {  	[tilespmem:s14+$0x60] =	vst v2;
	v2 =	vld [tilespmem:s21+$0xFFFFE070]  }
0x517: {  	v0 =	vadd.f32 v10, v0;
	v10 =	vld [tilespmem:s21+$0xFFFFE020]  }
0x518: {  	v16 =	vld [tilespmem:s3+$0x250]  }
0x519: {  	v17 =	vld [tilespmem:s3+$0x260];
	v3 =	vadd.f32 v15, v3  }
0x51a: {  	[tilespmem:s14+$0x270] =	vst v0;
	v0 =	vadd.f32 v4, v6;
	v15 =	vld [tilespmem:s21+$0xFFFFE030]  }
0x51b: {  	[tilespmem:s14+$0x210] =	vst v3;
	v3 =	vld [tilespmem:s26+$0xFFFFFFD0];
	v22 =	vadd.f32 v2, v18  }
0x51c: {  	s18 =	simm.s32 $0xE500;
	[tilespmem:s14+$0x0] =	vst v0;
	v0 =	vadd.f32 v14, v5;
	v4 =	vadd.f32 v12, v7;
	v7 =	vld [tilespmem:s21+$0xFFFFE040]  }
0x51d: {  	v12 =	vld [tilespmem:s21+$0xFFFFE060];
	[tilespmem:s18+$0xFFFFE070] =	vst v22  }
0x51e: {  	v10 =	vadd.f32 v10, v1;
	[tilespmem:s14+$0x220] =	vst v0;
	v14 =	vld [tilespmem:s21+$0xFFFFE270]  }
0x51f: {  	v2 =	vld [tilespmem:s26+$0xFFFFFFC0];
	v0 =	vadd.f32 v8, v9;
	[tilespmem:s14+$0x230] =	vst v4  }
0x520: {  	v5 =	vadd.f32 v16, v11;
	v4 =	vld [tilespmem:s26+$0xFFFFFFE0];
	[tilespmem:s18+$0xFFFFE020] =	vst v10  }
0x521: {  	v8 =	vld [tilespmem:s21+$0xFFFFE050];
	[tilespmem:s14+$0x240] =	vst v0;
	v0 =	vadd.f32 v17, v13  }
0x522: {  	v11 =	vadd.f32 v21, v20;
	[tilespmem:s14+$0x250] =	vst v5;
	v5 =	vld [tilespmem:s26+$0xFFFFFFF0]  }
0x523: {  	[tilespmem:s14+$0x260] =	vst v0;
	v0 =	vld [tilespmem:s26+$0xFFFFFF90];
	v9 =	vadd.f32 v14, v18  }
0x524: {  	[tilespmem:s18+$0xFFFFE010] =	vst v11;
	v7 =	vadd.f32 v7, v3  }
0x525: {  	v10 =	vld [tilespmem:s21+$0xFFFFE210];
	[tilespmem:s18+$0xFFFFE270] =	vst v9;
	v9 =	vadd.f32 v15, v2  }
0x526: {  	v8 =	vadd.f32 v8, v4;
	[tilespmem:s18+$0xFFFFE040] =	vst v7;
	v11 =	vld [tilespmem:s21+$0x70]  }
0x527: {  	v12 =	vadd.f32 v12, v5;
	[tilespmem:s18+$0xFFFFE030] =	vst v9;
	v9 =	vld [tilespmem:s21+$0xFFFFE220]  }
0x528: {  	[tilespmem:s18+$0xFFFFE050] =	vst v8;
	v8 =	vadd.f32 v19, v0;
	v7 =	vld [tilespmem:s21+$0xFFFFE230]  }
0x529: {  	v13 =	vld [tilespmem:s21+$0xFFFFE240];
	[tilespmem:s18+$0xFFFFE060] =	vst v12  }
0x52a: {  	v14 =	vld [tilespmem:s21+$0xFFFFE250];
	[tilespmem:s18+$0xFFFFE000] =	vst v8;
	v8 =	vadd.f32 v10, v20  }
0x52b: {  	v10 =	vld [tilespmem:s21+$0xFFFFE260];
	v11 =	vadd.f32 v11, v18  }
0x52c: {  	v12 =	vld [tilespmem:s21+$0xFFFFE200];
	[tilespmem:s18+$0xFFFFE210] =	vst v8;
	v9 =	vadd.f32 v9, v1  }
0x52d: {  	[tilespmem:s18+$0x70] =	vst v11;
	v7 =	vadd.f32 v7, v2;
	v11 =	vld [tilespmem:s21+$0x10]  }
0x52e: {  	v8 =	vld [tilespmem:s21+$0x270];
	[tilespmem:s18+$0xFFFFE220] =	vst v9;
	v9 =	vadd.f32 v13, v3  }
0x52f: {  	v13 =	vld [tilespmem:s21+$0x20];
	[tilespmem:s18+$0xFFFFE230] =	vst v7;
	v7 =	vadd.f32 v14, v4  }
0x530: {  	v14 =	vld [tilespmem:s21+$0x30];
	[tilespmem:s18+$0xFFFFE240] =	vst v9;
	v9 =	vadd.f32 v10, v5  }
0x531: {  	v10 =	vadd.f32 v12, v0;
	v12 =	vld [tilespmem:s21+$0x40];
	[tilespmem:s18+$0xFFFFE250] =	vst v7  }
0x532: {  	v7 =	vld [tilespmem:s21+$0x50];
	[tilespmem:s18+$0xFFFFE260] =	vst v9;
	v9 =	vadd.f32 v11, v20  }
0x533: {  	[tilespmem:s18+$0xFFFFE200] =	vst v10;
	v8 =	vadd.f32 v8, v18;
	v11 =	vld [tilespmem:s21+$0x60]  }
0x534: {  	v15 =	vld [tilespmem:s21+$0x0];
	v10 =	vadd.f32 v13, v1;
	[tilespmem:s18+$0x10] =	vst v9  }
0x535: {  	v13 =	vld [tilespmem:s3+$0x200];
	[tilespmem:s18+$0x270] =	vst v8;
	v8 =	vadd.f32 v14, v2  }
0x536: {  	v14 =	vld [tilespmem:s21+$0x210];
	[tilespmem:s18+$0x20] =	vst v10;
	v9 =	vadd.f32 v12, v3  }
0x537: {  	v10 =	vld [tilespmem:s21+$0x220];
	[tilespmem:s18+$0x30] =	vst v8;
	v12 =	vadd.f32 v7, v4  }
0x538: {  	v7 =	vld [tilespmem:s21+$0x230];
	[tilespmem:s18+$0x40] =	vst v9;
	v11 =	vadd.f32 v11, v5  }
0x539: {  	v15 =	vadd.f32 v15, v0;
	v8 =	vld [tilespmem:s21+$0x240];
	[tilespmem:s18+$0x50] =	vst v12  }
0x53a: {  	s12 =	simm.s32 $0xE180;
	s24 =	simm.s32 $0x80;
	s25 =	simm.s32 $0x6500;
	v12 =	vadd.f32 v13, v6;
	v9 =	vld [tilespmem:s21+$0x250];
	[tilespmem:s18+$0x60] =	vst v11  }
0x53b: {  	s22 =	simm.s32 $0x111F0;
	s26 =	simm.s32 $0x11570;
	s3 =	simm.s32 $0x6180;
	[tilespmem:s18+$0x0] =	vst v15;
	v6 =	vadd.f32 v14, v20;
	v11 =	vld [tilespmem:s21+$0x260]  }
.LBB2_17:
0x53c: {  	v13 =	vld [tilespmem:s26+$0x0];
	v1 =	vadd.f32 v10, v1;
	s21 =	sadd.s32 $0x400, s21;
	[tilespmem:s14+$0x200] =	vst v12;
	s14 =	smov.u32 s18  }
0x53d: {  	s24 =	sadd.s32 $0x80, s24;
	v10 =	vld [tilespmem:s21+$0xFFFFE070];
	[tilespmem:s18+$0x210] =	vst v6;
	v2 =	vadd.f32 v7, v2  }
0x53e: {  	p0 =	slt.u32 s24, $0x380;
	v7 =	vld [tilespmem:s21+$0xFFFFE000];
	[tilespmem:s18+$0x220] =	vst v1;
	v1 =	vadd.f32 v8, v3  }
0x53f: {  	v6 =	vld [tilespmem:s26+$0xFFFFFFA0];
	[tilespmem:s18+$0x230] =	vst v2;
	v2 =	vadd.f32 v9, v4  }
0x540: {  	v3 =	vld [tilespmem:s21+$0xFFFFE010];
	[tilespmem:s18+$0x240] =	vst v1;
	v4 =	vadd.f32 v11, v5  }
0x541: {  	v1 =	vld [tilespmem:s26+$0xFFFFFFB0];
	[tilespmem:s18+$0x250] =	vst v2  }
0x542: {  	v5 =	vld [tilespmem:s21+$0xFFFFE020];
	v8 =	vadd.f32 v10, v13;
	[tilespmem:s18+$0x260] =	vst v4  }
0x543: {  	s18 =	sadd.s32 $0x400, s18;
	v2 =	vld [tilespmem:s26+$0xFFFFFFC0]  }
0x544: {  	v9 =	vld [tilespmem:s21+$0xFFFFE030];
	[tilespmem:s18+$0xFFFFE070] =	vst v8  }
0x545: {  	v4 =	vadd.f32 v3, v6;
	v8 =	vld [tilespmem:s21+$0xFFFFE270]  }
0x546: {  	v3 =	vld [tilespmem:s26+$0xFFFFFFD0]  }
0x547: {  	[tilespmem:s18+$0xFFFFE010] =	vst v4;
	v5 =	vadd.f32 v5, v1;
	v10 =	vld [tilespmem:s21+$0xFFFFE040]  }
0x548: {  	v4 =	vld [tilespmem:s26+$0xFFFFFFE0]  }
0x549: {  	[tilespmem:s18+$0xFFFFE020] =	vst v5;
	v9 =	vadd.f32 v9, v2;
	v11 =	vld [tilespmem:s21+$0xFFFFE050]  }
0x54a: {  	v5 =	vld [tilespmem:s26+$0xFFFFFFF0];
	v8 =	vadd.f32 v8, v13  }
0x54b: {  	[tilespmem:s18+$0xFFFFE030] =	vst v9;
	v9 =	vld [tilespmem:s21+$0xFFFFE060]  }
0x54c: {  	v14 =	vld [tilespmem:s26+$0xFFFFFF90];
	v10 =	vadd.f32 v10, v3;
	[tilespmem:s18+$0xFFFFE270] =	vst v8  }
0x54d: {  	v8 =	vld [tilespmem:s21+$0x70]  }
0x54e: {  	v12 =	vld [tilespmem:s21+$0xFFFFE210];
	[tilespmem:s18+$0xFFFFE040] =	vst v10;
	v10 =	vadd.f32 v11, v4  }
0x54f: {  	v11 =	vld [tilespmem:s21+$0xFFFFE220]  }
0x550: {  	v15 =	vld [tilespmem:s21+$0xFFFFE230];
	[tilespmem:s18+$0xFFFFE050] =	vst v10;
	v9 =	vadd.f32 v9, v5  }
0x551: {  	v7 =	vadd.f32 v7, v14;
	v10 =	vld [tilespmem:s21+$0xFFFFE240]  }
0x552: {  	v16 =	vld [tilespmem:s21+$0xFFFFE250];
	[tilespmem:s18+$0xFFFFE060] =	vst v9;
	v8 =	vadd.f32 v8, v13  }
0x553: {  	[tilespmem:s18+$0xFFFFE000] =	vst v7;
	v7 =	vadd.f32 v12, v6;
	v9 =	vld [tilespmem:s21+$0xFFFFE260]  }
0x554: {  	v12 =	vld [tilespmem:s21+$0xFFFFE200];
	v11 =	vadd.f32 v11, v1;
	[tilespmem:s18+$0x70] =	vst v8  }
0x555: {  	[tilespmem:s18+$0xFFFFE210] =	vst v7;
	v7 =	vadd.f32 v15, v2;
	v8 =	vld [tilespmem:s21+$0x270]  }
0x556: {  	v15 =	vld [tilespmem:s21+$0x10];
	[tilespmem:s18+$0xFFFFE220] =	vst v11;
	v10 =	vadd.f32 v10, v3  }
0x557: {  	v11 =	vld [tilespmem:s21+$0x20];
	[tilespmem:s18+$0xFFFFE230] =	vst v7;
	v7 =	vadd.f32 v16, v4  }
0x558: {  	v16 =	vld [tilespmem:s21+$0x30];
	[tilespmem:s18+$0xFFFFE240] =	vst v10;
	v9 =	vadd.f32 v9, v5  }
0x559: {  	v10 =	vadd.f32 v12, v14;
	v12 =	vld [tilespmem:s21+$0x40];
	[tilespmem:s18+$0xFFFFE250] =	vst v7  }
0x55a: {  	v7 =	vld [tilespmem:s21+$0x50];
	[tilespmem:s18+$0xFFFFE260] =	vst v9;
	v8 =	vadd.f32 v8, v13  }
0x55b: {  	[tilespmem:s18+$0xFFFFE200] =	vst v10;
	v9 =	vadd.f32 v15, v6;
	v13 =	vld [tilespmem:s21+$0x60]  }
0x55c: {  	v15 =	vld [tilespmem:s21+$0x0];
	v10 =	vadd.f32 v11, v1;
	[tilespmem:s18+$0x270] =	vst v8  }
0x55d: {  	[tilespmem:s18+$0x10] =	vst v9;
	v8 =	vadd.f32 v16, v2;
	v11 =	vld [tilespmem:s25+$0x200];
	s25 =	smov.u32 s21  }
0x55e: {  	v16 =	vld [tilespmem:s21+$0x210];
	[tilespmem:s18+$0x20] =	vst v10;
	v9 =	vadd.f32 v12, v3  }
.Ltmp11:
0x55f: {  	v10 =	vld [tilespmem:s21+$0x220];
	[tilespmem:s18+$0x30] =	vst v8;
	v12 =	vadd.f32 v7, v4;
	(pc) =	sbr.rel @p0 .LBB2_17-.Ltmp11, $4  }
0x560: {  	v7 =	vld [tilespmem:s21+$0x230];
	[tilespmem:s18+$0x40] =	vst v9;
	v13 =	vadd.f32 v13, v5  }
0x561: {  	v15 =	vadd.f32 v15, v14;
	v8 =	vld [tilespmem:s21+$0x240];
	[tilespmem:s18+$0x50] =	vst v12  }
0x562: {  	v9 =	vld [tilespmem:s21+$0x250];
	[tilespmem:s18+$0x60] =	vst v13;
	v12 =	vadd.f32 v11, v0;
	v0 =	vmov v14  }
0x563: {  	s26 =	sadd.s32 $0x200, s26;
	[tilespmem:s18+$0x0] =	vst v15;
	v6 =	vadd.f32 v16, v6;
	v11 =	vld [tilespmem:s21+$0x260]  }
0x564: {  	v1 =	vadd.f32 v10, v1;
	[tilespmem:s14+$0x200] =	vst v12;
	v10 =	vld [tilespmem:s25+$0x200]  }
0x565: {  	[tilespmem:s18+$0x210] =	vst v6;
	v2 =	vadd.f32 v7, v2  }
0x566: {  	[tilespmem:s18+$0x220] =	vst v1;
	v1 =	vadd.f32 v8, v3  }
0x567: {  	[tilespmem:s18+$0x230] =	vst v2;
	v2 =	vadd.f32 v9, v4  }
0x568: {  	[tilespmem:s18+$0x240] =	vst v1;
	v1 =	vadd.f32 v11, v5  }
0x569: {  	[tilespmem:s18+$0x250] =	vst v2;
	v0 =	vadd.f32 v10, v0  }
0x56a: {  	[tilespmem:s18+$0x260] =	vst v1  }
0x56b: {  	[tilespmem:s18+$0x200] =	vst v0  }
0x56c: {  	v0 =	vld [tilespmem:s22+$0x0]  }
0x56d: {  	v1 =	vld [tilespmem:s3+$0xFFFFE070]  }
0x56e: {  	v2 =	vld [tilespmem:s3+$0xFFFFE000]  }
0x56f: {  	v3 =	vld [tilespmem:s22+$0xFFFFFFA0]  }
0x570: {  	v4 =	vld [tilespmem:s3+$0xFFFFE010]  }
0x571: {  	v5 =	vld [tilespmem:s22+$0xFFFFFFB0]  }
0x572: {  	v6 =	vld [tilespmem:s3+$0xFFFFE020]  }
0x573: {  	v7 =	vld [tilespmem:s22+$0xFFFFFFC0]  }
0x574: {  	v8 =	vld [tilespmem:s3+$0xFFFFE030]  }
0x575: {  	v9 =	vld [tilespmem:s22+$0xFFFFFFD0]  }
0x576: {  	v10 =	vld [tilespmem:s3+$0xFFFFE040]  }
0x577: {  	v11 =	vld [tilespmem:s22+$0xFFFFFFE0]  }
0x578: {  	v12 =	vld [tilespmem:s3+$0xFFFFE050]  }
0x579: {  	s21 =	simm.s32 $0x113F0;
	v13 =	vld [tilespmem:s22+$0xFFFFFFF0]  }
0x57a: {  	s18 =	simm.s32 $0x6580;
	v18 =	vld [tilespmem:s21+$0x0]  }
0x57b: {  	v19 =	vld [tilespmem:s18+$0xFFFFE000]  }
0x57c: {  	v20 =	vld [tilespmem:s21+$0xFFFFFFA0];
	v1 =	vadd.f32 v1, v0  }
0x57d: {  	v21 =	vld [tilespmem:s18+$0xFFFFE010]  }
0x57e: {  	[tilespmem:s12+$0xFFFFE070] =	vst v1;
	v1 =	vadd.f32 v4, v3;
	v4 =	vld [tilespmem:s3+$0xFFFFE060]  }
0x57f: {  	v15 =	vadd.f32 v6, v5;
	v14 =	vld [tilespmem:s3+$0xFFFFE270]  }
0x580: {  	v6 =	vld [tilespmem:s22+$0xFFFFFF90];
	[tilespmem:s12+$0xFFFFE010] =	vst v1;
	v1 =	vadd.f32 v8, v7  }
0x581: {  	[tilespmem:s12+$0xFFFFE020] =	vst v15;
	v8 =	vadd.f32 v10, v9;
	v10 =	vld [tilespmem:s3+$0xFFFFE210]  }
0x582: {  	[tilespmem:s12+$0xFFFFE030] =	vst v1;
	v1 =	vadd.f32 v12, v11;
	v12 =	vld [tilespmem:s3+$0xFFFFE220]  }
0x583: {  	[tilespmem:s12+$0xFFFFE040] =	vst v8;
	v8 =	vld [tilespmem:s3+$0xFFFFE230];
	v4 =	vadd.f32 v4, v13  }
0x584: {  	v14 =	vadd.f32 v14, v0;
	[tilespmem:s12+$0xFFFFE050] =	vst v1;
	v1 =	vld [tilespmem:s3+$0xFFFFE240]  }
0x585: {  	v2 =	vadd.f32 v2, v6;
	v15 =	vld [tilespmem:s3+$0xFFFFE250];
	[tilespmem:s12+$0xFFFFE060] =	vst v4  }
0x586: {  	[tilespmem:s12+$0xFFFFE270] =	vst v14;
	v4 =	vadd.f32 v10, v3;
	v10 =	vld [tilespmem:s3+$0xFFFFE260]  }
0x587: {  	[tilespmem:s12+$0xFFFFE000] =	vst v2;
	v14 =	vld [tilespmem:s3+$0x70];
	v2 =	vadd.f32 v12, v5  }
0x588: {  	v12 =	vld [tilespmem:s3+$0xFFFFE200];
	[tilespmem:s12+$0xFFFFE210] =	vst v4;
	v4 =	vadd.f32 v8, v7  }
0x589: {  	v8 =	vld [tilespmem:s3+$0x10];
	[tilespmem:s12+$0xFFFFE220] =	vst v2;
	v1 =	vadd.f32 v1, v9  }
0x58a: {  	v2 =	vld [tilespmem:s3+$0x20];
	[tilespmem:s12+$0xFFFFE230] =	vst v4;
	v4 =	vadd.f32 v15, v11  }
0x58b: {  	v15 =	vld [tilespmem:s3+$0x30];
	[tilespmem:s12+$0xFFFFE240] =	vst v1;
	v1 =	vadd.f32 v10, v13  }
0x58c: {  	v10 =	vadd.f32 v14, v0;
	v14 =	vld [tilespmem:s3+$0x40];
	[tilespmem:s12+$0xFFFFE250] =	vst v4  }
0x58d: {  	v4 =	vadd.f32 v12, v6;
	v12 =	vld [tilespmem:s3+$0x50];
	[tilespmem:s12+$0xFFFFE260] =	vst v1  }
0x58e: {  	[tilespmem:s12+$0x70] =	vst v10;
	v1 =	vadd.f32 v8, v3;
	v8 =	vld [tilespmem:s3+$0x60]  }
0x58f: {  	[tilespmem:s12+$0xFFFFE200] =	vst v4;
	v10 =	vld [tilespmem:s3+$0x270];
	v2 =	vadd.f32 v2, v5  }
0x590: {  	v4 =	vld [tilespmem:s3+$0x0];
	[tilespmem:s12+$0x10] =	vst v1;
	v1 =	vadd.f32 v15, v7  }
0x591: {  	v15 =	vld [tilespmem:s3+$0x210];
	[tilespmem:s12+$0x20] =	vst v2;
	v2 =	vadd.f32 v14, v9  }
0x592: {  	v14 =	vld [tilespmem:s3+$0x220];
	[tilespmem:s12+$0x30] =	vst v1  }
0x593: {  	v1 =	vadd.f32 v12, v11;
	v12 =	vld [tilespmem:s3+$0x230];
	[tilespmem:s12+$0x40] =	vst v2  }
0x594: {  	v2 =	vadd.f32 v8, v13;
	v8 =	vld [tilespmem:s3+$0x240]  }
0x595: {  	[tilespmem:s12+$0x50] =	vst v1;
	v1 =	vld [tilespmem:s21+$0xFFFFFFB0]  }
0x596: {  	[tilespmem:s12+$0x60] =	vst v2;
	v2 =	vld [tilespmem:s18+$0xFFFFE070]  }
0x597: {  	v0 =	vadd.f32 v10, v0;
	v10 =	vld [tilespmem:s18+$0xFFFFE020]  }
0x598: {  	v16 =	vld [tilespmem:s3+$0x250]  }
0x599: {  	v17 =	vld [tilespmem:s3+$0x260];
	v3 =	vadd.f32 v15, v3  }
0x59a: {  	[tilespmem:s12+$0x270] =	vst v0;
	v0 =	vadd.f32 v4, v6;
	v15 =	vld [tilespmem:s18+$0xFFFFE030]  }
0x59b: {  	[tilespmem:s12+$0x210] =	vst v3;
	v3 =	vld [tilespmem:s21+$0xFFFFFFD0];
	v22 =	vadd.f32 v2, v18  }
0x59c: {  	s14 =	simm.s32 $0xE580;
	[tilespmem:s12+$0x0] =	vst v0;
	v0 =	vadd.f32 v14, v5;
	v4 =	vadd.f32 v12, v7;
	v7 =	vld [tilespmem:s18+$0xFFFFE040]  }
0x59d: {  	v12 =	vld [tilespmem:s18+$0xFFFFE060];
	[tilespmem:s14+$0xFFFFE070] =	vst v22  }
0x59e: {  	v10 =	vadd.f32 v10, v1;
	[tilespmem:s12+$0x220] =	vst v0;
	v14 =	vld [tilespmem:s18+$0xFFFFE270]  }
0x59f: {  	v2 =	vld [tilespmem:s21+$0xFFFFFFC0];
	v0 =	vadd.f32 v8, v9;
	[tilespmem:s12+$0x230] =	vst v4  }
0x5a0: {  	v5 =	vadd.f32 v16, v11;
	v4 =	vld [tilespmem:s21+$0xFFFFFFE0];
	[tilespmem:s14+$0xFFFFE020] =	vst v10  }
0x5a1: {  	v8 =	vld [tilespmem:s18+$0xFFFFE050];
	[tilespmem:s12+$0x240] =	vst v0;
	v0 =	vadd.f32 v17, v13  }
0x5a2: {  	v11 =	vadd.f32 v21, v20;
	[tilespmem:s12+$0x250] =	vst v5;
	v5 =	vld [tilespmem:s21+$0xFFFFFFF0]  }
0x5a3: {  	[tilespmem:s12+$0x260] =	vst v0;
	v0 =	vld [tilespmem:s21+$0xFFFFFF90];
	v9 =	vadd.f32 v14, v18  }
0x5a4: {  	[tilespmem:s14+$0xFFFFE010] =	vst v11;
	v7 =	vadd.f32 v7, v3  }
0x5a5: {  	v10 =	vld [tilespmem:s18+$0xFFFFE210];
	[tilespmem:s14+$0xFFFFE270] =	vst v9;
	v9 =	vadd.f32 v15, v2  }
0x5a6: {  	v8 =	vadd.f32 v8, v4;
	[tilespmem:s14+$0xFFFFE040] =	vst v7;
	v11 =	vld [tilespmem:s18+$0x70]  }
0x5a7: {  	v12 =	vadd.f32 v12, v5;
	[tilespmem:s14+$0xFFFFE030] =	vst v9;
	v9 =	vld [tilespmem:s18+$0xFFFFE220]  }
0x5a8: {  	[tilespmem:s14+$0xFFFFE050] =	vst v8;
	v8 =	vadd.f32 v19, v0;
	v7 =	vld [tilespmem:s18+$0xFFFFE230]  }
0x5a9: {  	v13 =	vld [tilespmem:s18+$0xFFFFE240];
	[tilespmem:s14+$0xFFFFE060] =	vst v12  }
0x5aa: {  	v14 =	vld [tilespmem:s18+$0xFFFFE250];
	[tilespmem:s14+$0xFFFFE000] =	vst v8;
	v8 =	vadd.f32 v10, v20  }
0x5ab: {  	v10 =	vld [tilespmem:s18+$0xFFFFE260];
	v11 =	vadd.f32 v11, v18  }
0x5ac: {  	v12 =	vld [tilespmem:s18+$0xFFFFE200];
	[tilespmem:s14+$0xFFFFE210] =	vst v8;
	v9 =	vadd.f32 v9, v1  }
0x5ad: {  	[tilespmem:s14+$0x70] =	vst v11;
	v7 =	vadd.f32 v7, v2;
	v11 =	vld [tilespmem:s18+$0x10]  }
0x5ae: {  	v8 =	vld [tilespmem:s18+$0x270];
	[tilespmem:s14+$0xFFFFE220] =	vst v9;
	v9 =	vadd.f32 v13, v3  }
0x5af: {  	v13 =	vld [tilespmem:s18+$0x20];
	[tilespmem:s14+$0xFFFFE230] =	vst v7;
	v7 =	vadd.f32 v14, v4  }
0x5b0: {  	v14 =	vld [tilespmem:s18+$0x30];
	[tilespmem:s14+$0xFFFFE240] =	vst v9;
	v9 =	vadd.f32 v10, v5  }
0x5b1: {  	v10 =	vadd.f32 v12, v0;
	v12 =	vld [tilespmem:s18+$0x40];
	[tilespmem:s14+$0xFFFFE250] =	vst v7  }
0x5b2: {  	v7 =	vld [tilespmem:s18+$0x50];
	[tilespmem:s14+$0xFFFFE260] =	vst v9;
	v9 =	vadd.f32 v11, v20  }
0x5b3: {  	[tilespmem:s14+$0xFFFFE200] =	vst v10;
	v8 =	vadd.f32 v8, v18;
	v11 =	vld [tilespmem:s18+$0x60]  }
0x5b4: {  	v15 =	vld [tilespmem:s18+$0x0];
	v10 =	vadd.f32 v13, v1;
	[tilespmem:s14+$0x10] =	vst v9  }
0x5b5: {  	v13 =	vld [tilespmem:s3+$0x200];
	[tilespmem:s14+$0x270] =	vst v8;
	v8 =	vadd.f32 v14, v2  }
0x5b6: {  	v14 =	vld [tilespmem:s18+$0x210];
	[tilespmem:s14+$0x20] =	vst v10;
	v9 =	vadd.f32 v12, v3  }
0x5b7: {  	v10 =	vld [tilespmem:s18+$0x220];
	[tilespmem:s14+$0x30] =	vst v8;
	v8 =	vadd.f32 v7, v4  }
0x5b8: {  	v7 =	vld [tilespmem:s18+$0x230];
	[tilespmem:s14+$0x40] =	vst v9;
	v11 =	vadd.f32 v11, v5  }
0x5b9: {  	v15 =	vadd.f32 v15, v0;
	v9 =	vld [tilespmem:s18+$0x240];
	[tilespmem:s14+$0x50] =	vst v8  }
0x5ba: {  	v12 =	vadd.f32 v13, v6;
	v8 =	vld [tilespmem:s18+$0x250];
	[tilespmem:s14+$0x60] =	vst v11  }
0x5bb: {  	s22 =	simm.s32 $0x115F0;
	s21 =	simm.s32 $0x6580;
	s3 =	simm.s32 $0x80;
	[tilespmem:s14+$0x0] =	vst v15;
	v6 =	vadd.f32 v14, v20;
	v11 =	vld [tilespmem:s18+$0x260]  }
.LBB2_19:
0x5bc: {  	v13 =	vld [tilespmem:s22+$0x0];
	v1 =	vadd.f32 v10, v1;
	s18 =	sadd.s32 $0x400, s18;
	[tilespmem:s12+$0x200] =	vst v12;
	s12 =	smov.u32 s14  }
0x5bd: {  	s3 =	sadd.s32 $0x80, s3;
	v10 =	vld [tilespmem:s18+$0xFFFFE070];
	[tilespmem:s14+$0x210] =	vst v6;
	v2 =	vadd.f32 v7, v2  }
0x5be: {  	p0 =	slt.u32 s3, $0x380;
	v7 =	vld [tilespmem:s18+$0xFFFFE000];
	[tilespmem:s14+$0x220] =	vst v1;
	v1 =	vadd.f32 v9, v3  }
0x5bf: {  	v6 =	vld [tilespmem:s22+$0xFFFFFFA0];
	[tilespmem:s14+$0x230] =	vst v2;
	v2 =	vadd.f32 v8, v4  }
0x5c0: {  	v3 =	vld [tilespmem:s18+$0xFFFFE010];
	[tilespmem:s14+$0x240] =	vst v1;
	v4 =	vadd.f32 v11, v5  }
0x5c1: {  	v1 =	vld [tilespmem:s22+$0xFFFFFFB0];
	[tilespmem:s14+$0x250] =	vst v2  }
0x5c2: {  	v5 =	vld [tilespmem:s18+$0xFFFFE020];
	v8 =	vadd.f32 v10, v13;
	[tilespmem:s14+$0x260] =	vst v4  }
0x5c3: {  	s14 =	sadd.s32 $0x400, s14;
	v2 =	vld [tilespmem:s22+$0xFFFFFFC0]  }
0x5c4: {  	v9 =	vld [tilespmem:s18+$0xFFFFE030];
	[tilespmem:s14+$0xFFFFE070] =	vst v8  }
0x5c5: {  	v4 =	vadd.f32 v3, v6;
	v8 =	vld [tilespmem:s18+$0xFFFFE270]  }
0x5c6: {  	v3 =	vld [tilespmem:s22+$0xFFFFFFD0]  }
0x5c7: {  	[tilespmem:s14+$0xFFFFE010] =	vst v4;
	v5 =	vadd.f32 v5, v1;
	v10 =	vld [tilespmem:s18+$0xFFFFE040]  }
0x5c8: {  	v4 =	vld [tilespmem:s22+$0xFFFFFFE0]  }
0x5c9: {  	[tilespmem:s14+$0xFFFFE020] =	vst v5;
	v9 =	vadd.f32 v9, v2;
	v11 =	vld [tilespmem:s18+$0xFFFFE050]  }
0x5ca: {  	v5 =	vld [tilespmem:s22+$0xFFFFFFF0];
	v8 =	vadd.f32 v8, v13  }
0x5cb: {  	[tilespmem:s14+$0xFFFFE030] =	vst v9;
	v9 =	vld [tilespmem:s18+$0xFFFFE060]  }
0x5cc: {  	v14 =	vld [tilespmem:s22+$0xFFFFFF90];
	v10 =	vadd.f32 v10, v3;
	[tilespmem:s14+$0xFFFFE270] =	vst v8  }
0x5cd: {  	v8 =	vld [tilespmem:s18+$0x70]  }
0x5ce: {  	v12 =	vld [tilespmem:s18+$0xFFFFE210];
	[tilespmem:s14+$0xFFFFE040] =	vst v10;
	v10 =	vadd.f32 v11, v4  }
0x5cf: {  	v11 =	vld [tilespmem:s18+$0xFFFFE220]  }
0x5d0: {  	v15 =	vld [tilespmem:s18+$0xFFFFE230];
	[tilespmem:s14+$0xFFFFE050] =	vst v10;
	v9 =	vadd.f32 v9, v5  }
0x5d1: {  	v7 =	vadd.f32 v7, v14;
	v10 =	vld [tilespmem:s18+$0xFFFFE240]  }
0x5d2: {  	v16 =	vld [tilespmem:s18+$0xFFFFE250];
	[tilespmem:s14+$0xFFFFE060] =	vst v9;
	v8 =	vadd.f32 v8, v13  }
0x5d3: {  	[tilespmem:s14+$0xFFFFE000] =	vst v7;
	v7 =	vadd.f32 v12, v6;
	v9 =	vld [tilespmem:s18+$0xFFFFE260]  }
0x5d4: {  	v12 =	vld [tilespmem:s18+$0xFFFFE200];
	v11 =	vadd.f32 v11, v1;
	[tilespmem:s14+$0x70] =	vst v8  }
0x5d5: {  	[tilespmem:s14+$0xFFFFE210] =	vst v7;
	v7 =	vadd.f32 v15, v2;
	v8 =	vld [tilespmem:s18+$0x270]  }
0x5d6: {  	v15 =	vld [tilespmem:s18+$0x10];
	[tilespmem:s14+$0xFFFFE220] =	vst v11;
	v10 =	vadd.f32 v10, v3  }
0x5d7: {  	v11 =	vld [tilespmem:s18+$0x20];
	[tilespmem:s14+$0xFFFFE230] =	vst v7;
	v7 =	vadd.f32 v16, v4  }
0x5d8: {  	v16 =	vld [tilespmem:s18+$0x30];
	[tilespmem:s14+$0xFFFFE240] =	vst v10;
	v9 =	vadd.f32 v9, v5  }
0x5d9: {  	v10 =	vadd.f32 v12, v14;
	v12 =	vld [tilespmem:s18+$0x40];
	[tilespmem:s14+$0xFFFFE250] =	vst v7  }
0x5da: {  	v7 =	vld [tilespmem:s18+$0x50];
	[tilespmem:s14+$0xFFFFE260] =	vst v9;
	v8 =	vadd.f32 v8, v13  }
0x5db: {  	[tilespmem:s14+$0xFFFFE200] =	vst v10;
	v9 =	vadd.f32 v15, v6;
	v13 =	vld [tilespmem:s18+$0x60]  }
0x5dc: {  	v15 =	vld [tilespmem:s18+$0x0];
	v10 =	vadd.f32 v11, v1;
	[tilespmem:s14+$0x270] =	vst v8  }
0x5dd: {  	[tilespmem:s14+$0x10] =	vst v9;
	v8 =	vadd.f32 v16, v2;
	v11 =	vld [tilespmem:s21+$0x200];
	s21 =	smov.u32 s18  }
0x5de: {  	v16 =	vld [tilespmem:s18+$0x210];
	[tilespmem:s14+$0x20] =	vst v10;
	v9 =	vadd.f32 v12, v3  }
.Ltmp12:
0x5df: {  	v10 =	vld [tilespmem:s18+$0x220];
	[tilespmem:s14+$0x30] =	vst v8;
	v8 =	vadd.f32 v7, v4;
	(pc) =	sbr.rel @p0 .LBB2_19-.Ltmp12, $4  }
0x5e0: {  	v7 =	vld [tilespmem:s18+$0x230];
	[tilespmem:s14+$0x40] =	vst v9;
	v12 =	vadd.f32 v13, v5  }
0x5e1: {  	v13 =	vadd.f32 v15, v14;
	v9 =	vld [tilespmem:s18+$0x240];
	[tilespmem:s14+$0x50] =	vst v8  }
0x5e2: {  	v8 =	vld [tilespmem:s18+$0x250];
	[tilespmem:s14+$0x60] =	vst v12;
	v12 =	vadd.f32 v11, v0;
	v0 =	vmov v14  }
0x5e3: {  	s22 =	sadd.s32 $0x200, s22;
	[tilespmem:s14+$0x0] =	vst v13;
	v6 =	vadd.f32 v16, v6;
	v11 =	vld [tilespmem:s18+$0x260]  }
0x5e4: {  	v1 =	vadd.f32 v10, v1;
	[tilespmem:s12+$0x200] =	vst v12;
	v60 =	vld [tilespmem:s21+$0x200]  }
0x5e5: {  	[tilespmem:s14+$0x210] =	vst v6;
	v2 =	vadd.f32 v7, v2  }
0x5e6: {  	[tilespmem:s14+$0x220] =	vst v1;
	v61 =	vadd.f32 v9, v3  }
.Ltmp13:
0x5e7: {  	[tilespmem:s14+$0x230] =	vst v2;
	v62 =	vadd.f32 v8, v4;
	(pc) =	sbr.rel @p1 .LBB2_22-.Ltmp13, $4  }
0x5e8: {  	[tilespmem:s14+$0x240] =	vst v61;
	v63 =	vadd.f32 v11, v5  }
0x5e9: {  	[tilespmem:s14+$0x250] =	vst v62;
	v0 =	vadd.f32 v60, v0  }
0x5ea: {  	[tilespmem:s14+$0x260] =	vst v63  }
0x5eb: {  	[tilespmem:s14+$0x200] =	vst v0  }
0x5ec: {  	s3 =	sadd.s32 s9, s13  }
0x5ed: {  	s9 =	sshrl.u32 s3, $0x3  }
0x5ee: {  	s3 =	sor.u32 $0x40, s9  }
0x5ef: {  	s14 =	simm.s32 $0x4000;
	s12 =	sadd.s32 s1, s3  }
0x5f0: {  	[tilespmem:s14], [sflag:$0x2] =	stream.linear.gather [hbm4b:s12+s5], $0x200, $0x38;
	[tilespmem:$0x12000] =	vst v63  }
0x5f1: {  	s18 =	simm.s32 $0x4400;
	s21 =	sadd.s32 $0x80, s12  }
0x5f2: {  	[tilespmem:s18], [sflag:$0x2] =	stream.linear.gather [hbm4b:s21+s5], $0x200, $0x38;
	[tilespmem:$0x12000] =	vst v63  }
0x5f3: {  	s24 =	simm.s32 $0x4800;
	s22 =	sadd.s32 $0x100, s12  }
0x5f4: {  	[tilespmem:s24], [sflag:$0x2] =	stream.linear.gather [hbm4b:s22+s5], $0x200, $0x38;
	[tilespmem:$0x12000] =	vst v63  }
0x5f5: {  	s26 =	simm.s32 $0x4C00;
	s25 =	sadd.s32 $0x180, s12  }
0x5f6: {  	[tilespmem:s26], [sflag:$0x2] =	stream.linear.gather [hbm4b:s25+s5], $0x200, $0x38;
	[tilespmem:$0x12000] =	vst v63  }
0x5f7: {  	s18 =	sadd.s32 $0x200, s12;
	s21 =	simm.s32 $0x5000  }
0x5f8: {  	[tilespmem:s21], [sflag:$0x2] =	stream.linear.gather [hbm4b:s18+s5], $0x200, $0x38;
	[tilespmem:$0x12000] =	vst v63  }
0x5f9: {  	s22 =	sadd.s32 $0x280, s12;
	s24 =	simm.s32 $0x5400  }
0x5fa: {  	[tilespmem:s24], [sflag:$0x2] =	stream.linear.gather [hbm4b:s22+s5], $0x200, $0x38;
	[tilespmem:$0x12000] =	vst v63  }
0x5fb: {  	s25 =	sadd.s32 $0x300, s12;
	s26 =	simm.s32 $0x5800  }
0x5fc: {  	[tilespmem:s26], [sflag:$0x2] =	stream.linear.gather [hbm4b:s25+s5], $0x200, $0x38;
	[tilespmem:$0x12000] =	vst v63  }
0x5fd: {  	s12 =	sadd.s32 $0x380, s12;
	s21 =	simm.s32 $0x5C00  }
0x5fe: {  	[tilespmem:s21], [sflag:$0x2] =	stream.linear.gather [hbm4b:s12+s5], $0x200, $0x38;
	[tilespmem:$0x12000] =	vst v63  }
0x5ff: {  	s12 =	sadd.s32 s1, s9  }
0x600: {  	s22 =	simm.s32 $0x4200;
	s14 =	sadd.s32 $0x100040, s12  }
0x601: {  	[tilespmem:s22], [sflag:$0x2] =	stream.linear.gather [hbm4b:s14+s5], $0x200, $0x38;
	[tilespmem:$0x12000] =	vst v63  }
0x602: {  	s21 =	simm.s32 $0x4600;
	s24 =	sadd.s32 $0x80, s14  }
0x603: {  	[tilespmem:s21], [sflag:$0x2] =	stream.linear.gather [hbm4b:s24+s5], $0x200, $0x38;
	[tilespmem:$0x12000] =	vst v63  }
0x604: {  	s26 =	simm.s32 $0x4A00;
	s25 =	sadd.s32 $0x100, s14  }
0x605: {  	[tilespmem:s26], [sflag:$0x2] =	stream.linear.gather [hbm4b:s25+s5], $0x200, $0x38;
	[tilespmem:$0x12000] =	vst v63  }
0x606: {  	s22 =	sadd.s32 $0x180, s14;
	s24 =	simm.s32 $0x4E00  }
0x607: {  	[tilespmem:s24], [sflag:$0x2] =	stream.linear.gather [hbm4b:s22+s5], $0x200, $0x38;
	[tilespmem:$0x12000] =	vst v63  }
0x608: {  	s25 =	sadd.s32 $0x200, s14;
	s26 =	simm.s32 $0x5200  }
0x609: {  	[tilespmem:s26], [sflag:$0x2] =	stream.linear.gather [hbm4b:s25+s5], $0x200, $0x38;
	[tilespmem:$0x12000] =	vst v63  }
0x60a: {  	s21 =	sadd.s32 $0x280, s14;
	s22 =	simm.s32 $0x5600  }
0x60b: {  	[tilespmem:s22], [sflag:$0x2] =	stream.linear.gather [hbm4b:s21+s5], $0x200, $0x38;
	[tilespmem:$0x12000] =	vst v63  }
0x60c: {  	s24 =	sadd.s32 $0x300, s14;
	s25 =	simm.s32 $0x5A00  }
0x60d: {  	[tilespmem:s25], [sflag:$0x2] =	stream.linear.gather [hbm4b:s24+s5], $0x200, $0x38;
	[tilespmem:$0x12000] =	vst v63  }
0x60e: {  	s9 =	sor.u32 $0x200040, s9;
	s14 =	sadd.s32 $0x380, s14;
	s26 =	simm.s32 $0x5E00  }
0x60f: {  	[tilespmem:s26], [sflag:$0x2] =	stream.linear.gather [hbm4b:s14+s5], $0x200, $0x38;
	[tilespmem:$0x12000] =	vst v63  }
0x610: {  	s9 =	sadd.s32 s1, s9;
	s21 =	simm.s32 $0x6000  }
0x611: {  	[tilespmem:s21], [sflag:$0x2] =	stream.linear.gather [hbm4b:s9+s5], $0x200, $0x38;
	[tilespmem:$0x12000] =	vst v63  }
0x612: {  	s22 =	sadd.s32 $0x80, s9;
	s24 =	simm.s32 $0x6400  }
0x613: {  	[tilespmem:s24], [sflag:$0x2] =	stream.linear.gather [hbm4b:s22+s5], $0x200, $0x38;
	[tilespmem:$0x12000] =	vst v63  }
0x614: {  	s25 =	sadd.s32 $0x100, s9;
	s26 =	simm.s32 $0x6800  }
0x615: {  	[tilespmem:s26], [sflag:$0x2] =	stream.linear.gather [hbm4b:s25+s5], $0x200, $0x38;
	[tilespmem:$0x12000] =	vst v63  }
0x616: {  	s18 =	sadd.s32 $0x180, s9;
	s21 =	simm.s32 $0x6C00  }
0x617: {  	[tilespmem:s21], [sflag:$0x2] =	stream.linear.gather [hbm4b:s18+s5], $0x200, $0x38;
	[tilespmem:$0x12000] =	vst v63  }
0x618: {  	s22 =	sadd.s32 $0x200, s9;
	s24 =	simm.s32 $0x7000  }
0x619: {  	[tilespmem:s24], [sflag:$0x2] =	stream.linear.gather [hbm4b:s22+s5], $0x200, $0x38;
	[tilespmem:$0x12000] =	vst v63  }
0x61a: {  	s25 =	sadd.s32 $0x280, s9;
	s26 =	simm.s32 $0x7400  }
0x61b: {  	[tilespmem:s26], [sflag:$0x2] =	stream.linear.gather [hbm4b:s25+s5], $0x200, $0x38;
	[tilespmem:$0x12000] =	vst v63  }
0x61c: {  	s18 =	sadd.s32 $0x300, s9;
	s21 =	simm.s32 $0x7800  }
0x61d: {  	[tilespmem:s21], [sflag:$0x2] =	stream.linear.gather [hbm4b:s18+s5], $0x200, $0x38;
	[tilespmem:$0x12000] =	vst v63  }
0x61e: {  	s9 =	sadd.s32 $0x380, s9;
	s22 =	simm.s32 $0x7C00  }
0x61f: {  	[tilespmem:s22], [sflag:$0x2] =	stream.linear.gather [hbm4b:s9+s5], $0x200, $0x38;
	[tilespmem:$0x12000] =	vst v63  }
0x620: {  	s24 =	simm.s32 $0x6200;
	s9 =	sadd.s32 $0x300040, s12  }
0x621: {  	[tilespmem:s24], [sflag:$0x2] =	stream.linear.gather [hbm4b:s9+s5], $0x200, $0x38;
	[tilespmem:$0x12000] =	vst v63  }
0x622: {  	s26 =	simm.s32 $0x6600;
	s25 =	sadd.s32 $0x80, s9  }
0x623: {  	[tilespmem:s26], [sflag:$0x2] =	stream.linear.gather [hbm4b:s25+s5], $0x200, $0x38;
	[tilespmem:$0x12000] =	vst v63  }
0x624: {  	s21 =	simm.s32 $0x6A00;
	s18 =	sadd.s32 $0x100, s9  }
0x625: {  	[tilespmem:s21], [sflag:$0x2] =	stream.linear.gather [hbm4b:s18+s5], $0x200, $0x38;
	[tilespmem:$0x12000] =	vst v63  }
0x626: {  	s22 =	sadd.s32 $0x180, s9;
	s24 =	simm.s32 $0x6E00  }
0x627: {  	[tilespmem:s24], [sflag:$0x2] =	stream.linear.gather [hbm4b:s22+s5], $0x200, $0x38;
	[tilespmem:$0x12000] =	vst v63  }
0x628: {  	s25 =	sadd.s32 $0x200, s9;
	s26 =	simm.s32 $0x7200  }
0x629: {  	[tilespmem:s26], [sflag:$0x2] =	stream.linear.gather [hbm4b:s25+s5], $0x200, $0x38;
	[tilespmem:$0x12000] =	vst v63  }
0x62a: {  	s14 =	sadd.s32 $0x280, s9;
	s18 =	simm.s32 $0x7600  }
0x62b: {  	[tilespmem:s18], [sflag:$0x2] =	stream.linear.gather [hbm4b:s14+s5], $0x200, $0x38;
	[tilespmem:$0x12000] =	vst v63  }
0x62c: {  	s21 =	sadd.s32 $0x300, s9;
	s22 =	simm.s32 $0x7A00  }
0x62d: {  	[tilespmem:s22], [sflag:$0x2] =	stream.linear.gather [hbm4b:s21+s5], $0x200, $0x38;
	[tilespmem:$0x12000] =	vst v63  }
.Ltmp14:
0x62e: {  	_ = 	snop;
	(pc) =	sbr.rel .LBB2_22-.Ltmp14, $4  }
0x62f: {  	s9 =	sadd.s32 $0x380, s9;
	s24 =	simm.s32 $0x7E00;
	s25 =	rddreg [dreg:$0x1]  }
0x630: {  	[tilespmem:s24], [sflag:$0x2] =	stream.linear.gather [hbm4b:s9+s5], $0x200, $0x38;
	[tilespmem:$0x12000] =	vst v63  }
0x631: {  	s26 =	simm.s32 $0x11000;
	s3 =	sadd.s32 s25, s3  }
0x632: {  	[tilespmem:s26], [sflag:$0x6] =	stream.strided.gather [hbm4b:s3+s19], $0x1000, s10, s19, $0x38;
	[tilespmem:$0x12000] =	vst v63  }
.LBB2_24:
0x633: {  	_ =	sfence.sel $0x180000  }
0x634: {  	[bflag:$0x0] =	sbarrier.arrive $0xFFFF  }
0x635: {  	_ =	strace $0x90000047  }
0x636: {  	s0 =	stileid.u32;
	[bflag:$0x2] =	sbarrier.arrive $0xFFFF  }
0x637: {  	p0 =	sne.s32 s0, $0x0;
	s0 =	rddreg [dreg:$0x3]  }
0x638: {  	s0 =	sadd.s32 @!p0 $0x100000, s0  }
0x639: {  	[sflag:s0] =	ssyncadd.tile.s32 @!p0 $0x1;
	_ =	shalt  }
.Lfunc_end2:
_tile_overlayer_lowered:
.L_overlay_start_2:
0x63a: {  	(tag) =	ssettag $0x2  }
0x63b: {  	s0 =	rddreg [dreg:$0x0];
	s2 =	stileid.u32  }
0x63c: {  	s1 =	rddreg [dreg:$0x1];
	p0 =	sne.s32 s2, $0x0  }
0x63d: {  	s3 =	rddreg [dreg:$0x2];
	[bflag:$0x3] =	sbarrier.arrive $0xFFFF;
	s2 =	simm.s32 @!p0 $0x1C07  }
0x63e: {  	[timem:s3], [sflag:s2] =	dma.local @!p0 [hbm:s0], s1  }
0x63f: {  	s0 =	simm.s32 @!p0 $0x7  }
0x640: {  	_ =	swait.ge @!p0 [sflag:s0], s1  }
0x641: {  	s1 =	ssub.s32 @!p0 $0x0, s1;
	[sflag:s0] =	ssyncset.done @!p0 $0x0  }
0x642: {  	[sflag:s0] =	ssyncadd.s32 @!p0 s1  }
0x643: {  	[bflag:$0x3] =	sbarrier.arrive $0xFFFF  }
0x644: {  	_ =	shalt  }

</sc_bundles>
